<compile_context>
chip_gen: v7x
topology: tpu7x:2x2x1
jax: 0.10.2.dev20260603
libtpu: 0.0.44.dev20260713+nightly
codegen_flags: <defaults>
</compile_context>

<pallas_src>
import functools

import jax
import jax.numpy as jnp
from jax import lax
from jax.experimental import pallas as pl
from jax.experimental.pallas import tpu as pltpu
from jax.experimental.pallas import tpu_sc as plsc

N = 10000
NP = 10112
PADROW = NP - 1
E = 320000
NT = 32
BS = 128
NB = 80
EPT = NB * BS
EPAD = EPT * NT
RB = NP // 16

_MESH = dict(core_axis_name="c", subcore_axis_name="s")


def _make_agg(D):
    @functools.partial(
        pl.kernel,
        mesh=plsc.VectorSubcoreMesh(**_MESH),
        out_type=[jax.ShapeDtypeStruct((NP, D), jnp.float32),
                  jax.ShapeDtypeStruct((NP, D), jnp.float32)],
        scratch_types=[
            pltpu.VMEM((NB, BS), jnp.int32),
            pltpu.VMEM((4, BS), jnp.int32),
            pltpu.VMEM((BS, D), jnp.float32),
            pltpu.VMEM((BS, D), jnp.float32),
            pltpu.VMEM_SHARED((NP, D), jnp.float32),
        ] + [pltpu.SemaphoreType.DMA] * 8,
    )
    def agg(src_hbm, dst_hbm, t_hbm, zeros_hbm, out0, out1,
            idx_s, didx, b0, b1, acc,
            gs0, gs1, ss0, ss1, is0, is1, is2, is3):
        bufs = (b0, b1)
        gsem = (gs0, gs1)
        ssem = (ss0, ss1)
        isem = (is0, is1, is2, is3)
        c = lax.axis_index("c")
        s = lax.axis_index("s")
        w = c * 16 + s
        rs = s * RB

        def pf_dst(q, jj):
            pltpu.async_copy(dst_hbm.at[w, jj], didx.at[q], isem[q])

        def pf_dst_wait(q):
            pltpu.make_async_copy(dst_hbm.at[w, 0], didx.at[q], isem[q]).wait()

        def gstart(u, jj):
            pltpu.async_copy(t_hbm.at[idx_s.at[jj]], bufs[u], gsem[u])

        def gwait(u):
            pltpu.make_async_copy(t_hbm.at[idx_s.at[0]], bufs[u], gsem[u]).wait()

        def sstart(u, q):
            pltpu.async_copy(bufs[u], acc.at[didx.at[q]], ssem[u], add=True)

        def swait(u):
            pltpu.make_async_copy(bufs[u], acc.at[didx.at[0]], ssem[u]).wait()

        pltpu.sync_copy(src_hbm.at[w], idx_s)

        @pl.when(c == 0)
        def _():
            pltpu.sync_copy(t_hbm.at[pl.ds(rs, RB)], acc.at[pl.ds(rs, RB)])

        @pl.when(c != 0)
        def _():
            pltpu.sync_copy(zeros_hbm.at[pl.ds(rs, RB)], acc.at[pl.ds(rs, RB)])

        plsc.subcore_barrier()

        pf_dst(0, 0)
        pf_dst(1, 1)
        pf_dst(2, 2)
        gstart(0, 0)

        def step(j, u, q, first):
            gwait(u)
            pf_dst_wait(q)
            sstart(u, q)
            if not first:
                swait(1 - u)
            gstart(1 - u, lax.rem(j + 1, NB))
            pf_dst((q + 3) % 4, lax.rem(j + 3, NB))

        step(0, 0, 0, True)
        step(1, 1, 1, False)
        step(2, 0, 2, False)
        step(3, 1, 3, False)

        def body(i, carry):
            j0 = 4 * i
            step(j0, 0, 0, False)
            step(j0 + 1, 1, 1, False)
            step(j0 + 2, 0, 2, False)
            step(j0 + 3, 1, 3, False)
            return carry

        lax.fori_loop(1, NB // 4, body, 0)

        swait(1)
        gwait(0)
        pf_dst_wait(0)
        pf_dst_wait(1)
        pf_dst_wait(2)
        plsc.subcore_barrier()

        @pl.when(c == 0)
        def _():
            pltpu.sync_copy(acc.at[pl.ds(rs, RB)], out0.at[pl.ds(rs, RB)])

        @pl.when(c != 0)
        def _():
            pltpu.sync_copy(acc.at[pl.ds(rs, RB)], out1.at[pl.ds(rs, RB)])

    return agg


_agg128 = _make_agg(128)


DW = 128


@functools.partial(
    pl.kernel,
    mesh=plsc.VectorSubcoreMesh(**_MESH),
    out_type=[jax.ShapeDtypeStruct((NP, DW), jnp.float32),
              jax.ShapeDtypeStruct((NP, DW), jnp.float32)],
    scratch_types=[
        pltpu.VMEM((NB, BS), jnp.int32),
        pltpu.VMEM((BS, DW), jnp.float32),
        pltpu.VMEM_SHARED((NP, DW), jnp.float32),
        pltpu.SemaphoreType.DMA,
    ],
)
def _deg(dst_hbm, ones_hbm, zeros_hbm, out0, out1, idx_d, onesb, acc, sem0):
    c = lax.axis_index("c")
    s = lax.axis_index("s")
    w = c * 16 + s
    rs = s * RB
    pltpu.sync_copy(dst_hbm.at[w], idx_d)
    pltpu.sync_copy(ones_hbm.at[pl.ds(0, BS)], onesb)

    @pl.when(c == 0)
    def _():
        pltpu.sync_copy(ones_hbm.at[pl.ds(rs, RB)], acc.at[pl.ds(rs, RB)])

    @pl.when(c != 0)
    def _():
        pltpu.sync_copy(zeros_hbm.at[pl.ds(rs, RB)], acc.at[pl.ds(rs, RB)])

    plsc.subcore_barrier()

    def body(j, carry):
        pltpu.sync_copy(onesb, acc.at[idx_d.at[j]], add=True)
        return carry

    lax.fori_loop(0, NB, body, 0)
    plsc.subcore_barrier()

    @pl.when(c == 0)
    def _():
        pltpu.sync_copy(acc.at[pl.ds(rs, RB)], out0.at[pl.ds(rs, RB)])

    @pl.when(c != 0)
    def _():
        pltpu.sync_copy(acc.at[pl.ds(rs, RB)], out1.at[pl.ds(rs, RB)])


def _first_body(x_ref, w_ref, d0_ref, d1_ref, t_ref, dinv_ref):
    deg = d0_ref[...] + d1_ref[...]
    dinv = lax.rsqrt(deg)
    mm = lax.dot_general(x_ref[...], w_ref[...], (((1,), (0,)), ((), ())),
                         precision=lax.Precision.HIGHEST,
                         preferred_element_type=jnp.float32)
    t_ref[...] = mm * dinv
    dinv_ref[...] = dinv


def _first(xp, W1, d0, d1):
    return pl.pallas_call(
        _first_body,
        grid=(16,),
        in_specs=[
            pl.BlockSpec((RB, 128), lambda i: (i, 0)),
            pl.BlockSpec((128, 128), lambda i: (0, 0)),
            pl.BlockSpec((RB, 1), lambda i: (i, 0)),
            pl.BlockSpec((RB, 1), lambda i: (i, 0)),
        ],
        out_specs=[
            pl.BlockSpec((RB, 128), lambda i: (i, 0)),
            pl.BlockSpec((RB, 1), lambda i: (i, 0)),
        ],
        out_shape=[
            jax.ShapeDtypeStruct((NP, 128), jnp.float32),
            jax.ShapeDtypeStruct((NP, 1), jnp.float32),
        ],
    )(xp, W1, d0, d1)


def _mid_body(a0_ref, a1_ref, dinv_ref, b_ref, w_ref, t_ref):
    dinv = dinv_ref[...]
    act = jnp.maximum((a0_ref[...] + a1_ref[...]) * dinv + b_ref[...], 0.0)
    mm = lax.dot_general(act, w_ref[...], (((1,), (0,)), ((), ())),
                         precision=lax.Precision.HIGHEST,
                         preferred_element_type=jnp.float32)
    t_ref[...] = mm * dinv


def _mid(a0, a1, dinv, b, W, d_out):
    return pl.pallas_call(
        _mid_body,
        grid=(16,),
        in_specs=[
            pl.BlockSpec((RB, 128), lambda i: (i, 0)),
            pl.BlockSpec((RB, 128), lambda i: (i, 0)),
            pl.BlockSpec((RB, 1), lambda i: (i, 0)),
            pl.BlockSpec((128,), lambda i: (0,)),
            pl.BlockSpec((128, d_out), lambda i: (0, 0)),
        ],
        out_specs=pl.BlockSpec((RB, d_out), lambda i: (i, 0)),
        out_shape=jax.ShapeDtypeStruct((NP, d_out), jnp.float32),
    )(a0, a1, dinv, b, W)


def _final_body(a0_ref, a1_ref, dinv_ref, b_ref, o_ref):
    a = a0_ref[...] + a1_ref[...]
    o_ref[...] = a[:, :40] * dinv_ref[...] + b_ref[...]


def _final(a0, a1, dinv, b3):
    return pl.pallas_call(
        _final_body,
        grid=(25,),
        in_specs=[
            pl.BlockSpec((400, 128), lambda i: (i, 0)),
            pl.BlockSpec((400, 128), lambda i: (i, 0)),
            pl.BlockSpec((400, 1), lambda i: (i, 0)),
            pl.BlockSpec((40,), lambda i: (0,)),
        ],
        out_specs=pl.BlockSpec((400, 40), lambda i: (i, 0)),
        out_shape=jax.ShapeDtypeStruct((N, 40), jnp.float32),
    )(a0, a1, dinv, b3)


def kernel(x, edge_index, W1, b1, W2, b2, W3, b3):
    x = x.astype(jnp.float32)
    src = edge_index[0].astype(jnp.int32)
    dst = edge_index[1].astype(jnp.int32)
    pad = jnp.full((EPAD - E,), PADROW, jnp.int32)
    src3 = jnp.concatenate([src, pad]).reshape(NT, NB, BS)
    dst3 = jnp.concatenate([dst, pad]).reshape(NT, NB, BS)

    xp = jnp.pad(x, ((0, NP - N), (0, 0)))
    zeros128 = jnp.zeros((NP, 128), jnp.float32)
    ones128 = jnp.ones((NP, 128), jnp.float32)
    W3p = jnp.pad(W3.astype(jnp.float32), ((0, 0), (0, 128 - 40)))

    g0, g1 = _deg(dst3, ones128, zeros128)
    t1, dinv = _first(xp, W1, g0[:, :1], g1[:, :1])
    a0, a1 = _agg128(src3, dst3, t1, zeros128)
    t2 = _mid(a0, a1, dinv, b1, W2, 128)
    a0, a1 = _agg128(src3, dst3, t2, zeros128)
    t3 = _mid(a0, a1, dinv, b2, W3p, 128)
    a0, a1 = _agg128(src3, dst3, t3, zeros128)
    return _final(a0, a1, dinv, b3)

# --- scband reference (transcript-rebuilt; emitter-appended) ---
"""Pipeline reference for scband-gcn-3layer-basic-48266842472559 (READ-ONLY COPY).

The authoritative reference and input builder live on the scoring server;
editing this copy changes nothing except your own understanding.
"""

import jax, jax.numpy as jnp
import numpy as np

N_NODES = 10000
N_EDGES = 320000
D_IN = 128
D_HID = 128
D_OUT = 40


def setup_inputs(seed: int = 0) -> dict:
    key = jax.random.key(seed)
    ks = jax.random.split(key, 8)
    x = jax.random.normal(ks[0], (N_NODES, D_IN), dtype=jnp.float32)
    edge_index = jax.random.randint(ks[1], (2, N_EDGES), 0, N_NODES, dtype=jnp.int64)
    s1 = (6.0 / (D_IN + D_HID)) ** 0.5
    s2 = (6.0 / (D_HID + D_HID)) ** 0.5
    s3 = (6.0 / (D_HID + D_OUT)) ** 0.5
    W1 = jax.random.uniform(ks[2], (D_IN, D_HID), minval=-s1, maxval=s1, dtype=jnp.float32)
    b1 = jnp.zeros((D_HID,), dtype=jnp.float32)
    W2 = jax.random.uniform(ks[3], (D_HID, D_HID), minval=-s2, maxval=s2, dtype=jnp.float32)
    b2 = jnp.zeros((D_HID,), dtype=jnp.float32)
    W3 = jax.random.uniform(ks[4], (D_HID, D_OUT), minval=-s3, maxval=s3, dtype=jnp.float32)
    b3 = jnp.zeros((D_OUT,), dtype=jnp.float32)
    return {"x": x, "edge_index": edge_index, "W1": W1, "b1": b1, "W2": W2, "b2": b2, "W3": W3, "b3": b3}


def _gcn_conv(x, src, dst, norm, W, b):
    # GCNConv: out = D^{-1/2} (A + I) D^{-1/2} X W + b
    h = x @ W
    msgs = h[src] * norm[:, None]
    out = jnp.zeros((x.shape[0], W.shape[1]), dtype=h.dtype).at[dst].add(msgs)
    return out + b


def _build_norm(edge_index, n_nodes):
    loop = jnp.arange(n_nodes, dtype=edge_index.dtype)
    src = jnp.concatenate([edge_index[0], loop])
    dst = jnp.concatenate([edge_index[1], loop])
    deg = jnp.zeros((n_nodes,), dtype=jnp.float32).at[dst].add(1.0)
    dinv = jnp.where(deg > 0, deg ** -0.5, 0.0)
    norm = dinv[src] * dinv[dst]
    return src, dst, norm


def reference(x, edge_index, W1, b1, W2, b2, W3, b3):
    src, dst, norm = _build_norm(edge_index, x.shape[0])
    h = _gcn_conv(x, src, dst, norm, W1, b1)
    h = jax.nn.relu(h)
    h = _gcn_conv(h, src, dst, norm, W2, b2)
    h = jax.nn.relu(h)
    out = _gcn_conv(h, src, dst, norm, W3, b3)
    return out

if __name__ == "__main__":
    import jax
    _d = setup_inputs()
    print(jax.jit(kernel)(*tuple(_d.values())))

</pallas_src>

<mosaic_0001>
#map = affine_map<(d0, d1) -> (0, 0, 0)>
#map1 = affine_map<(d0, d1) -> (0, 0)>
module attributes {stable_mosaic.version = 14 : i64} {
  func.func @agg(%arg0: i32, %arg1: i32, %arg2: memref<32x80x128xi32, #tpu.memory_space<hbm>>, %arg3: memref<32x80x128xi32, #tpu.memory_space<hbm>>, %arg4: memref<10112x128xf32, #tpu.memory_space<hbm>>, %arg5: memref<10112x128xf32, #tpu.memory_space<hbm>>, %arg6: memref<10112x128xf32, #tpu.memory_space<hbm>>, %arg7: memref<10112x128xf32, #tpu.memory_space<hbm>>, %arg8: memref<80x128xi32, #tpu.memory_space<vmem>>, %arg9: memref<4x128xi32, #tpu.memory_space<vmem>>, %arg10: memref<128x128xf32, #tpu.memory_space<vmem>>, %arg11: memref<128x128xf32, #tpu.memory_space<vmem>>, %arg12: memref<10112x128xf32, #tpu.memory_space<vmem_shared>>, %arg13: memref<!tpu.dma_semaphore, #tpu.memory_space<semaphore_mem>>, %arg14: memref<!tpu.dma_semaphore, #tpu.memory_space<semaphore_mem>>, %arg15: memref<!tpu.dma_semaphore, #tpu.memory_space<semaphore_mem>>, %arg16: memref<!tpu.dma_semaphore, #tpu.memory_space<semaphore_mem>>, %arg17: memref<!tpu.dma_semaphore, #tpu.memory_space<semaphore_mem>>, %arg18: memref<!tpu.dma_semaphore, #tpu.memory_space<semaphore_mem>>, %arg19: memref<!tpu.dma_semaphore, #tpu.memory_space<semaphore_mem>>, %arg20: memref<!tpu.dma_semaphore, #tpu.memory_space<semaphore_mem>>) attributes {dimension_semantics = [#tpu.dimension_semantics<core_parallel>, #tpu.dimension_semantics<subcore_parallel>], iteration_bounds = array<i64: 2, 16>, scalar_prefetch = 0 : i64, scratch_operands = 13 : i64, tpu.core_type = #tpu.core_type<sc_vector_subcore>, window_params = [{transform_indices = #map}, {transform_indices = #map}, {transform_indices = #map1}, {transform_indices = #map1}, {transform_indices = #map1}, {transform_indices = #map1}]} {
    %mul3A = arith.constant 16 : i32
    %mul3A_0 = arith.muli %arg0, %mul3A : i32
    %add3A = arith.addi %mul3A_0, %arg1 : i32
    %mul3A_1 = arith.constant 632 : i32
    %mul3A_2 = arith.muli %arg1, %mul3A_1 : i32
    "tpu.region"() ({
      %run_scoped3A = tpu.sem_alloc : memref<!tpu.dma_semaphore, #tpu.memory_space<semaphore_mem>>
      %dma_start3A_360 = arith.constant 0 : i32
      %dma_start3A_361 = arith.constant 0 : i32
      %dma_start3A_362 = tpu.memref_slice %arg2[%add3A, %dma_start3A_360, %dma_start3A_361] : memref<32x80x128xi32, #tpu.memory_space<hbm>> -> memref<1x80x128xi32, #tpu.memory_space<hbm>>
      %dma_start3A_363 = tpu.memref_squeeze %dma_start3A_362 : memref<1x80x128xi32, #tpu.memory_space<hbm>> -> memref<80x128xi32, #tpu.memory_space<hbm>>
      %dma_start3A_364 = arith.constant 0 : i32
      %dma_start3A_365 = arith.constant 0 : i32
      %dma_start3A_366 = tpu.memref_slice %arg2[%add3A, %dma_start3A_364, %dma_start3A_365] : memref<32x80x128xi32, #tpu.memory_space<hbm>> -> memref<1x80x128xi32, #tpu.memory_space<hbm>>
      %dma_start3A_367 = tpu.memref_squeeze %dma_start3A_366 : memref<1x80x128xi32, #tpu.memory_space<hbm>> -> memref<80x128xi32, #tpu.memory_space<hbm>>
      tpu.enqueue_dma source(%dma_start3A_367 : memref<80x128xi32, #tpu.memory_space<hbm>>) target(%arg8 : memref<80x128xi32, #tpu.memory_space<vmem>>) target_semaphore(%run_scoped3A : memref<!tpu.dma_semaphore, #tpu.memory_space<semaphore_mem>>)
      %dma_wait3A_368 = arith.constant 0 : i32
      %dma_wait3A_369 = arith.constant 0 : i32
      %dma_wait3A_370 = tpu.memref_slice %arg2[%add3A, %dma_wait3A_368, %dma_wait3A_369] : memref<32x80x128xi32, #tpu.memory_space<hbm>> -> memref<1x80x128xi32, #tpu.memory_space<hbm>>
      %dma_wait3A_371 = tpu.memref_squeeze %dma_wait3A_370 : memref<1x80x128xi32, #tpu.memory_space<hbm>> -> memref<80x128xi32, #tpu.memory_space<hbm>>
      %dma_wait3A_372 = arith.constant 0 : i32
      %dma_wait3A_373 = arith.constant 0 : i32
      %dma_wait3A_374 = tpu.memref_slice %arg2[%add3A, %dma_wait3A_372, %dma_wait3A_373] : memref<32x80x128xi32, #tpu.memory_space<hbm>> -> memref<1x80x128xi32, #tpu.memory_space<hbm>>
      %dma_wait3A_375 = tpu.memref_squeeze %dma_wait3A_374 : memref<1x80x128xi32, #tpu.memory_space<hbm>> -> memref<80x128xi32, #tpu.memory_space<hbm>>
      tpu.wait_dma2 semaphore(%run_scoped3A : memref<!tpu.dma_semaphore, #tpu.memory_space<semaphore_mem>>) src(%dma_wait3A_375 : memref<80x128xi32, #tpu.memory_space<hbm>>) dst(%arg8 : memref<80x128xi32, #tpu.memory_space<vmem>>)
      tpu.yield
    }) : () -> ()
    %eq3A = arith.constant 0 : i32
    %eq3A_3 = arith.cmpi eq, %arg0, %eq3A : i32
    %convert_element_type3A = arith.extui %eq3A_3 : i1 to i32
    %cond3A = arith.constant 0 : i32
    %cond3A_4 = arith.cmpi ne, %convert_element_type3A, %cond3A : i32
    scf.if %cond3A_4 {
      "tpu.region"() ({
        %run_scoped3A = tpu.sem_alloc : memref<!tpu.dma_semaphore, #tpu.memory_space<semaphore_mem>>
        %dma_start3A_360 = arith.constant 0 : i32
        %dma_start3A_361 = tpu.memref_slice %arg12[%mul3A_2, %dma_start3A_360] : memref<10112x128xf32, #tpu.memory_space<vmem_shared>> -> memref<632x128xf32, #tpu.memory_space<vmem_shared>>
        %dma_start3A_362 = arith.constant 0 : i32
        %dma_start3A_363 = tpu.memref_slice %arg4[%mul3A_2, %dma_start3A_362] : memref<10112x128xf32, #tpu.memory_space<hbm>> -> memref<632x128xf32, #tpu.memory_space<hbm>>
        tpu.enqueue_dma source(%dma_start3A_363 : memref<632x128xf32, #tpu.memory_space<hbm>>) target(%dma_start3A_361 : memref<632x128xf32, #tpu.memory_space<vmem_shared>>) target_semaphore(%run_scoped3A : memref<!tpu.dma_semaphore, #tpu.memory_space<semaphore_mem>>)
        %dma_wait3A_364 = arith.constant 0 : i32
        %dma_wait3A_365 = tpu.memref_slice %arg12[%mul3A_2, %dma_wait3A_364] : memref<10112x128xf32, #tpu.memory_space<vmem_shared>> -> memref<632x128xf32, #tpu.memory_space<vmem_shared>>
        %dma_wait3A_366 = arith.constant 0 : i32
        %dma_wait3A_367 = tpu.memref_slice %arg4[%mul3A_2, %dma_wait3A_366] : memref<10112x128xf32, #tpu.memory_space<hbm>> -> memref<632x128xf32, #tpu.memory_space<hbm>>
        tpu.wait_dma2 semaphore(%run_scoped3A : memref<!tpu.dma_semaphore, #tpu.memory_space<semaphore_mem>>) src(%dma_wait3A_367 : memref<632x128xf32, #tpu.memory_space<hbm>>) dst(%dma_wait3A_365 : memref<632x128xf32, #tpu.memory_space<vmem_shared>>)
        tpu.yield
      }) : () -> ()
    } else {
    }
    %ne3A = arith.constant 0 : i32
    %ne3A_5 = arith.cmpi ne, %arg0, %ne3A : i32
    %convert_element_type3A_6 = arith.extui %ne3A_5 : i1 to i32
    %cond3A_7 = arith.constant 0 : i32
    %cond3A_8 = arith.cmpi ne, %convert_element_type3A_6, %cond3A_7 : i32
    scf.if %cond3A_8 {
      "tpu.region"() ({
        %run_scoped3A = tpu.sem_alloc : memref<!tpu.dma_semaphore, #tpu.memory_space<semaphore_mem>>
        %dma_start3A_360 = arith.constant 0 : i32
        %dma_start3A_361 = tpu.memref_slice %arg12[%mul3A_2, %dma_start3A_360] : memref<10112x128xf32, #tpu.memory_space<vmem_shared>> -> memref<632x128xf32, #tpu.memory_space<vmem_shared>>
        %dma_start3A_362 = arith.constant 0 : i32
        %dma_start3A_363 = tpu.memref_slice %arg5[%mul3A_2, %dma_start3A_362] : memref<10112x128xf32, #tpu.memory_space<hbm>> -> memref<632x128xf32, #tpu.memory_space<hbm>>
        tpu.enqueue_dma source(%dma_start3A_363 : memref<632x128xf32, #tpu.memory_space<hbm>>) target(%dma_start3A_361 : memref<632x128xf32, #tpu.memory_space<vmem_shared>>) target_semaphore(%run_scoped3A : memref<!tpu.dma_semaphore, #tpu.memory_space<semaphore_mem>>)
        %dma_wait3A_364 = arith.constant 0 : i32
        %dma_wait3A_365 = tpu.memref_slice %arg12[%mul3A_2, %dma_wait3A_364] : memref<10112x128xf32, #tpu.memory_space<vmem_shared>> -> memref<632x128xf32, #tpu.memory_space<vmem_shared>>
        %dma_wait3A_366 = arith.constant 0 : i32
        %dma_wait3A_367 = tpu.memref_slice %arg5[%mul3A_2, %dma_wait3A_366] : memref<10112x128xf32, #tpu.memory_space<hbm>> -> memref<632x128xf32, #tpu.memory_space<hbm>>
        tpu.wait_dma2 semaphore(%run_scoped3A : memref<!tpu.dma_semaphore, #tpu.memory_space<semaphore_mem>>) src(%dma_wait3A_367 : memref<632x128xf32, #tpu.memory_space<hbm>>) dst(%dma_wait3A_365 : memref<632x128xf32, #tpu.memory_space<vmem_shared>>)
        tpu.yield
      }) : () -> ()
    } else {
    }
    %barrier3A = arith.constant 0 : index
    tpu.barrier barrier_id(%barrier3A)
    %dma_start3A = arith.constant 0 : i32
    %dma_start3A_9 = arith.constant 0 : i32
    %dma_start3A_10 = arith.constant 0 : i32
    %dma_start3A_11 = tpu.memref_slice %arg9[%dma_start3A_9, %dma_start3A_10] : memref<4x128xi32, #tpu.memory_space<vmem>> -> memref<1x128xi32, #tpu.memory_space<vmem>>
    %dma_start3A_12 = tpu.memref_squeeze %dma_start3A_11 : memref<1x128xi32, #tpu.memory_space<vmem>> -> memref<128xi32, #tpu.memory_space<vmem>>
    %dma_start3A_13 = arith.constant 0 : i32
    %dma_start3A_14 = tpu.memref_slice %arg3[%add3A, %dma_start3A, %dma_start3A_13] : memref<32x80x128xi32, #tpu.memory_space<hbm>> -> memref<1x1x128xi32, #tpu.memory_space<hbm>>
    %dma_start3A_15 = tpu.memref_squeeze %dma_start3A_14 : memref<1x1x128xi32, #tpu.memory_space<hbm>> -> memref<128xi32, #tpu.memory_space<hbm>>
    %dma_start3A_16 = arith.constant 0 : i32
    %dma_start3A_17 = tpu.memref_slice %arg9[%dma_start3A_9, %dma_start3A_16] : memref<4x128xi32, #tpu.memory_space<vmem>> -> memref<1x128xi32, #tpu.memory_space<vmem>>
    %dma_start3A_18 = tpu.memref_squeeze %dma_start3A_17 : memref<1x128xi32, #tpu.memory_space<vmem>> -> memref<128xi32, #tpu.memory_space<vmem>>
    %dma_start3A_19 = arith.constant 0 : i32
    %dma_start3A_20 = tpu.memref_slice %arg3[%add3A, %dma_start3A, %dma_start3A_19] : memref<32x80x128xi32, #tpu.memory_space<hbm>> -> memref<1x1x128xi32, #tpu.memory_space<hbm>>
    %dma_start3A_21 = tpu.memref_squeeze %dma_start3A_20 : memref<1x1x128xi32, #tpu.memory_space<hbm>> -> memref<128xi32, #tpu.memory_space<hbm>>
    tpu.enqueue_dma source(%dma_start3A_21 : memref<128xi32, #tpu.memory_space<hbm>>) target(%dma_start3A_18 : memref<128xi32, #tpu.memory_space<vmem>>) target_semaphore(%arg17 : memref<!tpu.dma_semaphore, #tpu.memory_space<semaphore_mem>>)
    %dma_start3A_22 = arith.constant 1 : i32
    %dma_start3A_23 = arith.constant 1 : i32
    %dma_start3A_24 = arith.constant 0 : i32
    %dma_start3A_25 = tpu.memref_slice %arg9[%dma_start3A_23, %dma_start3A_24] : memref<4x128xi32, #tpu.memory_space<vmem>> -> memref<1x128xi32, #tpu.memory_space<vmem>>
    %dma_start3A_26 = tpu.memref_squeeze %dma_start3A_25 : memref<1x128xi32, #tpu.memory_space<vmem>> -> memref<128xi32, #tpu.memory_space<vmem>>
    %dma_start3A_27 = arith.constant 0 : i32
    %dma_start3A_28 = tpu.memref_slice %arg3[%add3A, %dma_start3A_22, %dma_start3A_27] : memref<32x80x128xi32, #tpu.memory_space<hbm>> -> memref<1x1x128xi32, #tpu.memory_space<hbm>>
    %dma_start3A_29 = tpu.memref_squeeze %dma_start3A_28 : memref<1x1x128xi32, #tpu.memory_space<hbm>> -> memref<128xi32, #tpu.memory_space<hbm>>
    %dma_start3A_30 = arith.constant 0 : i32
    %dma_start3A_31 = tpu.memref_slice %arg9[%dma_start3A_23, %dma_start3A_30] : memref<4x128xi32, #tpu.memory_space<vmem>> -> memref<1x128xi32, #tpu.memory_space<vmem>>
    %dma_start3A_32 = tpu.memref_squeeze %dma_start3A_31 : memref<1x128xi32, #tpu.memory_space<vmem>> -> memref<128xi32, #tpu.memory_space<vmem>>
    %dma_start3A_33 = arith.constant 0 : i32
    %dma_start3A_34 = tpu.memref_slice %arg3[%add3A, %dma_start3A_22, %dma_start3A_33] : memref<32x80x128xi32, #tpu.memory_space<hbm>> -> memref<1x1x128xi32, #tpu.memory_space<hbm>>
    %dma_start3A_35 = tpu.memref_squeeze %dma_start3A_34 : memref<1x1x128xi32, #tpu.memory_space<hbm>> -> memref<128xi32, #tpu.memory_space<hbm>>
    tpu.enqueue_dma source(%dma_start3A_35 : memref<128xi32, #tpu.memory_space<hbm>>) target(%dma_start3A_32 : memref<128xi32, #tpu.memory_space<vmem>>) target_semaphore(%arg18 : memref<!tpu.dma_semaphore, #tpu.memory_space<semaphore_mem>>)
    %dma_start3A_36 = arith.constant 2 : i32
    %dma_start3A_37 = arith.constant 2 : i32
    %dma_start3A_38 = arith.constant 0 : i32
    %dma_start3A_39 = tpu.memref_slice %arg9[%dma_start3A_37, %dma_start3A_38] : memref<4x128xi32, #tpu.memory_space<vmem>> -> memref<1x128xi32, #tpu.memory_space<vmem>>
    %dma_start3A_40 = tpu.memref_squeeze %dma_start3A_39 : memref<1x128xi32, #tpu.memory_space<vmem>> -> memref<128xi32, #tpu.memory_space<vmem>>
    %dma_start3A_41 = arith.constant 0 : i32
    %dma_start3A_42 = tpu.memref_slice %arg3[%add3A, %dma_start3A_36, %dma_start3A_41] : memref<32x80x128xi32, #tpu.memory_space<hbm>> -> memref<1x1x128xi32, #tpu.memory_space<hbm>>
    %dma_start3A_43 = tpu.memref_squeeze %dma_start3A_42 : memref<1x1x128xi32, #tpu.memory_space<hbm>> -> memref<128xi32, #tpu.memory_space<hbm>>
    %dma_start3A_44 = arith.constant 0 : i32
    %dma_start3A_45 = tpu.memref_slice %arg9[%dma_start3A_37, %dma_start3A_44] : memref<4x128xi32, #tpu.memory_space<vmem>> -> memref<1x128xi32, #tpu.memory_space<vmem>>
    %dma_start3A_46 = tpu.memref_squeeze %dma_start3A_45 : memref<1x128xi32, #tpu.memory_space<vmem>> -> memref<128xi32, #tpu.memory_space<vmem>>
    %dma_start3A_47 = arith.constant 0 : i32
    %dma_start3A_48 = tpu.memref_slice %arg3[%add3A, %dma_start3A_36, %dma_start3A_47] : memref<32x80x128xi32, #tpu.memory_space<hbm>> -> memref<1x1x128xi32, #tpu.memory_space<hbm>>
    %dma_start3A_49 = tpu.memref_squeeze %dma_start3A_48 : memref<1x1x128xi32, #tpu.memory_space<hbm>> -> memref<128xi32, #tpu.memory_space<hbm>>
    tpu.enqueue_dma source(%dma_start3A_49 : memref<128xi32, #tpu.memory_space<hbm>>) target(%dma_start3A_46 : memref<128xi32, #tpu.memory_space<vmem>>) target_semaphore(%arg19 : memref<!tpu.dma_semaphore, #tpu.memory_space<semaphore_mem>>)
    %dma_start3A_50 = arith.constant 0 : i32
    %dma_start3A_51 = arith.constant 0 : i32
    %dma_start3A_52 = tpu.memref_slice %arg8[%dma_start3A_50, %dma_start3A_51] : memref<80x128xi32, #tpu.memory_space<vmem>> -> memref<1x128xi32, #tpu.memory_space<vmem>>
    %dma_start3A_53 = tpu.memref_squeeze %dma_start3A_52 : memref<1x128xi32, #tpu.memory_space<vmem>> -> memref<128xi32, #tpu.memory_space<vmem>>
    %dma_start3A_54 = arith.constant 0 : i32
    %dma_start3A_55 = arith.constant 0 : i32
    %dma_start3A_56 = tpu.memref_slice %arg4[%dma_start3A_54, %dma_start3A_55] : memref<10112x128xf32, #tpu.memory_space<hbm>> -> memref<10112x128xf32, #tpu.memory_space<hbm>>
    tpu.enqueue_indirect_dma source(%dma_start3A_56 : memref<10112x128xf32, #tpu.memory_space<hbm>>) target(%arg10 : memref<128x128xf32, #tpu.memory_space<vmem>>) offsets(%dma_start3A_53 : memref<128xi32, #tpu.memory_space<vmem>>) semaphore(%arg13 : memref<!tpu.dma_semaphore, #tpu.memory_space<semaphore_mem>>)
    %dma_wait3A = arith.constant 0 : i32
    %dma_wait3A_57 = arith.constant 0 : i32
    %dma_wait3A_58 = tpu.memref_slice %arg8[%dma_wait3A, %dma_wait3A_57] : memref<80x128xi32, #tpu.memory_space<vmem>> -> memref<1x128xi32, #tpu.memory_space<vmem>>
    %dma_wait3A_59 = tpu.memref_squeeze %dma_wait3A_58 : memref<1x128xi32, #tpu.memory_space<vmem>> -> memref<128xi32, #tpu.memory_space<vmem>>
    %dma_wait3A_60 = arith.constant 0 : i32
    %dma_wait3A_61 = arith.constant 0 : i32
    %dma_wait3A_62 = tpu.memref_slice %arg4[%dma_wait3A_60, %dma_wait3A_61] : memref<10112x128xf32, #tpu.memory_space<hbm>> -> memref<10112x128xf32, #tpu.memory_space<hbm>>
    tpu.wait_indirect_dma semaphore(%arg13 : memref<!tpu.dma_semaphore, #tpu.memory_space<semaphore_mem>>) src(%dma_wait3A_62 : memref<10112x128xf32, #tpu.memory_space<hbm>>) dst(%arg10 : memref<128x128xf32, #tpu.memory_space<vmem>>)
    %dma_wait3A_63 = arith.constant 0 : i32
    %dma_wait3A_64 = arith.constant 0 : i32
    %dma_wait3A_65 = arith.constant 0 : i32
    %dma_wait3A_66 = tpu.memref_slice %arg9[%dma_wait3A_64, %dma_wait3A_65] : memref<4x128xi32, #tpu.memory_space<vmem>> -> memref<1x128xi32, #tpu.memory_space<vmem>>
    %dma_wait3A_67 = tpu.memref_squeeze %dma_wait3A_66 : memref<1x128xi32, #tpu.memory_space<vmem>> -> memref<128xi32, #tpu.memory_space<vmem>>
    %dma_wait3A_68 = arith.constant 0 : i32
    %dma_wait3A_69 = tpu.memref_slice %arg3[%add3A, %dma_wait3A_63, %dma_wait3A_68] : memref<32x80x128xi32, #tpu.memory_space<hbm>> -> memref<1x1x128xi32, #tpu.memory_space<hbm>>
    %dma_wait3A_70 = tpu.memref_squeeze %dma_wait3A_69 : memref<1x1x128xi32, #tpu.memory_space<hbm>> -> memref<128xi32, #tpu.memory_space<hbm>>
    %dma_wait3A_71 = arith.constant 0 : i32
    %dma_wait3A_72 = tpu.memref_slice %arg9[%dma_wait3A_64, %dma_wait3A_71] : memref<4x128xi32, #tpu.memory_space<vmem>> -> memref<1x128xi32, #tpu.memory_space<vmem>>
    %dma_wait3A_73 = tpu.memref_squeeze %dma_wait3A_72 : memref<1x128xi32, #tpu.memory_space<vmem>> -> memref<128xi32, #tpu.memory_space<vmem>>
    %dma_wait3A_74 = arith.constant 0 : i32
    %dma_wait3A_75 = tpu.memref_slice %arg3[%add3A, %dma_wait3A_63, %dma_wait3A_74] : memref<32x80x128xi32, #tpu.memory_space<hbm>> -> memref<1x1x128xi32, #tpu.memory_space<hbm>>
    %dma_wait3A_76 = tpu.memref_squeeze %dma_wait3A_75 : memref<1x1x128xi32, #tpu.memory_space<hbm>> -> memref<128xi32, #tpu.memory_space<hbm>>
    tpu.wait_dma2 semaphore(%arg17 : memref<!tpu.dma_semaphore, #tpu.memory_space<semaphore_mem>>) src(%dma_wait3A_76 : memref<128xi32, #tpu.memory_space<hbm>>) dst(%dma_wait3A_73 : memref<128xi32, #tpu.memory_space<vmem>>)
    %dma_start3A_77 = arith.constant 0 : i32
    %dma_start3A_78 = arith.constant 0 : i32
    %dma_start3A_79 = tpu.memref_slice %arg9[%dma_start3A_77, %dma_start3A_78] : memref<4x128xi32, #tpu.memory_space<vmem>> -> memref<1x128xi32, #tpu.memory_space<vmem>>
    %dma_start3A_80 = tpu.memref_squeeze %dma_start3A_79 : memref<1x128xi32, #tpu.memory_space<vmem>> -> memref<128xi32, #tpu.memory_space<vmem>>
    %dma_start3A_81 = arith.constant 0 : i32
    %dma_start3A_82 = arith.constant 0 : i32
    %dma_start3A_83 = tpu.memref_slice %arg12[%dma_start3A_81, %dma_start3A_82] : memref<10112x128xf32, #tpu.memory_space<vmem_shared>> -> memref<10112x128xf32, #tpu.memory_space<vmem_shared>>
    tpu.enqueue_indirect_dma source(%arg10 : memref<128x128xf32, #tpu.memory_space<vmem>>) target(%dma_start3A_83 : memref<10112x128xf32, #tpu.memory_space<vmem_shared>>) offsets(%dma_start3A_80 : memref<128xi32, #tpu.memory_space<vmem>>) semaphore(%arg15 : memref<!tpu.dma_semaphore, #tpu.memory_space<semaphore_mem>>) {add = true}
    %rem3A = arith.constant 1 : i32
    %rem3A_84 = arith.constant 80 : i32
    %rem3A_85 = arith.remsi %rem3A, %rem3A_84 : i32
    %dma_start3A_86 = arith.constant 0 : i32
    %dma_start3A_87 = tpu.memref_slice %arg8[%rem3A_85, %dma_start3A_86] : memref<80x128xi32, #tpu.memory_space<vmem>> -> memref<1x128xi32, #tpu.memory_space<vmem>>
    %dma_start3A_88 = tpu.memref_squeeze %dma_start3A_87 : memref<1x128xi32, #tpu.memory_space<vmem>> -> memref<128xi32, #tpu.memory_space<vmem>>
    %dma_start3A_89 = arith.constant 0 : i32
    %dma_start3A_90 = arith.constant 0 : i32
    %dma_start3A_91 = tpu.memref_slice %arg4[%dma_start3A_89, %dma_start3A_90] : memref<10112x128xf32, #tpu.memory_space<hbm>> -> memref<10112x128xf32, #tpu.memory_space<hbm>>
    tpu.enqueue_indirect_dma source(%dma_start3A_91 : memref<10112x128xf32, #tpu.memory_space<hbm>>) target(%arg11 : memref<128x128xf32, #tpu.memory_space<vmem>>) offsets(%dma_start3A_88 : memref<128xi32, #tpu.memory_space<vmem>>) semaphore(%arg14 : memref<!tpu.dma_semaphore, #tpu.memory_space<semaphore_mem>>)
    %rem3A_92 = arith.constant 3 : i32
    %rem3A_93 = arith.constant 80 : i32
    %rem3A_94 = arith.remsi %rem3A_92, %rem3A_93 : i32
    %dma_start3A_95 = arith.constant 3 : i32
    %dma_start3A_96 = arith.constant 0 : i32
    %dma_start3A_97 = tpu.memref_slice %arg9[%dma_start3A_95, %dma_start3A_96] : memref<4x128xi32, #tpu.memory_space<vmem>> -> memref<1x128xi32, #tpu.memory_space<vmem>>
    %dma_start3A_98 = tpu.memref_squeeze %dma_start3A_97 : memref<1x128xi32, #tpu.memory_space<vmem>> -> memref<128xi32, #tpu.memory_space<vmem>>
    %dma_start3A_99 = arith.constant 0 : i32
    %dma_start3A_100 = tpu.memref_slice %arg3[%add3A, %rem3A_94, %dma_start3A_99] : memref<32x80x128xi32, #tpu.memory_space<hbm>> -> memref<1x1x128xi32, #tpu.memory_space<hbm>>
    %dma_start3A_101 = tpu.memref_squeeze %dma_start3A_100 : memref<1x1x128xi32, #tpu.memory_space<hbm>> -> memref<128xi32, #tpu.memory_space<hbm>>
    %dma_start3A_102 = arith.constant 0 : i32
    %dma_start3A_103 = tpu.memref_slice %arg9[%dma_start3A_95, %dma_start3A_102] : memref<4x128xi32, #tpu.memory_space<vmem>> -> memref<1x128xi32, #tpu.memory_space<vmem>>
    %dma_start3A_104 = tpu.memref_squeeze %dma_start3A_103 : memref<1x128xi32, #tpu.memory_space<vmem>> -> memref<128xi32, #tpu.memory_space<vmem>>
    %dma_start3A_105 = arith.constant 0 : i32
    %dma_start3A_106 = tpu.memref_slice %arg3[%add3A, %rem3A_94, %dma_start3A_105] : memref<32x80x128xi32, #tpu.memory_space<hbm>> -> memref<1x1x128xi32, #tpu.memory_space<hbm>>
    %dma_start3A_107 = tpu.memref_squeeze %dma_start3A_106 : memref<1x1x128xi32, #tpu.memory_space<hbm>> -> memref<128xi32, #tpu.memory_space<hbm>>
    tpu.enqueue_dma source(%dma_start3A_107 : memref<128xi32, #tpu.memory_space<hbm>>) target(%dma_start3A_104 : memref<128xi32, #tpu.memory_space<vmem>>) target_semaphore(%arg20 : memref<!tpu.dma_semaphore, #tpu.memory_space<semaphore_mem>>)
    %dma_wait3A_108 = arith.constant 0 : i32
    %dma_wait3A_109 = arith.constant 0 : i32
    %dma_wait3A_110 = tpu.memref_slice %arg8[%dma_wait3A_108, %dma_wait3A_109] : memref<80x128xi32, #tpu.memory_space<vmem>> -> memref<1x128xi32, #tpu.memory_space<vmem>>
    %dma_wait3A_111 = tpu.memref_squeeze %dma_wait3A_110 : memref<1x128xi32, #tpu.memory_space<vmem>> -> memref<128xi32, #tpu.memory_space<vmem>>
    %dma_wait3A_112 = arith.constant 0 : i32
    %dma_wait3A_113 = arith.constant 0 : i32
    %dma_wait3A_114 = tpu.memref_slice %arg4[%dma_wait3A_112, %dma_wait3A_113] : memref<10112x128xf32, #tpu.memory_space<hbm>> -> memref<10112x128xf32, #tpu.memory_space<hbm>>
    tpu.wait_indirect_dma semaphore(%arg14 : memref<!tpu.dma_semaphore, #tpu.memory_space<semaphore_mem>>) src(%dma_wait3A_114 : memref<10112x128xf32, #tpu.memory_space<hbm>>) dst(%arg11 : memref<128x128xf32, #tpu.memory_space<vmem>>)
    %dma_wait3A_115 = arith.constant 0 : i32
    %dma_wait3A_116 = arith.constant 1 : i32
    %dma_wait3A_117 = arith.constant 0 : i32
    %dma_wait3A_118 = tpu.memref_slice %arg9[%dma_wait3A_116, %dma_wait3A_117] : memref<4x128xi32, #tpu.memory_space<vmem>> -> memref<1x128xi32, #tpu.memory_space<vmem>>
    %dma_wait3A_119 = tpu.memref_squeeze %dma_wait3A_118 : memref<1x128xi32, #tpu.memory_space<vmem>> -> memref<128xi32, #tpu.memory_space<vmem>>
    %dma_wait3A_120 = arith.constant 0 : i32
    %dma_wait3A_121 = tpu.memref_slice %arg3[%add3A, %dma_wait3A_115, %dma_wait3A_120] : memref<32x80x128xi32, #tpu.memory_space<hbm>> -> memref<1x1x128xi32, #tpu.memory_space<hbm>>
    %dma_wait3A_122 = tpu.memref_squeeze %dma_wait3A_121 : memref<1x1x128xi32, #tpu.memory_space<hbm>> -> memref<128xi32, #tpu.memory_space<hbm>>
    %dma_wait3A_123 = arith.constant 0 : i32
    %dma_wait3A_124 = tpu.memref_slice %arg9[%dma_wait3A_116, %dma_wait3A_123] : memref<4x128xi32, #tpu.memory_space<vmem>> -> memref<1x128xi32, #tpu.memory_space<vmem>>
    %dma_wait3A_125 = tpu.memref_squeeze %dma_wait3A_124 : memref<1x128xi32, #tpu.memory_space<vmem>> -> memref<128xi32, #tpu.memory_space<vmem>>
    %dma_wait3A_126 = arith.constant 0 : i32
    %dma_wait3A_127 = tpu.memref_slice %arg3[%add3A, %dma_wait3A_115, %dma_wait3A_126] : memref<32x80x128xi32, #tpu.memory_space<hbm>> -> memref<1x1x128xi32, #tpu.memory_space<hbm>>
    %dma_wait3A_128 = tpu.memref_squeeze %dma_wait3A_127 : memref<1x1x128xi32, #tpu.memory_space<hbm>> -> memref<128xi32, #tpu.memory_space<hbm>>
    tpu.wait_dma2 semaphore(%arg18 : memref<!tpu.dma_semaphore, #tpu.memory_space<semaphore_mem>>) src(%dma_wait3A_128 : memref<128xi32, #tpu.memory_space<hbm>>) dst(%dma_wait3A_125 : memref<128xi32, #tpu.memory_space<vmem>>)
    %dma_start3A_129 = arith.constant 1 : i32
    %dma_start3A_130 = arith.constant 0 : i32
    %dma_start3A_131 = tpu.memref_slice %arg9[%dma_start3A_129, %dma_start3A_130] : memref<4x128xi32, #tpu.memory_space<vmem>> -> memref<1x128xi32, #tpu.memory_space<vmem>>
    %dma_start3A_132 = tpu.memref_squeeze %dma_start3A_131 : memref<1x128xi32, #tpu.memory_space<vmem>> -> memref<128xi32, #tpu.memory_space<vmem>>
    %dma_start3A_133 = arith.constant 0 : i32
    %dma_start3A_134 = arith.constant 0 : i32
    %dma_start3A_135 = tpu.memref_slice %arg12[%dma_start3A_133, %dma_start3A_134] : memref<10112x128xf32, #tpu.memory_space<vmem_shared>> -> memref<10112x128xf32, #tpu.memory_space<vmem_shared>>
    tpu.enqueue_indirect_dma source(%arg11 : memref<128x128xf32, #tpu.memory_space<vmem>>) target(%dma_start3A_135 : memref<10112x128xf32, #tpu.memory_space<vmem_shared>>) offsets(%dma_start3A_132 : memref<128xi32, #tpu.memory_space<vmem>>) semaphore(%arg16 : memref<!tpu.dma_semaphore, #tpu.memory_space<semaphore_mem>>) {add = true}
    %dma_wait3A_136 = arith.constant 0 : i32
    %dma_wait3A_137 = arith.constant 0 : i32
    %dma_wait3A_138 = tpu.memref_slice %arg9[%dma_wait3A_136, %dma_wait3A_137] : memref<4x128xi32, #tpu.memory_space<vmem>> -> memref<1x128xi32, #tpu.memory_space<vmem>>
    %dma_wait3A_139 = tpu.memref_squeeze %dma_wait3A_138 : memref<1x128xi32, #tpu.memory_space<vmem>> -> memref<128xi32, #tpu.memory_space<vmem>>
    %dma_wait3A_140 = arith.constant 0 : i32
    %dma_wait3A_141 = arith.constant 0 : i32
    %dma_wait3A_142 = tpu.memref_slice %arg12[%dma_wait3A_140, %dma_wait3A_141] : memref<10112x128xf32, #tpu.memory_space<vmem_shared>> -> memref<10112x128xf32, #tpu.memory_space<vmem_shared>>
    tpu.wait_indirect_dma semaphore(%arg15 : memref<!tpu.dma_semaphore, #tpu.memory_space<semaphore_mem>>) src(%arg10 : memref<128x128xf32, #tpu.memory_space<vmem>>) dst(%dma_wait3A_142 : memref<10112x128xf32, #tpu.memory_space<vmem_shared>>)
    %rem3A_143 = arith.constant 2 : i32
    %rem3A_144 = arith.constant 80 : i32
    %rem3A_145 = arith.remsi %rem3A_143, %rem3A_144 : i32
    %dma_start3A_146 = arith.constant 0 : i32
    %dma_start3A_147 = tpu.memref_slice %arg8[%rem3A_145, %dma_start3A_146] : memref<80x128xi32, #tpu.memory_space<vmem>> -> memref<1x128xi32, #tpu.memory_space<vmem>>
    %dma_start3A_148 = tpu.memref_squeeze %dma_start3A_147 : memref<1x128xi32, #tpu.memory_space<vmem>> -> memref<128xi32, #tpu.memory_space<vmem>>
    %dma_start3A_149 = arith.constant 0 : i32
    %dma_start3A_150 = arith.constant 0 : i32
    %dma_start3A_151 = tpu.memref_slice %arg4[%dma_start3A_149, %dma_start3A_150] : memref<10112x128xf32, #tpu.memory_space<hbm>> -> memref<10112x128xf32, #tpu.memory_space<hbm>>
    tpu.enqueue_indirect_dma source(%dma_start3A_151 : memref<10112x128xf32, #tpu.memory_space<hbm>>) target(%arg10 : memref<128x128xf32, #tpu.memory_space<vmem>>) offsets(%dma_start3A_148 : memref<128xi32, #tpu.memory_space<vmem>>) semaphore(%arg13 : memref<!tpu.dma_semaphore, #tpu.memory_space<semaphore_mem>>)
    %rem3A_152 = arith.constant 4 : i32
    %rem3A_153 = arith.constant 80 : i32
    %rem3A_154 = arith.remsi %rem3A_152, %rem3A_153 : i32
    %dma_start3A_155 = arith.constant 0 : i32
    %dma_start3A_156 = arith.constant 0 : i32
    %dma_start3A_157 = tpu.memref_slice %arg9[%dma_start3A_155, %dma_start3A_156] : memref<4x128xi32, #tpu.memory_space<vmem>> -> memref<1x128xi32, #tpu.memory_space<vmem>>
    %dma_start3A_158 = tpu.memref_squeeze %dma_start3A_157 : memref<1x128xi32, #tpu.memory_space<vmem>> -> memref<128xi32, #tpu.memory_space<vmem>>
    %dma_start3A_159 = arith.constant 0 : i32
    %dma_start3A_160 = tpu.memref_slice %arg3[%add3A, %rem3A_154, %dma_start3A_159] : memref<32x80x128xi32, #tpu.memory_space<hbm>> -> memref<1x1x128xi32, #tpu.memory_space<hbm>>
    %dma_start3A_161 = tpu.memref_squeeze %dma_start3A_160 : memref<1x1x128xi32, #tpu.memory_space<hbm>> -> memref<128xi32, #tpu.memory_space<hbm>>
    %dma_start3A_162 = arith.constant 0 : i32
    %dma_start3A_163 = tpu.memref_slice %arg9[%dma_start3A_155, %dma_start3A_162] : memref<4x128xi32, #tpu.memory_space<vmem>> -> memref<1x128xi32, #tpu.memory_space<vmem>>
    %dma_start3A_164 = tpu.memref_squeeze %dma_start3A_163 : memref<1x128xi32, #tpu.memory_space<vmem>> -> memref<128xi32, #tpu.memory_space<vmem>>
    %dma_start3A_165 = arith.constant 0 : i32
    %dma_start3A_166 = tpu.memref_slice %arg3[%add3A, %rem3A_154, %dma_start3A_165] : memref<32x80x128xi32, #tpu.memory_space<hbm>> -> memref<1x1x128xi32, #tpu.memory_space<hbm>>
    %dma_start3A_167 = tpu.memref_squeeze %dma_start3A_166 : memref<1x1x128xi32, #tpu.memory_space<hbm>> -> memref<128xi32, #tpu.memory_space<hbm>>
    tpu.enqueue_dma source(%dma_start3A_167 : memref<128xi32, #tpu.memory_space<hbm>>) target(%dma_start3A_164 : memref<128xi32, #tpu.memory_space<vmem>>) target_semaphore(%arg17 : memref<!tpu.dma_semaphore, #tpu.memory_space<semaphore_mem>>)
    %dma_wait3A_168 = arith.constant 0 : i32
    %dma_wait3A_169 = arith.constant 0 : i32
    %dma_wait3A_170 = tpu.memref_slice %arg8[%dma_wait3A_168, %dma_wait3A_169] : memref<80x128xi32, #tpu.memory_space<vmem>> -> memref<1x128xi32, #tpu.memory_space<vmem>>
    %dma_wait3A_171 = tpu.memref_squeeze %dma_wait3A_170 : memref<1x128xi32, #tpu.memory_space<vmem>> -> memref<128xi32, #tpu.memory_space<vmem>>
    %dma_wait3A_172 = arith.constant 0 : i32
    %dma_wait3A_173 = arith.constant 0 : i32
    %dma_wait3A_174 = tpu.memref_slice %arg4[%dma_wait3A_172, %dma_wait3A_173] : memref<10112x128xf32, #tpu.memory_space<hbm>> -> memref<10112x128xf32, #tpu.memory_space<hbm>>
    tpu.wait_indirect_dma semaphore(%arg13 : memref<!tpu.dma_semaphore, #tpu.memory_space<semaphore_mem>>) src(%dma_wait3A_174 : memref<10112x128xf32, #tpu.memory_space<hbm>>) dst(%arg10 : memref<128x128xf32, #tpu.memory_space<vmem>>)
    %dma_wait3A_175 = arith.constant 0 : i32
    %dma_wait3A_176 = arith.constant 2 : i32
    %dma_wait3A_177 = arith.constant 0 : i32
    %dma_wait3A_178 = tpu.memref_slice %arg9[%dma_wait3A_176, %dma_wait3A_177] : memref<4x128xi32, #tpu.memory_space<vmem>> -> memref<1x128xi32, #tpu.memory_space<vmem>>
    %dma_wait3A_179 = tpu.memref_squeeze %dma_wait3A_178 : memref<1x128xi32, #tpu.memory_space<vmem>> -> memref<128xi32, #tpu.memory_space<vmem>>
    %dma_wait3A_180 = arith.constant 0 : i32
    %dma_wait3A_181 = tpu.memref_slice %arg3[%add3A, %dma_wait3A_175, %dma_wait3A_180] : memref<32x80x128xi32, #tpu.memory_space<hbm>> -> memref<1x1x128xi32, #tpu.memory_space<hbm>>
    %dma_wait3A_182 = tpu.memref_squeeze %dma_wait3A_181 : memref<1x1x128xi32, #tpu.memory_space<hbm>> -> memref<128xi32, #tpu.memory_space<hbm>>
    %dma_wait3A_183 = arith.constant 0 : i32
    %dma_wait3A_184 = tpu.memref_slice %arg9[%dma_wait3A_176, %dma_wait3A_183] : memref<4x128xi32, #tpu.memory_space<vmem>> -> memref<1x128xi32, #tpu.memory_space<vmem>>
    %dma_wait3A_185 = tpu.memref_squeeze %dma_wait3A_184 : memref<1x128xi32, #tpu.memory_space<vmem>> -> memref<128xi32, #tpu.memory_space<vmem>>
    %dma_wait3A_186 = arith.constant 0 : i32
    %dma_wait3A_187 = tpu.memref_slice %arg3[%add3A, %dma_wait3A_175, %dma_wait3A_186] : memref<32x80x128xi32, #tpu.memory_space<hbm>> -> memref<1x1x128xi32, #tpu.memory_space<hbm>>
    %dma_wait3A_188 = tpu.memref_squeeze %dma_wait3A_187 : memref<1x1x128xi32, #tpu.memory_space<hbm>> -> memref<128xi32, #tpu.memory_space<hbm>>
    tpu.wait_dma2 semaphore(%arg19 : memref<!tpu.dma_semaphore, #tpu.memory_space<semaphore_mem>>) src(%dma_wait3A_188 : memref<128xi32, #tpu.memory_space<hbm>>) dst(%dma_wait3A_185 : memref<128xi32, #tpu.memory_space<vmem>>)
    %dma_start3A_189 = arith.constant 2 : i32
    %dma_start3A_190 = arith.constant 0 : i32
    %dma_start3A_191 = tpu.memref_slice %arg9[%dma_start3A_189, %dma_start3A_190] : memref<4x128xi32, #tpu.memory_space<vmem>> -> memref<1x128xi32, #tpu.memory_space<vmem>>
    %dma_start3A_192 = tpu.memref_squeeze %dma_start3A_191 : memref<1x128xi32, #tpu.memory_space<vmem>> -> memref<128xi32, #tpu.memory_space<vmem>>
    %dma_start3A_193 = arith.constant 0 : i32
    %dma_start3A_194 = arith.constant 0 : i32
    %dma_start3A_195 = tpu.memref_slice %arg12[%dma_start3A_193, %dma_start3A_194] : memref<10112x128xf32, #tpu.memory_space<vmem_shared>> -> memref<10112x128xf32, #tpu.memory_space<vmem_shared>>
    tpu.enqueue_indirect_dma source(%arg10 : memref<128x128xf32, #tpu.memory_space<vmem>>) target(%dma_start3A_195 : memref<10112x128xf32, #tpu.memory_space<vmem_shared>>) offsets(%dma_start3A_192 : memref<128xi32, #tpu.memory_space<vmem>>) semaphore(%arg15 : memref<!tpu.dma_semaphore, #tpu.memory_space<semaphore_mem>>) {add = true}
    %dma_wait3A_196 = arith.constant 0 : i32
    %dma_wait3A_197 = arith.constant 0 : i32
    %dma_wait3A_198 = tpu.memref_slice %arg9[%dma_wait3A_196, %dma_wait3A_197] : memref<4x128xi32, #tpu.memory_space<vmem>> -> memref<1x128xi32, #tpu.memory_space<vmem>>
    %dma_wait3A_199 = tpu.memref_squeeze %dma_wait3A_198 : memref<1x128xi32, #tpu.memory_space<vmem>> -> memref<128xi32, #tpu.memory_space<vmem>>
    %dma_wait3A_200 = arith.constant 0 : i32
    %dma_wait3A_201 = arith.constant 0 : i32
    %dma_wait3A_202 = tpu.memref_slice %arg12[%dma_wait3A_200, %dma_wait3A_201] : memref<10112x128xf32, #tpu.memory_space<vmem_shared>> -> memref<10112x128xf32, #tpu.memory_space<vmem_shared>>
    tpu.wait_indirect_dma semaphore(%arg16 : memref<!tpu.dma_semaphore, #tpu.memory_space<semaphore_mem>>) src(%arg11 : memref<128x128xf32, #tpu.memory_space<vmem>>) dst(%dma_wait3A_202 : memref<10112x128xf32, #tpu.memory_space<vmem_shared>>)
    %rem3A_203 = arith.constant 3 : i32
    %rem3A_204 = arith.constant 80 : i32
    %rem3A_205 = arith.remsi %rem3A_203, %rem3A_204 : i32
    %dma_start3A_206 = arith.constant 0 : i32
    %dma_start3A_207 = tpu.memref_slice %arg8[%rem3A_205, %dma_start3A_206] : memref<80x128xi32, #tpu.memory_space<vmem>> -> memref<1x128xi32, #tpu.memory_space<vmem>>
    %dma_start3A_208 = tpu.memref_squeeze %dma_start3A_207 : memref<1x128xi32, #tpu.memory_space<vmem>> -> memref<128xi32, #tpu.memory_space<vmem>>
    %dma_start3A_209 = arith.constant 0 : i32
    %dma_start3A_210 = arith.constant 0 : i32
    %dma_start3A_211 = tpu.memref_slice %arg4[%dma_start3A_209, %dma_start3A_210] : memref<10112x128xf32, #tpu.memory_space<hbm>> -> memref<10112x128xf32, #tpu.memory_space<hbm>>
    tpu.enqueue_indirect_dma source(%dma_start3A_211 : memref<10112x128xf32, #tpu.memory_space<hbm>>) target(%arg11 : memref<128x128xf32, #tpu.memory_space<vmem>>) offsets(%dma_start3A_208 : memref<128xi32, #tpu.memory_space<vmem>>) semaphore(%arg14 : memref<!tpu.dma_semaphore, #tpu.memory_space<semaphore_mem>>)
    %rem3A_212 = arith.constant 5 : i32
    %rem3A_213 = arith.constant 80 : i32
    %rem3A_214 = arith.remsi %rem3A_212, %rem3A_213 : i32
    %dma_start3A_215 = arith.constant 1 : i32
    %dma_start3A_216 = arith.constant 0 : i32
    %dma_start3A_217 = tpu.memref_slice %arg9[%dma_start3A_215, %dma_start3A_216] : memref<4x128xi32, #tpu.memory_space<vmem>> -> memref<1x128xi32, #tpu.memory_space<vmem>>
    %dma_start3A_218 = tpu.memref_squeeze %dma_start3A_217 : memref<1x128xi32, #tpu.memory_space<vmem>> -> memref<128xi32, #tpu.memory_space<vmem>>
    %dma_start3A_219 = arith.constant 0 : i32
    %dma_start3A_220 = tpu.memref_slice %arg3[%add3A, %rem3A_214, %dma_start3A_219] : memref<32x80x128xi32, #tpu.memory_space<hbm>> -> memref<1x1x128xi32, #tpu.memory_space<hbm>>
    %dma_start3A_221 = tpu.memref_squeeze %dma_start3A_220 : memref<1x1x128xi32, #tpu.memory_space<hbm>> -> memref<128xi32, #tpu.memory_space<hbm>>
    %dma_start3A_222 = arith.constant 0 : i32
    %dma_start3A_223 = tpu.memref_slice %arg9[%dma_start3A_215, %dma_start3A_222] : memref<4x128xi32, #tpu.memory_space<vmem>> -> memref<1x128xi32, #tpu.memory_space<vmem>>
    %dma_start3A_224 = tpu.memref_squeeze %dma_start3A_223 : memref<1x128xi32, #tpu.memory_space<vmem>> -> memref<128xi32, #tpu.memory_space<vmem>>
    %dma_start3A_225 = arith.constant 0 : i32
    %dma_start3A_226 = tpu.memref_slice %arg3[%add3A, %rem3A_214, %dma_start3A_225] : memref<32x80x128xi32, #tpu.memory_space<hbm>> -> memref<1x1x128xi32, #tpu.memory_space<hbm>>
    %dma_start3A_227 = tpu.memref_squeeze %dma_start3A_226 : memref<1x1x128xi32, #tpu.memory_space<hbm>> -> memref<128xi32, #tpu.memory_space<hbm>>
    tpu.enqueue_dma source(%dma_start3A_227 : memref<128xi32, #tpu.memory_space<hbm>>) target(%dma_start3A_224 : memref<128xi32, #tpu.memory_space<vmem>>) target_semaphore(%arg18 : memref<!tpu.dma_semaphore, #tpu.memory_space<semaphore_mem>>)
    %dma_wait3A_228 = arith.constant 0 : i32
    %dma_wait3A_229 = arith.constant 0 : i32
    %dma_wait3A_230 = tpu.memref_slice %arg8[%dma_wait3A_228, %dma_wait3A_229] : memref<80x128xi32, #tpu.memory_space<vmem>> -> memref<1x128xi32, #tpu.memory_space<vmem>>
    %dma_wait3A_231 = tpu.memref_squeeze %dma_wait3A_230 : memref<1x128xi32, #tpu.memory_space<vmem>> -> memref<128xi32, #tpu.memory_space<vmem>>
    %dma_wait3A_232 = arith.constant 0 : i32
    %dma_wait3A_233 = arith.constant 0 : i32
    %dma_wait3A_234 = tpu.memref_slice %arg4[%dma_wait3A_232, %dma_wait3A_233] : memref<10112x128xf32, #tpu.memory_space<hbm>> -> memref<10112x128xf32, #tpu.memory_space<hbm>>
    tpu.wait_indirect_dma semaphore(%arg14 : memref<!tpu.dma_semaphore, #tpu.memory_space<semaphore_mem>>) src(%dma_wait3A_234 : memref<10112x128xf32, #tpu.memory_space<hbm>>) dst(%arg11 : memref<128x128xf32, #tpu.memory_space<vmem>>)
    %dma_wait3A_235 = arith.constant 0 : i32
    %dma_wait3A_236 = arith.constant 3 : i32
    %dma_wait3A_237 = arith.constant 0 : i32
    %dma_wait3A_238 = tpu.memref_slice %arg9[%dma_wait3A_236, %dma_wait3A_237] : memref<4x128xi32, #tpu.memory_space<vmem>> -> memref<1x128xi32, #tpu.memory_space<vmem>>
    %dma_wait3A_239 = tpu.memref_squeeze %dma_wait3A_238 : memref<1x128xi32, #tpu.memory_space<vmem>> -> memref<128xi32, #tpu.memory_space<vmem>>
    %dma_wait3A_240 = arith.constant 0 : i32
    %dma_wait3A_241 = tpu.memref_slice %arg3[%add3A, %dma_wait3A_235, %dma_wait3A_240] : memref<32x80x128xi32, #tpu.memory_space<hbm>> -> memref<1x1x128xi32, #tpu.memory_space<hbm>>
    %dma_wait3A_242 = tpu.memref_squeeze %dma_wait3A_241 : memref<1x1x128xi32, #tpu.memory_space<hbm>> -> memref<128xi32, #tpu.memory_space<hbm>>
    %dma_wait3A_243 = arith.constant 0 : i32
    %dma_wait3A_244 = tpu.memref_slice %arg9[%dma_wait3A_236, %dma_wait3A_243] : memref<4x128xi32, #tpu.memory_space<vmem>> -> memref<1x128xi32, #tpu.memory_space<vmem>>
    %dma_wait3A_245 = tpu.memref_squeeze %dma_wait3A_244 : memref<1x128xi32, #tpu.memory_space<vmem>> -> memref<128xi32, #tpu.memory_space<vmem>>
    %dma_wait3A_246 = arith.constant 0 : i32
    %dma_wait3A_247 = tpu.memref_slice %arg3[%add3A, %dma_wait3A_235, %dma_wait3A_246] : memref<32x80x128xi32, #tpu.memory_space<hbm>> -> memref<1x1x128xi32, #tpu.memory_space<hbm>>
    %dma_wait3A_248 = tpu.memref_squeeze %dma_wait3A_247 : memref<1x1x128xi32, #tpu.memory_space<hbm>> -> memref<128xi32, #tpu.memory_space<hbm>>
    tpu.wait_dma2 semaphore(%arg20 : memref<!tpu.dma_semaphore, #tpu.memory_space<semaphore_mem>>) src(%dma_wait3A_248 : memref<128xi32, #tpu.memory_space<hbm>>) dst(%dma_wait3A_245 : memref<128xi32, #tpu.memory_space<vmem>>)
    %dma_start3A_249 = arith.constant 3 : i32
    %dma_start3A_250 = arith.constant 0 : i32
    %dma_start3A_251 = tpu.memref_slice %arg9[%dma_start3A_249, %dma_start3A_250] : memref<4x128xi32, #tpu.memory_space<vmem>> -> memref<1x128xi32, #tpu.memory_space<vmem>>
    %dma_start3A_252 = tpu.memref_squeeze %dma_start3A_251 : memref<1x128xi32, #tpu.memory_space<vmem>> -> memref<128xi32, #tpu.memory_space<vmem>>
    %dma_start3A_253 = arith.constant 0 : i32
    %dma_start3A_254 = arith.constant 0 : i32
    %dma_start3A_255 = tpu.memref_slice %arg12[%dma_start3A_253, %dma_start3A_254] : memref<10112x128xf32, #tpu.memory_space<vmem_shared>> -> memref<10112x128xf32, #tpu.memory_space<vmem_shared>>
    tpu.enqueue_indirect_dma source(%arg11 : memref<128x128xf32, #tpu.memory_space<vmem>>) target(%dma_start3A_255 : memref<10112x128xf32, #tpu.memory_space<vmem_shared>>) offsets(%dma_start3A_252 : memref<128xi32, #tpu.memory_space<vmem>>) semaphore(%arg16 : memref<!tpu.dma_semaphore, #tpu.memory_space<semaphore_mem>>) {add = true}
    %dma_wait3A_256 = arith.constant 0 : i32
    %dma_wait3A_257 = arith.constant 0 : i32
    %dma_wait3A_258 = tpu.memref_slice %arg9[%dma_wait3A_256, %dma_wait3A_257] : memref<4x128xi32, #tpu.memory_space<vmem>> -> memref<1x128xi32, #tpu.memory_space<vmem>>
    %dma_wait3A_259 = tpu.memref_squeeze %dma_wait3A_258 : memref<1x128xi32, #tpu.memory_space<vmem>> -> memref<128xi32, #tpu.memory_space<vmem>>
    %dma_wait3A_260 = arith.constant 0 : i32
    %dma_wait3A_261 = arith.constant 0 : i32
    %dma_wait3A_262 = tpu.memref_slice %arg12[%dma_wait3A_260, %dma_wait3A_261] : memref<10112x128xf32, #tpu.memory_space<vmem_shared>> -> memref<10112x128xf32, #tpu.memory_space<vmem_shared>>
    tpu.wait_indirect_dma semaphore(%arg15 : memref<!tpu.dma_semaphore, #tpu.memory_space<semaphore_mem>>) src(%arg10 : memref<128x128xf32, #tpu.memory_space<vmem>>) dst(%dma_wait3A_262 : memref<10112x128xf32, #tpu.memory_space<vmem_shared>>)
    %rem3A_263 = arith.constant 4 : i32
    %rem3A_264 = arith.constant 80 : i32
    %rem3A_265 = arith.remsi %rem3A_263, %rem3A_264 : i32
    %dma_start3A_266 = arith.constant 0 : i32
    %dma_start3A_267 = tpu.memref_slice %arg8[%rem3A_265, %dma_start3A_266] : memref<80x128xi32, #tpu.memory_space<vmem>> -> memref<1x128xi32, #tpu.memory_space<vmem>>
    %dma_start3A_268 = tpu.memref_squeeze %dma_start3A_267 : memref<1x128xi32, #tpu.memory_space<vmem>> -> memref<128xi32, #tpu.memory_space<vmem>>
    %dma_start3A_269 = arith.constant 0 : i32
    %dma_start3A_270 = arith.constant 0 : i32
    %dma_start3A_271 = tpu.memref_slice %arg4[%dma_start3A_269, %dma_start3A_270] : memref<10112x128xf32, #tpu.memory_space<hbm>> -> memref<10112x128xf32, #tpu.memory_space<hbm>>
    tpu.enqueue_indirect_dma source(%dma_start3A_271 : memref<10112x128xf32, #tpu.memory_space<hbm>>) target(%arg10 : memref<128x128xf32, #tpu.memory_space<vmem>>) offsets(%dma_start3A_268 : memref<128xi32, #tpu.memory_space<vmem>>) semaphore(%arg13 : memref<!tpu.dma_semaphore, #tpu.memory_space<semaphore_mem>>)
    %rem3A_272 = arith.constant 6 : i32
    %rem3A_273 = arith.constant 80 : i32
    %rem3A_274 = arith.remsi %rem3A_272, %rem3A_273 : i32
    %dma_start3A_275 = arith.constant 2 : i32
    %dma_start3A_276 = arith.constant 0 : i32
    %dma_start3A_277 = tpu.memref_slice %arg9[%dma_start3A_275, %dma_start3A_276] : memref<4x128xi32, #tpu.memory_space<vmem>> -> memref<1x128xi32, #tpu.memory_space<vmem>>
    %dma_start3A_278 = tpu.memref_squeeze %dma_start3A_277 : memref<1x128xi32, #tpu.memory_space<vmem>> -> memref<128xi32, #tpu.memory_space<vmem>>
    %dma_start3A_279 = arith.constant 0 : i32
    %dma_start3A_280 = tpu.memref_slice %arg3[%add3A, %rem3A_274, %dma_start3A_279] : memref<32x80x128xi32, #tpu.memory_space<hbm>> -> memref<1x1x128xi32, #tpu.memory_space<hbm>>
    %dma_start3A_281 = tpu.memref_squeeze %dma_start3A_280 : memref<1x1x128xi32, #tpu.memory_space<hbm>> -> memref<128xi32, #tpu.memory_space<hbm>>
    %dma_start3A_282 = arith.constant 0 : i32
    %dma_start3A_283 = tpu.memref_slice %arg9[%dma_start3A_275, %dma_start3A_282] : memref<4x128xi32, #tpu.memory_space<vmem>> -> memref<1x128xi32, #tpu.memory_space<vmem>>
    %dma_start3A_284 = tpu.memref_squeeze %dma_start3A_283 : memref<1x128xi32, #tpu.memory_space<vmem>> -> memref<128xi32, #tpu.memory_space<vmem>>
    %dma_start3A_285 = arith.constant 0 : i32
    %dma_start3A_286 = tpu.memref_slice %arg3[%add3A, %rem3A_274, %dma_start3A_285] : memref<32x80x128xi32, #tpu.memory_space<hbm>> -> memref<1x1x128xi32, #tpu.memory_space<hbm>>
    %dma_start3A_287 = tpu.memref_squeeze %dma_start3A_286 : memref<1x1x128xi32, #tpu.memory_space<hbm>> -> memref<128xi32, #tpu.memory_space<hbm>>
    tpu.enqueue_dma source(%dma_start3A_287 : memref<128xi32, #tpu.memory_space<hbm>>) target(%dma_start3A_284 : memref<128xi32, #tpu.memory_space<vmem>>) target_semaphore(%arg19 : memref<!tpu.dma_semaphore, #tpu.memory_space<semaphore_mem>>)
    %scan3A = arith.constant 0 : i32
    %scan3A_288 = arith.constant 1 : i32
    %scan3A_289 = arith.constant 19 : i32
    %scan3A_290 = arith.addi %scan3A_288, %scan3A_289 : i32
    %scan3A_291 = arith.constant 1 : i32
    scf.for %scan3A_360 = %scan3A_288 to %scan3A_290 step %scan3A_291  : i32 {
      %mul3A_361 = arith.constant 4 : i32
      %mul3A_362 = arith.muli %mul3A_361, %scan3A_360 : i32
      %dma_wait3A_363 = arith.constant 0 : i32
      %dma_wait3A_364 = arith.constant 0 : i32
      %dma_wait3A_365 = tpu.memref_slice %arg8[%dma_wait3A_363, %dma_wait3A_364] : memref<80x128xi32, #tpu.memory_space<vmem>> -> memref<1x128xi32, #tpu.memory_space<vmem>>
      %dma_wait3A_366 = tpu.memref_squeeze %dma_wait3A_365 : memref<1x128xi32, #tpu.memory_space<vmem>> -> memref<128xi32, #tpu.memory_space<vmem>>
      %dma_wait3A_367 = arith.constant 0 : i32
      %dma_wait3A_368 = arith.constant 0 : i32
      %dma_wait3A_369 = tpu.memref_slice %arg4[%dma_wait3A_367, %dma_wait3A_368] : memref<10112x128xf32, #tpu.memory_space<hbm>> -> memref<10112x128xf32, #tpu.memory_space<hbm>>
      tpu.wait_indirect_dma semaphore(%arg13 : memref<!tpu.dma_semaphore, #tpu.memory_space<semaphore_mem>>) src(%dma_wait3A_369 : memref<10112x128xf32, #tpu.memory_space<hbm>>) dst(%arg10 : memref<128x128xf32, #tpu.memory_space<vmem>>)
      %dma_wait3A_370 = arith.constant 0 : i32
      %dma_wait3A_371 = arith.constant 0 : i32
      %dma_wait3A_372 = arith.constant 0 : i32
      %dma_wait3A_373 = tpu.memref_slice %arg9[%dma_wait3A_371, %dma_wait3A_372] : memref<4x128xi32, #tpu.memory_space<vmem>> -> memref<1x128xi32, #tpu.memory_space<vmem>>
      %dma_wait3A_374 = tpu.memref_squeeze %dma_wait3A_373 : memref<1x128xi32, #tpu.memory_space<vmem>> -> memref<128xi32, #tpu.memory_space<vmem>>
      %dma_wait3A_375 = arith.constant 0 : i32
      %dma_wait3A_376 = tpu.memref_slice %arg3[%add3A, %dma_wait3A_370, %dma_wait3A_375] : memref<32x80x128xi32, #tpu.memory_space<hbm>> -> memref<1x1x128xi32, #tpu.memory_space<hbm>>
      %dma_wait3A_377 = tpu.memref_squeeze %dma_wait3A_376 : memref<1x1x128xi32, #tpu.memory_space<hbm>> -> memref<128xi32, #tpu.memory_space<hbm>>
      %dma_wait3A_378 = arith.constant 0 : i32
      %dma_wait3A_379 = tpu.memref_slice %arg9[%dma_wait3A_371, %dma_wait3A_378] : memref<4x128xi32, #tpu.memory_space<vmem>> -> memref<1x128xi32, #tpu.memory_space<vmem>>
      %dma_wait3A_380 = tpu.memref_squeeze %dma_wait3A_379 : memref<1x128xi32, #tpu.memory_space<vmem>> -> memref<128xi32, #tpu.memory_space<vmem>>
      %dma_wait3A_381 = arith.constant 0 : i32
      %dma_wait3A_382 = tpu.memref_slice %arg3[%add3A, %dma_wait3A_370, %dma_wait3A_381] : memref<32x80x128xi32, #tpu.memory_space<hbm>> -> memref<1x1x128xi32, #tpu.memory_space<hbm>>
      %dma_wait3A_383 = tpu.memref_squeeze %dma_wait3A_382 : memref<1x1x128xi32, #tpu.memory_space<hbm>> -> memref<128xi32, #tpu.memory_space<hbm>>
      tpu.wait_dma2 semaphore(%arg17 : memref<!tpu.dma_semaphore, #tpu.memory_space<semaphore_mem>>) src(%dma_wait3A_383 : memref<128xi32, #tpu.memory_space<hbm>>) dst(%dma_wait3A_380 : memref<128xi32, #tpu.memory_space<vmem>>)
      %dma_start3A_384 = arith.constant 0 : i32
      %dma_start3A_385 = arith.constant 0 : i32
      %dma_start3A_386 = tpu.memref_slice %arg9[%dma_start3A_384, %dma_start3A_385] : memref<4x128xi32, #tpu.memory_space<vmem>> -> memref<1x128xi32, #tpu.memory_space<vmem>>
      %dma_start3A_387 = tpu.memref_squeeze %dma_start3A_386 : memref<1x128xi32, #tpu.memory_space<vmem>> -> memref<128xi32, #tpu.memory_space<vmem>>
      %dma_start3A_388 = arith.constant 0 : i32
      %dma_start3A_389 = arith.constant 0 : i32
      %dma_start3A_390 = tpu.memref_slice %arg12[%dma_start3A_388, %dma_start3A_389] : memref<10112x128xf32, #tpu.memory_space<vmem_shared>> -> memref<10112x128xf32, #tpu.memory_space<vmem_shared>>
      tpu.enqueue_indirect_dma source(%arg10 : memref<128x128xf32, #tpu.memory_space<vmem>>) target(%dma_start3A_390 : memref<10112x128xf32, #tpu.memory_space<vmem_shared>>) offsets(%dma_start3A_387 : memref<128xi32, #tpu.memory_space<vmem>>) semaphore(%arg15 : memref<!tpu.dma_semaphore, #tpu.memory_space<semaphore_mem>>) {add = true}
      %dma_wait3A_391 = arith.constant 0 : i32
      %dma_wait3A_392 = arith.constant 0 : i32
      %dma_wait3A_393 = tpu.memref_slice %arg9[%dma_wait3A_391, %dma_wait3A_392] : memref<4x128xi32, #tpu.memory_space<vmem>> -> memref<1x128xi32, #tpu.memory_space<vmem>>
      %dma_wait3A_394 = tpu.memref_squeeze %dma_wait3A_393 : memref<1x128xi32, #tpu.memory_space<vmem>> -> memref<128xi32, #tpu.memory_space<vmem>>
      %dma_wait3A_395 = arith.constant 0 : i32
      %dma_wait3A_396 = arith.constant 0 : i32
      %dma_wait3A_397 = tpu.memref_slice %arg12[%dma_wait3A_395, %dma_wait3A_396] : memref<10112x128xf32, #tpu.memory_space<vmem_shared>> -> memref<10112x128xf32, #tpu.memory_space<vmem_shared>>
      tpu.wait_indirect_dma semaphore(%arg16 : memref<!tpu.dma_semaphore, #tpu.memory_space<semaphore_mem>>) src(%arg11 : memref<128x128xf32, #tpu.memory_space<vmem>>) dst(%dma_wait3A_397 : memref<10112x128xf32, #tpu.memory_space<vmem_shared>>)
      %add3A_398 = arith.constant 1 : i32
      %add3A_399 = arith.addi %mul3A_362, %add3A_398 : i32
      %rem3A_400 = arith.constant 80 : i32
      %rem3A_401 = arith.remsi %add3A_399, %rem3A_400 : i32
      %dma_start3A_402 = arith.constant 0 : i32
      %dma_start3A_403 = tpu.memref_slice %arg8[%rem3A_401, %dma_start3A_402] : memref<80x128xi32, #tpu.memory_space<vmem>> -> memref<1x128xi32, #tpu.memory_space<vmem>>
      %dma_start3A_404 = tpu.memref_squeeze %dma_start3A_403 : memref<1x128xi32, #tpu.memory_space<vmem>> -> memref<128xi32, #tpu.memory_space<vmem>>
      %dma_start3A_405 = arith.constant 0 : i32
      %dma_start3A_406 = arith.constant 0 : i32
      %dma_start3A_407 = tpu.memref_slice %arg4[%dma_start3A_405, %dma_start3A_406] : memref<10112x128xf32, #tpu.memory_space<hbm>> -> memref<10112x128xf32, #tpu.memory_space<hbm>>
      tpu.enqueue_indirect_dma source(%dma_start3A_407 : memref<10112x128xf32, #tpu.memory_space<hbm>>) target(%arg11 : memref<128x128xf32, #tpu.memory_space<vmem>>) offsets(%dma_start3A_404 : memref<128xi32, #tpu.memory_space<vmem>>) semaphore(%arg14 : memref<!tpu.dma_semaphore, #tpu.memory_space<semaphore_mem>>)
      %add3A_408 = arith.constant 3 : i32
      %add3A_409 = arith.addi %mul3A_362, %add3A_408 : i32
      %rem3A_410 = arith.constant 80 : i32
      %rem3A_411 = arith.remsi %add3A_409, %rem3A_410 : i32
      %dma_start3A_412 = arith.constant 3 : i32
      %dma_start3A_413 = arith.constant 0 : i32
      %dma_start3A_414 = tpu.memref_slice %arg9[%dma_start3A_412, %dma_start3A_413] : memref<4x128xi32, #tpu.memory_space<vmem>> -> memref<1x128xi32, #tpu.memory_space<vmem>>
      %dma_start3A_415 = tpu.memref_squeeze %dma_start3A_414 : memref<1x128xi32, #tpu.memory_space<vmem>> -> memref<128xi32, #tpu.memory_space<vmem>>
      %dma_start3A_416 = arith.constant 0 : i32
      %dma_start3A_417 = tpu.memref_slice %arg3[%add3A, %rem3A_411, %dma_start3A_416] : memref<32x80x128xi32, #tpu.memory_space<hbm>> -> memref<1x1x128xi32, #tpu.memory_space<hbm>>
      %dma_start3A_418 = tpu.memref_squeeze %dma_start3A_417 : memref<1x1x128xi32, #tpu.memory_space<hbm>> -> memref<128xi32, #tpu.memory_space<hbm>>
      %dma_start3A_419 = arith.constant 0 : i32
      %dma_start3A_420 = tpu.memref_slice %arg9[%dma_start3A_412, %dma_start3A_419] : memref<4x128xi32, #tpu.memory_space<vmem>> -> memref<1x128xi32, #tpu.memory_space<vmem>>
      %dma_start3A_421 = tpu.memref_squeeze %dma_start3A_420 : memref<1x128xi32, #tpu.memory_space<vmem>> -> memref<128xi32, #tpu.memory_space<vmem>>
      %dma_start3A_422 = arith.constant 0 : i32
      %dma_start3A_423 = tpu.memref_slice %arg3[%add3A, %rem3A_411, %dma_start3A_422] : memref<32x80x128xi32, #tpu.memory_space<hbm>> -> memref<1x1x128xi32, #tpu.memory_space<hbm>>
      %dma_start3A_424 = tpu.memref_squeeze %dma_start3A_423 : memref<1x1x128xi32, #tpu.memory_space<hbm>> -> memref<128xi32, #tpu.memory_space<hbm>>
      tpu.enqueue_dma source(%dma_start3A_424 : memref<128xi32, #tpu.memory_space<hbm>>) target(%dma_start3A_421 : memref<128xi32, #tpu.memory_space<vmem>>) target_semaphore(%arg20 : memref<!tpu.dma_semaphore, #tpu.memory_space<semaphore_mem>>)
      %add3A_425 = arith.constant 1 : i32
      %add3A_426 = arith.addi %mul3A_362, %add3A_425 : i32
      %dma_wait3A_427 = arith.constant 0 : i32
      %dma_wait3A_428 = arith.constant 0 : i32
      %dma_wait3A_429 = tpu.memref_slice %arg8[%dma_wait3A_427, %dma_wait3A_428] : memref<80x128xi32, #tpu.memory_space<vmem>> -> memref<1x128xi32, #tpu.memory_space<vmem>>
      %dma_wait3A_430 = tpu.memref_squeeze %dma_wait3A_429 : memref<1x128xi32, #tpu.memory_space<vmem>> -> memref<128xi32, #tpu.memory_space<vmem>>
      %dma_wait3A_431 = arith.constant 0 : i32
      %dma_wait3A_432 = arith.constant 0 : i32
      %dma_wait3A_433 = tpu.memref_slice %arg4[%dma_wait3A_431, %dma_wait3A_432] : memref<10112x128xf32, #tpu.memory_space<hbm>> -> memref<10112x128xf32, #tpu.memory_space<hbm>>
      tpu.wait_indirect_dma semaphore(%arg14 : memref<!tpu.dma_semaphore, #tpu.memory_space<semaphore_mem>>) src(%dma_wait3A_433 : memref<10112x128xf32, #tpu.memory_space<hbm>>) dst(%arg11 : memref<128x128xf32, #tpu.memory_space<vmem>>)
      %dma_wait3A_434 = arith.constant 0 : i32
      %dma_wait3A_435 = arith.constant 1 : i32
      %dma_wait3A_436 = arith.constant 0 : i32
      %dma_wait3A_437 = tpu.memref_slice %arg9[%dma_wait3A_435, %dma_wait3A_436] : memref<4x128xi32, #tpu.memory_space<vmem>> -> memref<1x128xi32, #tpu.memory_space<vmem>>
      %dma_wait3A_438 = tpu.memref_squeeze %dma_wait3A_437 : memref<1x128xi32, #tpu.memory_space<vmem>> -> memref<128xi32, #tpu.memory_space<vmem>>
      %dma_wait3A_439 = arith.constant 0 : i32
      %dma_wait3A_440 = tpu.memref_slice %arg3[%add3A, %dma_wait3A_434, %dma_wait3A_439] : memref<32x80x128xi32, #tpu.memory_space<hbm>> -> memref<1x1x128xi32, #tpu.memory_space<hbm>>
      %dma_wait3A_441 = tpu.memref_squeeze %dma_wait3A_440 : memref<1x1x128xi32, #tpu.memory_space<hbm>> -> memref<128xi32, #tpu.memory_space<hbm>>
      %dma_wait3A_442 = arith.constant 0 : i32
      %dma_wait3A_443 = tpu.memref_slice %arg9[%dma_wait3A_435, %dma_wait3A_442] : memref<4x128xi32, #tpu.memory_space<vmem>> -> memref<1x128xi32, #tpu.memory_space<vmem>>
      %dma_wait3A_444 = tpu.memref_squeeze %dma_wait3A_443 : memref<1x128xi32, #tpu.memory_space<vmem>> -> memref<128xi32, #tpu.memory_space<vmem>>
      %dma_wait3A_445 = arith.constant 0 : i32
      %dma_wait3A_446 = tpu.memref_slice %arg3[%add3A, %dma_wait3A_434, %dma_wait3A_445] : memref<32x80x128xi32, #tpu.memory_space<hbm>> -> memref<1x1x128xi32, #tpu.memory_space<hbm>>
      %dma_wait3A_447 = tpu.memref_squeeze %dma_wait3A_446 : memref<1x1x128xi32, #tpu.memory_space<hbm>> -> memref<128xi32, #tpu.memory_space<hbm>>
      tpu.wait_dma2 semaphore(%arg18 : memref<!tpu.dma_semaphore, #tpu.memory_space<semaphore_mem>>) src(%dma_wait3A_447 : memref<128xi32, #tpu.memory_space<hbm>>) dst(%dma_wait3A_444 : memref<128xi32, #tpu.memory_space<vmem>>)
      %dma_start3A_448 = arith.constant 1 : i32
      %dma_start3A_449 = arith.constant 0 : i32
      %dma_start3A_450 = tpu.memref_slice %arg9[%dma_start3A_448, %dma_start3A_449] : memref<4x128xi32, #tpu.memory_space<vmem>> -> memref<1x128xi32, #tpu.memory_space<vmem>>
      %dma_start3A_451 = tpu.memref_squeeze %dma_start3A_450 : memref<1x128xi32, #tpu.memory_space<vmem>> -> memref<128xi32, #tpu.memory_space<vmem>>
      %dma_start3A_452 = arith.constant 0 : i32
      %dma_start3A_453 = arith.constant 0 : i32
      %dma_start3A_454 = tpu.memref_slice %arg12[%dma_start3A_452, %dma_start3A_453] : memref<10112x128xf32, #tpu.memory_space<vmem_shared>> -> memref<10112x128xf32, #tpu.memory_space<vmem_shared>>
      tpu.enqueue_indirect_dma source(%arg11 : memref<128x128xf32, #tpu.memory_space<vmem>>) target(%dma_start3A_454 : memref<10112x128xf32, #tpu.memory_space<vmem_shared>>) offsets(%dma_start3A_451 : memref<128xi32, #tpu.memory_space<vmem>>) semaphore(%arg16 : memref<!tpu.dma_semaphore, #tpu.memory_space<semaphore_mem>>) {add = true}
      %dma_wait3A_455 = arith.constant 0 : i32
      %dma_wait3A_456 = arith.constant 0 : i32
      %dma_wait3A_457 = tpu.memref_slice %arg9[%dma_wait3A_455, %dma_wait3A_456] : memref<4x128xi32, #tpu.memory_space<vmem>> -> memref<1x128xi32, #tpu.memory_space<vmem>>
      %dma_wait3A_458 = tpu.memref_squeeze %dma_wait3A_457 : memref<1x128xi32, #tpu.memory_space<vmem>> -> memref<128xi32, #tpu.memory_space<vmem>>
      %dma_wait3A_459 = arith.constant 0 : i32
      %dma_wait3A_460 = arith.constant 0 : i32
      %dma_wait3A_461 = tpu.memref_slice %arg12[%dma_wait3A_459, %dma_wait3A_460] : memref<10112x128xf32, #tpu.memory_space<vmem_shared>> -> memref<10112x128xf32, #tpu.memory_space<vmem_shared>>
      tpu.wait_indirect_dma semaphore(%arg15 : memref<!tpu.dma_semaphore, #tpu.memory_space<semaphore_mem>>) src(%arg10 : memref<128x128xf32, #tpu.memory_space<vmem>>) dst(%dma_wait3A_461 : memref<10112x128xf32, #tpu.memory_space<vmem_shared>>)
      %add3A_462 = arith.constant 1 : i32
      %add3A_463 = arith.addi %add3A_426, %add3A_462 : i32
      %rem3A_464 = arith.constant 80 : i32
      %rem3A_465 = arith.remsi %add3A_463, %rem3A_464 : i32
      %dma_start3A_466 = arith.constant 0 : i32
      %dma_start3A_467 = tpu.memref_slice %arg8[%rem3A_465, %dma_start3A_466] : memref<80x128xi32, #tpu.memory_space<vmem>> -> memref<1x128xi32, #tpu.memory_space<vmem>>
      %dma_start3A_468 = tpu.memref_squeeze %dma_start3A_467 : memref<1x128xi32, #tpu.memory_space<vmem>> -> memref<128xi32, #tpu.memory_space<vmem>>
      %dma_start3A_469 = arith.constant 0 : i32
      %dma_start3A_470 = arith.constant 0 : i32
      %dma_start3A_471 = tpu.memref_slice %arg4[%dma_start3A_469, %dma_start3A_470] : memref<10112x128xf32, #tpu.memory_space<hbm>> -> memref<10112x128xf32, #tpu.memory_space<hbm>>
      tpu.enqueue_indirect_dma source(%dma_start3A_471 : memref<10112x128xf32, #tpu.memory_space<hbm>>) target(%arg10 : memref<128x128xf32, #tpu.memory_space<vmem>>) offsets(%dma_start3A_468 : memref<128xi32, #tpu.memory_space<vmem>>) semaphore(%arg13 : memref<!tpu.dma_semaphore, #tpu.memory_space<semaphore_mem>>)
      %add3A_472 = arith.constant 3 : i32
      %add3A_473 = arith.addi %add3A_426, %add3A_472 : i32
      %rem3A_474 = arith.constant 80 : i32
      %rem3A_475 = arith.remsi %add3A_473, %rem3A_474 : i32
      %dma_start3A_476 = arith.constant 0 : i32
      %dma_start3A_477 = arith.constant 0 : i32
      %dma_start3A_478 = tpu.memref_slice %arg9[%dma_start3A_476, %dma_start3A_477] : memref<4x128xi32, #tpu.memory_space<vmem>> -> memref<1x128xi32, #tpu.memory_space<vmem>>
      %dma_start3A_479 = tpu.memref_squeeze %dma_start3A_478 : memref<1x128xi32, #tpu.memory_space<vmem>> -> memref<128xi32, #tpu.memory_space<vmem>>
      %dma_start3A_480 = arith.constant 0 : i32
      %dma_start3A_481 = tpu.memref_slice %arg3[%add3A, %rem3A_475, %dma_start3A_480] : memref<32x80x128xi32, #tpu.memory_space<hbm>> -> memref<1x1x128xi32, #tpu.memory_space<hbm>>
      %dma_start3A_482 = tpu.memref_squeeze %dma_start3A_481 : memref<1x1x128xi32, #tpu.memory_space<hbm>> -> memref<128xi32, #tpu.memory_space<hbm>>
      %dma_start3A_483 = arith.constant 0 : i32
      %dma_start3A_484 = tpu.memref_slice %arg9[%dma_start3A_476, %dma_start3A_483] : memref<4x128xi32, #tpu.memory_space<vmem>> -> memref<1x128xi32, #tpu.memory_space<vmem>>
      %dma_start3A_485 = tpu.memref_squeeze %dma_start3A_484 : memref<1x128xi32, #tpu.memory_space<vmem>> -> memref<128xi32, #tpu.memory_space<vmem>>
      %dma_start3A_486 = arith.constant 0 : i32
      %dma_start3A_487 = tpu.memref_slice %arg3[%add3A, %rem3A_475, %dma_start3A_486] : memref<32x80x128xi32, #tpu.memory_space<hbm>> -> memref<1x1x128xi32, #tpu.memory_space<hbm>>
      %dma_start3A_488 = tpu.memref_squeeze %dma_start3A_487 : memref<1x1x128xi32, #tpu.memory_space<hbm>> -> memref<128xi32, #tpu.memory_space<hbm>>
      tpu.enqueue_dma source(%dma_start3A_488 : memref<128xi32, #tpu.memory_space<hbm>>) target(%dma_start3A_485 : memref<128xi32, #tpu.memory_space<vmem>>) target_semaphore(%arg17 : memref<!tpu.dma_semaphore, #tpu.memory_space<semaphore_mem>>)
      %add3A_489 = arith.constant 2 : i32
      %add3A_490 = arith.addi %mul3A_362, %add3A_489 : i32
      %dma_wait3A_491 = arith.constant 0 : i32
      %dma_wait3A_492 = arith.constant 0 : i32
      %dma_wait3A_493 = tpu.memref_slice %arg8[%dma_wait3A_491, %dma_wait3A_492] : memref<80x128xi32, #tpu.memory_space<vmem>> -> memref<1x128xi32, #tpu.memory_space<vmem>>
      %dma_wait3A_494 = tpu.memref_squeeze %dma_wait3A_493 : memref<1x128xi32, #tpu.memory_space<vmem>> -> memref<128xi32, #tpu.memory_space<vmem>>
      %dma_wait3A_495 = arith.constant 0 : i32
      %dma_wait3A_496 = arith.constant 0 : i32
      %dma_wait3A_497 = tpu.memref_slice %arg4[%dma_wait3A_495, %dma_wait3A_496] : memref<10112x128xf32, #tpu.memory_space<hbm>> -> memref<10112x128xf32, #tpu.memory_space<hbm>>
      tpu.wait_indirect_dma semaphore(%arg13 : memref<!tpu.dma_semaphore, #tpu.memory_space<semaphore_mem>>) src(%dma_wait3A_497 : memref<10112x128xf32, #tpu.memory_space<hbm>>) dst(%arg10 : memref<128x128xf32, #tpu.memory_space<vmem>>)
      %dma_wait3A_498 = arith.constant 0 : i32
      %dma_wait3A_499 = arith.constant 2 : i32
      %dma_wait3A_500 = arith.constant 0 : i32
      %dma_wait3A_501 = tpu.memref_slice %arg9[%dma_wait3A_499, %dma_wait3A_500] : memref<4x128xi32, #tpu.memory_space<vmem>> -> memref<1x128xi32, #tpu.memory_space<vmem>>
      %dma_wait3A_502 = tpu.memref_squeeze %dma_wait3A_501 : memref<1x128xi32, #tpu.memory_space<vmem>> -> memref<128xi32, #tpu.memory_space<vmem>>
      %dma_wait3A_503 = arith.constant 0 : i32
      %dma_wait3A_504 = tpu.memref_slice %arg3[%add3A, %dma_wait3A_498, %dma_wait3A_503] : memref<32x80x128xi32, #tpu.memory_space<hbm>> -> memref<1x1x128xi32, #tpu.memory_space<hbm>>
      %dma_wait3A_505 = tpu.memref_squeeze %dma_wait3A_504 : memref<1x1x128xi32, #tpu.memory_space<hbm>> -> memref<128xi32, #tpu.memory_space<hbm>>
      %dma_wait3A_506 = arith.constant 0 : i32
      %dma_wait3A_507 = tpu.memref_slice %arg9[%dma_wait3A_499, %dma_wait3A_506] : memref<4x128xi32, #tpu.memory_space<vmem>> -> memref<1x128xi32, #tpu.memory_space<vmem>>
      %dma_wait3A_508 = tpu.memref_squeeze %dma_wait3A_507 : memref<1x128xi32, #tpu.memory_space<vmem>> -> memref<128xi32, #tpu.memory_space<vmem>>
      %dma_wait3A_509 = arith.constant 0 : i32
      %dma_wait3A_510 = tpu.memref_slice %arg3[%add3A, %dma_wait3A_498, %dma_wait3A_509] : memref<32x80x128xi32, #tpu.memory_space<hbm>> -> memref<1x1x128xi32, #tpu.memory_space<hbm>>
      %dma_wait3A_511 = tpu.memref_squeeze %dma_wait3A_510 : memref<1x1x128xi32, #tpu.memory_space<hbm>> -> memref<128xi32, #tpu.memory_space<hbm>>
      tpu.wait_dma2 semaphore(%arg19 : memref<!tpu.dma_semaphore, #tpu.memory_space<semaphore_mem>>) src(%dma_wait3A_511 : memref<128xi32, #tpu.memory_space<hbm>>) dst(%dma_wait3A_508 : memref<128xi32, #tpu.memory_space<vmem>>)
      %dma_start3A_512 = arith.constant 2 : i32
      %dma_start3A_513 = arith.constant 0 : i32
      %dma_start3A_514 = tpu.memref_slice %arg9[%dma_start3A_512, %dma_start3A_513] : memref<4x128xi32, #tpu.memory_space<vmem>> -> memref<1x128xi32, #tpu.memory_space<vmem>>
      %dma_start3A_515 = tpu.memref_squeeze %dma_start3A_514 : memref<1x128xi32, #tpu.memory_space<vmem>> -> memref<128xi32, #tpu.memory_space<vmem>>
      %dma_start3A_516 = arith.constant 0 : i32
      %dma_start3A_517 = arith.constant 0 : i32
      %dma_start3A_518 = tpu.memref_slice %arg12[%dma_start3A_516, %dma_start3A_517] : memref<10112x128xf32, #tpu.memory_space<vmem_shared>> -> memref<10112x128xf32, #tpu.memory_space<vmem_shared>>
      tpu.enqueue_indirect_dma source(%arg10 : memref<128x128xf32, #tpu.memory_space<vmem>>) target(%dma_start3A_518 : memref<10112x128xf32, #tpu.memory_space<vmem_shared>>) offsets(%dma_start3A_515 : memref<128xi32, #tpu.memory_space<vmem>>) semaphore(%arg15 : memref<!tpu.dma_semaphore, #tpu.memory_space<semaphore_mem>>) {add = true}
      %dma_wait3A_519 = arith.constant 0 : i32
      %dma_wait3A_520 = arith.constant 0 : i32
      %dma_wait3A_521 = tpu.memref_slice %arg9[%dma_wait3A_519, %dma_wait3A_520] : memref<4x128xi32, #tpu.memory_space<vmem>> -> memref<1x128xi32, #tpu.memory_space<vmem>>
      %dma_wait3A_522 = tpu.memref_squeeze %dma_wait3A_521 : memref<1x128xi32, #tpu.memory_space<vmem>> -> memref<128xi32, #tpu.memory_space<vmem>>
      %dma_wait3A_523 = arith.constant 0 : i32
      %dma_wait3A_524 = arith.constant 0 : i32
      %dma_wait3A_525 = tpu.memref_slice %arg12[%dma_wait3A_523, %dma_wait3A_524] : memref<10112x128xf32, #tpu.memory_space<vmem_shared>> -> memref<10112x128xf32, #tpu.memory_space<vmem_shared>>
      tpu.wait_indirect_dma semaphore(%arg16 : memref<!tpu.dma_semaphore, #tpu.memory_space<semaphore_mem>>) src(%arg11 : memref<128x128xf32, #tpu.memory_space<vmem>>) dst(%dma_wait3A_525 : memref<10112x128xf32, #tpu.memory_space<vmem_shared>>)
      %add3A_526 = arith.constant 1 : i32
      %add3A_527 = arith.addi %add3A_490, %add3A_526 : i32
      %rem3A_528 = arith.constant 80 : i32
      %rem3A_529 = arith.remsi %add3A_527, %rem3A_528 : i32
      %dma_start3A_530 = arith.constant 0 : i32
      %dma_start3A_531 = tpu.memref_slice %arg8[%rem3A_529, %dma_start3A_530] : memref<80x128xi32, #tpu.memory_space<vmem>> -> memref<1x128xi32, #tpu.memory_space<vmem>>
      %dma_start3A_532 = tpu.memref_squeeze %dma_start3A_531 : memref<1x128xi32, #tpu.memory_space<vmem>> -> memref<128xi32, #tpu.memory_space<vmem>>
      %dma_start3A_533 = arith.constant 0 : i32
      %dma_start3A_534 = arith.constant 0 : i32
      %dma_start3A_535 = tpu.memref_slice %arg4[%dma_start3A_533, %dma_start3A_534] : memref<10112x128xf32, #tpu.memory_space<hbm>> -> memref<10112x128xf32, #tpu.memory_space<hbm>>
      tpu.enqueue_indirect_dma source(%dma_start3A_535 : memref<10112x128xf32, #tpu.memory_space<hbm>>) target(%arg11 : memref<128x128xf32, #tpu.memory_space<vmem>>) offsets(%dma_start3A_532 : memref<128xi32, #tpu.memory_space<vmem>>) semaphore(%arg14 : memref<!tpu.dma_semaphore, #tpu.memory_space<semaphore_mem>>)
      %add3A_536 = arith.constant 3 : i32
      %add3A_537 = arith.addi %add3A_490, %add3A_536 : i32
      %rem3A_538 = arith.constant 80 : i32
      %rem3A_539 = arith.remsi %add3A_537, %rem3A_538 : i32
      %dma_start3A_540 = arith.constant 1 : i32
      %dma_start3A_541 = arith.constant 0 : i32
      %dma_start3A_542 = tpu.memref_slice %arg9[%dma_start3A_540, %dma_start3A_541] : memref<4x128xi32, #tpu.memory_space<vmem>> -> memref<1x128xi32, #tpu.memory_space<vmem>>
      %dma_start3A_543 = tpu.memref_squeeze %dma_start3A_542 : memref<1x128xi32, #tpu.memory_space<vmem>> -> memref<128xi32, #tpu.memory_space<vmem>>
      %dma_start3A_544 = arith.constant 0 : i32
      %dma_start3A_545 = tpu.memref_slice %arg3[%add3A, %rem3A_539, %dma_start3A_544] : memref<32x80x128xi32, #tpu.memory_space<hbm>> -> memref<1x1x128xi32, #tpu.memory_space<hbm>>
      %dma_start3A_546 = tpu.memref_squeeze %dma_start3A_545 : memref<1x1x128xi32, #tpu.memory_space<hbm>> -> memref<128xi32, #tpu.memory_space<hbm>>
      %dma_start3A_547 = arith.constant 0 : i32
      %dma_start3A_548 = tpu.memref_slice %arg9[%dma_start3A_540, %dma_start3A_547] : memref<4x128xi32, #tpu.memory_space<vmem>> -> memref<1x128xi32, #tpu.memory_space<vmem>>
      %dma_start3A_549 = tpu.memref_squeeze %dma_start3A_548 : memref<1x128xi32, #tpu.memory_space<vmem>> -> memref<128xi32, #tpu.memory_space<vmem>>
      %dma_start3A_550 = arith.constant 0 : i32
      %dma_start3A_551 = tpu.memref_slice %arg3[%add3A, %rem3A_539, %dma_start3A_550] : memref<32x80x128xi32, #tpu.memory_space<hbm>> -> memref<1x1x128xi32, #tpu.memory_space<hbm>>
      %dma_start3A_552 = tpu.memref_squeeze %dma_start3A_551 : memref<1x1x128xi32, #tpu.memory_space<hbm>> -> memref<128xi32, #tpu.memory_space<hbm>>
      tpu.enqueue_dma source(%dma_start3A_552 : memref<128xi32, #tpu.memory_space<hbm>>) target(%dma_start3A_549 : memref<128xi32, #tpu.memory_space<vmem>>) target_semaphore(%arg18 : memref<!tpu.dma_semaphore, #tpu.memory_space<semaphore_mem>>)
      %add3A_553 = arith.constant 3 : i32
      %add3A_554 = arith.addi %mul3A_362, %add3A_553 : i32
      %dma_wait3A_555 = arith.constant 0 : i32
      %dma_wait3A_556 = arith.constant 0 : i32
      %dma_wait3A_557 = tpu.memref_slice %arg8[%dma_wait3A_555, %dma_wait3A_556] : memref<80x128xi32, #tpu.memory_space<vmem>> -> memref<1x128xi32, #tpu.memory_space<vmem>>
      %dma_wait3A_558 = tpu.memref_squeeze %dma_wait3A_557 : memref<1x128xi32, #tpu.memory_space<vmem>> -> memref<128xi32, #tpu.memory_space<vmem>>
      %dma_wait3A_559 = arith.constant 0 : i32
      %dma_wait3A_560 = arith.constant 0 : i32
      %dma_wait3A_561 = tpu.memref_slice %arg4[%dma_wait3A_559, %dma_wait3A_560] : memref<10112x128xf32, #tpu.memory_space<hbm>> -> memref<10112x128xf32, #tpu.memory_space<hbm>>
      tpu.wait_indirect_dma semaphore(%arg14 : memref<!tpu.dma_semaphore, #tpu.memory_space<semaphore_mem>>) src(%dma_wait3A_561 : memref<10112x128xf32, #tpu.memory_space<hbm>>) dst(%arg11 : memref<128x128xf32, #tpu.memory_space<vmem>>)
      %dma_wait3A_562 = arith.constant 0 : i32
      %dma_wait3A_563 = arith.constant 3 : i32
      %dma_wait3A_564 = arith.constant 0 : i32
      %dma_wait3A_565 = tpu.memref_slice %arg9[%dma_wait3A_563, %dma_wait3A_564] : memref<4x128xi32, #tpu.memory_space<vmem>> -> memref<1x128xi32, #tpu.memory_space<vmem>>
      %dma_wait3A_566 = tpu.memref_squeeze %dma_wait3A_565 : memref<1x128xi32, #tpu.memory_space<vmem>> -> memref<128xi32, #tpu.memory_space<vmem>>
      %dma_wait3A_567 = arith.constant 0 : i32
      %dma_wait3A_568 = tpu.memref_slice %arg3[%add3A, %dma_wait3A_562, %dma_wait3A_567] : memref<32x80x128xi32, #tpu.memory_space<hbm>> -> memref<1x1x128xi32, #tpu.memory_space<hbm>>
      %dma_wait3A_569 = tpu.memref_squeeze %dma_wait3A_568 : memref<1x1x128xi32, #tpu.memory_space<hbm>> -> memref<128xi32, #tpu.memory_space<hbm>>
      %dma_wait3A_570 = arith.constant 0 : i32
      %dma_wait3A_571 = tpu.memref_slice %arg9[%dma_wait3A_563, %dma_wait3A_570] : memref<4x128xi32, #tpu.memory_space<vmem>> -> memref<1x128xi32, #tpu.memory_space<vmem>>
      %dma_wait3A_572 = tpu.memref_squeeze %dma_wait3A_571 : memref<1x128xi32, #tpu.memory_space<vmem>> -> memref<128xi32, #tpu.memory_space<vmem>>
      %dma_wait3A_573 = arith.constant 0 : i32
      %dma_wait3A_574 = tpu.memref_slice %arg3[%add3A, %dma_wait3A_562, %dma_wait3A_573] : memref<32x80x128xi32, #tpu.memory_space<hbm>> -> memref<1x1x128xi32, #tpu.memory_space<hbm>>
      %dma_wait3A_575 = tpu.memref_squeeze %dma_wait3A_574 : memref<1x1x128xi32, #tpu.memory_space<hbm>> -> memref<128xi32, #tpu.memory_space<hbm>>
      tpu.wait_dma2 semaphore(%arg20 : memref<!tpu.dma_semaphore, #tpu.memory_space<semaphore_mem>>) src(%dma_wait3A_575 : memref<128xi32, #tpu.memory_space<hbm>>) dst(%dma_wait3A_572 : memref<128xi32, #tpu.memory_space<vmem>>)
      %dma_start3A_576 = arith.constant 3 : i32
      %dma_start3A_577 = arith.constant 0 : i32
      %dma_start3A_578 = tpu.memref_slice %arg9[%dma_start3A_576, %dma_start3A_577] : memref<4x128xi32, #tpu.memory_space<vmem>> -> memref<1x128xi32, #tpu.memory_space<vmem>>
      %dma_start3A_579 = tpu.memref_squeeze %dma_start3A_578 : memref<1x128xi32, #tpu.memory_space<vmem>> -> memref<128xi32, #tpu.memory_space<vmem>>
      %dma_start3A_580 = arith.constant 0 : i32
      %dma_start3A_581 = arith.constant 0 : i32
      %dma_start3A_582 = tpu.memref_slice %arg12[%dma_start3A_580, %dma_start3A_581] : memref<10112x128xf32, #tpu.memory_space<vmem_shared>> -> memref<10112x128xf32, #tpu.memory_space<vmem_shared>>
      tpu.enqueue_indirect_dma source(%arg11 : memref<128x128xf32, #tpu.memory_space<vmem>>) target(%dma_start3A_582 : memref<10112x128xf32, #tpu.memory_space<vmem_shared>>) offsets(%dma_start3A_579 : memref<128xi32, #tpu.memory_space<vmem>>) semaphore(%arg16 : memref<!tpu.dma_semaphore, #tpu.memory_space<semaphore_mem>>) {add = true}
      %dma_wait3A_583 = arith.constant 0 : i32
      %dma_wait3A_584 = arith.constant 0 : i32
      %dma_wait3A_585 = tpu.memref_slice %arg9[%dma_wait3A_583, %dma_wait3A_584] : memref<4x128xi32, #tpu.memory_space<vmem>> -> memref<1x128xi32, #tpu.memory_space<vmem>>
      %dma_wait3A_586 = tpu.memref_squeeze %dma_wait3A_585 : memref<1x128xi32, #tpu.memory_space<vmem>> -> memref<128xi32, #tpu.memory_space<vmem>>
      %dma_wait3A_587 = arith.constant 0 : i32
      %dma_wait3A_588 = arith.constant 0 : i32
      %dma_wait3A_589 = tpu.memref_slice %arg12[%dma_wait3A_587, %dma_wait3A_588] : memref<10112x128xf32, #tpu.memory_space<vmem_shared>> -> memref<10112x128xf32, #tpu.memory_space<vmem_shared>>
      tpu.wait_indirect_dma semaphore(%arg15 : memref<!tpu.dma_semaphore, #tpu.memory_space<semaphore_mem>>) src(%arg10 : memref<128x128xf32, #tpu.memory_space<vmem>>) dst(%dma_wait3A_589 : memref<10112x128xf32, #tpu.memory_space<vmem_shared>>)
      %add3A_590 = arith.constant 1 : i32
      %add3A_591 = arith.addi %add3A_554, %add3A_590 : i32
      %rem3A_592 = arith.constant 80 : i32
      %rem3A_593 = arith.remsi %add3A_591, %rem3A_592 : i32
      %dma_start3A_594 = arith.constant 0 : i32
      %dma_start3A_595 = tpu.memref_slice %arg8[%rem3A_593, %dma_start3A_594] : memref<80x128xi32, #tpu.memory_space<vmem>> -> memref<1x128xi32, #tpu.memory_space<vmem>>
      %dma_start3A_596 = tpu.memref_squeeze %dma_start3A_595 : memref<1x128xi32, #tpu.memory_space<vmem>> -> memref<128xi32, #tpu.memory_space<vmem>>
      %dma_start3A_597 = arith.constant 0 : i32
      %dma_start3A_598 = arith.constant 0 : i32
      %dma_start3A_599 = tpu.memref_slice %arg4[%dma_start3A_597, %dma_start3A_598] : memref<10112x128xf32, #tpu.memory_space<hbm>> -> memref<10112x128xf32, #tpu.memory_space<hbm>>
      tpu.enqueue_indirect_dma source(%dma_start3A_599 : memref<10112x128xf32, #tpu.memory_space<hbm>>) target(%arg10 : memref<128x128xf32, #tpu.memory_space<vmem>>) offsets(%dma_start3A_596 : memref<128xi32, #tpu.memory_space<vmem>>) semaphore(%arg13 : memref<!tpu.dma_semaphore, #tpu.memory_space<semaphore_mem>>)
      %add3A_600 = arith.constant 3 : i32
      %add3A_601 = arith.addi %add3A_554, %add3A_600 : i32
      %rem3A_602 = arith.constant 80 : i32
      %rem3A_603 = arith.remsi %add3A_601, %rem3A_602 : i32
      %dma_start3A_604 = arith.constant 2 : i32
      %dma_start3A_605 = arith.constant 0 : i32
      %dma_start3A_606 = tpu.memref_slice %arg9[%dma_start3A_604, %dma_start3A_605] : memref<4x128xi32, #tpu.memory_space<vmem>> -> memref<1x128xi32, #tpu.memory_space<vmem>>
      %dma_start3A_607 = tpu.memref_squeeze %dma_start3A_606 : memref<1x128xi32, #tpu.memory_space<vmem>> -> memref<128xi32, #tpu.memory_space<vmem>>
      %dma_start3A_608 = arith.constant 0 : i32
      %dma_start3A_609 = tpu.memref_slice %arg3[%add3A, %rem3A_603, %dma_start3A_608] : memref<32x80x128xi32, #tpu.memory_space<hbm>> -> memref<1x1x128xi32, #tpu.memory_space<hbm>>
      %dma_start3A_610 = tpu.memref_squeeze %dma_start3A_609 : memref<1x1x128xi32, #tpu.memory_space<hbm>> -> memref<128xi32, #tpu.memory_space<hbm>>
      %dma_start3A_611 = arith.constant 0 : i32
      %dma_start3A_612 = tpu.memref_slice %arg9[%dma_start3A_604, %dma_start3A_611] : memref<4x128xi32, #tpu.memory_space<vmem>> -> memref<1x128xi32, #tpu.memory_space<vmem>>
      %dma_start3A_613 = tpu.memref_squeeze %dma_start3A_612 : memref<1x128xi32, #tpu.memory_space<vmem>> -> memref<128xi32, #tpu.memory_space<vmem>>
      %dma_start3A_614 = arith.constant 0 : i32
      %dma_start3A_615 = tpu.memref_slice %arg3[%add3A, %rem3A_603, %dma_start3A_614] : memref<32x80x128xi32, #tpu.memory_space<hbm>> -> memref<1x1x128xi32, #tpu.memory_space<hbm>>
      %dma_start3A_616 = tpu.memref_squeeze %dma_start3A_615 : memref<1x1x128xi32, #tpu.memory_space<hbm>> -> memref<128xi32, #tpu.memory_space<hbm>>
      tpu.enqueue_dma source(%dma_start3A_616 : memref<128xi32, #tpu.memory_space<hbm>>) target(%dma_start3A_613 : memref<128xi32, #tpu.memory_space<vmem>>) target_semaphore(%arg19 : memref<!tpu.dma_semaphore, #tpu.memory_space<semaphore_mem>>)
    }
    %scan3A_292 = arith.constant 19 : i32
    %dma_wait3A_293 = arith.constant 0 : i32
    %dma_wait3A_294 = arith.constant 0 : i32
    %dma_wait3A_295 = tpu.memref_slice %arg9[%dma_wait3A_293, %dma_wait3A_294] : memref<4x128xi32, #tpu.memory_space<vmem>> -> memref<1x128xi32, #tpu.memory_space<vmem>>
    %dma_wait3A_296 = tpu.memref_squeeze %dma_wait3A_295 : memref<1x128xi32, #tpu.memory_space<vmem>> -> memref<128xi32, #tpu.memory_space<vmem>>
    %dma_wait3A_297 = arith.constant 0 : i32
    %dma_wait3A_298 = arith.constant 0 : i32
    %dma_wait3A_299 = tpu.memref_slice %arg12[%dma_wait3A_297, %dma_wait3A_298] : memref<10112x128xf32, #tpu.memory_space<vmem_shared>> -> memref<10112x128xf32, #tpu.memory_space<vmem_shared>>
    tpu.wait_indirect_dma semaphore(%arg16 : memref<!tpu.dma_semaphore, #tpu.memory_space<semaphore_mem>>) src(%arg11 : memref<128x128xf32, #tpu.memory_space<vmem>>) dst(%dma_wait3A_299 : memref<10112x128xf32, #tpu.memory_space<vmem_shared>>)
    %dma_wait3A_300 = arith.constant 0 : i32
    %dma_wait3A_301 = arith.constant 0 : i32
    %dma_wait3A_302 = tpu.memref_slice %arg8[%dma_wait3A_300, %dma_wait3A_301] : memref<80x128xi32, #tpu.memory_space<vmem>> -> memref<1x128xi32, #tpu.memory_space<vmem>>
    %dma_wait3A_303 = tpu.memref_squeeze %dma_wait3A_302 : memref<1x128xi32, #tpu.memory_space<vmem>> -> memref<128xi32, #tpu.memory_space<vmem>>
    %dma_wait3A_304 = arith.constant 0 : i32
    %dma_wait3A_305 = arith.constant 0 : i32
    %dma_wait3A_306 = tpu.memref_slice %arg4[%dma_wait3A_304, %dma_wait3A_305] : memref<10112x128xf32, #tpu.memory_space<hbm>> -> memref<10112x128xf32, #tpu.memory_space<hbm>>
    tpu.wait_indirect_dma semaphore(%arg13 : memref<!tpu.dma_semaphore, #tpu.memory_space<semaphore_mem>>) src(%dma_wait3A_306 : memref<10112x128xf32, #tpu.memory_space<hbm>>) dst(%arg10 : memref<128x128xf32, #tpu.memory_space<vmem>>)
    %dma_wait3A_307 = arith.constant 0 : i32
    %dma_wait3A_308 = arith.constant 0 : i32
    %dma_wait3A_309 = arith.constant 0 : i32
    %dma_wait3A_310 = tpu.memref_slice %arg9[%dma_wait3A_308, %dma_wait3A_309] : memref<4x128xi32, #tpu.memory_space<vmem>> -> memref<1x128xi32, #tpu.memory_space<vmem>>
    %dma_wait3A_311 = tpu.memref_squeeze %dma_wait3A_310 : memref<1x128xi32, #tpu.memory_space<vmem>> -> memref<128xi32, #tpu.memory_space<vmem>>
    %dma_wait3A_312 = arith.constant 0 : i32
    %dma_wait3A_313 = tpu.memref_slice %arg3[%add3A, %dma_wait3A_307, %dma_wait3A_312] : memref<32x80x128xi32, #tpu.memory_space<hbm>> -> memref<1x1x128xi32, #tpu.memory_space<hbm>>
    %dma_wait3A_314 = tpu.memref_squeeze %dma_wait3A_313 : memref<1x1x128xi32, #tpu.memory_space<hbm>> -> memref<128xi32, #tpu.memory_space<hbm>>
    %dma_wait3A_315 = arith.constant 0 : i32
    %dma_wait3A_316 = tpu.memref_slice %arg9[%dma_wait3A_308, %dma_wait3A_315] : memref<4x128xi32, #tpu.memory_space<vmem>> -> memref<1x128xi32, #tpu.memory_space<vmem>>
    %dma_wait3A_317 = tpu.memref_squeeze %dma_wait3A_316 : memref<1x128xi32, #tpu.memory_space<vmem>> -> memref<128xi32, #tpu.memory_space<vmem>>
    %dma_wait3A_318 = arith.constant 0 : i32
    %dma_wait3A_319 = tpu.memref_slice %arg3[%add3A, %dma_wait3A_307, %dma_wait3A_318] : memref<32x80x128xi32, #tpu.memory_space<hbm>> -> memref<1x1x128xi32, #tpu.memory_space<hbm>>
    %dma_wait3A_320 = tpu.memref_squeeze %dma_wait3A_319 : memref<1x1x128xi32, #tpu.memory_space<hbm>> -> memref<128xi32, #tpu.memory_space<hbm>>
    tpu.wait_dma2 semaphore(%arg17 : memref<!tpu.dma_semaphore, #tpu.memory_space<semaphore_mem>>) src(%dma_wait3A_320 : memref<128xi32, #tpu.memory_space<hbm>>) dst(%dma_wait3A_317 : memref<128xi32, #tpu.memory_space<vmem>>)
    %dma_wait3A_321 = arith.constant 0 : i32
    %dma_wait3A_322 = arith.constant 1 : i32
    %dma_wait3A_323 = arith.constant 0 : i32
    %dma_wait3A_324 = tpu.memref_slice %arg9[%dma_wait3A_322, %dma_wait3A_323] : memref<4x128xi32, #tpu.memory_space<vmem>> -> memref<1x128xi32, #tpu.memory_space<vmem>>
    %dma_wait3A_325 = tpu.memref_squeeze %dma_wait3A_324 : memref<1x128xi32, #tpu.memory_space<vmem>> -> memref<128xi32, #tpu.memory_space<vmem>>
    %dma_wait3A_326 = arith.constant 0 : i32
    %dma_wait3A_327 = tpu.memref_slice %arg3[%add3A, %dma_wait3A_321, %dma_wait3A_326] : memref<32x80x128xi32, #tpu.memory_space<hbm>> -> memref<1x1x128xi32, #tpu.memory_space<hbm>>
    %dma_wait3A_328 = tpu.memref_squeeze %dma_wait3A_327 : memref<1x1x128xi32, #tpu.memory_space<hbm>> -> memref<128xi32, #tpu.memory_space<hbm>>
    %dma_wait3A_329 = arith.constant 0 : i32
    %dma_wait3A_330 = tpu.memref_slice %arg9[%dma_wait3A_322, %dma_wait3A_329] : memref<4x128xi32, #tpu.memory_space<vmem>> -> memref<1x128xi32, #tpu.memory_space<vmem>>
    %dma_wait3A_331 = tpu.memref_squeeze %dma_wait3A_330 : memref<1x128xi32, #tpu.memory_space<vmem>> -> memref<128xi32, #tpu.memory_space<vmem>>
    %dma_wait3A_332 = arith.constant 0 : i32
    %dma_wait3A_333 = tpu.memref_slice %arg3[%add3A, %dma_wait3A_321, %dma_wait3A_332] : memref<32x80x128xi32, #tpu.memory_space<hbm>> -> memref<1x1x128xi32, #tpu.memory_space<hbm>>
    %dma_wait3A_334 = tpu.memref_squeeze %dma_wait3A_333 : memref<1x1x128xi32, #tpu.memory_space<hbm>> -> memref<128xi32, #tpu.memory_space<hbm>>
    tpu.wait_dma2 semaphore(%arg18 : memref<!tpu.dma_semaphore, #tpu.memory_space<semaphore_mem>>) src(%dma_wait3A_334 : memref<128xi32, #tpu.memory_space<hbm>>) dst(%dma_wait3A_331 : memref<128xi32, #tpu.memory_space<vmem>>)
    %dma_wait3A_335 = arith.constant 0 : i32
    %dma_wait3A_336 = arith.constant 2 : i32
    %dma_wait3A_337 = arith.constant 0 : i32
    %dma_wait3A_338 = tpu.memref_slice %arg9[%dma_wait3A_336, %dma_wait3A_337] : memref<4x128xi32, #tpu.memory_space<vmem>> -> memref<1x128xi32, #tpu.memory_space<vmem>>
    %dma_wait3A_339 = tpu.memref_squeeze %dma_wait3A_338 : memref<1x128xi32, #tpu.memory_space<vmem>> -> memref<128xi32, #tpu.memory_space<vmem>>
    %dma_wait3A_340 = arith.constant 0 : i32
    %dma_wait3A_341 = tpu.memref_slice %arg3[%add3A, %dma_wait3A_335, %dma_wait3A_340] : memref<32x80x128xi32, #tpu.memory_space<hbm>> -> memref<1x1x128xi32, #tpu.memory_space<hbm>>
    %dma_wait3A_342 = tpu.memref_squeeze %dma_wait3A_341 : memref<1x1x128xi32, #tpu.memory_space<hbm>> -> memref<128xi32, #tpu.memory_space<hbm>>
    %dma_wait3A_343 = arith.constant 0 : i32
    %dma_wait3A_344 = tpu.memref_slice %arg9[%dma_wait3A_336, %dma_wait3A_343] : memref<4x128xi32, #tpu.memory_space<vmem>> -> memref<1x128xi32, #tpu.memory_space<vmem>>
    %dma_wait3A_345 = tpu.memref_squeeze %dma_wait3A_344 : memref<1x128xi32, #tpu.memory_space<vmem>> -> memref<128xi32, #tpu.memory_space<vmem>>
    %dma_wait3A_346 = arith.constant 0 : i32
    %dma_wait3A_347 = tpu.memref_slice %arg3[%add3A, %dma_wait3A_335, %dma_wait3A_346] : memref<32x80x128xi32, #tpu.memory_space<hbm>> -> memref<1x1x128xi32, #tpu.memory_space<hbm>>
    %dma_wait3A_348 = tpu.memref_squeeze %dma_wait3A_347 : memref<1x1x128xi32, #tpu.memory_space<hbm>> -> memref<128xi32, #tpu.memory_space<hbm>>
    tpu.wait_dma2 semaphore(%arg19 : memref<!tpu.dma_semaphore, #tpu.memory_space<semaphore_mem>>) src(%dma_wait3A_348 : memref<128xi32, #tpu.memory_space<hbm>>) dst(%dma_wait3A_345 : memref<128xi32, #tpu.memory_space<vmem>>)
    %barrier3A_349 = arith.constant 0 : index
    tpu.barrier barrier_id(%barrier3A_349)
    %eq3A_350 = arith.constant 0 : i32
    %eq3A_351 = arith.cmpi eq, %arg0, %eq3A_350 : i32
    %convert_element_type3A_352 = arith.extui %eq3A_351 : i1 to i32
    %cond3A_353 = arith.constant 0 : i32
    %cond3A_354 = arith.cmpi ne, %convert_element_type3A_352, %cond3A_353 : i32
    scf.if %cond3A_354 {
      "tpu.region"() ({
        %run_scoped3A = tpu.sem_alloc : memref<!tpu.dma_semaphore, #tpu.memory_space<semaphore_mem>>
        %dma_start3A_360 = arith.constant 0 : i32
        %dma_start3A_361 = tpu.memref_slice %arg6[%mul3A_2, %dma_start3A_360] : memref<10112x128xf32, #tpu.memory_space<hbm>> -> memref<632x128xf32, #tpu.memory_space<hbm>>
        %dma_start3A_362 = arith.constant 0 : i32
        %dma_start3A_363 = tpu.memref_slice %arg12[%mul3A_2, %dma_start3A_362] : memref<10112x128xf32, #tpu.memory_space<vmem_shared>> -> memref<632x128xf32, #tpu.memory_space<vmem_shared>>
        tpu.enqueue_dma source(%dma_start3A_363 : memref<632x128xf32, #tpu.memory_space<vmem_shared>>) target(%dma_start3A_361 : memref<632x128xf32, #tpu.memory_space<hbm>>) target_semaphore(%run_scoped3A : memref<!tpu.dma_semaphore, #tpu.memory_space<semaphore_mem>>)
        %dma_wait3A_364 = arith.constant 0 : i32
        %dma_wait3A_365 = tpu.memref_slice %arg6[%mul3A_2, %dma_wait3A_364] : memref<10112x128xf32, #tpu.memory_space<hbm>> -> memref<632x128xf32, #tpu.memory_space<hbm>>
        %dma_wait3A_366 = arith.constant 0 : i32
        %dma_wait3A_367 = tpu.memref_slice %arg12[%mul3A_2, %dma_wait3A_366] : memref<10112x128xf32, #tpu.memory_space<vmem_shared>> -> memref<632x128xf32, #tpu.memory_space<vmem_shared>>
        tpu.wait_dma2 semaphore(%run_scoped3A : memref<!tpu.dma_semaphore, #tpu.memory_space<semaphore_mem>>) src(%dma_wait3A_367 : memref<632x128xf32, #tpu.memory_space<vmem_shared>>) dst(%dma_wait3A_365 : memref<632x128xf32, #tpu.memory_space<hbm>>)
        tpu.yield
      }) : () -> ()
    } else {
    }
    %ne3A_355 = arith.constant 0 : i32
    %ne3A_356 = arith.cmpi ne, %arg0, %ne3A_355 : i32
    %convert_element_type3A_357 = arith.extui %ne3A_356 : i1 to i32
    %cond3A_358 = arith.constant 0 : i32
    %cond3A_359 = arith.cmpi ne, %convert_element_type3A_357, %cond3A_358 : i32
    scf.if %cond3A_359 {
      "tpu.region"() ({
        %run_scoped3A = tpu.sem_alloc : memref<!tpu.dma_semaphore, #tpu.memory_space<semaphore_mem>>
        %dma_start3A_360 = arith.constant 0 : i32
        %dma_start3A_361 = tpu.memref_slice %arg7[%mul3A_2, %dma_start3A_360] : memref<10112x128xf32, #tpu.memory_space<hbm>> -> memref<632x128xf32, #tpu.memory_space<hbm>>
        %dma_start3A_362 = arith.constant 0 : i32
        %dma_start3A_363 = tpu.memref_slice %arg12[%mul3A_2, %dma_start3A_362] : memref<10112x128xf32, #tpu.memory_space<vmem_shared>> -> memref<632x128xf32, #tpu.memory_space<vmem_shared>>
        tpu.enqueue_dma source(%dma_start3A_363 : memref<632x128xf32, #tpu.memory_space<vmem_shared>>) target(%dma_start3A_361 : memref<632x128xf32, #tpu.memory_space<hbm>>) target_semaphore(%run_scoped3A : memref<!tpu.dma_semaphore, #tpu.memory_space<semaphore_mem>>)
        %dma_wait3A_364 = arith.constant 0 : i32
        %dma_wait3A_365 = tpu.memref_slice %arg7[%mul3A_2, %dma_wait3A_364] : memref<10112x128xf32, #tpu.memory_space<hbm>> -> memref<632x128xf32, #tpu.memory_space<hbm>>
        %dma_wait3A_366 = arith.constant 0 : i32
        %dma_wait3A_367 = tpu.memref_slice %arg12[%mul3A_2, %dma_wait3A_366] : memref<10112x128xf32, #tpu.memory_space<vmem_shared>> -> memref<632x128xf32, #tpu.memory_space<vmem_shared>>
        tpu.wait_dma2 semaphore(%run_scoped3A : memref<!tpu.dma_semaphore, #tpu.memory_space<semaphore_mem>>) src(%dma_wait3A_367 : memref<632x128xf32, #tpu.memory_space<vmem_shared>>) dst(%dma_wait3A_365 : memref<632x128xf32, #tpu.memory_space<hbm>>)
        tpu.yield
      }) : () -> ()
    } else {
    }
    return
  }
}

#map = affine_map<(d0, d1) -> (0, 0, 0)>
#map1 = affine_map<(d0, d1) -> (0, 0)>
module attributes {stable_mosaic.version = 14 : i64} {
  func.func @_deg(%arg0: i32, %arg1: i32, %arg2: memref<32x80x128xi32, #tpu.memory_space<hbm>>, %arg3: memref<10112x128xf32, #tpu.memory_space<hbm>>, %arg4: memref<10112x128xf32, #tpu.memory_space<hbm>>, %arg5: memref<10112x128xf32, #tpu.memory_space<hbm>>, %arg6: memref<10112x128xf32, #tpu.memory_space<hbm>>, %arg7: memref<80x128xi32, #tpu.memory_space<vmem>>, %arg8: memref<128x128xf32, #tpu.memory_space<vmem>>, %arg9: memref<10112x128xf32, #tpu.memory_space<vmem_shared>>, %arg10: memref<!tpu.dma_semaphore, #tpu.memory_space<semaphore_mem>>) attributes {dimension_semantics = [#tpu.dimension_semantics<core_parallel>, #tpu.dimension_semantics<subcore_parallel>], iteration_bounds = array<i64: 2, 16>, scalar_prefetch = 0 : i64, scratch_operands = 4 : i64, tpu.core_type = #tpu.core_type<sc_vector_subcore>, window_params = [{transform_indices = #map}, {transform_indices = #map1}, {transform_indices = #map1}, {transform_indices = #map1}, {transform_indices = #map1}]} {
    %mul3A = arith.constant 16 : i32
    %mul3A_0 = arith.muli %arg0, %mul3A : i32
    %add3A = arith.addi %mul3A_0, %arg1 : i32
    %mul3A_1 = arith.constant 632 : i32
    %mul3A_2 = arith.muli %arg1, %mul3A_1 : i32
    "tpu.region"() ({
      %run_scoped3A = tpu.sem_alloc : memref<!tpu.dma_semaphore, #tpu.memory_space<semaphore_mem>>
      %dma_start3A = arith.constant 0 : i32
      %dma_start3A_25 = arith.constant 0 : i32
      %dma_start3A_26 = tpu.memref_slice %arg2[%add3A, %dma_start3A, %dma_start3A_25] : memref<32x80x128xi32, #tpu.memory_space<hbm>> -> memref<1x80x128xi32, #tpu.memory_space<hbm>>
      %dma_start3A_27 = tpu.memref_squeeze %dma_start3A_26 : memref<1x80x128xi32, #tpu.memory_space<hbm>> -> memref<80x128xi32, #tpu.memory_space<hbm>>
      %dma_start3A_28 = arith.constant 0 : i32
      %dma_start3A_29 = arith.constant 0 : i32
      %dma_start3A_30 = tpu.memref_slice %arg2[%add3A, %dma_start3A_28, %dma_start3A_29] : memref<32x80x128xi32, #tpu.memory_space<hbm>> -> memref<1x80x128xi32, #tpu.memory_space<hbm>>
      %dma_start3A_31 = tpu.memref_squeeze %dma_start3A_30 : memref<1x80x128xi32, #tpu.memory_space<hbm>> -> memref<80x128xi32, #tpu.memory_space<hbm>>
      tpu.enqueue_dma source(%dma_start3A_31 : memref<80x128xi32, #tpu.memory_space<hbm>>) target(%arg7 : memref<80x128xi32, #tpu.memory_space<vmem>>) target_semaphore(%run_scoped3A : memref<!tpu.dma_semaphore, #tpu.memory_space<semaphore_mem>>)
      %dma_wait3A = arith.constant 0 : i32
      %dma_wait3A_32 = arith.constant 0 : i32
      %dma_wait3A_33 = tpu.memref_slice %arg2[%add3A, %dma_wait3A, %dma_wait3A_32] : memref<32x80x128xi32, #tpu.memory_space<hbm>> -> memref<1x80x128xi32, #tpu.memory_space<hbm>>
      %dma_wait3A_34 = tpu.memref_squeeze %dma_wait3A_33 : memref<1x80x128xi32, #tpu.memory_space<hbm>> -> memref<80x128xi32, #tpu.memory_space<hbm>>
      %dma_wait3A_35 = arith.constant 0 : i32
      %dma_wait3A_36 = arith.constant 0 : i32
      %dma_wait3A_37 = tpu.memref_slice %arg2[%add3A, %dma_wait3A_35, %dma_wait3A_36] : memref<32x80x128xi32, #tpu.memory_space<hbm>> -> memref<1x80x128xi32, #tpu.memory_space<hbm>>
      %dma_wait3A_38 = tpu.memref_squeeze %dma_wait3A_37 : memref<1x80x128xi32, #tpu.memory_space<hbm>> -> memref<80x128xi32, #tpu.memory_space<hbm>>
      tpu.wait_dma2 semaphore(%run_scoped3A : memref<!tpu.dma_semaphore, #tpu.memory_space<semaphore_mem>>) src(%dma_wait3A_38 : memref<80x128xi32, #tpu.memory_space<hbm>>) dst(%arg7 : memref<80x128xi32, #tpu.memory_space<vmem>>)
      tpu.yield
    }) : () -> ()
    "tpu.region"() ({
      %run_scoped3A = tpu.sem_alloc : memref<!tpu.dma_semaphore, #tpu.memory_space<semaphore_mem>>
      %dma_start3A = arith.constant 0 : i32
      %dma_start3A_25 = arith.constant 0 : i32
      %dma_start3A_26 = tpu.memref_slice %arg3[%dma_start3A, %dma_start3A_25] : memref<10112x128xf32, #tpu.memory_space<hbm>> -> memref<128x128xf32, #tpu.memory_space<hbm>>
      %dma_start3A_27 = arith.constant 0 : i32
      %dma_start3A_28 = arith.constant 0 : i32
      %dma_start3A_29 = tpu.memref_slice %arg3[%dma_start3A_27, %dma_start3A_28] : memref<10112x128xf32, #tpu.memory_space<hbm>> -> memref<128x128xf32, #tpu.memory_space<hbm>>
      tpu.enqueue_dma source(%dma_start3A_29 : memref<128x128xf32, #tpu.memory_space<hbm>>) target(%arg8 : memref<128x128xf32, #tpu.memory_space<vmem>>) target_semaphore(%run_scoped3A : memref<!tpu.dma_semaphore, #tpu.memory_space<semaphore_mem>>)
      %dma_wait3A = arith.constant 0 : i32
      %dma_wait3A_30 = arith.constant 0 : i32
      %dma_wait3A_31 = tpu.memref_slice %arg3[%dma_wait3A, %dma_wait3A_30] : memref<10112x128xf32, #tpu.memory_space<hbm>> -> memref<128x128xf32, #tpu.memory_space<hbm>>
      %dma_wait3A_32 = arith.constant 0 : i32
      %dma_wait3A_33 = arith.constant 0 : i32
      %dma_wait3A_34 = tpu.memref_slice %arg3[%dma_wait3A_32, %dma_wait3A_33] : memref<10112x128xf32, #tpu.memory_space<hbm>> -> memref<128x128xf32, #tpu.memory_space<hbm>>
      tpu.wait_dma2 semaphore(%run_scoped3A : memref<!tpu.dma_semaphore, #tpu.memory_space<semaphore_mem>>) src(%dma_wait3A_34 : memref<128x128xf32, #tpu.memory_space<hbm>>) dst(%arg8 : memref<128x128xf32, #tpu.memory_space<vmem>>)
      tpu.yield
    }) : () -> ()
    %eq3A = arith.constant 0 : i32
    %eq3A_3 = arith.cmpi eq, %arg0, %eq3A : i32
    %convert_element_type3A = arith.extui %eq3A_3 : i1 to i32
    %cond3A = arith.constant 0 : i32
    %cond3A_4 = arith.cmpi ne, %convert_element_type3A, %cond3A : i32
    scf.if %cond3A_4 {
      "tpu.region"() ({
        %run_scoped3A = tpu.sem_alloc : memref<!tpu.dma_semaphore, #tpu.memory_space<semaphore_mem>>
        %dma_start3A = arith.constant 0 : i32
        %dma_start3A_25 = tpu.memref_slice %arg9[%mul3A_2, %dma_start3A] : memref<10112x128xf32, #tpu.memory_space<vmem_shared>> -> memref<632x128xf32, #tpu.memory_space<vmem_shared>>
        %dma_start3A_26 = arith.constant 0 : i32
        %dma_start3A_27 = tpu.memref_slice %arg3[%mul3A_2, %dma_start3A_26] : memref<10112x128xf32, #tpu.memory_space<hbm>> -> memref<632x128xf32, #tpu.memory_space<hbm>>
        tpu.enqueue_dma source(%dma_start3A_27 : memref<632x128xf32, #tpu.memory_space<hbm>>) target(%dma_start3A_25 : memref<632x128xf32, #tpu.memory_space<vmem_shared>>) target_semaphore(%run_scoped3A : memref<!tpu.dma_semaphore, #tpu.memory_space<semaphore_mem>>)
        %dma_wait3A = arith.constant 0 : i32
        %dma_wait3A_28 = tpu.memref_slice %arg9[%mul3A_2, %dma_wait3A] : memref<10112x128xf32, #tpu.memory_space<vmem_shared>> -> memref<632x128xf32, #tpu.memory_space<vmem_shared>>
        %dma_wait3A_29 = arith.constant 0 : i32
        %dma_wait3A_30 = tpu.memref_slice %arg3[%mul3A_2, %dma_wait3A_29] : memref<10112x128xf32, #tpu.memory_space<hbm>> -> memref<632x128xf32, #tpu.memory_space<hbm>>
        tpu.wait_dma2 semaphore(%run_scoped3A : memref<!tpu.dma_semaphore, #tpu.memory_space<semaphore_mem>>) src(%dma_wait3A_30 : memref<632x128xf32, #tpu.memory_space<hbm>>) dst(%dma_wait3A_28 : memref<632x128xf32, #tpu.memory_space<vmem_shared>>)
        tpu.yield
      }) : () -> ()
    } else {
    }
    %ne3A = arith.constant 0 : i32
    %ne3A_5 = arith.cmpi ne, %arg0, %ne3A : i32
    %convert_element_type3A_6 = arith.extui %ne3A_5 : i1 to i32
    %cond3A_7 = arith.constant 0 : i32
    %cond3A_8 = arith.cmpi ne, %convert_element_type3A_6, %cond3A_7 : i32
    scf.if %cond3A_8 {
      "tpu.region"() ({
        %run_scoped3A = tpu.sem_alloc : memref<!tpu.dma_semaphore, #tpu.memory_space<semaphore_mem>>
        %dma_start3A = arith.constant 0 : i32
        %dma_start3A_25 = tpu.memref_slice %arg9[%mul3A_2, %dma_start3A] : memref<10112x128xf32, #tpu.memory_space<vmem_shared>> -> memref<632x128xf32, #tpu.memory_space<vmem_shared>>
        %dma_start3A_26 = arith.constant 0 : i32
        %dma_start3A_27 = tpu.memref_slice %arg4[%mul3A_2, %dma_start3A_26] : memref<10112x128xf32, #tpu.memory_space<hbm>> -> memref<632x128xf32, #tpu.memory_space<hbm>>
        tpu.enqueue_dma source(%dma_start3A_27 : memref<632x128xf32, #tpu.memory_space<hbm>>) target(%dma_start3A_25 : memref<632x128xf32, #tpu.memory_space<vmem_shared>>) target_semaphore(%run_scoped3A : memref<!tpu.dma_semaphore, #tpu.memory_space<semaphore_mem>>)
        %dma_wait3A = arith.constant 0 : i32
        %dma_wait3A_28 = tpu.memref_slice %arg9[%mul3A_2, %dma_wait3A] : memref<10112x128xf32, #tpu.memory_space<vmem_shared>> -> memref<632x128xf32, #tpu.memory_space<vmem_shared>>
        %dma_wait3A_29 = arith.constant 0 : i32
        %dma_wait3A_30 = tpu.memref_slice %arg4[%mul3A_2, %dma_wait3A_29] : memref<10112x128xf32, #tpu.memory_space<hbm>> -> memref<632x128xf32, #tpu.memory_space<hbm>>
        tpu.wait_dma2 semaphore(%run_scoped3A : memref<!tpu.dma_semaphore, #tpu.memory_space<semaphore_mem>>) src(%dma_wait3A_30 : memref<632x128xf32, #tpu.memory_space<hbm>>) dst(%dma_wait3A_28 : memref<632x128xf32, #tpu.memory_space<vmem_shared>>)
        tpu.yield
      }) : () -> ()
    } else {
    }
    %barrier3A = arith.constant 0 : index
    tpu.barrier barrier_id(%barrier3A)
    %scan3A = arith.constant 0 : i32
    %scan3A_9 = arith.constant 0 : i32
    %scan3A_10 = arith.constant 80 : i32
    %scan3A_11 = arith.addi %scan3A_9, %scan3A_10 : i32
    %scan3A_12 = arith.constant 1 : i32
    scf.for %scan3A_25 = %scan3A_9 to %scan3A_11 step %scan3A_12  : i32 {
      "tpu.region"() ({
        %run_scoped3A = tpu.sem_alloc : memref<!tpu.dma_semaphore, #tpu.memory_space<semaphore_mem>>
        %dma_start3A = arith.constant 0 : i32
        %dma_start3A_26 = tpu.memref_slice %arg7[%scan3A_25, %dma_start3A] : memref<80x128xi32, #tpu.memory_space<vmem>> -> memref<1x128xi32, #tpu.memory_space<vmem>>
        %dma_start3A_27 = tpu.memref_squeeze %dma_start3A_26 : memref<1x128xi32, #tpu.memory_space<vmem>> -> memref<128xi32, #tpu.memory_space<vmem>>
        %dma_start3A_28 = arith.constant 0 : i32
        %dma_start3A_29 = arith.constant 0 : i32
        %dma_start3A_30 = tpu.memref_slice %arg9[%dma_start3A_28, %dma_start3A_29] : memref<10112x128xf32, #tpu.memory_space<vmem_shared>> -> memref<10112x128xf32, #tpu.memory_space<vmem_shared>>
        tpu.enqueue_indirect_dma source(%arg8 : memref<128x128xf32, #tpu.memory_space<vmem>>) target(%dma_start3A_30 : memref<10112x128xf32, #tpu.memory_space<vmem_shared>>) offsets(%dma_start3A_27 : memref<128xi32, #tpu.memory_space<vmem>>) semaphore(%run_scoped3A : memref<!tpu.dma_semaphore, #tpu.memory_space<semaphore_mem>>) {add = true}
        %dma_wait3A = arith.constant 0 : i32
        %dma_wait3A_31 = tpu.memref_slice %arg7[%scan3A_25, %dma_wait3A] : memref<80x128xi32, #tpu.memory_space<vmem>> -> memref<1x128xi32, #tpu.memory_space<vmem>>
        %dma_wait3A_32 = tpu.memref_squeeze %dma_wait3A_31 : memref<1x128xi32, #tpu.memory_space<vmem>> -> memref<128xi32, #tpu.memory_space<vmem>>
        %dma_wait3A_33 = arith.constant 0 : i32
        %dma_wait3A_34 = arith.constant 0 : i32
        %dma_wait3A_35 = tpu.memref_slice %arg9[%dma_wait3A_33, %dma_wait3A_34] : memref<10112x128xf32, #tpu.memory_space<vmem_shared>> -> memref<10112x128xf32, #tpu.memory_space<vmem_shared>>
        tpu.wait_indirect_dma semaphore(%run_scoped3A : memref<!tpu.dma_semaphore, #tpu.memory_space<semaphore_mem>>) src(%arg8 : memref<128x128xf32, #tpu.memory_space<vmem>>) dst(%dma_wait3A_35 : memref<10112x128xf32, #tpu.memory_space<vmem_shared>>)
        tpu.yield
      }) : () -> ()
    }
    %scan3A_13 = arith.constant 80 : i32
    %barrier3A_14 = arith.constant 0 : index
    tpu.barrier barrier_id(%barrier3A_14)
    %eq3A_15 = arith.constant 0 : i32
    %eq3A_16 = arith.cmpi eq, %arg0, %eq3A_15 : i32
    %convert_element_type3A_17 = arith.extui %eq3A_16 : i1 to i32
    %cond3A_18 = arith.constant 0 : i32
    %cond3A_19 = arith.cmpi ne, %convert_element_type3A_17, %cond3A_18 : i32
    scf.if %cond3A_19 {
      "tpu.region"() ({
        %run_scoped3A = tpu.sem_alloc : memref<!tpu.dma_semaphore, #tpu.memory_space<semaphore_mem>>
        %dma_start3A = arith.constant 0 : i32
        %dma_start3A_25 = tpu.memref_slice %arg5[%mul3A_2, %dma_start3A] : memref<10112x128xf32, #tpu.memory_space<hbm>> -> memref<632x128xf32, #tpu.memory_space<hbm>>
        %dma_start3A_26 = arith.constant 0 : i32
        %dma_start3A_27 = tpu.memref_slice %arg9[%mul3A_2, %dma_start3A_26] : memref<10112x128xf32, #tpu.memory_space<vmem_shared>> -> memref<632x128xf32, #tpu.memory_space<vmem_shared>>
        tpu.enqueue_dma source(%dma_start3A_27 : memref<632x128xf32, #tpu.memory_space<vmem_shared>>) target(%dma_start3A_25 : memref<632x128xf32, #tpu.memory_space<hbm>>) target_semaphore(%run_scoped3A : memref<!tpu.dma_semaphore, #tpu.memory_space<semaphore_mem>>)
        %dma_wait3A = arith.constant 0 : i32
        %dma_wait3A_28 = tpu.memref_slice %arg5[%mul3A_2, %dma_wait3A] : memref<10112x128xf32, #tpu.memory_space<hbm>> -> memref<632x128xf32, #tpu.memory_space<hbm>>
        %dma_wait3A_29 = arith.constant 0 : i32
        %dma_wait3A_30 = tpu.memref_slice %arg9[%mul3A_2, %dma_wait3A_29] : memref<10112x128xf32, #tpu.memory_space<vmem_shared>> -> memref<632x128xf32, #tpu.memory_space<vmem_shared>>
        tpu.wait_dma2 semaphore(%run_scoped3A : memref<!tpu.dma_semaphore, #tpu.memory_space<semaphore_mem>>) src(%dma_wait3A_30 : memref<632x128xf32, #tpu.memory_space<vmem_shared>>) dst(%dma_wait3A_28 : memref<632x128xf32, #tpu.memory_space<hbm>>)
        tpu.yield
      }) : () -> ()
    } else {
    }
    %ne3A_20 = arith.constant 0 : i32
    %ne3A_21 = arith.cmpi ne, %arg0, %ne3A_20 : i32
    %convert_element_type3A_22 = arith.extui %ne3A_21 : i1 to i32
    %cond3A_23 = arith.constant 0 : i32
    %cond3A_24 = arith.cmpi ne, %convert_element_type3A_22, %cond3A_23 : i32
    scf.if %cond3A_24 {
      "tpu.region"() ({
        %run_scoped3A = tpu.sem_alloc : memref<!tpu.dma_semaphore, #tpu.memory_space<semaphore_mem>>
        %dma_start3A = arith.constant 0 : i32
        %dma_start3A_25 = tpu.memref_slice %arg6[%mul3A_2, %dma_start3A] : memref<10112x128xf32, #tpu.memory_space<hbm>> -> memref<632x128xf32, #tpu.memory_space<hbm>>
        %dma_start3A_26 = arith.constant 0 : i32
        %dma_start3A_27 = tpu.memref_slice %arg9[%mul3A_2, %dma_start3A_26] : memref<10112x128xf32, #tpu.memory_space<vmem_shared>> -> memref<632x128xf32, #tpu.memory_space<vmem_shared>>
        tpu.enqueue_dma source(%dma_start3A_27 : memref<632x128xf32, #tpu.memory_space<vmem_shared>>) target(%dma_start3A_25 : memref<632x128xf32, #tpu.memory_space<hbm>>) target_semaphore(%run_scoped3A : memref<!tpu.dma_semaphore, #tpu.memory_space<semaphore_mem>>)
        %dma_wait3A = arith.constant 0 : i32
        %dma_wait3A_28 = tpu.memref_slice %arg6[%mul3A_2, %dma_wait3A] : memref<10112x128xf32, #tpu.memory_space<hbm>> -> memref<632x128xf32, #tpu.memory_space<hbm>>
        %dma_wait3A_29 = arith.constant 0 : i32
        %dma_wait3A_30 = tpu.memref_slice %arg9[%mul3A_2, %dma_wait3A_29] : memref<10112x128xf32, #tpu.memory_space<vmem_shared>> -> memref<632x128xf32, #tpu.memory_space<vmem_shared>>
        tpu.wait_dma2 semaphore(%run_scoped3A : memref<!tpu.dma_semaphore, #tpu.memory_space<semaphore_mem>>) src(%dma_wait3A_30 : memref<632x128xf32, #tpu.memory_space<vmem_shared>>) dst(%dma_wait3A_28 : memref<632x128xf32, #tpu.memory_space<hbm>>)
        tpu.yield
      }) : () -> ()
    } else {
    }
    return
  }
}

#map = affine_map<(d0, d1) -> (0, 0, 0)>
#map1 = affine_map<(d0, d1) -> (0, 0)>
module attributes {stable_mosaic.version = 14 : i64} {
  func.func @agg(%arg0: i32, %arg1: i32, %arg2: memref<32x80x128xi32, #tpu.memory_space<hbm>>, %arg3: memref<32x80x128xi32, #tpu.memory_space<hbm>>, %arg4: memref<10112x128xf32, #tpu.memory_space<hbm>>, %arg5: memref<10112x128xf32, #tpu.memory_space<hbm>>, %arg6: memref<10112x128xf32, #tpu.memory_space<hbm>>, %arg7: memref<10112x128xf32, #tpu.memory_space<hbm>>, %arg8: memref<80x128xi32, #tpu.memory_space<vmem>>, %arg9: memref<4x128xi32, #tpu.memory_space<vmem>>, %arg10: memref<128x128xf32, #tpu.memory_space<vmem>>, %arg11: memref<128x128xf32, #tpu.memory_space<vmem>>, %arg12: memref<10112x128xf32, #tpu.memory_space<vmem_shared>>, %arg13: memref<!tpu.dma_semaphore, #tpu.memory_space<semaphore_mem>>, %arg14: memref<!tpu.dma_semaphore, #tpu.memory_space<semaphore_mem>>, %arg15: memref<!tpu.dma_semaphore, #tpu.memory_space<semaphore_mem>>, %arg16: memref<!tpu.dma_semaphore, #tpu.memory_space<semaphore_mem>>, %arg17: memref<!tpu.dma_semaphore, #tpu.memory_space<semaphore_mem>>, %arg18: memref<!tpu.dma_semaphore, #tpu.memory_space<semaphore_mem>>, %arg19: memref<!tpu.dma_semaphore, #tpu.memory_space<semaphore_mem>>, %arg20: memref<!tpu.dma_semaphore, #tpu.memory_space<semaphore_mem>>) attributes {dimension_semantics = [#tpu.dimension_semantics<core_parallel>, #tpu.dimension_semantics<subcore_parallel>], iteration_bounds = array<i64: 2, 16>, scalar_prefetch = 0 : i64, scratch_operands = 13 : i64, tpu.core_type = #tpu.core_type<sc_vector_subcore>, window_params = [{transform_indices = #map}, {transform_indices = #map}, {transform_indices = #map1}, {transform_indices = #map1}, {transform_indices = #map1}, {transform_indices = #map1}]} {
    %mul3A = arith.constant 16 : i32
    %mul3A_0 = arith.muli %arg0, %mul3A : i32
    %add3A = arith.addi %mul3A_0, %arg1 : i32
    %mul3A_1 = arith.constant 632 : i32
    %mul3A_2 = arith.muli %arg1, %mul3A_1 : i32
    "tpu.region"() ({
      %run_scoped3A = tpu.sem_alloc : memref<!tpu.dma_semaphore, #tpu.memory_space<semaphore_mem>>
      %dma_start3A_360 = arith.constant 0 : i32
      %dma_start3A_361 = arith.constant 0 : i32
      %dma_start3A_362 = tpu.memref_slice %arg2[%add3A, %dma_start3A_360, %dma_start3A_361] : memref<32x80x128xi32, #tpu.memory_space<hbm>> -> memref<1x80x128xi32, #tpu.memory_space<hbm>>
      %dma_start3A_363 = tpu.memref_squeeze %dma_start3A_362 : memref<1x80x128xi32, #tpu.memory_space<hbm>> -> memref<80x128xi32, #tpu.memory_space<hbm>>
      %dma_start3A_364 = arith.constant 0 : i32
      %dma_start3A_365 = arith.constant 0 : i32
      %dma_start3A_366 = tpu.memref_slice %arg2[%add3A, %dma_start3A_364, %dma_start3A_365] : memref<32x80x128xi32, #tpu.memory_space<hbm>> -> memref<1x80x128xi32, #tpu.memory_space<hbm>>
      %dma_start3A_367 = tpu.memref_squeeze %dma_start3A_366 : memref<1x80x128xi32, #tpu.memory_space<hbm>> -> memref<80x128xi32, #tpu.memory_space<hbm>>
      tpu.enqueue_dma source(%dma_start3A_367 : memref<80x128xi32, #tpu.memory_space<hbm>>) target(%arg8 : memref<80x128xi32, #tpu.memory_space<vmem>>) target_semaphore(%run_scoped3A : memref<!tpu.dma_semaphore, #tpu.memory_space<semaphore_mem>>)
      %dma_wait3A_368 = arith.constant 0 : i32
      %dma_wait3A_369 = arith.constant 0 : i32
      %dma_wait3A_370 = tpu.memref_slice %arg2[%add3A, %dma_wait3A_368, %dma_wait3A_369] : memref<32x80x128xi32, #tpu.memory_space<hbm>> -> memref<1x80x128xi32, #tpu.memory_space<hbm>>
      %dma_wait3A_371 = tpu.memref_squeeze %dma_wait3A_370 : memref<1x80x128xi32, #tpu.memory_space<hbm>> -> memref<80x128xi32, #tpu.memory_space<hbm>>
      %dma_wait3A_372 = arith.constant 0 : i32
      %dma_wait3A_373 = arith.constant 0 : i32
      %dma_wait3A_374 = tpu.memref_slice %arg2[%add3A, %dma_wait3A_372, %dma_wait3A_373] : memref<32x80x128xi32, #tpu.memory_space<hbm>> -> memref<1x80x128xi32, #tpu.memory_space<hbm>>
      %dma_wait3A_375 = tpu.memref_squeeze %dma_wait3A_374 : memref<1x80x128xi32, #tpu.memory_space<hbm>> -> memref<80x128xi32, #tpu.memory_space<hbm>>
      tpu.wait_dma2 semaphore(%run_scoped3A : memref<!tpu.dma_semaphore, #tpu.memory_space<semaphore_mem>>) src(%dma_wait3A_375 : memref<80x128xi32, #tpu.memory_space<hbm>>) dst(%arg8 : memref<80x128xi32, #tpu.memory_space<vmem>>)
      tpu.yield
    }) : () -> ()
    %eq3A = arith.constant 0 : i32
    %eq3A_3 = arith.cmpi eq, %arg0, %eq3A : i32
    %convert_element_type3A = arith.extui %eq3A_3 : i1 to i32
    %cond3A = arith.constant 0 : i32
    %cond3A_4 = arith.cmpi ne, %convert_element_type3A, %cond3A : i32
    scf.if %cond3A_4 {
      "tpu.region"() ({
        %run_scoped3A = tpu.sem_alloc : memref<!tpu.dma_semaphore, #tpu.memory_space<semaphore_mem>>
        %dma_start3A_360 = arith.constant 0 : i32
        %dma_start3A_361 = tpu.memref_slice %arg12[%mul3A_2, %dma_start3A_360] : memref<10112x128xf32, #tpu.memory_space<vmem_shared>> -> memref<632x128xf32, #tpu.memory_space<vmem_shared>>
        %dma_start3A_362 = arith.constant 0 : i32
        %dma_start3A_363 = tpu.memref_slice %arg4[%mul3A_2, %dma_start3A_362] : memref<10112x128xf32, #tpu.memory_space<hbm>> -> memref<632x128xf32, #tpu.memory_space<hbm>>
        tpu.enqueue_dma source(%dma_start3A_363 : memref<632x128xf32, #tpu.memory_space<hbm>>) target(%dma_start3A_361 : memref<632x128xf32, #tpu.memory_space<vmem_shared>>) target_semaphore(%run_scoped3A : memref<!tpu.dma_semaphore, #tpu.memory_space<semaphore_mem>>)
        %dma_wait3A_364 = arith.constant 0 : i32
        %dma_wait3A_365 = tpu.memref_slice %arg12[%mul3A_2, %dma_wait3A_364] : memref<10112x128xf32, #tpu.memory_space<vmem_shared>> -> memref<632x128xf32, #tpu.memory_space<vmem_shared>>
        %dma_wait3A_366 = arith.constant 0 : i32
        %dma_wait3A_367 = tpu.memref_slice %arg4[%mul3A_2, %dma_wait3A_366] : memref<10112x128xf32, #tpu.memory_space<hbm>> -> memref<632x128xf32, #tpu.memory_space<hbm>>
        tpu.wait_dma2 semaphore(%run_scoped3A : memref<!tpu.dma_semaphore, #tpu.memory_space<semaphore_mem>>) src(%dma_wait3A_367 : memref<632x128xf32, #tpu.memory_space<hbm>>) dst(%dma_wait3A_365 : memref<632x128xf32, #tpu.memory_space<vmem_shared>>)
        tpu.yield
      }) : () -> ()
    } else {
    }
    %ne3A = arith.constant 0 : i32
    %ne3A_5 = arith.cmpi ne, %arg0, %ne3A : i32
    %convert_element_type3A_6 = arith.extui %ne3A_5 : i1 to i32
    %cond3A_7 = arith.constant 0 : i32
    %cond3A_8 = arith.cmpi ne, %convert_element_type3A_6, %cond3A_7 : i32
    scf.if %cond3A_8 {
      "tpu.region"() ({
        %run_scoped3A = tpu.sem_alloc : memref<!tpu.dma_semaphore, #tpu.memory_space<semaphore_mem>>
        %dma_start3A_360 = arith.constant 0 : i32
        %dma_start3A_361 = tpu.memref_slice %arg12[%mul3A_2, %dma_start3A_360] : memref<10112x128xf32, #tpu.memory_space<vmem_shared>> -> memref<632x128xf32, #tpu.memory_space<vmem_shared>>
        %dma_start3A_362 = arith.constant 0 : i32
        %dma_start3A_363 = tpu.memref_slice %arg5[%mul3A_2, %dma_start3A_362] : memref<10112x128xf32, #tpu.memory_space<hbm>> -> memref<632x128xf32, #tpu.memory_space<hbm>>
        tpu.enqueue_dma source(%dma_start3A_363 : memref<632x128xf32, #tpu.memory_space<hbm>>) target(%dma_start3A_361 : memref<632x128xf32, #tpu.memory_space<vmem_shared>>) target_semaphore(%run_scoped3A : memref<!tpu.dma_semaphore, #tpu.memory_space<semaphore_mem>>)
        %dma_wait3A_364 = arith.constant 0 : i32
        %dma_wait3A_365 = tpu.memref_slice %arg12[%mul3A_2, %dma_wait3A_364] : memref<10112x128xf32, #tpu.memory_space<vmem_shared>> -> memref<632x128xf32, #tpu.memory_space<vmem_shared>>
        %dma_wait3A_366 = arith.constant 0 : i32
        %dma_wait3A_367 = tpu.memref_slice %arg5[%mul3A_2, %dma_wait3A_366] : memref<10112x128xf32, #tpu.memory_space<hbm>> -> memref<632x128xf32, #tpu.memory_space<hbm>>
        tpu.wait_dma2 semaphore(%run_scoped3A : memref<!tpu.dma_semaphore, #tpu.memory_space<semaphore_mem>>) src(%dma_wait3A_367 : memref<632x128xf32, #tpu.memory_space<hbm>>) dst(%dma_wait3A_365 : memref<632x128xf32, #tpu.memory_space<vmem_shared>>)
        tpu.yield
      }) : () -> ()
    } else {
    }
    %barrier3A = arith.constant 0 : index
    tpu.barrier barrier_id(%barrier3A)
    %dma_start3A = arith.constant 0 : i32
    %dma_start3A_9 = arith.constant 0 : i32
    %dma_start3A_10 = arith.constant 0 : i32
    %dma_start3A_11 = tpu.memref_slice %arg9[%dma_start3A_9, %dma_start3A_10] : memref<4x128xi32, #tpu.memory_space<vmem>> -> memref<1x128xi32, #tpu.memory_space<vmem>>
    %dma_start3A_12 = tpu.memref_squeeze %dma_start3A_11 : memref<1x128xi32, #tpu.memory_space<vmem>> -> memref<128xi32, #tpu.memory_space<vmem>>
    %dma_start3A_13 = arith.constant 0 : i32
    %dma_start3A_14 = tpu.memref_slice %arg3[%add3A, %dma_start3A, %dma_start3A_13] : memref<32x80x128xi32, #tpu.memory_space<hbm>> -> memref<1x1x128xi32, #tpu.memory_space<hbm>>
    %dma_start3A_15 = tpu.memref_squeeze %dma_start3A_14 : memref<1x1x128xi32, #tpu.memory_space<hbm>> -> memref<128xi32, #tpu.memory_space<hbm>>
    %dma_start3A_16 = arith.constant 0 : i32
    %dma_start3A_17 = tpu.memref_slice %arg9[%dma_start3A_9, %dma_start3A_16] : memref<4x128xi32, #tpu.memory_space<vmem>> -> memref<1x128xi32, #tpu.memory_space<vmem>>
    %dma_start3A_18 = tpu.memref_squeeze %dma_start3A_17 : memref<1x128xi32, #tpu.memory_space<vmem>> -> memref<128xi32, #tpu.memory_space<vmem>>
    %dma_start3A_19 = arith.constant 0 : i32
    %dma_start3A_20 = tpu.memref_slice %arg3[%add3A, %dma_start3A, %dma_start3A_19] : memref<32x80x128xi32, #tpu.memory_space<hbm>> -> memref<1x1x128xi32, #tpu.memory_space<hbm>>
    %dma_start3A_21 = tpu.memref_squeeze %dma_start3A_20 : memref<1x1x128xi32, #tpu.memory_space<hbm>> -> memref<128xi32, #tpu.memory_space<hbm>>
    tpu.enqueue_dma source(%dma_start3A_21 : memref<128xi32, #tpu.memory_space<hbm>>) target(%dma_start3A_18 : memref<128xi32, #tpu.memory_space<vmem>>) target_semaphore(%arg17 : memref<!tpu.dma_semaphore, #tpu.memory_space<semaphore_mem>>)
    %dma_start3A_22 = arith.constant 1 : i32
    %dma_start3A_23 = arith.constant 1 : i32
    %dma_start3A_24 = arith.constant 0 : i32
    %dma_start3A_25 = tpu.memref_slice %arg9[%dma_start3A_23, %dma_start3A_24] : memref<4x128xi32, #tpu.memory_space<vmem>> -> memref<1x128xi32, #tpu.memory_space<vmem>>
    %dma_start3A_26 = tpu.memref_squeeze %dma_start3A_25 : memref<1x128xi32, #tpu.memory_space<vmem>> -> memref<128xi32, #tpu.memory_space<vmem>>
    %dma_start3A_27 = arith.constant 0 : i32
    %dma_start3A_28 = tpu.memref_slice %arg3[%add3A, %dma_start3A_22, %dma_start3A_27] : memref<32x80x128xi32, #tpu.memory_space<hbm>> -> memref<1x1x128xi32, #tpu.memory_space<hbm>>
    %dma_start3A_29 = tpu.memref_squeeze %dma_start3A_28 : memref<1x1x128xi32, #tpu.memory_space<hbm>> -> memref<128xi32, #tpu.memory_space<hbm>>
    %dma_start3A_30 = arith.constant 0 : i32
    %dma_start3A_31 = tpu.memref_slice %arg9[%dma_start3A_23, %dma_start3A_30] : memref<4x128xi32, #tpu.memory_space<vmem>> -> memref<1x128xi32, #tpu.memory_space<vmem>>
    %dma_start3A_32 = tpu.memref_squeeze %dma_start3A_31 : memref<1x128xi32, #tpu.memory_space<vmem>> -> memref<128xi32, #tpu.memory_space<vmem>>
    %dma_start3A_33 = arith.constant 0 : i32
    %dma_start3A_34 = tpu.memref_slice %arg3[%add3A, %dma_start3A_22, %dma_start3A_33] : memref<32x80x128xi32, #tpu.memory_space<hbm>> -> memref<1x1x128xi32, #tpu.memory_space<hbm>>
    %dma_start3A_35 = tpu.memref_squeeze %dma_start3A_34 : memref<1x1x128xi32, #tpu.memory_space<hbm>> -> memref<128xi32, #tpu.memory_space<hbm>>
    tpu.enqueue_dma source(%dma_start3A_35 : memref<128xi32, #tpu.memory_space<hbm>>) target(%dma_start3A_32 : memref<128xi32, #tpu.memory_space<vmem>>) target_semaphore(%arg18 : memref<!tpu.dma_semaphore, #tpu.memory_space<semaphore_mem>>)
    %dma_start3A_36 = arith.constant 2 : i32
    %dma_start3A_37 = arith.constant 2 : i32
    %dma_start3A_38 = arith.constant 0 : i32
    %dma_start3A_39 = tpu.memref_slice %arg9[%dma_start3A_37, %dma_start3A_38] : memref<4x128xi32, #tpu.memory_space<vmem>> -> memref<1x128xi32, #tpu.memory_space<vmem>>
    %dma_start3A_40 = tpu.memref_squeeze %dma_start3A_39 : memref<1x128xi32, #tpu.memory_space<vmem>> -> memref<128xi32, #tpu.memory_space<vmem>>
    %dma_start3A_41 = arith.constant 0 : i32
    %dma_start3A_42 = tpu.memref_slice %arg3[%add3A, %dma_start3A_36, %dma_start3A_41] : memref<32x80x128xi32, #tpu.memory_space<hbm>> -> memref<1x1x128xi32, #tpu.memory_space<hbm>>
    %dma_start3A_43 = tpu.memref_squeeze %dma_start3A_42 : memref<1x1x128xi32, #tpu.memory_space<hbm>> -> memref<128xi32, #tpu.memory_space<hbm>>
    %dma_start3A_44 = arith.constant 0 : i32
    %dma_start3A_45 = tpu.memref_slice %arg9[%dma_start3A_37, %dma_start3A_44] : memref<4x128xi32, #tpu.memory_space<vmem>> -> memref<1x128xi32, #tpu.memory_space<vmem>>
    %dma_start3A_46 = tpu.memref_squeeze %dma_start3A_45 : memref<1x128xi32, #tpu.memory_space<vmem>> -> memref<128xi32, #tpu.memory_space<vmem>>
    %dma_start3A_47 = arith.constant 0 : i32
    %dma_start3A_48 = tpu.memref_slice %arg3[%add3A, %dma_start3A_36, %dma_start3A_47] : memref<32x80x128xi32, #tpu.memory_space<hbm>> -> memref<1x1x128xi32, #tpu.memory_space<hbm>>
    %dma_start3A_49 = tpu.memref_squeeze %dma_start3A_48 : memref<1x1x128xi32, #tpu.memory_space<hbm>> -> memref<128xi32, #tpu.memory_space<hbm>>
    tpu.enqueue_dma source(%dma_start3A_49 : memref<128xi32, #tpu.memory_space<hbm>>) target(%dma_start3A_46 : memref<128xi32, #tpu.memory_space<vmem>>) target_semaphore(%arg19 : memref<!tpu.dma_semaphore, #tpu.memory_space<semaphore_mem>>)
    %dma_start3A_50 = arith.constant 0 : i32
    %dma_start3A_51 = arith.constant 0 : i32
    %dma_start3A_52 = tpu.memref_slice %arg8[%dma_start3A_50, %dma_start3A_51] : memref<80x128xi32, #tpu.memory_space<vmem>> -> memref<1x128xi32, #tpu.memory_space<vmem>>
    %dma_start3A_53 = tpu.memref_squeeze %dma_start3A_52 : memref<1x128xi32, #tpu.memory_space<vmem>> -> memref<128xi32, #tpu.memory_space<vmem>>
    %dma_start3A_54 = arith.constant 0 : i32
    %dma_start3A_55 = arith.constant 0 : i32
    %dma_start3A_56 = tpu.memref_slice %arg4[%dma_start3A_54, %dma_start3A_55] : memref<10112x128xf32, #tpu.memory_space<hbm>> -> memref<10112x128xf32, #tpu.memory_space<hbm>>
    tpu.enqueue_indirect_dma source(%dma_start3A_56 : memref<10112x128xf32, #tpu.memory_space<hbm>>) target(%arg10 : memref<128x128xf32, #tpu.memory_space<vmem>>) offsets(%dma_start3A_53 : memref<128xi32, #tpu.memory_space<vmem>>) semaphore(%arg13 : memref<!tpu.dma_semaphore, #tpu.memory_space<semaphore_mem>>)
    %dma_wait3A = arith.constant 0 : i32
    %dma_wait3A_57 = arith.constant 0 : i32
    %dma_wait3A_58 = tpu.memref_slice %arg8[%dma_wait3A, %dma_wait3A_57] : memref<80x128xi32, #tpu.memory_space<vmem>> -> memref<1x128xi32, #tpu.memory_space<vmem>>
    %dma_wait3A_59 = tpu.memref_squeeze %dma_wait3A_58 : memref<1x128xi32, #tpu.memory_space<vmem>> -> memref<128xi32, #tpu.memory_space<vmem>>
    %dma_wait3A_60 = arith.constant 0 : i32
    %dma_wait3A_61 = arith.constant 0 : i32
    %dma_wait3A_62 = tpu.memref_slice %arg4[%dma_wait3A_60, %dma_wait3A_61] : memref<10112x128xf32, #tpu.memory_space<hbm>> -> memref<10112x128xf32, #tpu.memory_space<hbm>>
    tpu.wait_indirect_dma semaphore(%arg13 : memref<!tpu.dma_semaphore, #tpu.memory_space<semaphore_mem>>) src(%dma_wait3A_62 : memref<10112x128xf32, #tpu.memory_space<hbm>>) dst(%arg10 : memref<128x128xf32, #tpu.memory_space<vmem>>)
    %dma_wait3A_63 = arith.constant 0 : i32
    %dma_wait3A_64 = arith.constant 0 : i32
    %dma_wait3A_65 = arith.constant 0 : i32
    %dma_wait3A_66 = tpu.memref_slice %arg9[%dma_wait3A_64, %dma_wait3A_65] : memref<4x128xi32, #tpu.memory_space<vmem>> -> memref<1x128xi32, #tpu.memory_space<vmem>>
    %dma_wait3A_67 = tpu.memref_squeeze %dma_wait3A_66 : memref<1x128xi32, #tpu.memory_space<vmem>> -> memref<128xi32, #tpu.memory_space<vmem>>
    %dma_wait3A_68 = arith.constant 0 : i32
    %dma_wait3A_69 = tpu.memref_slice %arg3[%add3A, %dma_wait3A_63, %dma_wait3A_68] : memref<32x80x128xi32, #tpu.memory_space<hbm>> -> memref<1x1x128xi32, #tpu.memory_space<hbm>>
    %dma_wait3A_70 = tpu.memref_squeeze %dma_wait3A_69 : memref<1x1x128xi32, #tpu.memory_space<hbm>> -> memref<128xi32, #tpu.memory_space<hbm>>
    %dma_wait3A_71 = arith.constant 0 : i32
    %dma_wait3A_72 = tpu.memref_slice %arg9[%dma_wait3A_64, %dma_wait3A_71] : memref<4x128xi32, #tpu.memory_space<vmem>> -> memref<1x128xi32, #tpu.memory_space<vmem>>
    %dma_wait3A_73 = tpu.memref_squeeze %dma_wait3A_72 : memref<1x128xi32, #tpu.memory_space<vmem>> -> memref<128xi32, #tpu.memory_space<vmem>>
    %dma_wait3A_74 = arith.constant 0 : i32
    %dma_wait3A_75 = tpu.memref_slice %arg3[%add3A, %dma_wait3A_63, %dma_wait3A_74] : memref<32x80x128xi32, #tpu.memory_space<hbm>> -> memref<1x1x128xi32, #tpu.memory_space<hbm>>
    %dma_wait3A_76 = tpu.memref_squeeze %dma_wait3A_75 : memref<1x1x128xi32, #tpu.memory_space<hbm>> -> memref<128xi32, #tpu.memory_space<hbm>>
    tpu.wait_dma2 semaphore(%arg17 : memref<!tpu.dma_semaphore, #tpu.memory_space<semaphore_mem>>) src(%dma_wait3A_76 : memref<128xi32, #tpu.memory_space<hbm>>) dst(%dma_wait3A_73 : memref<128xi32, #tpu.memory_space<vmem>>)
    %dma_start3A_77 = arith.constant 0 : i32
    %dma_start3A_78 = arith.constant 0 : i32
    %dma_start3A_79 = tpu.memref_slice %arg9[%dma_start3A_77, %dma_start3A_78] : memref<4x128xi32, #tpu.memory_space<vmem>> -> memref<1x128xi32, #tpu.memory_space<vmem>>
    %dma_start3A_80 = tpu.memref_squeeze %dma_start3A_79 : memref<1x128xi32, #tpu.memory_space<vmem>> -> memref<128xi32, #tpu.memory_space<vmem>>
    %dma_start3A_81 = arith.constant 0 : i32
    %dma_start3A_82 = arith.constant 0 : i32
    %dma_start3A_83 = tpu.memref_slice %arg12[%dma_start3A_81, %dma_start3A_82] : memref<10112x128xf32, #tpu.memory_space<vmem_shared>> -> memref<10112x128xf32, #tpu.memory_space<vmem_shared>>
    tpu.enqueue_indirect_dma source(%arg10 : memref<128x128xf32, #tpu.memory_space<vmem>>) target(%dma_start3A_83 : memref<10112x128xf32, #tpu.memory_space<vmem_shared>>) offsets(%dma_start3A_80 : memref<128xi32, #tpu.memory_space<vmem>>) semaphore(%arg15 : memref<!tpu.dma_semaphore, #tpu.memory_space<semaphore_mem>>) {add = true}
    %rem3A = arith.constant 1 : i32
    %rem3A_84 = arith.constant 80 : i32
    %rem3A_85 = arith.remsi %rem3A, %rem3A_84 : i32
    %dma_start3A_86 = arith.constant 0 : i32
    %dma_start3A_87 = tpu.memref_slice %arg8[%rem3A_85, %dma_start3A_86] : memref<80x128xi32, #tpu.memory_space<vmem>> -> memref<1x128xi32, #tpu.memory_space<vmem>>
    %dma_start3A_88 = tpu.memref_squeeze %dma_start3A_87 : memref<1x128xi32, #tpu.memory_space<vmem>> -> memref<128xi32, #tpu.memory_space<vmem>>
    %dma_start3A_89 = arith.constant 0 : i32
    %dma_start3A_90 = arith.constant 0 : i32
    %dma_start3A_91 = tpu.memref_slice %arg4[%dma_start3A_89, %dma_start3A_90] : memref<10112x128xf32, #tpu.memory_space<hbm>> -> memref<10112x128xf32, #tpu.memory_space<hbm>>
    tpu.enqueue_indirect_dma source(%dma_start3A_91 : memref<10112x128xf32, #tpu.memory_space<hbm>>) target(%arg11 : memref<128x128xf32, #tpu.memory_space<vmem>>) offsets(%dma_start3A_88 : memref<128xi32, #tpu.memory_space<vmem>>) semaphore(%arg14 : memref<!tpu.dma_semaphore, #tpu.memory_space<semaphore_mem>>)
    %rem3A_92 = arith.constant 3 : i32
    %rem3A_93 = arith.constant 80 : i32
    %rem3A_94 = arith.remsi %rem3A_92, %rem3A_93 : i32
    %dma_start3A_95 = arith.constant 3 : i32
    %dma_start3A_96 = arith.constant 0 : i32
    %dma_start3A_97 = tpu.memref_slice %arg9[%dma_start3A_95, %dma_start3A_96] : memref<4x128xi32, #tpu.memory_space<vmem>> -> memref<1x128xi32, #tpu.memory_space<vmem>>
    %dma_start3A_98 = tpu.memref_squeeze %dma_start3A_97 : memref<1x128xi32, #tpu.memory_space<vmem>> -> memref<128xi32, #tpu.memory_space<vmem>>
    %dma_start3A_99 = arith.constant 0 : i32
    %dma_start3A_100 = tpu.memref_slice %arg3[%add3A, %rem3A_94, %dma_start3A_99] : memref<32x80x128xi32, #tpu.memory_space<hbm>> -> memref<1x1x128xi32, #tpu.memory_space<hbm>>
    %dma_start3A_101 = tpu.memref_squeeze %dma_start3A_100 : memref<1x1x128xi32, #tpu.memory_space<hbm>> -> memref<128xi32, #tpu.memory_space<hbm>>
    %dma_start3A_102 = arith.constant 0 : i32
    %dma_start3A_103 = tpu.memref_slice %arg9[%dma_start3A_95, %dma_start3A_102] : memref<4x128xi32, #tpu.memory_space<vmem>> -> memref<1x128xi32, #tpu.memory_space<vmem>>
    %dma_start3A_104 = tpu.memref_squeeze %dma_start3A_103 : memref<1x128xi32, #tpu.memory_space<vmem>> -> memref<128xi32, #tpu.memory_space<vmem>>
    %dma_start3A_105 = arith.constant 0 : i32
    %dma_start3A_106 = tpu.memref_slice %arg3[%add3A, %rem3A_94, %dma_start3A_105] : memref<32x80x128xi32, #tpu.memory_space<hbm>> -> memref<1x1x128xi32, #tpu.memory_space<hbm>>
    %dma_start3A_107 = tpu.memref_squeeze %dma_start3A_106 : memref<1x1x128xi32, #tpu.memory_space<hbm>> -> memref<128xi32, #tpu.memory_space<hbm>>
    tpu.enqueue_dma source(%dma_start3A_107 : memref<128xi32, #tpu.memory_space<hbm>>) target(%dma_start3A_104 : memref<128xi32, #tpu.memory_space<vmem>>) target_semaphore(%arg20 : memref<!tpu.dma_semaphore, #tpu.memory_space<semaphore_mem>>)
    %dma_wait3A_108 = arith.constant 0 : i32
    %dma_wait3A_109 = arith.constant 0 : i32
    %dma_wait3A_110 = tpu.memref_slice %arg8[%dma_wait3A_108, %dma_wait3A_109] : memref<80x128xi32, #tpu.memory_space<vmem>> -> memref<1x128xi32, #tpu.memory_space<vmem>>
    %dma_wait3A_111 = tpu.memref_squeeze %dma_wait3A_110 : memref<1x128xi32, #tpu.memory_space<vmem>> -> memref<128xi32, #tpu.memory_space<vmem>>
    %dma_wait3A_112 = arith.constant 0 : i32
    %dma_wait3A_113 = arith.constant 0 : i32
    %dma_wait3A_114 = tpu.memref_slice %arg4[%dma_wait3A_112, %dma_wait3A_113] : memref<10112x128xf32, #tpu.memory_space<hbm>> -> memref<10112x128xf32, #tpu.memory_space<hbm>>
    tpu.wait_indirect_dma semaphore(%arg14 : memref<!tpu.dma_semaphore, #tpu.memory_space<semaphore_mem>>) src(%dma_wait3A_114 : memref<10112x128xf32, #tpu.memory_space<hbm>>) dst(%arg11 : memref<128x128xf32, #tpu.memory_space<vmem>>)
    %dma_wait3A_115 = arith.constant 0 : i32
    %dma_wait3A_116 = arith.constant 1 : i32
    %dma_wait3A_117 = arith.constant 0 : i32
    %dma_wait3A_118 = tpu.memref_slice %arg9[%dma_wait3A_116, %dma_wait3A_117] : memref<4x128xi32, #tpu.memory_space<vmem>> -> memref<1x128xi32, #tpu.memory_space<vmem>>
    %dma_wait3A_119 = tpu.memref_squeeze %dma_wait3A_118 : memref<1x128xi32, #tpu.memory_space<vmem>> -> memref<128xi32, #tpu.memory_space<vmem>>
    %dma_wait3A_120 = arith.constant 0 : i32
    %dma_wait3A_121 = tpu.memref_slice %arg3[%add3A, %dma_wait3A_115, %dma_wait3A_120] : memref<32x80x128xi32, #tpu.memory_space<hbm>> -> memref<1x1x128xi32, #tpu.memory_space<hbm>>
    %dma_wait3A_122 = tpu.memref_squeeze %dma_wait3A_121 : memref<1x1x128xi32, #tpu.memory_space<hbm>> -> memref<128xi32, #tpu.memory_space<hbm>>
    %dma_wait3A_123 = arith.constant 0 : i32
    %dma_wait3A_124 = tpu.memref_slice %arg9[%dma_wait3A_116, %dma_wait3A_123] : memref<4x128xi32, #tpu.memory_space<vmem>> -> memref<1x128xi32, #tpu.memory_space<vmem>>
    %dma_wait3A_125 = tpu.memref_squeeze %dma_wait3A_124 : memref<1x128xi32, #tpu.memory_space<vmem>> -> memref<128xi32, #tpu.memory_space<vmem>>
    %dma_wait3A_126 = arith.constant 0 : i32
    %dma_wait3A_127 = tpu.memref_slice %arg3[%add3A, %dma_wait3A_115, %dma_wait3A_126] : memref<32x80x128xi32, #tpu.memory_space<hbm>> -> memref<1x1x128xi32, #tpu.memory_space<hbm>>
    %dma_wait3A_128 = tpu.memref_squeeze %dma_wait3A_127 : memref<1x1x128xi32, #tpu.memory_space<hbm>> -> memref<128xi32, #tpu.memory_space<hbm>>
    tpu.wait_dma2 semaphore(%arg18 : memref<!tpu.dma_semaphore, #tpu.memory_space<semaphore_mem>>) src(%dma_wait3A_128 : memref<128xi32, #tpu.memory_space<hbm>>) dst(%dma_wait3A_125 : memref<128xi32, #tpu.memory_space<vmem>>)
    %dma_start3A_129 = arith.constant 1 : i32
    %dma_start3A_130 = arith.constant 0 : i32
    %dma_start3A_131 = tpu.memref_slice %arg9[%dma_start3A_129, %dma_start3A_130] : memref<4x128xi32, #tpu.memory_space<vmem>> -> memref<1x128xi32, #tpu.memory_space<vmem>>
    %dma_start3A_132 = tpu.memref_squeeze %dma_start3A_131 : memref<1x128xi32, #tpu.memory_space<vmem>> -> memref<128xi32, #tpu.memory_space<vmem>>
    %dma_start3A_133 = arith.constant 0 : i32
    %dma_start3A_134 = arith.constant 0 : i32
    %dma_start3A_135 = tpu.memref_slice %arg12[%dma_start3A_133, %dma_start3A_134] : memref<10112x128xf32, #tpu.memory_space<vmem_shared>> -> memref<10112x128xf32, #tpu.memory_space<vmem_shared>>
    tpu.enqueue_indirect_dma source(%arg11 : memref<128x128xf32, #tpu.memory_space<vmem>>) target(%dma_start3A_135 : memref<10112x128xf32, #tpu.memory_space<vmem_shared>>) offsets(%dma_start3A_132 : memref<128xi32, #tpu.memory_space<vmem>>) semaphore(%arg16 : memref<!tpu.dma_semaphore, #tpu.memory_space<semaphore_mem>>) {add = true}
    %dma_wait3A_136 = arith.constant 0 : i32
    %dma_wait3A_137 = arith.constant 0 : i32
    %dma_wait3A_138 = tpu.memref_slice %arg9[%dma_wait3A_136, %dma_wait3A_137] : memref<4x128xi32, #tpu.memory_space<vmem>> -> memref<1x128xi32, #tpu.memory_space<vmem>>
    %dma_wait3A_139 = tpu.memref_squeeze %dma_wait3A_138 : memref<1x128xi32, #tpu.memory_space<vmem>> -> memref<128xi32, #tpu.memory_space<vmem>>
    %dma_wait3A_140 = arith.constant 0 : i32
    %dma_wait3A_141 = arith.constant 0 : i32
    %dma_wait3A_142 = tpu.memref_slice %arg12[%dma_wait3A_140, %dma_wait3A_141] : memref<10112x128xf32, #tpu.memory_space<vmem_shared>> -> memref<10112x128xf32, #tpu.memory_space<vmem_shared>>
    tpu.wait_indirect_dma semaphore(%arg15 : memref<!tpu.dma_semaphore, #tpu.memory_space<semaphore_mem>>) src(%arg10 : memref<128x128xf32, #tpu.memory_space<vmem>>) dst(%dma_wait3A_142 : memref<10112x128xf32, #tpu.memory_space<vmem_shared>>)
    %rem3A_143 = arith.constant 2 : i32
    %rem3A_144 = arith.constant 80 : i32
    %rem3A_145 = arith.remsi %rem3A_143, %rem3A_144 : i32
    %dma_start3A_146 = arith.constant 0 : i32
    %dma_start3A_147 = tpu.memref_slice %arg8[%rem3A_145, %dma_start3A_146] : memref<80x128xi32, #tpu.memory_space<vmem>> -> memref<1x128xi32, #tpu.memory_space<vmem>>
    %dma_start3A_148 = tpu.memref_squeeze %dma_start3A_147 : memref<1x128xi32, #tpu.memory_space<vmem>> -> memref<128xi32, #tpu.memory_space<vmem>>
    %dma_start3A_149 = arith.constant 0 : i32
    %dma_start3A_150 = arith.constant 0 : i32
    %dma_start3A_151 = tpu.memref_slice %arg4[%dma_start3A_149, %dma_start3A_150] : memref<10112x128xf32, #tpu.memory_space<hbm>> -> memref<10112x128xf32, #tpu.memory_space<hbm>>
    tpu.enqueue_indirect_dma source(%dma_start3A_151 : memref<10112x128xf32, #tpu.memory_space<hbm>>) target(%arg10 : memref<128x128xf32, #tpu.memory_space<vmem>>) offsets(%dma_start3A_148 : memref<128xi32, #tpu.memory_space<vmem>>) semaphore(%arg13 : memref<!tpu.dma_semaphore, #tpu.memory_space<semaphore_mem>>)
    %rem3A_152 = arith.constant 4 : i32
    %rem3A_153 = arith.constant 80 : i32
    %rem3A_154 = arith.remsi %rem3A_152, %rem3A_153 : i32
    %dma_start3A_155 = arith.constant 0 : i32
    %dma_start3A_156 = arith.constant 0 : i32
    %dma_start3A_157 = tpu.memref_slice %arg9[%dma_start3A_155, %dma_start3A_156] : memref<4x128xi32, #tpu.memory_space<vmem>> -> memref<1x128xi32, #tpu.memory_space<vmem>>
    %dma_start3A_158 = tpu.memref_squeeze %dma_start3A_157 : memref<1x128xi32, #tpu.memory_space<vmem>> -> memref<128xi32, #tpu.memory_space<vmem>>
    %dma_start3A_159 = arith.constant 0 : i32
    %dma_start3A_160 = tpu.memref_slice %arg3[%add3A, %rem3A_154, %dma_start3A_159] : memref<32x80x128xi32, #tpu.memory_space<hbm>> -> memref<1x1x128xi32, #tpu.memory_space<hbm>>
    %dma_start3A_161 = tpu.memref_squeeze %dma_start3A_160 : memref<1x1x128xi32, #tpu.memory_space<hbm>> -> memref<128xi32, #tpu.memory_space<hbm>>
    %dma_start3A_162 = arith.constant 0 : i32
    %dma_start3A_163 = tpu.memref_slice %arg9[%dma_start3A_155, %dma_start3A_162] : memref<4x128xi32, #tpu.memory_space<vmem>> -> memref<1x128xi32, #tpu.memory_space<vmem>>
    %dma_start3A_164 = tpu.memref_squeeze %dma_start3A_163 : memref<1x128xi32, #tpu.memory_space<vmem>> -> memref<128xi32, #tpu.memory_space<vmem>>
    %dma_start3A_165 = arith.constant 0 : i32
    %dma_start3A_166 = tpu.memref_slice %arg3[%add3A, %rem3A_154, %dma_start3A_165] : memref<32x80x128xi32, #tpu.memory_space<hbm>> -> memref<1x1x128xi32, #tpu.memory_space<hbm>>
    %dma_start3A_167 = tpu.memref_squeeze %dma_start3A_166 : memref<1x1x128xi32, #tpu.memory_space<hbm>> -> memref<128xi32, #tpu.memory_space<hbm>>
    tpu.enqueue_dma source(%dma_start3A_167 : memref<128xi32, #tpu.memory_space<hbm>>) target(%dma_start3A_164 : memref<128xi32, #tpu.memory_space<vmem>>) target_semaphore(%arg17 : memref<!tpu.dma_semaphore, #tpu.memory_space<semaphore_mem>>)
    %dma_wait3A_168 = arith.constant 0 : i32
    %dma_wait3A_169 = arith.constant 0 : i32
    %dma_wait3A_170 = tpu.memref_slice %arg8[%dma_wait3A_168, %dma_wait3A_169] : memref<80x128xi32, #tpu.memory_space<vmem>> -> memref<1x128xi32, #tpu.memory_space<vmem>>
    %dma_wait3A_171 = tpu.memref_squeeze %dma_wait3A_170 : memref<1x128xi32, #tpu.memory_space<vmem>> -> memref<128xi32, #tpu.memory_space<vmem>>
    %dma_wait3A_172 = arith.constant 0 : i32
    %dma_wait3A_173 = arith.constant 0 : i32
    %dma_wait3A_174 = tpu.memref_slice %arg4[%dma_wait3A_172, %dma_wait3A_173] : memref<10112x128xf32, #tpu.memory_space<hbm>> -> memref<10112x128xf32, #tpu.memory_space<hbm>>
    tpu.wait_indirect_dma semaphore(%arg13 : memref<!tpu.dma_semaphore, #tpu.memory_space<semaphore_mem>>) src(%dma_wait3A_174 : memref<10112x128xf32, #tpu.memory_space<hbm>>) dst(%arg10 : memref<128x128xf32, #tpu.memory_space<vmem>>)
    %dma_wait3A_175 = arith.constant 0 : i32
    %dma_wait3A_176 = arith.constant 2 : i32
    %dma_wait3A_177 = arith.constant 0 : i32
    %dma_wait3A_178 = tpu.memref_slice %arg9[%dma_wait3A_176, %dma_wait3A_177] : memref<4x128xi32, #tpu.memory_space<vmem>> -> memref<1x128xi32, #tpu.memory_space<vmem>>
    %dma_wait3A_179 = tpu.memref_squeeze %dma_wait3A_178 : memref<1x128xi32, #tpu.memory_space<vmem>> -> memref<128xi32, #tpu.memory_space<vmem>>
    %dma_wait3A_180 = arith.constant 0 : i32
    %dma_wait3A_181 = tpu.memref_slice %arg3[%add3A, %dma_wait3A_175, %dma_wait3A_180] : memref<32x80x128xi32, #tpu.memory_space<hbm>> -> memref<1x1x128xi32, #tpu.memory_space<hbm>>
    %dma_wait3A_182 = tpu.memref_squeeze %dma_wait3A_181 : memref<1x1x128xi32, #tpu.memory_space<hbm>> -> memref<128xi32, #tpu.memory_space<hbm>>
    %dma_wait3A_183 = arith.constant 0 : i32
    %dma_wait3A_184 = tpu.memref_slice %arg9[%dma_wait3A_176, %dma_wait3A_183] : memref<4x128xi32, #tpu.memory_space<vmem>> -> memref<1x128xi32, #tpu.memory_space<vmem>>
    %dma_wait3A_185 = tpu.memref_squeeze %dma_wait3A_184 : memref<1x128xi32, #tpu.memory_space<vmem>> -> memref<128xi32, #tpu.memory_space<vmem>>
    %dma_wait3A_186 = arith.constant 0 : i32
    %dma_wait3A_187 = tpu.memref_slice %arg3[%add3A, %dma_wait3A_175, %dma_wait3A_186] : memref<32x80x128xi32, #tpu.memory_space<hbm>> -> memref<1x1x128xi32, #tpu.memory_space<hbm>>
    %dma_wait3A_188 = tpu.memref_squeeze %dma_wait3A_187 : memref<1x1x128xi32, #tpu.memory_space<hbm>> -> memref<128xi32, #tpu.memory_space<hbm>>
    tpu.wait_dma2 semaphore(%arg19 : memref<!tpu.dma_semaphore, #tpu.memory_space<semaphore_mem>>) src(%dma_wait3A_188 : memref<128xi32, #tpu.memory_space<hbm>>) dst(%dma_wait3A_185 : memref<128xi32, #tpu.memory_space<vmem>>)
    %dma_start3A_189 = arith.constant 2 : i32
    %dma_start3A_190 = arith.constant 0 : i32
    %dma_start3A_191 = tpu.memref_slice %arg9[%dma_start3A_189, %dma_start3A_190] : memref<4x128xi32, #tpu.memory_space<vmem>> -> memref<1x128xi32, #tpu.memory_space<vmem>>
    %dma_start3A_192 = tpu.memref_squeeze %dma_start3A_191 : memref<1x128xi32, #tpu.memory_space<vmem>> -> memref<128xi32, #tpu.memory_space<vmem>>
    %dma_start3A_193 = arith.constant 0 : i32
    %dma_start3A_194 = arith.constant 0 : i32
    %dma_start3A_195 = tpu.memref_slice %arg12[%dma_start3A_193, %dma_start3A_194] : memref<10112x128xf32, #tpu.memory_space<vmem_shared>> -> memref<10112x128xf32, #tpu.memory_space<vmem_shared>>
    tpu.enqueue_indirect_dma source(%arg10 : memref<128x128xf32, #tpu.memory_space<vmem>>) target(%dma_start3A_195 : memref<10112x128xf32, #tpu.memory_space<vmem_shared>>) offsets(%dma_start3A_192 : memref<128xi32, #tpu.memory_space<vmem>>) semaphore(%arg15 : memref<!tpu.dma_semaphore, #tpu.memory_space<semaphore_mem>>) {add = true}
    %dma_wait3A_196 = arith.constant 0 : i32
    %dma_wait3A_197 = arith.constant 0 : i32
    %dma_wait3A_198 = tpu.memref_slice %arg9[%dma_wait3A_196, %dma_wait3A_197] : memref<4x128xi32, #tpu.memory_space<vmem>> -> memref<1x128xi32, #tpu.memory_space<vmem>>
    %dma_wait3A_199 = tpu.memref_squeeze %dma_wait3A_198 : memref<1x128xi32, #tpu.memory_space<vmem>> -> memref<128xi32, #tpu.memory_space<vmem>>
    %dma_wait3A_200 = arith.constant 0 : i32
    %dma_wait3A_201 = arith.constant 0 : i32
    %dma_wait3A_202 = tpu.memref_slice %arg12[%dma_wait3A_200, %dma_wait3A_201] : memref<10112x128xf32, #tpu.memory_space<vmem_shared>> -> memref<10112x128xf32, #tpu.memory_space<vmem_shared>>
    tpu.wait_indirect_dma semaphore(%arg16 : memref<!tpu.dma_semaphore, #tpu.memory_space<semaphore_mem>>) src(%arg11 : memref<128x128xf32, #tpu.memory_space<vmem>>) dst(%dma_wait3A_202 : memref<10112x128xf32, #tpu.memory_space<vmem_shared>>)
    %rem3A_203 = arith.constant 3 : i32
    %rem3A_204 = arith.constant 80 : i32
    %rem3A_205 = arith.remsi %rem3A_203, %rem3A_204 : i32
    %dma_start3A_206 = arith.constant 0 : i32
    %dma_start3A_207 = tpu.memref_slice %arg8[%rem3A_205, %dma_start3A_206] : memref<80x128xi32, #tpu.memory_space<vmem>> -> memref<1x128xi32, #tpu.memory_space<vmem>>
    %dma_start3A_208 = tpu.memref_squeeze %dma_start3A_207 : memref<1x128xi32, #tpu.memory_space<vmem>> -> memref<128xi32, #tpu.memory_space<vmem>>
    %dma_start3A_209 = arith.constant 0 : i32
    %dma_start3A_210 = arith.constant 0 : i32
    %dma_start3A_211 = tpu.memref_slice %arg4[%dma_start3A_209, %dma_start3A_210] : memref<10112x128xf32, #tpu.memory_space<hbm>> -> memref<10112x128xf32, #tpu.memory_space<hbm>>
    tpu.enqueue_indirect_dma source(%dma_start3A_211 : memref<10112x128xf32, #tpu.memory_space<hbm>>) target(%arg11 : memref<128x128xf32, #tpu.memory_space<vmem>>) offsets(%dma_start3A_208 : memref<128xi32, #tpu.memory_space<vmem>>) semaphore(%arg14 : memref<!tpu.dma_semaphore, #tpu.memory_space<semaphore_mem>>)
    %rem3A_212 = arith.constant 5 : i32
    %rem3A_213 = arith.constant 80 : i32
    %rem3A_214 = arith.remsi %rem3A_212, %rem3A_213 : i32
    %dma_start3A_215 = arith.constant 1 : i32
    %dma_start3A_216 = arith.constant 0 : i32
    %dma_start3A_217 = tpu.memref_slice %arg9[%dma_start3A_215, %dma_start3A_216] : memref<4x128xi32, #tpu.memory_space<vmem>> -> memref<1x128xi32, #tpu.memory_space<vmem>>
    %dma_start3A_218 = tpu.memref_squeeze %dma_start3A_217 : memref<1x128xi32, #tpu.memory_space<vmem>> -> memref<128xi32, #tpu.memory_space<vmem>>
    %dma_start3A_219 = arith.constant 0 : i32
    %dma_start3A_220 = tpu.memref_slice %arg3[%add3A, %rem3A_214, %dma_start3A_219] : memref<32x80x128xi32, #tpu.memory_space<hbm>> -> memref<1x1x128xi32, #tpu.memory_space<hbm>>
    %dma_start3A_221 = tpu.memref_squeeze %dma_start3A_220 : memref<1x1x128xi32, #tpu.memory_space<hbm>> -> memref<128xi32, #tpu.memory_space<hbm>>
    %dma_start3A_222 = arith.constant 0 : i32
    %dma_start3A_223 = tpu.memref_slice %arg9[%dma_start3A_215, %dma_start3A_222] : memref<4x128xi32, #tpu.memory_space<vmem>> -> memref<1x128xi32, #tpu.memory_space<vmem>>
    %dma_start3A_224 = tpu.memref_squeeze %dma_start3A_223 : memref<1x128xi32, #tpu.memory_space<vmem>> -> memref<128xi32, #tpu.memory_space<vmem>>
    %dma_start3A_225 = arith.constant 0 : i32
    %dma_start3A_226 = tpu.memref_slice %arg3[%add3A, %rem3A_214, %dma_start3A_225] : memref<32x80x128xi32, #tpu.memory_space<hbm>> -> memref<1x1x128xi32, #tpu.memory_space<hbm>>
    %dma_start3A_227 = tpu.memref_squeeze %dma_start3A_226 : memref<1x1x128xi32, #tpu.memory_space<hbm>> -> memref<128xi32, #tpu.memory_space<hbm>>
    tpu.enqueue_dma source(%dma_start3A_227 : memref<128xi32, #tpu.memory_space<hbm>>) target(%dma_start3A_224 : memref<128xi32, #tpu.memory_space<vmem>>) target_semaphore(%arg18 : memref<!tpu.dma_semaphore, #tpu.memory_space<semaphore_mem>>)
    %dma_wait3A_228 = arith.constant 0 : i32
    %dma_wait3A_229 = arith.constant 0 : i32
    %dma_wait3A_230 = tpu.memref_slice %arg8[%dma_wait3A_228, %dma_wait3A_229] : memref<80x128xi32, #tpu.memory_space<vmem>> -> memref<1x128xi32, #tpu.memory_space<vmem>>
    %dma_wait3A_231 = tpu.memref_squeeze %dma_wait3A_230 : memref<1x128xi32, #tpu.memory_space<vmem>> -> memref<128xi32, #tpu.memory_space<vmem>>
    %dma_wait3A_232 = arith.constant 0 : i32
    %dma_wait3A_233 = arith.constant 0 : i32
    %dma_wait3A_234 = tpu.memref_slice %arg4[%dma_wait3A_232, %dma_wait3A_233] : memref<10112x128xf32, #tpu.memory_space<hbm>> -> memref<10112x128xf32, #tpu.memory_space<hbm>>
    tpu.wait_indirect_dma semaphore(%arg14 : memref<!tpu.dma_semaphore, #tpu.memory_space<semaphore_mem>>) src(%dma_wait3A_234 : memref<10112x128xf32, #tpu.memory_space<hbm>>) dst(%arg11 : memref<128x128xf32, #tpu.memory_space<vmem>>)
    %dma_wait3A_235 = arith.constant 0 : i32
    %dma_wait3A_236 = arith.constant 3 : i32
    %dma_wait3A_237 = arith.constant 0 : i32
    %dma_wait3A_238 = tpu.memref_slice %arg9[%dma_wait3A_236, %dma_wait3A_237] : memref<4x128xi32, #tpu.memory_space<vmem>> -> memref<1x128xi32, #tpu.memory_space<vmem>>
    %dma_wait3A_239 = tpu.memref_squeeze %dma_wait3A_238 : memref<1x128xi32, #tpu.memory_space<vmem>> -> memref<128xi32, #tpu.memory_space<vmem>>
    %dma_wait3A_240 = arith.constant 0 : i32
    %dma_wait3A_241 = tpu.memref_slice %arg3[%add3A, %dma_wait3A_235, %dma_wait3A_240] : memref<32x80x128xi32, #tpu.memory_space<hbm>> -> memref<1x1x128xi32, #tpu.memory_space<hbm>>
    %dma_wait3A_242 = tpu.memref_squeeze %dma_wait3A_241 : memref<1x1x128xi32, #tpu.memory_space<hbm>> -> memref<128xi32, #tpu.memory_space<hbm>>
    %dma_wait3A_243 = arith.constant 0 : i32
    %dma_wait3A_244 = tpu.memref_slice %arg9[%dma_wait3A_236, %dma_wait3A_243] : memref<4x128xi32, #tpu.memory_space<vmem>> -> memref<1x128xi32, #tpu.memory_space<vmem>>
    %dma_wait3A_245 = tpu.memref_squeeze %dma_wait3A_244 : memref<1x128xi32, #tpu.memory_space<vmem>> -> memref<128xi32, #tpu.memory_space<vmem>>
    %dma_wait3A_246 = arith.constant 0 : i32
    %dma_wait3A_247 = tpu.memref_slice %arg3[%add3A, %dma_wait3A_235, %dma_wait3A_246] : memref<32x80x128xi32, #tpu.memory_space<hbm>> -> memref<1x1x128xi32, #tpu.memory_space<hbm>>
    %dma_wait3A_248 = tpu.memref_squeeze %dma_wait3A_247 : memref<1x1x128xi32, #tpu.memory_space<hbm>> -> memref<128xi32, #tpu.memory_space<hbm>>
    tpu.wait_dma2 semaphore(%arg20 : memref<!tpu.dma_semaphore, #tpu.memory_space<semaphore_mem>>) src(%dma_wait3A_248 : memref<128xi32, #tpu.memory_space<hbm>>) dst(%dma_wait3A_245 : memref<128xi32, #tpu.memory_space<vmem>>)
    %dma_start3A_249 = arith.constant 3 : i32
    %dma_start3A_250 = arith.constant 0 : i32
    %dma_start3A_251 = tpu.memref_slice %arg9[%dma_start3A_249, %dma_start3A_250] : memref<4x128xi32, #tpu.memory_space<vmem>> -> memref<1x128xi32, #tpu.memory_space<vmem>>
    %dma_start3A_252 = tpu.memref_squeeze %dma_start3A_251 : memref<1x128xi32, #tpu.memory_space<vmem>> -> memref<128xi32, #tpu.memory_space<vmem>>
    %dma_start3A_253 = arith.constant 0 : i32
    %dma_start3A_254 = arith.constant 0 : i32
    %dma_start3A_255 = tpu.memref_slice %arg12[%dma_start3A_253, %dma_start3A_254] : memref<10112x128xf32, #tpu.memory_space<vmem_shared>> -> memref<10112x128xf32, #tpu.memory_space<vmem_shared>>
    tpu.enqueue_indirect_dma source(%arg11 : memref<128x128xf32, #tpu.memory_space<vmem>>) target(%dma_start3A_255 : memref<10112x128xf32, #tpu.memory_space<vmem_shared>>) offsets(%dma_start3A_252 : memref<128xi32, #tpu.memory_space<vmem>>) semaphore(%arg16 : memref<!tpu.dma_semaphore, #tpu.memory_space<semaphore_mem>>) {add = true}
    %dma_wait3A_256 = arith.constant 0 : i32
    %dma_wait3A_257 = arith.constant 0 : i32
    %dma_wait3A_258 = tpu.memref_slice %arg9[%dma_wait3A_256, %dma_wait3A_257] : memref<4x128xi32, #tpu.memory_space<vmem>> -> memref<1x128xi32, #tpu.memory_space<vmem>>
    %dma_wait3A_259 = tpu.memref_squeeze %dma_wait3A_258 : memref<1x128xi32, #tpu.memory_space<vmem>> -> memref<128xi32, #tpu.memory_space<vmem>>
    %dma_wait3A_260 = arith.constant 0 : i32
    %dma_wait3A_261 = arith.constant 0 : i32
    %dma_wait3A_262 = tpu.memref_slice %arg12[%dma_wait3A_260, %dma_wait3A_261] : memref<10112x128xf32, #tpu.memory_space<vmem_shared>> -> memref<10112x128xf32, #tpu.memory_space<vmem_shared>>
    tpu.wait_indirect_dma semaphore(%arg15 : memref<!tpu.dma_semaphore, #tpu.memory_space<semaphore_mem>>) src(%arg10 : memref<128x128xf32, #tpu.memory_space<vmem>>) dst(%dma_wait3A_262 : memref<10112x128xf32, #tpu.memory_space<vmem_shared>>)
    %rem3A_263 = arith.constant 4 : i32
    %rem3A_264 = arith.constant 80 : i32
    %rem3A_265 = arith.remsi %rem3A_263, %rem3A_264 : i32
    %dma_start3A_266 = arith.constant 0 : i32
    %dma_start3A_267 = tpu.memref_slice %arg8[%rem3A_265, %dma_start3A_266] : memref<80x128xi32, #tpu.memory_space<vmem>> -> memref<1x128xi32, #tpu.memory_space<vmem>>
    %dma_start3A_268 = tpu.memref_squeeze %dma_start3A_267 : memref<1x128xi32, #tpu.memory_space<vmem>> -> memref<128xi32, #tpu.memory_space<vmem>>
    %dma_start3A_269 = arith.constant 0 : i32
    %dma_start3A_270 = arith.constant 0 : i32
    %dma_start3A_271 = tpu.memref_slice %arg4[%dma_start3A_269, %dma_start3A_270] : memref<10112x128xf32, #tpu.memory_space<hbm>> -> memref<10112x128xf32, #tpu.memory_space<hbm>>
    tpu.enqueue_indirect_dma source(%dma_start3A_271 : memref<10112x128xf32, #tpu.memory_space<hbm>>) target(%arg10 : memref<128x128xf32, #tpu.memory_space<vmem>>) offsets(%dma_start3A_268 : memref<128xi32, #tpu.memory_space<vmem>>) semaphore(%arg13 : memref<!tpu.dma_semaphore, #tpu.memory_space<semaphore_mem>>)
    %rem3A_272 = arith.constant 6 : i32
    %rem3A_273 = arith.constant 80 : i32
    %rem3A_274 = arith.remsi %rem3A_272, %rem3A_273 : i32
    %dma_start3A_275 = arith.constant 2 : i32
    %dma_start3A_276 = arith.constant 0 : i32
    %dma_start3A_277 = tpu.memref_slice %arg9[%dma_start3A_275, %dma_start3A_276] : memref<4x128xi32, #tpu.memory_space<vmem>> -> memref<1x128xi32, #tpu.memory_space<vmem>>
    %dma_start3A_278 = tpu.memref_squeeze %dma_start3A_277 : memref<1x128xi32, #tpu.memory_space<vmem>> -> memref<128xi32, #tpu.memory_space<vmem>>
    %dma_start3A_279 = arith.constant 0 : i32
    %dma_start3A_280 = tpu.memref_slice %arg3[%add3A, %rem3A_274, %dma_start3A_279] : memref<32x80x128xi32, #tpu.memory_space<hbm>> -> memref<1x1x128xi32, #tpu.memory_space<hbm>>
    %dma_start3A_281 = tpu.memref_squeeze %dma_start3A_280 : memref<1x1x128xi32, #tpu.memory_space<hbm>> -> memref<128xi32, #tpu.memory_space<hbm>>
    %dma_start3A_282 = arith.constant 0 : i32
    %dma_start3A_283 = tpu.memref_slice %arg9[%dma_start3A_275, %dma_start3A_282] : memref<4x128xi32, #tpu.memory_space<vmem>> -> memref<1x128xi32, #tpu.memory_space<vmem>>
    %dma_start3A_284 = tpu.memref_squeeze %dma_start3A_283 : memref<1x128xi32, #tpu.memory_space<vmem>> -> memref<128xi32, #tpu.memory_space<vmem>>
    %dma_start3A_285 = arith.constant 0 : i32
    %dma_start3A_286 = tpu.memref_slice %arg3[%add3A, %rem3A_274, %dma_start3A_285] : memref<32x80x128xi32, #tpu.memory_space<hbm>> -> memref<1x1x128xi32, #tpu.memory_space<hbm>>
    %dma_start3A_287 = tpu.memref_squeeze %dma_start3A_286 : memref<1x1x128xi32, #tpu.memory_space<hbm>> -> memref<128xi32, #tpu.memory_space<hbm>>
    tpu.enqueue_dma source(%dma_start3A_287 : memref<128xi32, #tpu.memory_space<hbm>>) target(%dma_start3A_284 : memref<128xi32, #tpu.memory_space<vmem>>) target_semaphore(%arg19 : memref<!tpu.dma_semaphore, #tpu.memory_space<semaphore_mem>>)
    %scan3A = arith.constant 0 : i32
    %scan3A_288 = arith.constant 1 : i32
    %scan3A_289 = arith.constant 19 : i32
    %scan3A_290 = arith.addi %scan3A_288, %scan3A_289 : i32
    %scan3A_291 = arith.constant 1 : i32
    scf.for %scan3A_360 = %scan3A_288 to %scan3A_290 step %scan3A_291  : i32 {
      %mul3A_361 = arith.constant 4 : i32
      %mul3A_362 = arith.muli %mul3A_361, %scan3A_360 : i32
      %dma_wait3A_363 = arith.constant 0 : i32
      %dma_wait3A_364 = arith.constant 0 : i32
      %dma_wait3A_365 = tpu.memref_slice %arg8[%dma_wait3A_363, %dma_wait3A_364] : memref<80x128xi32, #tpu.memory_space<vmem>> -> memref<1x128xi32, #tpu.memory_space<vmem>>
      %dma_wait3A_366 = tpu.memref_squeeze %dma_wait3A_365 : memref<1x128xi32, #tpu.memory_space<vmem>> -> memref<128xi32, #tpu.memory_space<vmem>>
      %dma_wait3A_367 = arith.constant 0 : i32
      %dma_wait3A_368 = arith.constant 0 : i32
      %dma_wait3A_369 = tpu.memref_slice %arg4[%dma_wait3A_367, %dma_wait3A_368] : memref<10112x128xf32, #tpu.memory_space<hbm>> -> memref<10112x128xf32, #tpu.memory_space<hbm>>
      tpu.wait_indirect_dma semaphore(%arg13 : memref<!tpu.dma_semaphore, #tpu.memory_space<semaphore_mem>>) src(%dma_wait3A_369 : memref<10112x128xf32, #tpu.memory_space<hbm>>) dst(%arg10 : memref<128x128xf32, #tpu.memory_space<vmem>>)
      %dma_wait3A_370 = arith.constant 0 : i32
      %dma_wait3A_371 = arith.constant 0 : i32
      %dma_wait3A_372 = arith.constant 0 : i32
      %dma_wait3A_373 = tpu.memref_slice %arg9[%dma_wait3A_371, %dma_wait3A_372] : memref<4x128xi32, #tpu.memory_space<vmem>> -> memref<1x128xi32, #tpu.memory_space<vmem>>
      %dma_wait3A_374 = tpu.memref_squeeze %dma_wait3A_373 : memref<1x128xi32, #tpu.memory_space<vmem>> -> memref<128xi32, #tpu.memory_space<vmem>>
      %dma_wait3A_375 = arith.constant 0 : i32
      %dma_wait3A_376 = tpu.memref_slice %arg3[%add3A, %dma_wait3A_370, %dma_wait3A_375] : memref<32x80x128xi32, #tpu.memory_space<hbm>> -> memref<1x1x128xi32, #tpu.memory_space<hbm>>
      %dma_wait3A_377 = tpu.memref_squeeze %dma_wait3A_376 : memref<1x1x128xi32, #tpu.memory_space<hbm>> -> memref<128xi32, #tpu.memory_space<hbm>>
      %dma_wait3A_378 = arith.constant 0 : i32
      %dma_wait3A_379 = tpu.memref_slice %arg9[%dma_wait3A_371, %dma_wait3A_378] : memref<4x128xi32, #tpu.memory_space<vmem>> -> memref<1x128xi32, #tpu.memory_space<vmem>>
      %dma_wait3A_380 = tpu.memref_squeeze %dma_wait3A_379 : memref<1x128xi32, #tpu.memory_space<vmem>> -> memref<128xi32, #tpu.memory_space<vmem>>
      %dma_wait3A_381 = arith.constant 0 : i32
      %dma_wait3A_382 = tpu.memref_slice %arg3[%add3A, %dma_wait3A_370, %dma_wait3A_381] : memref<32x80x128xi32, #tpu.memory_space<hbm>> -> memref<1x1x128xi32, #tpu.memory_space<hbm>>
      %dma_wait3A_383 = tpu.memref_squeeze %dma_wait3A_382 : memref<1x1x128xi32, #tpu.memory_space<hbm>> -> memref<128xi32, #tpu.memory_space<hbm>>
      tpu.wait_dma2 semaphore(%arg17 : memref<!tpu.dma_semaphore, #tpu.memory_space<semaphore_mem>>) src(%dma_wait3A_383 : memref<128xi32, #tpu.memory_space<hbm>>) dst(%dma_wait3A_380 : memref<128xi32, #tpu.memory_space<vmem>>)
      %dma_start3A_384 = arith.constant 0 : i32
      %dma_start3A_385 = arith.constant 0 : i32
      %dma_start3A_386 = tpu.memref_slice %arg9[%dma_start3A_384, %dma_start3A_385] : memref<4x128xi32, #tpu.memory_space<vmem>> -> memref<1x128xi32, #tpu.memory_space<vmem>>
      %dma_start3A_387 = tpu.memref_squeeze %dma_start3A_386 : memref<1x128xi32, #tpu.memory_space<vmem>> -> memref<128xi32, #tpu.memory_space<vmem>>
      %dma_start3A_388 = arith.constant 0 : i32
      %dma_start3A_389 = arith.constant 0 : i32
      %dma_start3A_390 = tpu.memref_slice %arg12[%dma_start3A_388, %dma_start3A_389] : memref<10112x128xf32, #tpu.memory_space<vmem_shared>> -> memref<10112x128xf32, #tpu.memory_space<vmem_shared>>
      tpu.enqueue_indirect_dma source(%arg10 : memref<128x128xf32, #tpu.memory_space<vmem>>) target(%dma_start3A_390 : memref<10112x128xf32, #tpu.memory_space<vmem_shared>>) offsets(%dma_start3A_387 : memref<128xi32, #tpu.memory_space<vmem>>) semaphore(%arg15 : memref<!tpu.dma_semaphore, #tpu.memory_space<semaphore_mem>>) {add = true}
      %dma_wait3A_391 = arith.constant 0 : i32
      %dma_wait3A_392 = arith.constant 0 : i32
      %dma_wait3A_393 = tpu.memref_slice %arg9[%dma_wait3A_391, %dma_wait3A_392] : memref<4x128xi32, #tpu.memory_space<vmem>> -> memref<1x128xi32, #tpu.memory_space<vmem>>
      %dma_wait3A_394 = tpu.memref_squeeze %dma_wait3A_393 : memref<1x128xi32, #tpu.memory_space<vmem>> -> memref<128xi32, #tpu.memory_space<vmem>>
      %dma_wait3A_395 = arith.constant 0 : i32
      %dma_wait3A_396 = arith.constant 0 : i32
      %dma_wait3A_397 = tpu.memref_slice %arg12[%dma_wait3A_395, %dma_wait3A_396] : memref<10112x128xf32, #tpu.memory_space<vmem_shared>> -> memref<10112x128xf32, #tpu.memory_space<vmem_shared>>
      tpu.wait_indirect_dma semaphore(%arg16 : memref<!tpu.dma_semaphore, #tpu.memory_space<semaphore_mem>>) src(%arg11 : memref<128x128xf32, #tpu.memory_space<vmem>>) dst(%dma_wait3A_397 : memref<10112x128xf32, #tpu.memory_space<vmem_shared>>)
      %add3A_398 = arith.constant 1 : i32
      %add3A_399 = arith.addi %mul3A_362, %add3A_398 : i32
      %rem3A_400 = arith.constant 80 : i32
      %rem3A_401 = arith.remsi %add3A_399, %rem3A_400 : i32
      %dma_start3A_402 = arith.constant 0 : i32
      %dma_start3A_403 = tpu.memref_slice %arg8[%rem3A_401, %dma_start3A_402] : memref<80x128xi32, #tpu.memory_space<vmem>> -> memref<1x128xi32, #tpu.memory_space<vmem>>
      %dma_start3A_404 = tpu.memref_squeeze %dma_start3A_403 : memref<1x128xi32, #tpu.memory_space<vmem>> -> memref<128xi32, #tpu.memory_space<vmem>>
      %dma_start3A_405 = arith.constant 0 : i32
      %dma_start3A_406 = arith.constant 0 : i32
      %dma_start3A_407 = tpu.memref_slice %arg4[%dma_start3A_405, %dma_start3A_406] : memref<10112x128xf32, #tpu.memory_space<hbm>> -> memref<10112x128xf32, #tpu.memory_space<hbm>>
      tpu.enqueue_indirect_dma source(%dma_start3A_407 : memref<10112x128xf32, #tpu.memory_space<hbm>>) target(%arg11 : memref<128x128xf32, #tpu.memory_space<vmem>>) offsets(%dma_start3A_404 : memref<128xi32, #tpu.memory_space<vmem>>) semaphore(%arg14 : memref<!tpu.dma_semaphore, #tpu.memory_space<semaphore_mem>>)
      %add3A_408 = arith.constant 3 : i32
      %add3A_409 = arith.addi %mul3A_362, %add3A_408 : i32
      %rem3A_410 = arith.constant 80 : i32
      %rem3A_411 = arith.remsi %add3A_409, %rem3A_410 : i32
      %dma_start3A_412 = arith.constant 3 : i32
      %dma_start3A_413 = arith.constant 0 : i32
      %dma_start3A_414 = tpu.memref_slice %arg9[%dma_start3A_412, %dma_start3A_413] : memref<4x128xi32, #tpu.memory_space<vmem>> -> memref<1x128xi32, #tpu.memory_space<vmem>>
      %dma_start3A_415 = tpu.memref_squeeze %dma_start3A_414 : memref<1x128xi32, #tpu.memory_space<vmem>> -> memref<128xi32, #tpu.memory_space<vmem>>
      %dma_start3A_416 = arith.constant 0 : i32
      %dma_start3A_417 = tpu.memref_slice %arg3[%add3A, %rem3A_411, %dma_start3A_416] : memref<32x80x128xi32, #tpu.memory_space<hbm>> -> memref<1x1x128xi32, #tpu.memory_space<hbm>>
      %dma_start3A_418 = tpu.memref_squeeze %dma_start3A_417 : memref<1x1x128xi32, #tpu.memory_space<hbm>> -> memref<128xi32, #tpu.memory_space<hbm>>
      %dma_start3A_419 = arith.constant 0 : i32
      %dma_start3A_420 = tpu.memref_slice %arg9[%dma_start3A_412, %dma_start3A_419] : memref<4x128xi32, #tpu.memory_space<vmem>> -> memref<1x128xi32, #tpu.memory_space<vmem>>
      %dma_start3A_421 = tpu.memref_squeeze %dma_start3A_420 : memref<1x128xi32, #tpu.memory_space<vmem>> -> memref<128xi32, #tpu.memory_space<vmem>>
      %dma_start3A_422 = arith.constant 0 : i32
      %dma_start3A_423 = tpu.memref_slice %arg3[%add3A, %rem3A_411, %dma_start3A_422] : memref<32x80x128xi32, #tpu.memory_space<hbm>> -> memref<1x1x128xi32, #tpu.memory_space<hbm>>
      %dma_start3A_424 = tpu.memref_squeeze %dma_start3A_423 : memref<1x1x128xi32, #tpu.memory_space<hbm>> -> memref<128xi32, #tpu.memory_space<hbm>>
      tpu.enqueue_dma source(%dma_start3A_424 : memref<128xi32, #tpu.memory_space<hbm>>) target(%dma_start3A_421 : memref<128xi32, #tpu.memory_space<vmem>>) target_semaphore(%arg20 : memref<!tpu.dma_semaphore, #tpu.memory_space<semaphore_mem>>)
      %add3A_425 = arith.constant 1 : i32
      %add3A_426 = arith.addi %mul3A_362, %add3A_425 : i32
      %dma_wait3A_427 = arith.constant 0 : i32
      %dma_wait3A_428 = arith.constant 0 : i32
      %dma_wait3A_429 = tpu.memref_slice %arg8[%dma_wait3A_427, %dma_wait3A_428] : memref<80x128xi32, #tpu.memory_space<vmem>> -> memref<1x128xi32, #tpu.memory_space<vmem>>
      %dma_wait3A_430 = tpu.memref_squeeze %dma_wait3A_429 : memref<1x128xi32, #tpu.memory_space<vmem>> -> memref<128xi32, #tpu.memory_space<vmem>>
      %dma_wait3A_431 = arith.constant 0 : i32
      %dma_wait3A_432 = arith.constant 0 : i32
      %dma_wait3A_433 = tpu.memref_slice %arg4[%dma_wait3A_431, %dma_wait3A_432] : memref<10112x128xf32, #tpu.memory_space<hbm>> -> memref<10112x128xf32, #tpu.memory_space<hbm>>
      tpu.wait_indirect_dma semaphore(%arg14 : memref<!tpu.dma_semaphore, #tpu.memory_space<semaphore_mem>>) src(%dma_wait3A_433 : memref<10112x128xf32, #tpu.memory_space<hbm>>) dst(%arg11 : memref<128x128xf32, #tpu.memory_space<vmem>>)
      %dma_wait3A_434 = arith.constant 0 : i32
      %dma_wait3A_435 = arith.constant 1 : i32
      %dma_wait3A_436 = arith.constant 0 : i32
      %dma_wait3A_437 = tpu.memref_slice %arg9[%dma_wait3A_435, %dma_wait3A_436] : memref<4x128xi32, #tpu.memory_space<vmem>> -> memref<1x128xi32, #tpu.memory_space<vmem>>
      %dma_wait3A_438 = tpu.memref_squeeze %dma_wait3A_437 : memref<1x128xi32, #tpu.memory_space<vmem>> -> memref<128xi32, #tpu.memory_space<vmem>>
      %dma_wait3A_439 = arith.constant 0 : i32
      %dma_wait3A_440 = tpu.memref_slice %arg3[%add3A, %dma_wait3A_434, %dma_wait3A_439] : memref<32x80x128xi32, #tpu.memory_space<hbm>> -> memref<1x1x128xi32, #tpu.memory_space<hbm>>
      %dma_wait3A_441 = tpu.memref_squeeze %dma_wait3A_440 : memref<1x1x128xi32, #tpu.memory_space<hbm>> -> memref<128xi32, #tpu.memory_space<hbm>>
      %dma_wait3A_442 = arith.constant 0 : i32
      %dma_wait3A_443 = tpu.memref_slice %arg9[%dma_wait3A_435, %dma_wait3A_442] : memref<4x128xi32, #tpu.memory_space<vmem>> -> memref<1x128xi32, #tpu.memory_space<vmem>>
      %dma_wait3A_444 = tpu.memref_squeeze %dma_wait3A_443 : memref<1x128xi32, #tpu.memory_space<vmem>> -> memref<128xi32, #tpu.memory_space<vmem>>
      %dma_wait3A_445 = arith.constant 0 : i32
      %dma_wait3A_446 = tpu.memref_slice %arg3[%add3A, %dma_wait3A_434, %dma_wait3A_445] : memref<32x80x128xi32, #tpu.memory_space<hbm>> -> memref<1x1x128xi32, #tpu.memory_space<hbm>>
      %dma_wait3A_447 = tpu.memref_squeeze %dma_wait3A_446 : memref<1x1x128xi32, #tpu.memory_space<hbm>> -> memref<128xi32, #tpu.memory_space<hbm>>
      tpu.wait_dma2 semaphore(%arg18 : memref<!tpu.dma_semaphore, #tpu.memory_space<semaphore_mem>>) src(%dma_wait3A_447 : memref<128xi32, #tpu.memory_space<hbm>>) dst(%dma_wait3A_444 : memref<128xi32, #tpu.memory_space<vmem>>)
      %dma_start3A_448 = arith.constant 1 : i32
      %dma_start3A_449 = arith.constant 0 : i32
      %dma_start3A_450 = tpu.memref_slice %arg9[%dma_start3A_448, %dma_start3A_449] : memref<4x128xi32, #tpu.memory_space<vmem>> -> memref<1x128xi32, #tpu.memory_space<vmem>>
      %dma_start3A_451 = tpu.memref_squeeze %dma_start3A_450 : memref<1x128xi32, #tpu.memory_space<vmem>> -> memref<128xi32, #tpu.memory_space<vmem>>
      %dma_start3A_452 = arith.constant 0 : i32
      %dma_start3A_453 = arith.constant 0 : i32
      %dma_start3A_454 = tpu.memref_slice %arg12[%dma_start3A_452, %dma_start3A_453] : memref<10112x128xf32, #tpu.memory_space<vmem_shared>> -> memref<10112x128xf32, #tpu.memory_space<vmem_shared>>
      tpu.enqueue_indirect_dma source(%arg11 : memref<128x128xf32, #tpu.memory_space<vmem>>) target(%dma_start3A_454 : memref<10112x128xf32, #tpu.memory_space<vmem_shared>>) offsets(%dma_start3A_451 : memref<128xi32, #tpu.memory_space<vmem>>) semaphore(%arg16 : memref<!tpu.dma_semaphore, #tpu.memory_space<semaphore_mem>>) {add = true}
      %dma_wait3A_455 = arith.constant 0 : i32
      %dma_wait3A_456 = arith.constant 0 : i32
      %dma_wait3A_457 = tpu.memref_slice %arg9[%dma_wait3A_455, %dma_wait3A_456] : memref<4x128xi32, #tpu.memory_space<vmem>> -> memref<1x128xi32, #tpu.memory_space<vmem>>
      %dma_wait3A_458 = tpu.memref_squeeze %dma_wait3A_457 : memref<1x128xi32, #tpu.memory_space<vmem>> -> memref<128xi32, #tpu.memory_space<vmem>>
      %dma_wait3A_459 = arith.constant 0 : i32
      %dma_wait3A_460 = arith.constant 0 : i32
      %dma_wait3A_461 = tpu.memref_slice %arg12[%dma_wait3A_459, %dma_wait3A_460] : memref<10112x128xf32, #tpu.memory_space<vmem_shared>> -> memref<10112x128xf32, #tpu.memory_space<vmem_shared>>
      tpu.wait_indirect_dma semaphore(%arg15 : memref<!tpu.dma_semaphore, #tpu.memory_space<semaphore_mem>>) src(%arg10 : memref<128x128xf32, #tpu.memory_space<vmem>>) dst(%dma_wait3A_461 : memref<10112x128xf32, #tpu.memory_space<vmem_shared>>)
      %add3A_462 = arith.constant 1 : i32
      %add3A_463 = arith.addi %add3A_426, %add3A_462 : i32
      %rem3A_464 = arith.constant 80 : i32
      %rem3A_465 = arith.remsi %add3A_463, %rem3A_464 : i32
      %dma_start3A_466 = arith.constant 0 : i32
      %dma_start3A_467 = tpu.memref_slice %arg8[%rem3A_465, %dma_start3A_466] : memref<80x128xi32, #tpu.memory_space<vmem>> -> memref<1x128xi32, #tpu.memory_space<vmem>>
      %dma_start3A_468 = tpu.memref_squeeze %dma_start3A_467 : memref<1x128xi32, #tpu.memory_space<vmem>> -> memref<128xi32, #tpu.memory_space<vmem>>
      %dma_start3A_469 = arith.constant 0 : i32
      %dma_start3A_470 = arith.constant 0 : i32
      %dma_start3A_471 = tpu.memref_slice %arg4[%dma_start3A_469, %dma_start3A_470] : memref<10112x128xf32, #tpu.memory_space<hbm>> -> memref<10112x128xf32, #tpu.memory_space<hbm>>
      tpu.enqueue_indirect_dma source(%dma_start3A_471 : memref<10112x128xf32, #tpu.memory_space<hbm>>) target(%arg10 : memref<128x128xf32, #tpu.memory_space<vmem>>) offsets(%dma_start3A_468 : memref<128xi32, #tpu.memory_space<vmem>>) semaphore(%arg13 : memref<!tpu.dma_semaphore, #tpu.memory_space<semaphore_mem>>)
      %add3A_472 = arith.constant 3 : i32
      %add3A_473 = arith.addi %add3A_426, %add3A_472 : i32
      %rem3A_474 = arith.constant 80 : i32
      %rem3A_475 = arith.remsi %add3A_473, %rem3A_474 : i32
      %dma_start3A_476 = arith.constant 0 : i32
      %dma_start3A_477 = arith.constant 0 : i32
      %dma_start3A_478 = tpu.memref_slice %arg9[%dma_start3A_476, %dma_start3A_477] : memref<4x128xi32, #tpu.memory_space<vmem>> -> memref<1x128xi32, #tpu.memory_space<vmem>>
      %dma_start3A_479 = tpu.memref_squeeze %dma_start3A_478 : memref<1x128xi32, #tpu.memory_space<vmem>> -> memref<128xi32, #tpu.memory_space<vmem>>
      %dma_start3A_480 = arith.constant 0 : i32
      %dma_start3A_481 = tpu.memref_slice %arg3[%add3A, %rem3A_475, %dma_start3A_480] : memref<32x80x128xi32, #tpu.memory_space<hbm>> -> memref<1x1x128xi32, #tpu.memory_space<hbm>>
      %dma_start3A_482 = tpu.memref_squeeze %dma_start3A_481 : memref<1x1x128xi32, #tpu.memory_space<hbm>> -> memref<128xi32, #tpu.memory_space<hbm>>
      %dma_start3A_483 = arith.constant 0 : i32
      %dma_start3A_484 = tpu.memref_slice %arg9[%dma_start3A_476, %dma_start3A_483] : memref<4x128xi32, #tpu.memory_space<vmem>> -> memref<1x128xi32, #tpu.memory_space<vmem>>
      %dma_start3A_485 = tpu.memref_squeeze %dma_start3A_484 : memref<1x128xi32, #tpu.memory_space<vmem>> -> memref<128xi32, #tpu.memory_space<vmem>>
      %dma_start3A_486 = arith.constant 0 : i32
      %dma_start3A_487 = tpu.memref_slice %arg3[%add3A, %rem3A_475, %dma_start3A_486] : memref<32x80x128xi32, #tpu.memory_space<hbm>> -> memref<1x1x128xi32, #tpu.memory_space<hbm>>
      %dma_start3A_488 = tpu.memref_squeeze %dma_start3A_487 : memref<1x1x128xi32, #tpu.memory_space<hbm>> -> memref<128xi32, #tpu.memory_space<hbm>>
      tpu.enqueue_dma source(%dma_start3A_488 : memref<128xi32, #tpu.memory_space<hbm>>) target(%dma_start3A_485 : memref<128xi32, #tpu.memory_space<vmem>>) target_semaphore(%arg17 : memref<!tpu.dma_semaphore, #tpu.memory_space<semaphore_mem>>)
      %add3A_489 = arith.constant 2 : i32
      %add3A_490 = arith.addi %mul3A_362, %add3A_489 : i32
      %dma_wait3A_491 = arith.constant 0 : i32
      %dma_wait3A_492 = arith.constant 0 : i32
      %dma_wait3A_493 = tpu.memref_slice %arg8[%dma_wait3A_491, %dma_wait3A_492] : memref<80x128xi32, #tpu.memory_space<vmem>> -> memref<1x128xi32, #tpu.memory_space<vmem>>
      %dma_wait3A_494 = tpu.memref_squeeze %dma_wait3A_493 : memref<1x128xi32, #tpu.memory_space<vmem>> -> memref<128xi32, #tpu.memory_space<vmem>>
      %dma_wait3A_495 = arith.constant 0 : i32
      %dma_wait3A_496 = arith.constant 0 : i32
      %dma_wait3A_497 = tpu.memref_slice %arg4[%dma_wait3A_495, %dma_wait3A_496] : memref<10112x128xf32, #tpu.memory_space<hbm>> -> memref<10112x128xf32, #tpu.memory_space<hbm>>
      tpu.wait_indirect_dma semaphore(%arg13 : memref<!tpu.dma_semaphore, #tpu.memory_space<semaphore_mem>>) src(%dma_wait3A_497 : memref<10112x128xf32, #tpu.memory_space<hbm>>) dst(%arg10 : memref<128x128xf32, #tpu.memory_space<vmem>>)
      %dma_wait3A_498 = arith.constant 0 : i32
      %dma_wait3A_499 = arith.constant 2 : i32
      %dma_wait3A_500 = arith.constant 0 : i32
      %dma_wait3A_501 = tpu.memref_slice %arg9[%dma_wait3A_499, %dma_wait3A_500] : memref<4x128xi32, #tpu.memory_space<vmem>> -> memref<1x128xi32, #tpu.memory_space<vmem>>
      %dma_wait3A_502 = tpu.memref_squeeze %dma_wait3A_501 : memref<1x128xi32, #tpu.memory_space<vmem>> -> memref<128xi32, #tpu.memory_space<vmem>>
      %dma_wait3A_503 = arith.constant 0 : i32
      %dma_wait3A_504 = tpu.memref_slice %arg3[%add3A, %dma_wait3A_498, %dma_wait3A_503] : memref<32x80x128xi32, #tpu.memory_space<hbm>> -> memref<1x1x128xi32, #tpu.memory_space<hbm>>
      %dma_wait3A_505 = tpu.memref_squeeze %dma_wait3A_504 : memref<1x1x128xi32, #tpu.memory_space<hbm>> -> memref<128xi32, #tpu.memory_space<hbm>>
      %dma_wait3A_506 = arith.constant 0 : i32
      %dma_wait3A_507 = tpu.memref_slice %arg9[%dma_wait3A_499, %dma_wait3A_506] : memref<4x128xi32, #tpu.memory_space<vmem>> -> memref<1x128xi32, #tpu.memory_space<vmem>>
      %dma_wait3A_508 = tpu.memref_squeeze %dma_wait3A_507 : memref<1x128xi32, #tpu.memory_space<vmem>> -> memref<128xi32, #tpu.memory_space<vmem>>
      %dma_wait3A_509 = arith.constant 0 : i32
      %dma_wait3A_510 = tpu.memref_slice %arg3[%add3A, %dma_wait3A_498, %dma_wait3A_509] : memref<32x80x128xi32, #tpu.memory_space<hbm>> -> memref<1x1x128xi32, #tpu.memory_space<hbm>>
      %dma_wait3A_511 = tpu.memref_squeeze %dma_wait3A_510 : memref<1x1x128xi32, #tpu.memory_space<hbm>> -> memref<128xi32, #tpu.memory_space<hbm>>
      tpu.wait_dma2 semaphore(%arg19 : memref<!tpu.dma_semaphore, #tpu.memory_space<semaphore_mem>>) src(%dma_wait3A_511 : memref<128xi32, #tpu.memory_space<hbm>>) dst(%dma_wait3A_508 : memref<128xi32, #tpu.memory_space<vmem>>)
      %dma_start3A_512 = arith.constant 2 : i32
      %dma_start3A_513 = arith.constant 0 : i32
      %dma_start3A_514 = tpu.memref_slice %arg9[%dma_start3A_512, %dma_start3A_513] : memref<4x128xi32, #tpu.memory_space<vmem>> -> memref<1x128xi32, #tpu.memory_space<vmem>>
      %dma_start3A_515 = tpu.memref_squeeze %dma_start3A_514 : memref<1x128xi32, #tpu.memory_space<vmem>> -> memref<128xi32, #tpu.memory_space<vmem>>
      %dma_start3A_516 = arith.constant 0 : i32
      %dma_start3A_517 = arith.constant 0 : i32
      %dma_start3A_518 = tpu.memref_slice %arg12[%dma_start3A_516, %dma_start3A_517] : memref<10112x128xf32, #tpu.memory_space<vmem_shared>> -> memref<10112x128xf32, #tpu.memory_space<vmem_shared>>
      tpu.enqueue_indirect_dma source(%arg10 : memref<128x128xf32, #tpu.memory_space<vmem>>) target(%dma_start3A_518 : memref<10112x128xf32, #tpu.memory_space<vmem_shared>>) offsets(%dma_start3A_515 : memref<128xi32, #tpu.memory_space<vmem>>) semaphore(%arg15 : memref<!tpu.dma_semaphore, #tpu.memory_space<semaphore_mem>>) {add = true}
      %dma_wait3A_519 = arith.constant 0 : i32
      %dma_wait3A_520 = arith.constant 0 : i32
      %dma_wait3A_521 = tpu.memref_slice %arg9[%dma_wait3A_519, %dma_wait3A_520] : memref<4x128xi32, #tpu.memory_space<vmem>> -> memref<1x128xi32, #tpu.memory_space<vmem>>
      %dma_wait3A_522 = tpu.memref_squeeze %dma_wait3A_521 : memref<1x128xi32, #tpu.memory_space<vmem>> -> memref<128xi32, #tpu.memory_space<vmem>>
      %dma_wait3A_523 = arith.constant 0 : i32
      %dma_wait3A_524 = arith.constant 0 : i32
      %dma_wait3A_525 = tpu.memref_slice %arg12[%dma_wait3A_523, %dma_wait3A_524] : memref<10112x128xf32, #tpu.memory_space<vmem_shared>> -> memref<10112x128xf32, #tpu.memory_space<vmem_shared>>
      tpu.wait_indirect_dma semaphore(%arg16 : memref<!tpu.dma_semaphore, #tpu.memory_space<semaphore_mem>>) src(%arg11 : memref<128x128xf32, #tpu.memory_space<vmem>>) dst(%dma_wait3A_525 : memref<10112x128xf32, #tpu.memory_space<vmem_shared>>)
      %add3A_526 = arith.constant 1 : i32
      %add3A_527 = arith.addi %add3A_490, %add3A_526 : i32
      %rem3A_528 = arith.constant 80 : i32
      %rem3A_529 = arith.remsi %add3A_527, %rem3A_528 : i32
      %dma_start3A_530 = arith.constant 0 : i32
      %dma_start3A_531 = tpu.memref_slice %arg8[%rem3A_529, %dma_start3A_530] : memref<80x128xi32, #tpu.memory_space<vmem>> -> memref<1x128xi32, #tpu.memory_space<vmem>>
      %dma_start3A_532 = tpu.memref_squeeze %dma_start3A_531 : memref<1x128xi32, #tpu.memory_space<vmem>> -> memref<128xi32, #tpu.memory_space<vmem>>
      %dma_start3A_533 = arith.constant 0 : i32
      %dma_start3A_534 = arith.constant 0 : i32
      %dma_start3A_535 = tpu.memref_slice %arg4[%dma_start3A_533, %dma_start3A_534] : memref<10112x128xf32, #tpu.memory_space<hbm>> -> memref<10112x128xf32, #tpu.memory_space<hbm>>
      tpu.enqueue_indirect_dma source(%dma_start3A_535 : memref<10112x128xf32, #tpu.memory_space<hbm>>) target(%arg11 : memref<128x128xf32, #tpu.memory_space<vmem>>) offsets(%dma_start3A_532 : memref<128xi32, #tpu.memory_space<vmem>>) semaphore(%arg14 : memref<!tpu.dma_semaphore, #tpu.memory_space<semaphore_mem>>)
      %add3A_536 = arith.constant 3 : i32
      %add3A_537 = arith.addi %add3A_490, %add3A_536 : i32
      %rem3A_538 = arith.constant 80 : i32
      %rem3A_539 = arith.remsi %add3A_537, %rem3A_538 : i32
      %dma_start3A_540 = arith.constant 1 : i32
      %dma_start3A_541 = arith.constant 0 : i32
      %dma_start3A_542 = tpu.memref_slice %arg9[%dma_start3A_540, %dma_start3A_541] : memref<4x128xi32, #tpu.memory_space<vmem>> -> memref<1x128xi32, #tpu.memory_space<vmem>>
      %dma_start3A_543 = tpu.memref_squeeze %dma_start3A_542 : memref<1x128xi32, #tpu.memory_space<vmem>> -> memref<128xi32, #tpu.memory_space<vmem>>
      %dma_start3A_544 = arith.constant 0 : i32
      %dma_start3A_545 = tpu.memref_slice %arg3[%add3A, %rem3A_539, %dma_start3A_544] : memref<32x80x128xi32, #tpu.memory_space<hbm>> -> memref<1x1x128xi32, #tpu.memory_space<hbm>>
      %dma_start3A_546 = tpu.memref_squeeze %dma_start3A_545 : memref<1x1x128xi32, #tpu.memory_space<hbm>> -> memref<128xi32, #tpu.memory_space<hbm>>
      %dma_start3A_547 = arith.constant 0 : i32
      %dma_start3A_548 = tpu.memref_slice %arg9[%dma_start3A_540, %dma_start3A_547] : memref<4x128xi32, #tpu.memory_space<vmem>> -> memref<1x128xi32, #tpu.memory_space<vmem>>
      %dma_start3A_549 = tpu.memref_squeeze %dma_start3A_548 : memref<1x128xi32, #tpu.memory_space<vmem>> -> memref<128xi32, #tpu.memory_space<vmem>>
      %dma_start3A_550 = arith.constant 0 : i32
      %dma_start3A_551 = tpu.memref_slice %arg3[%add3A, %rem3A_539, %dma_start3A_550] : memref<32x80x128xi32, #tpu.memory_space<hbm>> -> memref<1x1x128xi32, #tpu.memory_space<hbm>>
      %dma_start3A_552 = tpu.memref_squeeze %dma_start3A_551 : memref<1x1x128xi32, #tpu.memory_space<hbm>> -> memref<128xi32, #tpu.memory_space<hbm>>
      tpu.enqueue_dma source(%dma_start3A_552 : memref<128xi32, #tpu.memory_space<hbm>>) target(%dma_start3A_549 : memref<128xi32, #tpu.memory_space<vmem>>) target_semaphore(%arg18 : memref<!tpu.dma_semaphore, #tpu.memory_space<semaphore_mem>>)
      %add3A_553 = arith.constant 3 : i32
      %add3A_554 = arith.addi %mul3A_362, %add3A_553 : i32
      %dma_wait3A_555 = arith.constant 0 : i32
      %dma_wait3A_556 = arith.constant 0 : i32
      %dma_wait3A_557 = tpu.memref_slice %arg8[%dma_wait3A_555, %dma_wait3A_556] : memref<80x128xi32, #tpu.memory_space<vmem>> -> memref<1x128xi32, #tpu.memory_space<vmem>>
      %dma_wait3A_558 = tpu.memref_squeeze %dma_wait3A_557 : memref<1x128xi32, #tpu.memory_space<vmem>> -> memref<128xi32, #tpu.memory_space<vmem>>
      %dma_wait3A_559 = arith.constant 0 : i32
      %dma_wait3A_560 = arith.constant 0 : i32
      %dma_wait3A_561 = tpu.memref_slice %arg4[%dma_wait3A_559, %dma_wait3A_560] : memref<10112x128xf32, #tpu.memory_space<hbm>> -> memref<10112x128xf32, #tpu.memory_space<hbm>>
      tpu.wait_indirect_dma semaphore(%arg14 : memref<!tpu.dma_semaphore, #tpu.memory_space<semaphore_mem>>) src(%dma_wait3A_561 : memref<10112x128xf32, #tpu.memory_space<hbm>>) dst(%arg11 : memref<128x128xf32, #tpu.memory_space<vmem>>)
      %dma_wait3A_562 = arith.constant 0 : i32
      %dma_wait3A_563 = arith.constant 3 : i32
      %dma_wait3A_564 = arith.constant 0 : i32
      %dma_wait3A_565 = tpu.memref_slice %arg9[%dma_wait3A_563, %dma_wait3A_564] : memref<4x128xi32, #tpu.memory_space<vmem>> -> memref<1x128xi32, #tpu.memory_space<vmem>>
      %dma_wait3A_566 = tpu.memref_squeeze %dma_wait3A_565 : memref<1x128xi32, #tpu.memory_space<vmem>> -> memref<128xi32, #tpu.memory_space<vmem>>
      %dma_wait3A_567 = arith.constant 0 : i32
      %dma_wait3A_568 = tpu.memref_slice %arg3[%add3A, %dma_wait3A_562, %dma_wait3A_567] : memref<32x80x128xi32, #tpu.memory_space<hbm>> -> memref<1x1x128xi32, #tpu.memory_space<hbm>>
      %dma_wait3A_569 = tpu.memref_squeeze %dma_wait3A_568 : memref<1x1x128xi32, #tpu.memory_space<hbm>> -> memref<128xi32, #tpu.memory_space<hbm>>
      %dma_wait3A_570 = arith.constant 0 : i32
      %dma_wait3A_571 = tpu.memref_slice %arg9[%dma_wait3A_563, %dma_wait3A_570] : memref<4x128xi32, #tpu.memory_space<vmem>> -> memref<1x128xi32, #tpu.memory_space<vmem>>
      %dma_wait3A_572 = tpu.memref_squeeze %dma_wait3A_571 : memref<1x128xi32, #tpu.memory_space<vmem>> -> memref<128xi32, #tpu.memory_space<vmem>>
      %dma_wait3A_573 = arith.constant 0 : i32
      %dma_wait3A_574 = tpu.memref_slice %arg3[%add3A, %dma_wait3A_562, %dma_wait3A_573] : memref<32x80x128xi32, #tpu.memory_space<hbm>> -> memref<1x1x128xi32, #tpu.memory_space<hbm>>
      %dma_wait3A_575 = tpu.memref_squeeze %dma_wait3A_574 : memref<1x1x128xi32, #tpu.memory_space<hbm>> -> memref<128xi32, #tpu.memory_space<hbm>>
      tpu.wait_dma2 semaphore(%arg20 : memref<!tpu.dma_semaphore, #tpu.memory_space<semaphore_mem>>) src(%dma_wait3A_575 : memref<128xi32, #tpu.memory_space<hbm>>) dst(%dma_wait3A_572 : memref<128xi32, #tpu.memory_space<vmem>>)
      %dma_start3A_576 = arith.constant 3 : i32
      %dma_start3A_577 = arith.constant 0 : i32
      %dma_start3A_578 = tpu.memref_slice %arg9[%dma_start3A_576, %dma_start3A_577] : memref<4x128xi32, #tpu.memory_space<vmem>> -> memref<1x128xi32, #tpu.memory_space<vmem>>
      %dma_start3A_579 = tpu.memref_squeeze %dma_start3A_578 : memref<1x128xi32, #tpu.memory_space<vmem>> -> memref<128xi32, #tpu.memory_space<vmem>>
      %dma_start3A_580 = arith.constant 0 : i32
      %dma_start3A_581 = arith.constant 0 : i32
      %dma_start3A_582 = tpu.memref_slice %arg12[%dma_start3A_580, %dma_start3A_581] : memref<10112x128xf32, #tpu.memory_space<vmem_shared>> -> memref<10112x128xf32, #tpu.memory_space<vmem_shared>>
      tpu.enqueue_indirect_dma source(%arg11 : memref<128x128xf32, #tpu.memory_space<vmem>>) target(%dma_start3A_582 : memref<10112x128xf32, #tpu.memory_space<vmem_shared>>) offsets(%dma_start3A_579 : memref<128xi32, #tpu.memory_space<vmem>>) semaphore(%arg16 : memref<!tpu.dma_semaphore, #tpu.memory_space<semaphore_mem>>) {add = true}
      %dma_wait3A_583 = arith.constant 0 : i32
      %dma_wait3A_584 = arith.constant 0 : i32
      %dma_wait3A_585 = tpu.memref_slice %arg9[%dma_wait3A_583, %dma_wait3A_584] : memref<4x128xi32, #tpu.memory_space<vmem>> -> memref<1x128xi32, #tpu.memory_space<vmem>>
      %dma_wait3A_586 = tpu.memref_squeeze %dma_wait3A_585 : memref<1x128xi32, #tpu.memory_space<vmem>> -> memref<128xi32, #tpu.memory_space<vmem>>
      %dma_wait3A_587 = arith.constant 0 : i32
      %dma_wait3A_588 = arith.constant 0 : i32
      %dma_wait3A_589 = tpu.memref_slice %arg12[%dma_wait3A_587, %dma_wait3A_588] : memref<10112x128xf32, #tpu.memory_space<vmem_shared>> -> memref<10112x128xf32, #tpu.memory_space<vmem_shared>>
      tpu.wait_indirect_dma semaphore(%arg15 : memref<!tpu.dma_semaphore, #tpu.memory_space<semaphore_mem>>) src(%arg10 : memref<128x128xf32, #tpu.memory_space<vmem>>) dst(%dma_wait3A_589 : memref<10112x128xf32, #tpu.memory_space<vmem_shared>>)
      %add3A_590 = arith.constant 1 : i32
      %add3A_591 = arith.addi %add3A_554, %add3A_590 : i32
      %rem3A_592 = arith.constant 80 : i32
      %rem3A_593 = arith.remsi %add3A_591, %rem3A_592 : i32
      %dma_start3A_594 = arith.constant 0 : i32
      %dma_start3A_595 = tpu.memref_slice %arg8[%rem3A_593, %dma_start3A_594] : memref<80x128xi32, #tpu.memory_space<vmem>> -> memref<1x128xi32, #tpu.memory_space<vmem>>
      %dma_start3A_596 = tpu.memref_squeeze %dma_start3A_595 : memref<1x128xi32, #tpu.memory_space<vmem>> -> memref<128xi32, #tpu.memory_space<vmem>>
      %dma_start3A_597 = arith.constant 0 : i32
      %dma_start3A_598 = arith.constant 0 : i32
      %dma_start3A_599 = tpu.memref_slice %arg4[%dma_start3A_597, %dma_start3A_598] : memref<10112x128xf32, #tpu.memory_space<hbm>> -> memref<10112x128xf32, #tpu.memory_space<hbm>>
      tpu.enqueue_indirect_dma source(%dma_start3A_599 : memref<10112x128xf32, #tpu.memory_space<hbm>>) target(%arg10 : memref<128x128xf32, #tpu.memory_space<vmem>>) offsets(%dma_start3A_596 : memref<128xi32, #tpu.memory_space<vmem>>) semaphore(%arg13 : memref<!tpu.dma_semaphore, #tpu.memory_space<semaphore_mem>>)
      %add3A_600 = arith.constant 3 : i32
      %add3A_601 = arith.addi %add3A_554, %add3A_600 : i32
      %rem3A_602 = arith.constant 80 : i32
      %rem3A_603 = arith.remsi %add3A_601, %rem3A_602 : i32
      %dma_start3A_604 = arith.constant 2 : i32
      %dma_start3A_605 = arith.constant 0 : i32
      %dma_start3A_606 = tpu.memref_slice %arg9[%dma_start3A_604, %dma_start3A_605] : memref<4x128xi32, #tpu.memory_space<vmem>> -> memref<1x128xi32, #tpu.memory_space<vmem>>
      %dma_start3A_607 = tpu.memref_squeeze %dma_start3A_606 : memref<1x128xi32, #tpu.memory_space<vmem>> -> memref<128xi32, #tpu.memory_space<vmem>>
      %dma_start3A_608 = arith.constant 0 : i32
      %dma_start3A_609 = tpu.memref_slice %arg3[%add3A, %rem3A_603, %dma_start3A_608] : memref<32x80x128xi32, #tpu.memory_space<hbm>> -> memref<1x1x128xi32, #tpu.memory_space<hbm>>
      %dma_start3A_610 = tpu.memref_squeeze %dma_start3A_609 : memref<1x1x128xi32, #tpu.memory_space<hbm>> -> memref<128xi32, #tpu.memory_space<hbm>>
      %dma_start3A_611 = arith.constant 0 : i32
      %dma_start3A_612 = tpu.memref_slice %arg9[%dma_start3A_604, %dma_start3A_611] : memref<4x128xi32, #tpu.memory_space<vmem>> -> memref<1x128xi32, #tpu.memory_space<vmem>>
      %dma_start3A_613 = tpu.memref_squeeze %dma_start3A_612 : memref<1x128xi32, #tpu.memory_space<vmem>> -> memref<128xi32, #tpu.memory_space<vmem>>
      %dma_start3A_614 = arith.constant 0 : i32
      %dma_start3A_615 = tpu.memref_slice %arg3[%add3A, %rem3A_603, %dma_start3A_614] : memref<32x80x128xi32, #tpu.memory_space<hbm>> -> memref<1x1x128xi32, #tpu.memory_space<hbm>>
      %dma_start3A_616 = tpu.memref_squeeze %dma_start3A_615 : memref<1x1x128xi32, #tpu.memory_space<hbm>> -> memref<128xi32, #tpu.memory_space<hbm>>
      tpu.enqueue_dma source(%dma_start3A_616 : memref<128xi32, #tpu.memory_space<hbm>>) target(%dma_start3A_613 : memref<128xi32, #tpu.memory_space<vmem>>) target_semaphore(%arg19 : memref<!tpu.dma_semaphore, #tpu.memory_space<semaphore_mem>>)
    }
    %scan3A_292 = arith.constant 19 : i32
    %dma_wait3A_293 = arith.constant 0 : i32
    %dma_wait3A_294 = arith.constant 0 : i32
    %dma_wait3A_295 = tpu.memref_slice %arg9[%dma_wait3A_293, %dma_wait3A_294] : memref<4x128xi32, #tpu.memory_space<vmem>> -> memref<1x128xi32, #tpu.memory_space<vmem>>
    %dma_wait3A_296 = tpu.memref_squeeze %dma_wait3A_295 : memref<1x128xi32, #tpu.memory_space<vmem>> -> memref<128xi32, #tpu.memory_space<vmem>>
    %dma_wait3A_297 = arith.constant 0 : i32
    %dma_wait3A_298 = arith.constant 0 : i32
    %dma_wait3A_299 = tpu.memref_slice %arg12[%dma_wait3A_297, %dma_wait3A_298] : memref<10112x128xf32, #tpu.memory_space<vmem_shared>> -> memref<10112x128xf32, #tpu.memory_space<vmem_shared>>
    tpu.wait_indirect_dma semaphore(%arg16 : memref<!tpu.dma_semaphore, #tpu.memory_space<semaphore_mem>>) src(%arg11 : memref<128x128xf32, #tpu.memory_space<vmem>>) dst(%dma_wait3A_299 : memref<10112x128xf32, #tpu.memory_space<vmem_shared>>)
    %dma_wait3A_300 = arith.constant 0 : i32
    %dma_wait3A_301 = arith.constant 0 : i32
    %dma_wait3A_302 = tpu.memref_slice %arg8[%dma_wait3A_300, %dma_wait3A_301] : memref<80x128xi32, #tpu.memory_space<vmem>> -> memref<1x128xi32, #tpu.memory_space<vmem>>
    %dma_wait3A_303 = tpu.memref_squeeze %dma_wait3A_302 : memref<1x128xi32, #tpu.memory_space<vmem>> -> memref<128xi32, #tpu.memory_space<vmem>>
    %dma_wait3A_304 = arith.constant 0 : i32
    %dma_wait3A_305 = arith.constant 0 : i32
    %dma_wait3A_306 = tpu.memref_slice %arg4[%dma_wait3A_304, %dma_wait3A_305] : memref<10112x128xf32, #tpu.memory_space<hbm>> -> memref<10112x128xf32, #tpu.memory_space<hbm>>
    tpu.wait_indirect_dma semaphore(%arg13 : memref<!tpu.dma_semaphore, #tpu.memory_space<semaphore_mem>>) src(%dma_wait3A_306 : memref<10112x128xf32, #tpu.memory_space<hbm>>) dst(%arg10 : memref<128x128xf32, #tpu.memory_space<vmem>>)
    %dma_wait3A_307 = arith.constant 0 : i32
    %dma_wait3A_308 = arith.constant 0 : i32
    %dma_wait3A_309 = arith.constant 0 : i32
    %dma_wait3A_310 = tpu.memref_slice %arg9[%dma_wait3A_308, %dma_wait3A_309] : memref<4x128xi32, #tpu.memory_space<vmem>> -> memref<1x128xi32, #tpu.memory_space<vmem>>
    %dma_wait3A_311 = tpu.memref_squeeze %dma_wait3A_310 : memref<1x128xi32, #tpu.memory_space<vmem>> -> memref<128xi32, #tpu.memory_space<vmem>>
    %dma_wait3A_312 = arith.constant 0 : i32
    %dma_wait3A_313 = tpu.memref_slice %arg3[%add3A, %dma_wait3A_307, %dma_wait3A_312] : memref<32x80x128xi32, #tpu.memory_space<hbm>> -> memref<1x1x128xi32, #tpu.memory_space<hbm>>
    %dma_wait3A_314 = tpu.memref_squeeze %dma_wait3A_313 : memref<1x1x128xi32, #tpu.memory_space<hbm>> -> memref<128xi32, #tpu.memory_space<hbm>>
    %dma_wait3A_315 = arith.constant 0 : i32
    %dma_wait3A_316 = tpu.memref_slice %arg9[%dma_wait3A_308, %dma_wait3A_315] : memref<4x128xi32, #tpu.memory_space<vmem>> -> memref<1x128xi32, #tpu.memory_space<vmem>>
    %dma_wait3A_317 = tpu.memref_squeeze %dma_wait3A_316 : memref<1x128xi32, #tpu.memory_space<vmem>> -> memref<128xi32, #tpu.memory_space<vmem>>
    %dma_wait3A_318 = arith.constant 0 : i32
    %dma_wait3A_319 = tpu.memref_slice %arg3[%add3A, %dma_wait3A_307, %dma_wait3A_318] : memref<32x80x128xi32, #tpu.memory_space<hbm>> -> memref<1x1x128xi32, #tpu.memory_space<hbm>>
    %dma_wait3A_320 = tpu.memref_squeeze %dma_wait3A_319 : memref<1x1x128xi32, #tpu.memory_space<hbm>> -> memref<128xi32, #tpu.memory_space<hbm>>
    tpu.wait_dma2 semaphore(%arg17 : memref<!tpu.dma_semaphore, #tpu.memory_space<semaphore_mem>>) src(%dma_wait3A_320 : memref<128xi32, #tpu.memory_space<hbm>>) dst(%dma_wait3A_317 : memref<128xi32, #tpu.memory_space<vmem>>)
    %dma_wait3A_321 = arith.constant 0 : i32
    %dma_wait3A_322 = arith.constant 1 : i32
    %dma_wait3A_323 = arith.constant 0 : i32
    %dma_wait3A_324 = tpu.memref_slice %arg9[%dma_wait3A_322, %dma_wait3A_323] : memref<4x128xi32, #tpu.memory_space<vmem>> -> memref<1x128xi32, #tpu.memory_space<vmem>>
    %dma_wait3A_325 = tpu.memref_squeeze %dma_wait3A_324 : memref<1x128xi32, #tpu.memory_space<vmem>> -> memref<128xi32, #tpu.memory_space<vmem>>
    %dma_wait3A_326 = arith.constant 0 : i32
    %dma_wait3A_327 = tpu.memref_slice %arg3[%add3A, %dma_wait3A_321, %dma_wait3A_326] : memref<32x80x128xi32, #tpu.memory_space<hbm>> -> memref<1x1x128xi32, #tpu.memory_space<hbm>>
    %dma_wait3A_328 = tpu.memref_squeeze %dma_wait3A_327 : memref<1x1x128xi32, #tpu.memory_space<hbm>> -> memref<128xi32, #tpu.memory_space<hbm>>
    %dma_wait3A_329 = arith.constant 0 : i32
    %dma_wait3A_330 = tpu.memref_slice %arg9[%dma_wait3A_322, %dma_wait3A_329] : memref<4x128xi32, #tpu.memory_space<vmem>> -> memref<1x128xi32, #tpu.memory_space<vmem>>
    %dma_wait3A_331 = tpu.memref_squeeze %dma_wait3A_330 : memref<1x128xi32, #tpu.memory_space<vmem>> -> memref<128xi32, #tpu.memory_space<vmem>>
    %dma_wait3A_332 = arith.constant 0 : i32
    %dma_wait3A_333 = tpu.memref_slice %arg3[%add3A, %dma_wait3A_321, %dma_wait3A_332] : memref<32x80x128xi32, #tpu.memory_space<hbm>> -> memref<1x1x128xi32, #tpu.memory_space<hbm>>
    %dma_wait3A_334 = tpu.memref_squeeze %dma_wait3A_333 : memref<1x1x128xi32, #tpu.memory_space<hbm>> -> memref<128xi32, #tpu.memory_space<hbm>>
    tpu.wait_dma2 semaphore(%arg18 : memref<!tpu.dma_semaphore, #tpu.memory_space<semaphore_mem>>) src(%dma_wait3A_334 : memref<128xi32, #tpu.memory_space<hbm>>) dst(%dma_wait3A_331 : memref<128xi32, #tpu.memory_space<vmem>>)
    %dma_wait3A_335 = arith.constant 0 : i32
    %dma_wait3A_336 = arith.constant 2 : i32
    %dma_wait3A_337 = arith.constant 0 : i32
    %dma_wait3A_338 = tpu.memref_slice %arg9[%dma_wait3A_336, %dma_wait3A_337] : memref<4x128xi32, #tpu.memory_space<vmem>> -> memref<1x128xi32, #tpu.memory_space<vmem>>
    %dma_wait3A_339 = tpu.memref_squeeze %dma_wait3A_338 : memref<1x128xi32, #tpu.memory_space<vmem>> -> memref<128xi32, #tpu.memory_space<vmem>>
    %dma_wait3A_340 = arith.constant 0 : i32
    %dma_wait3A_341 = tpu.memref_slice %arg3[%add3A, %dma_wait3A_335, %dma_wait3A_340] : memref<32x80x128xi32, #tpu.memory_space<hbm>> -> memref<1x1x128xi32, #tpu.memory_space<hbm>>
    %dma_wait3A_342 = tpu.memref_squeeze %dma_wait3A_341 : memref<1x1x128xi32, #tpu.memory_space<hbm>> -> memref<128xi32, #tpu.memory_space<hbm>>
    %dma_wait3A_343 = arith.constant 0 : i32
    %dma_wait3A_344 = tpu.memref_slice %arg9[%dma_wait3A_336, %dma_wait3A_343] : memref<4x128xi32, #tpu.memory_space<vmem>> -> memref<1x128xi32, #tpu.memory_space<vmem>>
    %dma_wait3A_345 = tpu.memref_squeeze %dma_wait3A_344 : memref<1x128xi32, #tpu.memory_space<vmem>> -> memref<128xi32, #tpu.memory_space<vmem>>
    %dma_wait3A_346 = arith.constant 0 : i32
    %dma_wait3A_347 = tpu.memref_slice %arg3[%add3A, %dma_wait3A_335, %dma_wait3A_346] : memref<32x80x128xi32, #tpu.memory_space<hbm>> -> memref<1x1x128xi32, #tpu.memory_space<hbm>>
    %dma_wait3A_348 = tpu.memref_squeeze %dma_wait3A_347 : memref<1x1x128xi32, #tpu.memory_space<hbm>> -> memref<128xi32, #tpu.memory_space<hbm>>
    tpu.wait_dma2 semaphore(%arg19 : memref<!tpu.dma_semaphore, #tpu.memory_space<semaphore_mem>>) src(%dma_wait3A_348 : memref<128xi32, #tpu.memory_space<hbm>>) dst(%dma_wait3A_345 : memref<128xi32, #tpu.memory_space<vmem>>)
    %barrier3A_349 = arith.constant 0 : index
    tpu.barrier barrier_id(%barrier3A_349)
    %eq3A_350 = arith.constant 0 : i32
    %eq3A_351 = arith.cmpi eq, %arg0, %eq3A_350 : i32
    %convert_element_type3A_352 = arith.extui %eq3A_351 : i1 to i32
    %cond3A_353 = arith.constant 0 : i32
    %cond3A_354 = arith.cmpi ne, %convert_element_type3A_352, %cond3A_353 : i32
    scf.if %cond3A_354 {
      "tpu.region"() ({
        %run_scoped3A = tpu.sem_alloc : memref<!tpu.dma_semaphore, #tpu.memory_space<semaphore_mem>>
        %dma_start3A_360 = arith.constant 0 : i32
        %dma_start3A_361 = tpu.memref_slice %arg6[%mul3A_2, %dma_start3A_360] : memref<10112x128xf32, #tpu.memory_space<hbm>> -> memref<632x128xf32, #tpu.memory_space<hbm>>
        %dma_start3A_362 = arith.constant 0 : i32
        %dma_start3A_363 = tpu.memref_slice %arg12[%mul3A_2, %dma_start3A_362] : memref<10112x128xf32, #tpu.memory_space<vmem_shared>> -> memref<632x128xf32, #tpu.memory_space<vmem_shared>>
        tpu.enqueue_dma source(%dma_start3A_363 : memref<632x128xf32, #tpu.memory_space<vmem_shared>>) target(%dma_start3A_361 : memref<632x128xf32, #tpu.memory_space<hbm>>) target_semaphore(%run_scoped3A : memref<!tpu.dma_semaphore, #tpu.memory_space<semaphore_mem>>)
        %dma_wait3A_364 = arith.constant 0 : i32
        %dma_wait3A_365 = tpu.memref_slice %arg6[%mul3A_2, %dma_wait3A_364] : memref<10112x128xf32, #tpu.memory_space<hbm>> -> memref<632x128xf32, #tpu.memory_space<hbm>>
        %dma_wait3A_366 = arith.constant 0 : i32
        %dma_wait3A_367 = tpu.memref_slice %arg12[%mul3A_2, %dma_wait3A_366] : memref<10112x128xf32, #tpu.memory_space<vmem_shared>> -> memref<632x128xf32, #tpu.memory_space<vmem_shared>>
        tpu.wait_dma2 semaphore(%run_scoped3A : memref<!tpu.dma_semaphore, #tpu.memory_space<semaphore_mem>>) src(%dma_wait3A_367 : memref<632x128xf32, #tpu.memory_space<vmem_shared>>) dst(%dma_wait3A_365 : memref<632x128xf32, #tpu.memory_space<hbm>>)
        tpu.yield
      }) : () -> ()
    } else {
    }
    %ne3A_355 = arith.constant 0 : i32
    %ne3A_356 = arith.cmpi ne, %arg0, %ne3A_355 : i32
    %convert_element_type3A_357 = arith.extui %ne3A_356 : i1 to i32
    %cond3A_358 = arith.constant 0 : i32
    %cond3A_359 = arith.cmpi ne, %convert_element_type3A_357, %cond3A_358 : i32
    scf.if %cond3A_359 {
      "tpu.region"() ({
        %run_scoped3A = tpu.sem_alloc : memref<!tpu.dma_semaphore, #tpu.memory_space<semaphore_mem>>
        %dma_start3A_360 = arith.constant 0 : i32
        %dma_start3A_361 = tpu.memref_slice %arg7[%mul3A_2, %dma_start3A_360] : memref<10112x128xf32, #tpu.memory_space<hbm>> -> memref<632x128xf32, #tpu.memory_space<hbm>>
        %dma_start3A_362 = arith.constant 0 : i32
        %dma_start3A_363 = tpu.memref_slice %arg12[%mul3A_2, %dma_start3A_362] : memref<10112x128xf32, #tpu.memory_space<vmem_shared>> -> memref<632x128xf32, #tpu.memory_space<vmem_shared>>
        tpu.enqueue_dma source(%dma_start3A_363 : memref<632x128xf32, #tpu.memory_space<vmem_shared>>) target(%dma_start3A_361 : memref<632x128xf32, #tpu.memory_space<hbm>>) target_semaphore(%run_scoped3A : memref<!tpu.dma_semaphore, #tpu.memory_space<semaphore_mem>>)
        %dma_wait3A_364 = arith.constant 0 : i32
        %dma_wait3A_365 = tpu.memref_slice %arg7[%mul3A_2, %dma_wait3A_364] : memref<10112x128xf32, #tpu.memory_space<hbm>> -> memref<632x128xf32, #tpu.memory_space<hbm>>
        %dma_wait3A_366 = arith.constant 0 : i32
        %dma_wait3A_367 = tpu.memref_slice %arg12[%mul3A_2, %dma_wait3A_366] : memref<10112x128xf32, #tpu.memory_space<vmem_shared>> -> memref<632x128xf32, #tpu.memory_space<vmem_shared>>
        tpu.wait_dma2 semaphore(%run_scoped3A : memref<!tpu.dma_semaphore, #tpu.memory_space<semaphore_mem>>) src(%dma_wait3A_367 : memref<632x128xf32, #tpu.memory_space<vmem_shared>>) dst(%dma_wait3A_365 : memref<632x128xf32, #tpu.memory_space<hbm>>)
        tpu.yield
      }) : () -> ()
    } else {
    }
    return
  }
}

#map = affine_map<(d0, d1) -> (0, 0, 0)>
#map1 = affine_map<(d0, d1) -> (0, 0)>
module attributes {stable_mosaic.version = 14 : i64} {
  func.func @agg(%arg0: i32, %arg1: i32, %arg2: memref<32x80x128xi32, #tpu.memory_space<hbm>>, %arg3: memref<32x80x128xi32, #tpu.memory_space<hbm>>, %arg4: memref<10112x128xf32, #tpu.memory_space<hbm>>, %arg5: memref<10112x128xf32, #tpu.memory_space<hbm>>, %arg6: memref<10112x128xf32, #tpu.memory_space<hbm>>, %arg7: memref<10112x128xf32, #tpu.memory_space<hbm>>, %arg8: memref<80x128xi32, #tpu.memory_space<vmem>>, %arg9: memref<4x128xi32, #tpu.memory_space<vmem>>, %arg10: memref<128x128xf32, #tpu.memory_space<vmem>>, %arg11: memref<128x128xf32, #tpu.memory_space<vmem>>, %arg12: memref<10112x128xf32, #tpu.memory_space<vmem_shared>>, %arg13: memref<!tpu.dma_semaphore, #tpu.memory_space<semaphore_mem>>, %arg14: memref<!tpu.dma_semaphore, #tpu.memory_space<semaphore_mem>>, %arg15: memref<!tpu.dma_semaphore, #tpu.memory_space<semaphore_mem>>, %arg16: memref<!tpu.dma_semaphore, #tpu.memory_space<semaphore_mem>>, %arg17: memref<!tpu.dma_semaphore, #tpu.memory_space<semaphore_mem>>, %arg18: memref<!tpu.dma_semaphore, #tpu.memory_space<semaphore_mem>>, %arg19: memref<!tpu.dma_semaphore, #tpu.memory_space<semaphore_mem>>, %arg20: memref<!tpu.dma_semaphore, #tpu.memory_space<semaphore_mem>>) attributes {dimension_semantics = [#tpu.dimension_semantics<core_parallel>, #tpu.dimension_semantics<subcore_parallel>], iteration_bounds = array<i64: 2, 16>, scalar_prefetch = 0 : i64, scratch_operands = 13 : i64, tpu.core_type = #tpu.core_type<sc_vector_subcore>, window_params = [{transform_indices = #map}, {transform_indices = #map}, {transform_indices = #map1}, {transform_indices = #map1}, {transform_indices = #map1}, {transform_indices = #map1}]} {
    %mul3A = arith.constant 16 : i32
    %mul3A_0 = arith.muli %arg0, %mul3A : i32
    %add3A = arith.addi %mul3A_0, %arg1 : i32
    %mul3A_1 = arith.constant 632 : i32
    %mul3A_2 = arith.muli %arg1, %mul3A_1 : i32
    "tpu.region"() ({
      %run_scoped3A = tpu.sem_alloc : memref<!tpu.dma_semaphore, #tpu.memory_space<semaphore_mem>>
      %dma_start3A_360 = arith.constant 0 : i32
      %dma_start3A_361 = arith.constant 0 : i32
      %dma_start3A_362 = tpu.memref_slice %arg2[%add3A, %dma_start3A_360, %dma_start3A_361] : memref<32x80x128xi32, #tpu.memory_space<hbm>> -> memref<1x80x128xi32, #tpu.memory_space<hbm>>
      %dma_start3A_363 = tpu.memref_squeeze %dma_start3A_362 : memref<1x80x128xi32, #tpu.memory_space<hbm>> -> memref<80x128xi32, #tpu.memory_space<hbm>>
      %dma_start3A_364 = arith.constant 0 : i32
      %dma_start3A_365 = arith.constant 0 : i32
      %dma_start3A_366 = tpu.memref_slice %arg2[%add3A, %dma_start3A_364, %dma_start3A_365] : memref<32x80x128xi32, #tpu.memory_space<hbm>> -> memref<1x80x128xi32, #tpu.memory_space<hbm>>
      %dma_start3A_367 = tpu.memref_squeeze %dma_start3A_366 : memref<1x80x128xi32, #tpu.memory_space<hbm>> -> memref<80x128xi32, #tpu.memory_space<hbm>>
      tpu.enqueue_dma source(%dma_start3A_367 : memref<80x128xi32, #tpu.memory_space<hbm>>) target(%arg8 : memref<80x128xi32, #tpu.memory_space<vmem>>) target_semaphore(%run_scoped3A : memref<!tpu.dma_semaphore, #tpu.memory_space<semaphore_mem>>)
      %dma_wait3A_368 = arith.constant 0 : i32
      %dma_wait3A_369 = arith.constant 0 : i32
      %dma_wait3A_370 = tpu.memref_slice %arg2[%add3A, %dma_wait3A_368, %dma_wait3A_369] : memref<32x80x128xi32, #tpu.memory_space<hbm>> -> memref<1x80x128xi32, #tpu.memory_space<hbm>>
      %dma_wait3A_371 = tpu.memref_squeeze %dma_wait3A_370 : memref<1x80x128xi32, #tpu.memory_space<hbm>> -> memref<80x128xi32, #tpu.memory_space<hbm>>
      %dma_wait3A_372 = arith.constant 0 : i32
      %dma_wait3A_373 = arith.constant 0 : i32
      %dma_wait3A_374 = tpu.memref_slice %arg2[%add3A, %dma_wait3A_372, %dma_wait3A_373] : memref<32x80x128xi32, #tpu.memory_space<hbm>> -> memref<1x80x128xi32, #tpu.memory_space<hbm>>
      %dma_wait3A_375 = tpu.memref_squeeze %dma_wait3A_374 : memref<1x80x128xi32, #tpu.memory_space<hbm>> -> memref<80x128xi32, #tpu.memory_space<hbm>>
      tpu.wait_dma2 semaphore(%run_scoped3A : memref<!tpu.dma_semaphore, #tpu.memory_space<semaphore_mem>>) src(%dma_wait3A_375 : memref<80x128xi32, #tpu.memory_space<hbm>>) dst(%arg8 : memref<80x128xi32, #tpu.memory_space<vmem>>)
      tpu.yield
    }) : () -> ()
    %eq3A = arith.constant 0 : i32
    %eq3A_3 = arith.cmpi eq, %arg0, %eq3A : i32
    %convert_element_type3A = arith.extui %eq3A_3 : i1 to i32
    %cond3A = arith.constant 0 : i32
    %cond3A_4 = arith.cmpi ne, %convert_element_type3A, %cond3A : i32
    scf.if %cond3A_4 {
      "tpu.region"() ({
        %run_scoped3A = tpu.sem_alloc : memref<!tpu.dma_semaphore, #tpu.memory_space<semaphore_mem>>
        %dma_start3A_360 = arith.constant 0 : i32
        %dma_start3A_361 = tpu.memref_slice %arg12[%mul3A_2, %dma_start3A_360] : memref<10112x128xf32, #tpu.memory_space<vmem_shared>> -> memref<632x128xf32, #tpu.memory_space<vmem_shared>>
        %dma_start3A_362 = arith.constant 0 : i32
        %dma_start3A_363 = tpu.memref_slice %arg4[%mul3A_2, %dma_start3A_362] : memref<10112x128xf32, #tpu.memory_space<hbm>> -> memref<632x128xf32, #tpu.memory_space<hbm>>
        tpu.enqueue_dma source(%dma_start3A_363 : memref<632x128xf32, #tpu.memory_space<hbm>>) target(%dma_start3A_361 : memref<632x128xf32, #tpu.memory_space<vmem_shared>>) target_semaphore(%run_scoped3A : memref<!tpu.dma_semaphore, #tpu.memory_space<semaphore_mem>>)
        %dma_wait3A_364 = arith.constant 0 : i32
        %dma_wait3A_365 = tpu.memref_slice %arg12[%mul3A_2, %dma_wait3A_364] : memref<10112x128xf32, #tpu.memory_space<vmem_shared>> -> memref<632x128xf32, #tpu.memory_space<vmem_shared>>
        %dma_wait3A_366 = arith.constant 0 : i32
        %dma_wait3A_367 = tpu.memref_slice %arg4[%mul3A_2, %dma_wait3A_366] : memref<10112x128xf32, #tpu.memory_space<hbm>> -> memref<632x128xf32, #tpu.memory_space<hbm>>
        tpu.wait_dma2 semaphore(%run_scoped3A : memref<!tpu.dma_semaphore, #tpu.memory_space<semaphore_mem>>) src(%dma_wait3A_367 : memref<632x128xf32, #tpu.memory_space<hbm>>) dst(%dma_wait3A_365 : memref<632x128xf32, #tpu.memory_space<vmem_shared>>)
        tpu.yield
      }) : () -> ()
    } else {
    }
    %ne3A = arith.constant 0 : i32
    %ne3A_5 = arith.cmpi ne, %arg0, %ne3A : i32
    %convert_element_type3A_6 = arith.extui %ne3A_5 : i1 to i32
    %cond3A_7 = arith.constant 0 : i32
    %cond3A_8 = arith.cmpi ne, %convert_element_type3A_6, %cond3A_7 : i32
    scf.if %cond3A_8 {
      "tpu.region"() ({
        %run_scoped3A = tpu.sem_alloc : memref<!tpu.dma_semaphore, #tpu.memory_space<semaphore_mem>>
        %dma_start3A_360 = arith.constant 0 : i32
        %dma_start3A_361 = tpu.memref_slice %arg12[%mul3A_2, %dma_start3A_360] : memref<10112x128xf32, #tpu.memory_space<vmem_shared>> -> memref<632x128xf32, #tpu.memory_space<vmem_shared>>
        %dma_start3A_362 = arith.constant 0 : i32
        %dma_start3A_363 = tpu.memref_slice %arg5[%mul3A_2, %dma_start3A_362] : memref<10112x128xf32, #tpu.memory_space<hbm>> -> memref<632x128xf32, #tpu.memory_space<hbm>>
        tpu.enqueue_dma source(%dma_start3A_363 : memref<632x128xf32, #tpu.memory_space<hbm>>) target(%dma_start3A_361 : memref<632x128xf32, #tpu.memory_space<vmem_shared>>) target_semaphore(%run_scoped3A : memref<!tpu.dma_semaphore, #tpu.memory_space<semaphore_mem>>)
        %dma_wait3A_364 = arith.constant 0 : i32
        %dma_wait3A_365 = tpu.memref_slice %arg12[%mul3A_2, %dma_wait3A_364] : memref<10112x128xf32, #tpu.memory_space<vmem_shared>> -> memref<632x128xf32, #tpu.memory_space<vmem_shared>>
        %dma_wait3A_366 = arith.constant 0 : i32
        %dma_wait3A_367 = tpu.memref_slice %arg5[%mul3A_2, %dma_wait3A_366] : memref<10112x128xf32, #tpu.memory_space<hbm>> -> memref<632x128xf32, #tpu.memory_space<hbm>>
        tpu.wait_dma2 semaphore(%run_scoped3A : memref<!tpu.dma_semaphore, #tpu.memory_space<semaphore_mem>>) src(%dma_wait3A_367 : memref<632x128xf32, #tpu.memory_space<hbm>>) dst(%dma_wait3A_365 : memref<632x128xf32, #tpu.memory_space<vmem_shared>>)
        tpu.yield
      }) : () -> ()
    } else {
    }
    %barrier3A = arith.constant 0 : index
    tpu.barrier barrier_id(%barrier3A)
    %dma_start3A = arith.constant 0 : i32
    %dma_start3A_9 = arith.constant 0 : i32
    %dma_start3A_10 = arith.constant 0 : i32
    %dma_start3A_11 = tpu.memref_slice %arg9[%dma_start3A_9, %dma_start3A_10] : memref<4x128xi32, #tpu.memory_space<vmem>> -> memref<1x128xi32, #tpu.memory_space<vmem>>
    %dma_start3A_12 = tpu.memref_squeeze %dma_start3A_11 : memref<1x128xi32, #tpu.memory_space<vmem>> -> memref<128xi32, #tpu.memory_space<vmem>>
    %dma_start3A_13 = arith.constant 0 : i32
    %dma_start3A_14 = tpu.memref_slice %arg3[%add3A, %dma_start3A, %dma_start3A_13] : memref<32x80x128xi32, #tpu.memory_space<hbm>> -> memref<1x1x128xi32, #tpu.memory_space<hbm>>
    %dma_start3A_15 = tpu.memref_squeeze %dma_start3A_14 : memref<1x1x128xi32, #tpu.memory_space<hbm>> -> memref<128xi32, #tpu.memory_space<hbm>>
    %dma_start3A_16 = arith.constant 0 : i32
    %dma_start3A_17 = tpu.memref_slice %arg9[%dma_start3A_9, %dma_start3A_16] : memref<4x128xi32, #tpu.memory_space<vmem>> -> memref<1x128xi32, #tpu.memory_space<vmem>>
    %dma_start3A_18 = tpu.memref_squeeze %dma_start3A_17 : memref<1x128xi32, #tpu.memory_space<vmem>> -> memref<128xi32, #tpu.memory_space<vmem>>
    %dma_start3A_19 = arith.constant 0 : i32
    %dma_start3A_20 = tpu.memref_slice %arg3[%add3A, %dma_start3A, %dma_start3A_19] : memref<32x80x128xi32, #tpu.memory_space<hbm>> -> memref<1x1x128xi32, #tpu.memory_space<hbm>>
    %dma_start3A_21 = tpu.memref_squeeze %dma_start3A_20 : memref<1x1x128xi32, #tpu.memory_space<hbm>> -> memref<128xi32, #tpu.memory_space<hbm>>
    tpu.enqueue_dma source(%dma_start3A_21 : memref<128xi32, #tpu.memory_space<hbm>>) target(%dma_start3A_18 : memref<128xi32, #tpu.memory_space<vmem>>) target_semaphore(%arg17 : memref<!tpu.dma_semaphore, #tpu.memory_space<semaphore_mem>>)
    %dma_start3A_22 = arith.constant 1 : i32
    %dma_start3A_23 = arith.constant 1 : i32
    %dma_start3A_24 = arith.constant 0 : i32
    %dma_start3A_25 = tpu.memref_slice %arg9[%dma_start3A_23, %dma_start3A_24] : memref<4x128xi32, #tpu.memory_space<vmem>> -> memref<1x128xi32, #tpu.memory_space<vmem>>
    %dma_start3A_26 = tpu.memref_squeeze %dma_start3A_25 : memref<1x128xi32, #tpu.memory_space<vmem>> -> memref<128xi32, #tpu.memory_space<vmem>>
    %dma_start3A_27 = arith.constant 0 : i32
    %dma_start3A_28 = tpu.memref_slice %arg3[%add3A, %dma_start3A_22, %dma_start3A_27] : memref<32x80x128xi32, #tpu.memory_space<hbm>> -> memref<1x1x128xi32, #tpu.memory_space<hbm>>
    %dma_start3A_29 = tpu.memref_squeeze %dma_start3A_28 : memref<1x1x128xi32, #tpu.memory_space<hbm>> -> memref<128xi32, #tpu.memory_space<hbm>>
    %dma_start3A_30 = arith.constant 0 : i32
    %dma_start3A_31 = tpu.memref_slice %arg9[%dma_start3A_23, %dma_start3A_30] : memref<4x128xi32, #tpu.memory_space<vmem>> -> memref<1x128xi32, #tpu.memory_space<vmem>>
    %dma_start3A_32 = tpu.memref_squeeze %dma_start3A_31 : memref<1x128xi32, #tpu.memory_space<vmem>> -> memref<128xi32, #tpu.memory_space<vmem>>
    %dma_start3A_33 = arith.constant 0 : i32
    %dma_start3A_34 = tpu.memref_slice %arg3[%add3A, %dma_start3A_22, %dma_start3A_33] : memref<32x80x128xi32, #tpu.memory_space<hbm>> -> memref<1x1x128xi32, #tpu.memory_space<hbm>>
    %dma_start3A_35 = tpu.memref_squeeze %dma_start3A_34 : memref<1x1x128xi32, #tpu.memory_space<hbm>> -> memref<128xi32, #tpu.memory_space<hbm>>
    tpu.enqueue_dma source(%dma_start3A_35 : memref<128xi32, #tpu.memory_space<hbm>>) target(%dma_start3A_32 : memref<128xi32, #tpu.memory_space<vmem>>) target_semaphore(%arg18 : memref<!tpu.dma_semaphore, #tpu.memory_space<semaphore_mem>>)
    %dma_start3A_36 = arith.constant 2 : i32
    %dma_start3A_37 = arith.constant 2 : i32
    %dma_start3A_38 = arith.constant 0 : i32
    %dma_start3A_39 = tpu.memref_slice %arg9[%dma_start3A_37, %dma_start3A_38] : memref<4x128xi32, #tpu.memory_space<vmem>> -> memref<1x128xi32, #tpu.memory_space<vmem>>
    %dma_start3A_40 = tpu.memref_squeeze %dma_start3A_39 : memref<1x128xi32, #tpu.memory_space<vmem>> -> memref<128xi32, #tpu.memory_space<vmem>>
    %dma_start3A_41 = arith.constant 0 : i32
    %dma_start3A_42 = tpu.memref_slice %arg3[%add3A, %dma_start3A_36, %dma_start3A_41] : memref<32x80x128xi32, #tpu.memory_space<hbm>> -> memref<1x1x128xi32, #tpu.memory_space<hbm>>
    %dma_start3A_43 = tpu.memref_squeeze %dma_start3A_42 : memref<1x1x128xi32, #tpu.memory_space<hbm>> -> memref<128xi32, #tpu.memory_space<hbm>>
    %dma_start3A_44 = arith.constant 0 : i32
    %dma_start3A_45 = tpu.memref_slice %arg9[%dma_start3A_37, %dma_start3A_44] : memref<4x128xi32, #tpu.memory_space<vmem>> -> memref<1x128xi32, #tpu.memory_space<vmem>>
    %dma_start3A_46 = tpu.memref_squeeze %dma_start3A_45 : memref<1x128xi32, #tpu.memory_space<vmem>> -> memref<128xi32, #tpu.memory_space<vmem>>
    %dma_start3A_47 = arith.constant 0 : i32
    %dma_start3A_48 = tpu.memref_slice %arg3[%add3A, %dma_start3A_36, %dma_start3A_47] : memref<32x80x128xi32, #tpu.memory_space<hbm>> -> memref<1x1x128xi32, #tpu.memory_space<hbm>>
    %dma_start3A_49 = tpu.memref_squeeze %dma_start3A_48 : memref<1x1x128xi32, #tpu.memory_space<hbm>> -> memref<128xi32, #tpu.memory_space<hbm>>
    tpu.enqueue_dma source(%dma_start3A_49 : memref<128xi32, #tpu.memory_space<hbm>>) target(%dma_start3A_46 : memref<128xi32, #tpu.memory_space<vmem>>) target_semaphore(%arg19 : memref<!tpu.dma_semaphore, #tpu.memory_space<semaphore_mem>>)
    %dma_start3A_50 = arith.constant 0 : i32
    %dma_start3A_51 = arith.constant 0 : i32
    %dma_start3A_52 = tpu.memref_slice %arg8[%dma_start3A_50, %dma_start3A_51] : memref<80x128xi32, #tpu.memory_space<vmem>> -> memref<1x128xi32, #tpu.memory_space<vmem>>
    %dma_start3A_53 = tpu.memref_squeeze %dma_start3A_52 : memref<1x128xi32, #tpu.memory_space<vmem>> -> memref<128xi32, #tpu.memory_space<vmem>>
    %dma_start3A_54 = arith.constant 0 : i32
    %dma_start3A_55 = arith.constant 0 : i32
    %dma_start3A_56 = tpu.memref_slice %arg4[%dma_start3A_54, %dma_start3A_55] : memref<10112x128xf32, #tpu.memory_space<hbm>> -> memref<10112x128xf32, #tpu.memory_space<hbm>>
    tpu.enqueue_indirect_dma source(%dma_start3A_56 : memref<10112x128xf32, #tpu.memory_space<hbm>>) target(%arg10 : memref<128x128xf32, #tpu.memory_space<vmem>>) offsets(%dma_start3A_53 : memref<128xi32, #tpu.memory_space<vmem>>) semaphore(%arg13 : memref<!tpu.dma_semaphore, #tpu.memory_space<semaphore_mem>>)
    %dma_wait3A = arith.constant 0 : i32
    %dma_wait3A_57 = arith.constant 0 : i32
    %dma_wait3A_58 = tpu.memref_slice %arg8[%dma_wait3A, %dma_wait3A_57] : memref<80x128xi32, #tpu.memory_space<vmem>> -> memref<1x128xi32, #tpu.memory_space<vmem>>
    %dma_wait3A_59 = tpu.memref_squeeze %dma_wait3A_58 : memref<1x128xi32, #tpu.memory_space<vmem>> -> memref<128xi32, #tpu.memory_space<vmem>>
    %dma_wait3A_60 = arith.constant 0 : i32
    %dma_wait3A_61 = arith.constant 0 : i32
    %dma_wait3A_62 = tpu.memref_slice %arg4[%dma_wait3A_60, %dma_wait3A_61] : memref<10112x128xf32, #tpu.memory_space<hbm>> -> memref<10112x128xf32, #tpu.memory_space<hbm>>
    tpu.wait_indirect_dma semaphore(%arg13 : memref<!tpu.dma_semaphore, #tpu.memory_space<semaphore_mem>>) src(%dma_wait3A_62 : memref<10112x128xf32, #tpu.memory_space<hbm>>) dst(%arg10 : memref<128x128xf32, #tpu.memory_space<vmem>>)
    %dma_wait3A_63 = arith.constant 0 : i32
    %dma_wait3A_64 = arith.constant 0 : i32
    %dma_wait3A_65 = arith.constant 0 : i32
    %dma_wait3A_66 = tpu.memref_slice %arg9[%dma_wait3A_64, %dma_wait3A_65] : memref<4x128xi32, #tpu.memory_space<vmem>> -> memref<1x128xi32, #tpu.memory_space<vmem>>
    %dma_wait3A_67 = tpu.memref_squeeze %dma_wait3A_66 : memref<1x128xi32, #tpu.memory_space<vmem>> -> memref<128xi32, #tpu.memory_space<vmem>>
    %dma_wait3A_68 = arith.constant 0 : i32
    %dma_wait3A_69 = tpu.memref_slice %arg3[%add3A, %dma_wait3A_63, %dma_wait3A_68] : memref<32x80x128xi32, #tpu.memory_space<hbm>> -> memref<1x1x128xi32, #tpu.memory_space<hbm>>
    %dma_wait3A_70 = tpu.memref_squeeze %dma_wait3A_69 : memref<1x1x128xi32, #tpu.memory_space<hbm>> -> memref<128xi32, #tpu.memory_space<hbm>>
    %dma_wait3A_71 = arith.constant 0 : i32
    %dma_wait3A_72 = tpu.memref_slice %arg9[%dma_wait3A_64, %dma_wait3A_71] : memref<4x128xi32, #tpu.memory_space<vmem>> -> memref<1x128xi32, #tpu.memory_space<vmem>>
    %dma_wait3A_73 = tpu.memref_squeeze %dma_wait3A_72 : memref<1x128xi32, #tpu.memory_space<vmem>> -> memref<128xi32, #tpu.memory_space<vmem>>
    %dma_wait3A_74 = arith.constant 0 : i32
    %dma_wait3A_75 = tpu.memref_slice %arg3[%add3A, %dma_wait3A_63, %dma_wait3A_74] : memref<32x80x128xi32, #tpu.memory_space<hbm>> -> memref<1x1x128xi32, #tpu.memory_space<hbm>>
    %dma_wait3A_76 = tpu.memref_squeeze %dma_wait3A_75 : memref<1x1x128xi32, #tpu.memory_space<hbm>> -> memref<128xi32, #tpu.memory_space<hbm>>
    tpu.wait_dma2 semaphore(%arg17 : memref<!tpu.dma_semaphore, #tpu.memory_space<semaphore_mem>>) src(%dma_wait3A_76 : memref<128xi32, #tpu.memory_space<hbm>>) dst(%dma_wait3A_73 : memref<128xi32, #tpu.memory_space<vmem>>)
    %dma_start3A_77 = arith.constant 0 : i32
    %dma_start3A_78 = arith.constant 0 : i32
    %dma_start3A_79 = tpu.memref_slice %arg9[%dma_start3A_77, %dma_start3A_78] : memref<4x128xi32, #tpu.memory_space<vmem>> -> memref<1x128xi32, #tpu.memory_space<vmem>>
    %dma_start3A_80 = tpu.memref_squeeze %dma_start3A_79 : memref<1x128xi32, #tpu.memory_space<vmem>> -> memref<128xi32, #tpu.memory_space<vmem>>
    %dma_start3A_81 = arith.constant 0 : i32
    %dma_start3A_82 = arith.constant 0 : i32
    %dma_start3A_83 = tpu.memref_slice %arg12[%dma_start3A_81, %dma_start3A_82] : memref<10112x128xf32, #tpu.memory_space<vmem_shared>> -> memref<10112x128xf32, #tpu.memory_space<vmem_shared>>
    tpu.enqueue_indirect_dma source(%arg10 : memref<128x128xf32, #tpu.memory_space<vmem>>) target(%dma_start3A_83 : memref<10112x128xf32, #tpu.memory_space<vmem_shared>>) offsets(%dma_start3A_80 : memref<128xi32, #tpu.memory_space<vmem>>) semaphore(%arg15 : memref<!tpu.dma_semaphore, #tpu.memory_space<semaphore_mem>>) {add = true}
    %rem3A = arith.constant 1 : i32
    %rem3A_84 = arith.constant 80 : i32
    %rem3A_85 = arith.remsi %rem3A, %rem3A_84 : i32
    %dma_start3A_86 = arith.constant 0 : i32
    %dma_start3A_87 = tpu.memref_slice %arg8[%rem3A_85, %dma_start3A_86] : memref<80x128xi32, #tpu.memory_space<vmem>> -> memref<1x128xi32, #tpu.memory_space<vmem>>
    %dma_start3A_88 = tpu.memref_squeeze %dma_start3A_87 : memref<1x128xi32, #tpu.memory_space<vmem>> -> memref<128xi32, #tpu.memory_space<vmem>>
    %dma_start3A_89 = arith.constant 0 : i32
    %dma_start3A_90 = arith.constant 0 : i32
    %dma_start3A_91 = tpu.memref_slice %arg4[%dma_start3A_89, %dma_start3A_90] : memref<10112x128xf32, #tpu.memory_space<hbm>> -> memref<10112x128xf32, #tpu.memory_space<hbm>>
    tpu.enqueue_indirect_dma source(%dma_start3A_91 : memref<10112x128xf32, #tpu.memory_space<hbm>>) target(%arg11 : memref<128x128xf32, #tpu.memory_space<vmem>>) offsets(%dma_start3A_88 : memref<128xi32, #tpu.memory_space<vmem>>) semaphore(%arg14 : memref<!tpu.dma_semaphore, #tpu.memory_space<semaphore_mem>>)
    %rem3A_92 = arith.constant 3 : i32
    %rem3A_93 = arith.constant 80 : i32
    %rem3A_94 = arith.remsi %rem3A_92, %rem3A_93 : i32
    %dma_start3A_95 = arith.constant 3 : i32
    %dma_start3A_96 = arith.constant 0 : i32
    %dma_start3A_97 = tpu.memref_slice %arg9[%dma_start3A_95, %dma_start3A_96] : memref<4x128xi32, #tpu.memory_space<vmem>> -> memref<1x128xi32, #tpu.memory_space<vmem>>
    %dma_start3A_98 = tpu.memref_squeeze %dma_start3A_97 : memref<1x128xi32, #tpu.memory_space<vmem>> -> memref<128xi32, #tpu.memory_space<vmem>>
    %dma_start3A_99 = arith.constant 0 : i32
    %dma_start3A_100 = tpu.memref_slice %arg3[%add3A, %rem3A_94, %dma_start3A_99] : memref<32x80x128xi32, #tpu.memory_space<hbm>> -> memref<1x1x128xi32, #tpu.memory_space<hbm>>
    %dma_start3A_101 = tpu.memref_squeeze %dma_start3A_100 : memref<1x1x128xi32, #tpu.memory_space<hbm>> -> memref<128xi32, #tpu.memory_space<hbm>>
    %dma_start3A_102 = arith.constant 0 : i32
    %dma_start3A_103 = tpu.memref_slice %arg9[%dma_start3A_95, %dma_start3A_102] : memref<4x128xi32, #tpu.memory_space<vmem>> -> memref<1x128xi32, #tpu.memory_space<vmem>>
    %dma_start3A_104 = tpu.memref_squeeze %dma_start3A_103 : memref<1x128xi32, #tpu.memory_space<vmem>> -> memref<128xi32, #tpu.memory_space<vmem>>
    %dma_start3A_105 = arith.constant 0 : i32
    %dma_start3A_106 = tpu.memref_slice %arg3[%add3A, %rem3A_94, %dma_start3A_105] : memref<32x80x128xi32, #tpu.memory_space<hbm>> -> memref<1x1x128xi32, #tpu.memory_space<hbm>>
    %dma_start3A_107 = tpu.memref_squeeze %dma_start3A_106 : memref<1x1x128xi32, #tpu.memory_space<hbm>> -> memref<128xi32, #tpu.memory_space<hbm>>
    tpu.enqueue_dma source(%dma_start3A_107 : memref<128xi32, #tpu.memory_space<hbm>>) target(%dma_start3A_104 : memref<128xi32, #tpu.memory_space<vmem>>) target_semaphore(%arg20 : memref<!tpu.dma_semaphore, #tpu.memory_space<semaphore_mem>>)
    %dma_wait3A_108 = arith.constant 0 : i32
    %dma_wait3A_109 = arith.constant 0 : i32
    %dma_wait3A_110 = tpu.memref_slice %arg8[%dma_wait3A_108, %dma_wait3A_109] : memref<80x128xi32, #tpu.memory_space<vmem>> -> memref<1x128xi32, #tpu.memory_space<vmem>>
    %dma_wait3A_111 = tpu.memref_squeeze %dma_wait3A_110 : memref<1x128xi32, #tpu.memory_space<vmem>> -> memref<128xi32, #tpu.memory_space<vmem>>
    %dma_wait3A_112 = arith.constant 0 : i32
    %dma_wait3A_113 = arith.constant 0 : i32
    %dma_wait3A_114 = tpu.memref_slice %arg4[%dma_wait3A_112, %dma_wait3A_113] : memref<10112x128xf32, #tpu.memory_space<hbm>> -> memref<10112x128xf32, #tpu.memory_space<hbm>>
    tpu.wait_indirect_dma semaphore(%arg14 : memref<!tpu.dma_semaphore, #tpu.memory_space<semaphore_mem>>) src(%dma_wait3A_114 : memref<10112x128xf32, #tpu.memory_space<hbm>>) dst(%arg11 : memref<128x128xf32, #tpu.memory_space<vmem>>)
    %dma_wait3A_115 = arith.constant 0 : i32
    %dma_wait3A_116 = arith.constant 1 : i32
    %dma_wait3A_117 = arith.constant 0 : i32
    %dma_wait3A_118 = tpu.memref_slice %arg9[%dma_wait3A_116, %dma_wait3A_117] : memref<4x128xi32, #tpu.memory_space<vmem>> -> memref<1x128xi32, #tpu.memory_space<vmem>>
    %dma_wait3A_119 = tpu.memref_squeeze %dma_wait3A_118 : memref<1x128xi32, #tpu.memory_space<vmem>> -> memref<128xi32, #tpu.memory_space<vmem>>
    %dma_wait3A_120 = arith.constant 0 : i32
    %dma_wait3A_121 = tpu.memref_slice %arg3[%add3A, %dma_wait3A_115, %dma_wait3A_120] : memref<32x80x128xi32, #tpu.memory_space<hbm>> -> memref<1x1x128xi32, #tpu.memory_space<hbm>>
    %dma_wait3A_122 = tpu.memref_squeeze %dma_wait3A_121 : memref<1x1x128xi32, #tpu.memory_space<hbm>> -> memref<128xi32, #tpu.memory_space<hbm>>
    %dma_wait3A_123 = arith.constant 0 : i32
    %dma_wait3A_124 = tpu.memref_slice %arg9[%dma_wait3A_116, %dma_wait3A_123] : memref<4x128xi32, #tpu.memory_space<vmem>> -> memref<1x128xi32, #tpu.memory_space<vmem>>
    %dma_wait3A_125 = tpu.memref_squeeze %dma_wait3A_124 : memref<1x128xi32, #tpu.memory_space<vmem>> -> memref<128xi32, #tpu.memory_space<vmem>>
    %dma_wait3A_126 = arith.constant 0 : i32
    %dma_wait3A_127 = tpu.memref_slice %arg3[%add3A, %dma_wait3A_115, %dma_wait3A_126] : memref<32x80x128xi32, #tpu.memory_space<hbm>> -> memref<1x1x128xi32, #tpu.memory_space<hbm>>
    %dma_wait3A_128 = tpu.memref_squeeze %dma_wait3A_127 : memref<1x1x128xi32, #tpu.memory_space<hbm>> -> memref<128xi32, #tpu.memory_space<hbm>>
    tpu.wait_dma2 semaphore(%arg18 : memref<!tpu.dma_semaphore, #tpu.memory_space<semaphore_mem>>) src(%dma_wait3A_128 : memref<128xi32, #tpu.memory_space<hbm>>) dst(%dma_wait3A_125 : memref<128xi32, #tpu.memory_space<vmem>>)
    %dma_start3A_129 = arith.constant 1 : i32
    %dma_start3A_130 = arith.constant 0 : i32
    %dma_start3A_131 = tpu.memref_slice %arg9[%dma_start3A_129, %dma_start3A_130] : memref<4x128xi32, #tpu.memory_space<vmem>> -> memref<1x128xi32, #tpu.memory_space<vmem>>
    %dma_start3A_132 = tpu.memref_squeeze %dma_start3A_131 : memref<1x128xi32, #tpu.memory_space<vmem>> -> memref<128xi32, #tpu.memory_space<vmem>>
    %dma_start3A_133 = arith.constant 0 : i32
    %dma_start3A_134 = arith.constant 0 : i32
    %dma_start3A_135 = tpu.memref_slice %arg12[%dma_start3A_133, %dma_start3A_134] : memref<10112x128xf32, #tpu.memory_space<vmem_shared>> -> memref<10112x128xf32, #tpu.memory_space<vmem_shared>>
    tpu.enqueue_indirect_dma source(%arg11 : memref<128x128xf32, #tpu.memory_space<vmem>>) target(%dma_start3A_135 : memref<10112x128xf32, #tpu.memory_space<vmem_shared>>) offsets(%dma_start3A_132 : memref<128xi32, #tpu.memory_space<vmem>>) semaphore(%arg16 : memref<!tpu.dma_semaphore, #tpu.memory_space<semaphore_mem>>) {add = true}
    %dma_wait3A_136 = arith.constant 0 : i32
    %dma_wait3A_137 = arith.constant 0 : i32
    %dma_wait3A_138 = tpu.memref_slice %arg9[%dma_wait3A_136, %dma_wait3A_137] : memref<4x128xi32, #tpu.memory_space<vmem>> -> memref<1x128xi32, #tpu.memory_space<vmem>>
    %dma_wait3A_139 = tpu.memref_squeeze %dma_wait3A_138 : memref<1x128xi32, #tpu.memory_space<vmem>> -> memref<128xi32, #tpu.memory_space<vmem>>
    %dma_wait3A_140 = arith.constant 0 : i32
    %dma_wait3A_141 = arith.constant 0 : i32
    %dma_wait3A_142 = tpu.memref_slice %arg12[%dma_wait3A_140, %dma_wait3A_141] : memref<10112x128xf32, #tpu.memory_space<vmem_shared>> -> memref<10112x128xf32, #tpu.memory_space<vmem_shared>>
    tpu.wait_indirect_dma semaphore(%arg15 : memref<!tpu.dma_semaphore, #tpu.memory_space<semaphore_mem>>) src(%arg10 : memref<128x128xf32, #tpu.memory_space<vmem>>) dst(%dma_wait3A_142 : memref<10112x128xf32, #tpu.memory_space<vmem_shared>>)
    %rem3A_143 = arith.constant 2 : i32
    %rem3A_144 = arith.constant 80 : i32
    %rem3A_145 = arith.remsi %rem3A_143, %rem3A_144 : i32
    %dma_start3A_146 = arith.constant 0 : i32
    %dma_start3A_147 = tpu.memref_slice %arg8[%rem3A_145, %dma_start3A_146] : memref<80x128xi32, #tpu.memory_space<vmem>> -> memref<1x128xi32, #tpu.memory_space<vmem>>
    %dma_start3A_148 = tpu.memref_squeeze %dma_start3A_147 : memref<1x128xi32, #tpu.memory_space<vmem>> -> memref<128xi32, #tpu.memory_space<vmem>>
    %dma_start3A_149 = arith.constant 0 : i32
    %dma_start3A_150 = arith.constant 0 : i32
    %dma_start3A_151 = tpu.memref_slice %arg4[%dma_start3A_149, %dma_start3A_150] : memref<10112x128xf32, #tpu.memory_space<hbm>> -> memref<10112x128xf32, #tpu.memory_space<hbm>>
    tpu.enqueue_indirect_dma source(%dma_start3A_151 : memref<10112x128xf32, #tpu.memory_space<hbm>>) target(%arg10 : memref<128x128xf32, #tpu.memory_space<vmem>>) offsets(%dma_start3A_148 : memref<128xi32, #tpu.memory_space<vmem>>) semaphore(%arg13 : memref<!tpu.dma_semaphore, #tpu.memory_space<semaphore_mem>>)
    %rem3A_152 = arith.constant 4 : i32
    %rem3A_153 = arith.constant 80 : i32
    %rem3A_154 = arith.remsi %rem3A_152, %rem3A_153 : i32
    %dma_start3A_155 = arith.constant 0 : i32
    %dma_start3A_156 = arith.constant 0 : i32
    %dma_start3A_157 = tpu.memref_slice %arg9[%dma_start3A_155, %dma_start3A_156] : memref<4x128xi32, #tpu.memory_space<vmem>> -> memref<1x128xi32, #tpu.memory_space<vmem>>
    %dma_start3A_158 = tpu.memref_squeeze %dma_start3A_157 : memref<1x128xi32, #tpu.memory_space<vmem>> -> memref<128xi32, #tpu.memory_space<vmem>>
    %dma_start3A_159 = arith.constant 0 : i32
    %dma_start3A_160 = tpu.memref_slice %arg3[%add3A, %rem3A_154, %dma_start3A_159] : memref<32x80x128xi32, #tpu.memory_space<hbm>> -> memref<1x1x128xi32, #tpu.memory_space<hbm>>
    %dma_start3A_161 = tpu.memref_squeeze %dma_start3A_160 : memref<1x1x128xi32, #tpu.memory_space<hbm>> -> memref<128xi32, #tpu.memory_space<hbm>>
    %dma_start3A_162 = arith.constant 0 : i32
    %dma_start3A_163 = tpu.memref_slice %arg9[%dma_start3A_155, %dma_start3A_162] : memref<4x128xi32, #tpu.memory_space<vmem>> -> memref<1x128xi32, #tpu.memory_space<vmem>>
    %dma_start3A_164 = tpu.memref_squeeze %dma_start3A_163 : memref<1x128xi32, #tpu.memory_space<vmem>> -> memref<128xi32, #tpu.memory_space<vmem>>
    %dma_start3A_165 = arith.constant 0 : i32
    %dma_start3A_166 = tpu.memref_slice %arg3[%add3A, %rem3A_154, %dma_start3A_165] : memref<32x80x128xi32, #tpu.memory_space<hbm>> -> memref<1x1x128xi32, #tpu.memory_space<hbm>>
    %dma_start3A_167 = tpu.memref_squeeze %dma_start3A_166 : memref<1x1x128xi32, #tpu.memory_space<hbm>> -> memref<128xi32, #tpu.memory_space<hbm>>
    tpu.enqueue_dma source(%dma_start3A_167 : memref<128xi32, #tpu.memory_space<hbm>>) target(%dma_start3A_164 : memref<128xi32, #tpu.memory_space<vmem>>) target_semaphore(%arg17 : memref<!tpu.dma_semaphore, #tpu.memory_space<semaphore_mem>>)
    %dma_wait3A_168 = arith.constant 0 : i32
    %dma_wait3A_169 = arith.constant 0 : i32
    %dma_wait3A_170 = tpu.memref_slice %arg8[%dma_wait3A_168, %dma_wait3A_169] : memref<80x128xi32, #tpu.memory_space<vmem>> -> memref<1x128xi32, #tpu.memory_space<vmem>>
    %dma_wait3A_171 = tpu.memref_squeeze %dma_wait3A_170 : memref<1x128xi32, #tpu.memory_space<vmem>> -> memref<128xi32, #tpu.memory_space<vmem>>
    %dma_wait3A_172 = arith.constant 0 : i32
    %dma_wait3A_173 = arith.constant 0 : i32
    %dma_wait3A_174 = tpu.memref_slice %arg4[%dma_wait3A_172, %dma_wait3A_173] : memref<10112x128xf32, #tpu.memory_space<hbm>> -> memref<10112x128xf32, #tpu.memory_space<hbm>>
    tpu.wait_indirect_dma semaphore(%arg13 : memref<!tpu.dma_semaphore, #tpu.memory_space<semaphore_mem>>) src(%dma_wait3A_174 : memref<10112x128xf32, #tpu.memory_space<hbm>>) dst(%arg10 : memref<128x128xf32, #tpu.memory_space<vmem>>)
    %dma_wait3A_175 = arith.constant 0 : i32
    %dma_wait3A_176 = arith.constant 2 : i32
    %dma_wait3A_177 = arith.constant 0 : i32
    %dma_wait3A_178 = tpu.memref_slice %arg9[%dma_wait3A_176, %dma_wait3A_177] : memref<4x128xi32, #tpu.memory_space<vmem>> -> memref<1x128xi32, #tpu.memory_space<vmem>>
    %dma_wait3A_179 = tpu.memref_squeeze %dma_wait3A_178 : memref<1x128xi32, #tpu.memory_space<vmem>> -> memref<128xi32, #tpu.memory_space<vmem>>
    %dma_wait3A_180 = arith.constant 0 : i32
    %dma_wait3A_181 = tpu.memref_slice %arg3[%add3A, %dma_wait3A_175, %dma_wait3A_180] : memref<32x80x128xi32, #tpu.memory_space<hbm>> -> memref<1x1x128xi32, #tpu.memory_space<hbm>>
    %dma_wait3A_182 = tpu.memref_squeeze %dma_wait3A_181 : memref<1x1x128xi32, #tpu.memory_space<hbm>> -> memref<128xi32, #tpu.memory_space<hbm>>
    %dma_wait3A_183 = arith.constant 0 : i32
    %dma_wait3A_184 = tpu.memref_slice %arg9[%dma_wait3A_176, %dma_wait3A_183] : memref<4x128xi32, #tpu.memory_space<vmem>> -> memref<1x128xi32, #tpu.memory_space<vmem>>
    %dma_wait3A_185 = tpu.memref_squeeze %dma_wait3A_184 : memref<1x128xi32, #tpu.memory_space<vmem>> -> memref<128xi32, #tpu.memory_space<vmem>>
    %dma_wait3A_186 = arith.constant 0 : i32
    %dma_wait3A_187 = tpu.memref_slice %arg3[%add3A, %dma_wait3A_175, %dma_wait3A_186] : memref<32x80x128xi32, #tpu.memory_space<hbm>> -> memref<1x1x128xi32, #tpu.memory_space<hbm>>
    %dma_wait3A_188 = tpu.memref_squeeze %dma_wait3A_187 : memref<1x1x128xi32, #tpu.memory_space<hbm>> -> memref<128xi32, #tpu.memory_space<hbm>>
    tpu.wait_dma2 semaphore(%arg19 : memref<!tpu.dma_semaphore, #tpu.memory_space<semaphore_mem>>) src(%dma_wait3A_188 : memref<128xi32, #tpu.memory_space<hbm>>) dst(%dma_wait3A_185 : memref<128xi32, #tpu.memory_space<vmem>>)
    %dma_start3A_189 = arith.constant 2 : i32
    %dma_start3A_190 = arith.constant 0 : i32
    %dma_start3A_191 = tpu.memref_slice %arg9[%dma_start3A_189, %dma_start3A_190] : memref<4x128xi32, #tpu.memory_space<vmem>> -> memref<1x128xi32, #tpu.memory_space<vmem>>
    %dma_start3A_192 = tpu.memref_squeeze %dma_start3A_191 : memref<1x128xi32, #tpu.memory_space<vmem>> -> memref<128xi32, #tpu.memory_space<vmem>>
    %dma_start3A_193 = arith.constant 0 : i32
    %dma_start3A_194 = arith.constant 0 : i32
    %dma_start3A_195 = tpu.memref_slice %arg12[%dma_start3A_193, %dma_start3A_194] : memref<10112x128xf32, #tpu.memory_space<vmem_shared>> -> memref<10112x128xf32, #tpu.memory_space<vmem_shared>>
    tpu.enqueue_indirect_dma source(%arg10 : memref<128x128xf32, #tpu.memory_space<vmem>>) target(%dma_start3A_195 : memref<10112x128xf32, #tpu.memory_space<vmem_shared>>) offsets(%dma_start3A_192 : memref<128xi32, #tpu.memory_space<vmem>>) semaphore(%arg15 : memref<!tpu.dma_semaphore, #tpu.memory_space<semaphore_mem>>) {add = true}
    %dma_wait3A_196 = arith.constant 0 : i32
    %dma_wait3A_197 = arith.constant 0 : i32
    %dma_wait3A_198 = tpu.memref_slice %arg9[%dma_wait3A_196, %dma_wait3A_197] : memref<4x128xi32, #tpu.memory_space<vmem>> -> memref<1x128xi32, #tpu.memory_space<vmem>>
    %dma_wait3A_199 = tpu.memref_squeeze %dma_wait3A_198 : memref<1x128xi32, #tpu.memory_space<vmem>> -> memref<128xi32, #tpu.memory_space<vmem>>
    %dma_wait3A_200 = arith.constant 0 : i32
    %dma_wait3A_201 = arith.constant 0 : i32
    %dma_wait3A_202 = tpu.memref_slice %arg12[%dma_wait3A_200, %dma_wait3A_201] : memref<10112x128xf32, #tpu.memory_space<vmem_shared>> -> memref<10112x128xf32, #tpu.memory_space<vmem_shared>>
    tpu.wait_indirect_dma semaphore(%arg16 : memref<!tpu.dma_semaphore, #tpu.memory_space<semaphore_mem>>) src(%arg11 : memref<128x128xf32, #tpu.memory_space<vmem>>) dst(%dma_wait3A_202 : memref<10112x128xf32, #tpu.memory_space<vmem_shared>>)
    %rem3A_203 = arith.constant 3 : i32
    %rem3A_204 = arith.constant 80 : i32
    %rem3A_205 = arith.remsi %rem3A_203, %rem3A_204 : i32
    %dma_start3A_206 = arith.constant 0 : i32
    %dma_start3A_207 = tpu.memref_slice %arg8[%rem3A_205, %dma_start3A_206] : memref<80x128xi32, #tpu.memory_space<vmem>> -> memref<1x128xi32, #tpu.memory_space<vmem>>
    %dma_start3A_208 = tpu.memref_squeeze %dma_start3A_207 : memref<1x128xi32, #tpu.memory_space<vmem>> -> memref<128xi32, #tpu.memory_space<vmem>>
    %dma_start3A_209 = arith.constant 0 : i32
    %dma_start3A_210 = arith.constant 0 : i32
    %dma_start3A_211 = tpu.memref_slice %arg4[%dma_start3A_209, %dma_start3A_210] : memref<10112x128xf32, #tpu.memory_space<hbm>> -> memref<10112x128xf32, #tpu.memory_space<hbm>>
    tpu.enqueue_indirect_dma source(%dma_start3A_211 : memref<10112x128xf32, #tpu.memory_space<hbm>>) target(%arg11 : memref<128x128xf32, #tpu.memory_space<vmem>>) offsets(%dma_start3A_208 : memref<128xi32, #tpu.memory_space<vmem>>) semaphore(%arg14 : memref<!tpu.dma_semaphore, #tpu.memory_space<semaphore_mem>>)
    %rem3A_212 = arith.constant 5 : i32
    %rem3A_213 = arith.constant 80 : i32
    %rem3A_214 = arith.remsi %rem3A_212, %rem3A_213 : i32
    %dma_start3A_215 = arith.constant 1 : i32
    %dma_start3A_216 = arith.constant 0 : i32
    %dma_start3A_217 = tpu.memref_slice %arg9[%dma_start3A_215, %dma_start3A_216] : memref<4x128xi32, #tpu.memory_space<vmem>> -> memref<1x128xi32, #tpu.memory_space<vmem>>
    %dma_start3A_218 = tpu.memref_squeeze %dma_start3A_217 : memref<1x128xi32, #tpu.memory_space<vmem>> -> memref<128xi32, #tpu.memory_space<vmem>>
    %dma_start3A_219 = arith.constant 0 : i32
    %dma_start3A_220 = tpu.memref_slice %arg3[%add3A, %rem3A_214, %dma_start3A_219] : memref<32x80x128xi32, #tpu.memory_space<hbm>> -> memref<1x1x128xi32, #tpu.memory_space<hbm>>
    %dma_start3A_221 = tpu.memref_squeeze %dma_start3A_220 : memref<1x1x128xi32, #tpu.memory_space<hbm>> -> memref<128xi32, #tpu.memory_space<hbm>>
    %dma_start3A_222 = arith.constant 0 : i32
    %dma_start3A_223 = tpu.memref_slice %arg9[%dma_start3A_215, %dma_start3A_222] : memref<4x128xi32, #tpu.memory_space<vmem>> -> memref<1x128xi32, #tpu.memory_space<vmem>>
    %dma_start3A_224 = tpu.memref_squeeze %dma_start3A_223 : memref<1x128xi32, #tpu.memory_space<vmem>> -> memref<128xi32, #tpu.memory_space<vmem>>
    %dma_start3A_225 = arith.constant 0 : i32
    %dma_start3A_226 = tpu.memref_slice %arg3[%add3A, %rem3A_214, %dma_start3A_225] : memref<32x80x128xi32, #tpu.memory_space<hbm>> -> memref<1x1x128xi32, #tpu.memory_space<hbm>>
    %dma_start3A_227 = tpu.memref_squeeze %dma_start3A_226 : memref<1x1x128xi32, #tpu.memory_space<hbm>> -> memref<128xi32, #tpu.memory_space<hbm>>
    tpu.enqueue_dma source(%dma_start3A_227 : memref<128xi32, #tpu.memory_space<hbm>>) target(%dma_start3A_224 : memref<128xi32, #tpu.memory_space<vmem>>) target_semaphore(%arg18 : memref<!tpu.dma_semaphore, #tpu.memory_space<semaphore_mem>>)
    %dma_wait3A_228 = arith.constant 0 : i32
    %dma_wait3A_229 = arith.constant 0 : i32
    %dma_wait3A_230 = tpu.memref_slice %arg8[%dma_wait3A_228, %dma_wait3A_229] : memref<80x128xi32, #tpu.memory_space<vmem>> -> memref<1x128xi32, #tpu.memory_space<vmem>>
    %dma_wait3A_231 = tpu.memref_squeeze %dma_wait3A_230 : memref<1x128xi32, #tpu.memory_space<vmem>> -> memref<128xi32, #tpu.memory_space<vmem>>
    %dma_wait3A_232 = arith.constant 0 : i32
    %dma_wait3A_233 = arith.constant 0 : i32
    %dma_wait3A_234 = tpu.memref_slice %arg4[%dma_wait3A_232, %dma_wait3A_233] : memref<10112x128xf32, #tpu.memory_space<hbm>> -> memref<10112x128xf32, #tpu.memory_space<hbm>>
    tpu.wait_indirect_dma semaphore(%arg14 : memref<!tpu.dma_semaphore, #tpu.memory_space<semaphore_mem>>) src(%dma_wait3A_234 : memref<10112x128xf32, #tpu.memory_space<hbm>>) dst(%arg11 : memref<128x128xf32, #tpu.memory_space<vmem>>)
    %dma_wait3A_235 = arith.constant 0 : i32
    %dma_wait3A_236 = arith.constant 3 : i32
    %dma_wait3A_237 = arith.constant 0 : i32
    %dma_wait3A_238 = tpu.memref_slice %arg9[%dma_wait3A_236, %dma_wait3A_237] : memref<4x128xi32, #tpu.memory_space<vmem>> -> memref<1x128xi32, #tpu.memory_space<vmem>>
    %dma_wait3A_239 = tpu.memref_squeeze %dma_wait3A_238 : memref<1x128xi32, #tpu.memory_space<vmem>> -> memref<128xi32, #tpu.memory_space<vmem>>
    %dma_wait3A_240 = arith.constant 0 : i32
    %dma_wait3A_241 = tpu.memref_slice %arg3[%add3A, %dma_wait3A_235, %dma_wait3A_240] : memref<32x80x128xi32, #tpu.memory_space<hbm>> -> memref<1x1x128xi32, #tpu.memory_space<hbm>>
    %dma_wait3A_242 = tpu.memref_squeeze %dma_wait3A_241 : memref<1x1x128xi32, #tpu.memory_space<hbm>> -> memref<128xi32, #tpu.memory_space<hbm>>
    %dma_wait3A_243 = arith.constant 0 : i32
    %dma_wait3A_244 = tpu.memref_slice %arg9[%dma_wait3A_236, %dma_wait3A_243] : memref<4x128xi32, #tpu.memory_space<vmem>> -> memref<1x128xi32, #tpu.memory_space<vmem>>
    %dma_wait3A_245 = tpu.memref_squeeze %dma_wait3A_244 : memref<1x128xi32, #tpu.memory_space<vmem>> -> memref<128xi32, #tpu.memory_space<vmem>>
    %dma_wait3A_246 = arith.constant 0 : i32
    %dma_wait3A_247 = tpu.memref_slice %arg3[%add3A, %dma_wait3A_235, %dma_wait3A_246] : memref<32x80x128xi32, #tpu.memory_space<hbm>> -> memref<1x1x128xi32, #tpu.memory_space<hbm>>
    %dma_wait3A_248 = tpu.memref_squeeze %dma_wait3A_247 : memref<1x1x128xi32, #tpu.memory_space<hbm>> -> memref<128xi32, #tpu.memory_space<hbm>>
    tpu.wait_dma2 semaphore(%arg20 : memref<!tpu.dma_semaphore, #tpu.memory_space<semaphore_mem>>) src(%dma_wait3A_248 : memref<128xi32, #tpu.memory_space<hbm>>) dst(%dma_wait3A_245 : memref<128xi32, #tpu.memory_space<vmem>>)
    %dma_start3A_249 = arith.constant 3 : i32
    %dma_start3A_250 = arith.constant 0 : i32
    %dma_start3A_251 = tpu.memref_slice %arg9[%dma_start3A_249, %dma_start3A_250] : memref<4x128xi32, #tpu.memory_space<vmem>> -> memref<1x128xi32, #tpu.memory_space<vmem>>
    %dma_start3A_252 = tpu.memref_squeeze %dma_start3A_251 : memref<1x128xi32, #tpu.memory_space<vmem>> -> memref<128xi32, #tpu.memory_space<vmem>>
    %dma_start3A_253 = arith.constant 0 : i32
    %dma_start3A_254 = arith.constant 0 : i32
    %dma_start3A_255 = tpu.memref_slice %arg12[%dma_start3A_253, %dma_start3A_254] : memref<10112x128xf32, #tpu.memory_space<vmem_shared>> -> memref<10112x128xf32, #tpu.memory_space<vmem_shared>>
    tpu.enqueue_indirect_dma source(%arg11 : memref<128x128xf32, #tpu.memory_space<vmem>>) target(%dma_start3A_255 : memref<10112x128xf32, #tpu.memory_space<vmem_shared>>) offsets(%dma_start3A_252 : memref<128xi32, #tpu.memory_space<vmem>>) semaphore(%arg16 : memref<!tpu.dma_semaphore, #tpu.memory_space<semaphore_mem>>) {add = true}
    %dma_wait3A_256 = arith.constant 0 : i32
    %dma_wait3A_257 = arith.constant 0 : i32
    %dma_wait3A_258 = tpu.memref_slice %arg9[%dma_wait3A_256, %dma_wait3A_257] : memref<4x128xi32, #tpu.memory_space<vmem>> -> memref<1x128xi32, #tpu.memory_space<vmem>>
    %dma_wait3A_259 = tpu.memref_squeeze %dma_wait3A_258 : memref<1x128xi32, #tpu.memory_space<vmem>> -> memref<128xi32, #tpu.memory_space<vmem>>
    %dma_wait3A_260 = arith.constant 0 : i32
    %dma_wait3A_261 = arith.constant 0 : i32
    %dma_wait3A_262 = tpu.memref_slice %arg12[%dma_wait3A_260, %dma_wait3A_261] : memref<10112x128xf32, #tpu.memory_space<vmem_shared>> -> memref<10112x128xf32, #tpu.memory_space<vmem_shared>>
    tpu.wait_indirect_dma semaphore(%arg15 : memref<!tpu.dma_semaphore, #tpu.memory_space<semaphore_mem>>) src(%arg10 : memref<128x128xf32, #tpu.memory_space<vmem>>) dst(%dma_wait3A_262 : memref<10112x128xf32, #tpu.memory_space<vmem_shared>>)
    %rem3A_263 = arith.constant 4 : i32
    %rem3A_264 = arith.constant 80 : i32
    %rem3A_265 = arith.remsi %rem3A_263, %rem3A_264 : i32
    %dma_start3A_266 = arith.constant 0 : i32
    %dma_start3A_267 = tpu.memref_slice %arg8[%rem3A_265, %dma_start3A_266] : memref<80x128xi32, #tpu.memory_space<vmem>> -> memref<1x128xi32, #tpu.memory_space<vmem>>
    %dma_start3A_268 = tpu.memref_squeeze %dma_start3A_267 : memref<1x128xi32, #tpu.memory_space<vmem>> -> memref<128xi32, #tpu.memory_space<vmem>>
    %dma_start3A_269 = arith.constant 0 : i32
    %dma_start3A_270 = arith.constant 0 : i32
    %dma_start3A_271 = tpu.memref_slice %arg4[%dma_start3A_269, %dma_start3A_270] : memref<10112x128xf32, #tpu.memory_space<hbm>> -> memref<10112x128xf32, #tpu.memory_space<hbm>>
    tpu.enqueue_indirect_dma source(%dma_start3A_271 : memref<10112x128xf32, #tpu.memory_space<hbm>>) target(%arg10 : memref<128x128xf32, #tpu.memory_space<vmem>>) offsets(%dma_start3A_268 : memref<128xi32, #tpu.memory_space<vmem>>) semaphore(%arg13 : memref<!tpu.dma_semaphore, #tpu.memory_space<semaphore_mem>>)
    %rem3A_272 = arith.constant 6 : i32
    %rem3A_273 = arith.constant 80 : i32
    %rem3A_274 = arith.remsi %rem3A_272, %rem3A_273 : i32
    %dma_start3A_275 = arith.constant 2 : i32
    %dma_start3A_276 = arith.constant 0 : i32
    %dma_start3A_277 = tpu.memref_slice %arg9[%dma_start3A_275, %dma_start3A_276] : memref<4x128xi32, #tpu.memory_space<vmem>> -> memref<1x128xi32, #tpu.memory_space<vmem>>
    %dma_start3A_278 = tpu.memref_squeeze %dma_start3A_277 : memref<1x128xi32, #tpu.memory_space<vmem>> -> memref<128xi32, #tpu.memory_space<vmem>>
    %dma_start3A_279 = arith.constant 0 : i32
    %dma_start3A_280 = tpu.memref_slice %arg3[%add3A, %rem3A_274, %dma_start3A_279] : memref<32x80x128xi32, #tpu.memory_space<hbm>> -> memref<1x1x128xi32, #tpu.memory_space<hbm>>
    %dma_start3A_281 = tpu.memref_squeeze %dma_start3A_280 : memref<1x1x128xi32, #tpu.memory_space<hbm>> -> memref<128xi32, #tpu.memory_space<hbm>>
    %dma_start3A_282 = arith.constant 0 : i32
    %dma_start3A_283 = tpu.memref_slice %arg9[%dma_start3A_275, %dma_start3A_282] : memref<4x128xi32, #tpu.memory_space<vmem>> -> memref<1x128xi32, #tpu.memory_space<vmem>>
    %dma_start3A_284 = tpu.memref_squeeze %dma_start3A_283 : memref<1x128xi32, #tpu.memory_space<vmem>> -> memref<128xi32, #tpu.memory_space<vmem>>
    %dma_start3A_285 = arith.constant 0 : i32
    %dma_start3A_286 = tpu.memref_slice %arg3[%add3A, %rem3A_274, %dma_start3A_285] : memref<32x80x128xi32, #tpu.memory_space<hbm>> -> memref<1x1x128xi32, #tpu.memory_space<hbm>>
    %dma_start3A_287 = tpu.memref_squeeze %dma_start3A_286 : memref<1x1x128xi32, #tpu.memory_space<hbm>> -> memref<128xi32, #tpu.memory_space<hbm>>
    tpu.enqueue_dma source(%dma_start3A_287 : memref<128xi32, #tpu.memory_space<hbm>>) target(%dma_start3A_284 : memref<128xi32, #tpu.memory_space<vmem>>) target_semaphore(%arg19 : memref<!tpu.dma_semaphore, #tpu.memory_space<semaphore_mem>>)
    %scan3A = arith.constant 0 : i32
    %scan3A_288 = arith.constant 1 : i32
    %scan3A_289 = arith.constant 19 : i32
    %scan3A_290 = arith.addi %scan3A_288, %scan3A_289 : i32
    %scan3A_291 = arith.constant 1 : i32
    scf.for %scan3A_360 = %scan3A_288 to %scan3A_290 step %scan3A_291  : i32 {
      %mul3A_361 = arith.constant 4 : i32
      %mul3A_362 = arith.muli %mul3A_361, %scan3A_360 : i32
      %dma_wait3A_363 = arith.constant 0 : i32
      %dma_wait3A_364 = arith.constant 0 : i32
      %dma_wait3A_365 = tpu.memref_slice %arg8[%dma_wait3A_363, %dma_wait3A_364] : memref<80x128xi32, #tpu.memory_space<vmem>> -> memref<1x128xi32, #tpu.memory_space<vmem>>
      %dma_wait3A_366 = tpu.memref_squeeze %dma_wait3A_365 : memref<1x128xi32, #tpu.memory_space<vmem>> -> memref<128xi32, #tpu.memory_space<vmem>>
      %dma_wait3A_367 = arith.constant 0 : i32
      %dma_wait3A_368 = arith.constant 0 : i32
      %dma_wait3A_369 = tpu.memref_slice %arg4[%dma_wait3A_367, %dma_wait3A_368] : memref<10112x128xf32, #tpu.memory_space<hbm>> -> memref<10112x128xf32, #tpu.memory_space<hbm>>
      tpu.wait_indirect_dma semaphore(%arg13 : memref<!tpu.dma_semaphore, #tpu.memory_space<semaphore_mem>>) src(%dma_wait3A_369 : memref<10112x128xf32, #tpu.memory_space<hbm>>) dst(%arg10 : memref<128x128xf32, #tpu.memory_space<vmem>>)
      %dma_wait3A_370 = arith.constant 0 : i32
      %dma_wait3A_371 = arith.constant 0 : i32
      %dma_wait3A_372 = arith.constant 0 : i32
      %dma_wait3A_373 = tpu.memref_slice %arg9[%dma_wait3A_371, %dma_wait3A_372] : memref<4x128xi32, #tpu.memory_space<vmem>> -> memref<1x128xi32, #tpu.memory_space<vmem>>
      %dma_wait3A_374 = tpu.memref_squeeze %dma_wait3A_373 : memref<1x128xi32, #tpu.memory_space<vmem>> -> memref<128xi32, #tpu.memory_space<vmem>>
      %dma_wait3A_375 = arith.constant 0 : i32
      %dma_wait3A_376 = tpu.memref_slice %arg3[%add3A, %dma_wait3A_370, %dma_wait3A_375] : memref<32x80x128xi32, #tpu.memory_space<hbm>> -> memref<1x1x128xi32, #tpu.memory_space<hbm>>
      %dma_wait3A_377 = tpu.memref_squeeze %dma_wait3A_376 : memref<1x1x128xi32, #tpu.memory_space<hbm>> -> memref<128xi32, #tpu.memory_space<hbm>>
      %dma_wait3A_378 = arith.constant 0 : i32
      %dma_wait3A_379 = tpu.memref_slice %arg9[%dma_wait3A_371, %dma_wait3A_378] : memref<4x128xi32, #tpu.memory_space<vmem>> -> memref<1x128xi32, #tpu.memory_space<vmem>>
      %dma_wait3A_380 = tpu.memref_squeeze %dma_wait3A_379 : memref<1x128xi32, #tpu.memory_space<vmem>> -> memref<128xi32, #tpu.memory_space<vmem>>
      %dma_wait3A_381 = arith.constant 0 : i32
      %dma_wait3A_382 = tpu.memref_slice %arg3[%add3A, %dma_wait3A_370, %dma_wait3A_381] : memref<32x80x128xi32, #tpu.memory_space<hbm>> -> memref<1x1x128xi32, #tpu.memory_space<hbm>>
      %dma_wait3A_383 = tpu.memref_squeeze %dma_wait3A_382 : memref<1x1x128xi32, #tpu.memory_space<hbm>> -> memref<128xi32, #tpu.memory_space<hbm>>
      tpu.wait_dma2 semaphore(%arg17 : memref<!tpu.dma_semaphore, #tpu.memory_space<semaphore_mem>>) src(%dma_wait3A_383 : memref<128xi32, #tpu.memory_space<hbm>>) dst(%dma_wait3A_380 : memref<128xi32, #tpu.memory_space<vmem>>)
      %dma_start3A_384 = arith.constant 0 : i32
      %dma_start3A_385 = arith.constant 0 : i32
      %dma_start3A_386 = tpu.memref_slice %arg9[%dma_start3A_384, %dma_start3A_385] : memref<4x128xi32, #tpu.memory_space<vmem>> -> memref<1x128xi32, #tpu.memory_space<vmem>>
      %dma_start3A_387 = tpu.memref_squeeze %dma_start3A_386 : memref<1x128xi32, #tpu.memory_space<vmem>> -> memref<128xi32, #tpu.memory_space<vmem>>
      %dma_start3A_388 = arith.constant 0 : i32
      %dma_start3A_389 = arith.constant 0 : i32
      %dma_start3A_390 = tpu.memref_slice %arg12[%dma_start3A_388, %dma_start3A_389] : memref<10112x128xf32, #tpu.memory_space<vmem_shared>> -> memref<10112x128xf32, #tpu.memory_space<vmem_shared>>
      tpu.enqueue_indirect_dma source(%arg10 : memref<128x128xf32, #tpu.memory_space<vmem>>) target(%dma_start3A_390 : memref<10112x128xf32, #tpu.memory_space<vmem_shared>>) offsets(%dma_start3A_387 : memref<128xi32, #tpu.memory_space<vmem>>) semaphore(%arg15 : memref<!tpu.dma_semaphore, #tpu.memory_space<semaphore_mem>>) {add = true}
      %dma_wait3A_391 = arith.constant 0 : i32
      %dma_wait3A_392 = arith.constant 0 : i32
      %dma_wait3A_393 = tpu.memref_slice %arg9[%dma_wait3A_391, %dma_wait3A_392] : memref<4x128xi32, #tpu.memory_space<vmem>> -> memref<1x128xi32, #tpu.memory_space<vmem>>
      %dma_wait3A_394 = tpu.memref_squeeze %dma_wait3A_393 : memref<1x128xi32, #tpu.memory_space<vmem>> -> memref<128xi32, #tpu.memory_space<vmem>>
      %dma_wait3A_395 = arith.constant 0 : i32
      %dma_wait3A_396 = arith.constant 0 : i32
      %dma_wait3A_397 = tpu.memref_slice %arg12[%dma_wait3A_395, %dma_wait3A_396] : memref<10112x128xf32, #tpu.memory_space<vmem_shared>> -> memref<10112x128xf32, #tpu.memory_space<vmem_shared>>
      tpu.wait_indirect_dma semaphore(%arg16 : memref<!tpu.dma_semaphore, #tpu.memory_space<semaphore_mem>>) src(%arg11 : memref<128x128xf32, #tpu.memory_space<vmem>>) dst(%dma_wait3A_397 : memref<10112x128xf32, #tpu.memory_space<vmem_shared>>)
      %add3A_398 = arith.constant 1 : i32
      %add3A_399 = arith.addi %mul3A_362, %add3A_398 : i32
      %rem3A_400 = arith.constant 80 : i32
      %rem3A_401 = arith.remsi %add3A_399, %rem3A_400 : i32
      %dma_start3A_402 = arith.constant 0 : i32
      %dma_start3A_403 = tpu.memref_slice %arg8[%rem3A_401, %dma_start3A_402] : memref<80x128xi32, #tpu.memory_space<vmem>> -> memref<1x128xi32, #tpu.memory_space<vmem>>
      %dma_start3A_404 = tpu.memref_squeeze %dma_start3A_403 : memref<1x128xi32, #tpu.memory_space<vmem>> -> memref<128xi32, #tpu.memory_space<vmem>>
      %dma_start3A_405 = arith.constant 0 : i32
      %dma_start3A_406 = arith.constant 0 : i32
      %dma_start3A_407 = tpu.memref_slice %arg4[%dma_start3A_405, %dma_start3A_406] : memref<10112x128xf32, #tpu.memory_space<hbm>> -> memref<10112x128xf32, #tpu.memory_space<hbm>>
      tpu.enqueue_indirect_dma source(%dma_start3A_407 : memref<10112x128xf32, #tpu.memory_space<hbm>>) target(%arg11 : memref<128x128xf32, #tpu.memory_space<vmem>>) offsets(%dma_start3A_404 : memref<128xi32, #tpu.memory_space<vmem>>) semaphore(%arg14 : memref<!tpu.dma_semaphore, #tpu.memory_space<semaphore_mem>>)
      %add3A_408 = arith.constant 3 : i32
      %add3A_409 = arith.addi %mul3A_362, %add3A_408 : i32
      %rem3A_410 = arith.constant 80 : i32
      %rem3A_411 = arith.remsi %add3A_409, %rem3A_410 : i32
      %dma_start3A_412 = arith.constant 3 : i32
      %dma_start3A_413 = arith.constant 0 : i32
      %dma_start3A_414 = tpu.memref_slice %arg9[%dma_start3A_412, %dma_start3A_413] : memref<4x128xi32, #tpu.memory_space<vmem>> -> memref<1x128xi32, #tpu.memory_space<vmem>>
      %dma_start3A_415 = tpu.memref_squeeze %dma_start3A_414 : memref<1x128xi32, #tpu.memory_space<vmem>> -> memref<128xi32, #tpu.memory_space<vmem>>
      %dma_start3A_416 = arith.constant 0 : i32
      %dma_start3A_417 = tpu.memref_slice %arg3[%add3A, %rem3A_411, %dma_start3A_416] : memref<32x80x128xi32, #tpu.memory_space<hbm>> -> memref<1x1x128xi32, #tpu.memory_space<hbm>>
      %dma_start3A_418 = tpu.memref_squeeze %dma_start3A_417 : memref<1x1x128xi32, #tpu.memory_space<hbm>> -> memref<128xi32, #tpu.memory_space<hbm>>
      %dma_start3A_419 = arith.constant 0 : i32
      %dma_start3A_420 = tpu.memref_slice %arg9[%dma_start3A_412, %dma_start3A_419] : memref<4x128xi32, #tpu.memory_space<vmem>> -> memref<1x128xi32, #tpu.memory_space<vmem>>
      %dma_start3A_421 = tpu.memref_squeeze %dma_start3A_420 : memref<1x128xi32, #tpu.memory_space<vmem>> -> memref<128xi32, #tpu.memory_space<vmem>>
      %dma_start3A_422 = arith.constant 0 : i32
      %dma_start3A_423 = tpu.memref_slice %arg3[%add3A, %rem3A_411, %dma_start3A_422] : memref<32x80x128xi32, #tpu.memory_space<hbm>> -> memref<1x1x128xi32, #tpu.memory_space<hbm>>
      %dma_start3A_424 = tpu.memref_squeeze %dma_start3A_423 : memref<1x1x128xi32, #tpu.memory_space<hbm>> -> memref<128xi32, #tpu.memory_space<hbm>>
      tpu.enqueue_dma source(%dma_start3A_424 : memref<128xi32, #tpu.memory_space<hbm>>) target(%dma_start3A_421 : memref<128xi32, #tpu.memory_space<vmem>>) target_semaphore(%arg20 : memref<!tpu.dma_semaphore, #tpu.memory_space<semaphore_mem>>)
      %add3A_425 = arith.constant 1 : i32
      %add3A_426 = arith.addi %mul3A_362, %add3A_425 : i32
      %dma_wait3A_427 = arith.constant 0 : i32
      %dma_wait3A_428 = arith.constant 0 : i32
      %dma_wait3A_429 = tpu.memref_slice %arg8[%dma_wait3A_427, %dma_wait3A_428] : memref<80x128xi32, #tpu.memory_space<vmem>> -> memref<1x128xi32, #tpu.memory_space<vmem>>
      %dma_wait3A_430 = tpu.memref_squeeze %dma_wait3A_429 : memref<1x128xi32, #tpu.memory_space<vmem>> -> memref<128xi32, #tpu.memory_space<vmem>>
      %dma_wait3A_431 = arith.constant 0 : i32
      %dma_wait3A_432 = arith.constant 0 : i32
      %dma_wait3A_433 = tpu.memref_slice %arg4[%dma_wait3A_431, %dma_wait3A_432] : memref<10112x128xf32, #tpu.memory_space<hbm>> -> memref<10112x128xf32, #tpu.memory_space<hbm>>
      tpu.wait_indirect_dma semaphore(%arg14 : memref<!tpu.dma_semaphore, #tpu.memory_space<semaphore_mem>>) src(%dma_wait3A_433 : memref<10112x128xf32, #tpu.memory_space<hbm>>) dst(%arg11 : memref<128x128xf32, #tpu.memory_space<vmem>>)
      %dma_wait3A_434 = arith.constant 0 : i32
      %dma_wait3A_435 = arith.constant 1 : i32
      %dma_wait3A_436 = arith.constant 0 : i32
      %dma_wait3A_437 = tpu.memref_slice %arg9[%dma_wait3A_435, %dma_wait3A_436] : memref<4x128xi32, #tpu.memory_space<vmem>> -> memref<1x128xi32, #tpu.memory_space<vmem>>
      %dma_wait3A_438 = tpu.memref_squeeze %dma_wait3A_437 : memref<1x128xi32, #tpu.memory_space<vmem>> -> memref<128xi32, #tpu.memory_space<vmem>>
      %dma_wait3A_439 = arith.constant 0 : i32
      %dma_wait3A_440 = tpu.memref_slice %arg3[%add3A, %dma_wait3A_434, %dma_wait3A_439] : memref<32x80x128xi32, #tpu.memory_space<hbm>> -> memref<1x1x128xi32, #tpu.memory_space<hbm>>
      %dma_wait3A_441 = tpu.memref_squeeze %dma_wait3A_440 : memref<1x1x128xi32, #tpu.memory_space<hbm>> -> memref<128xi32, #tpu.memory_space<hbm>>
      %dma_wait3A_442 = arith.constant 0 : i32
      %dma_wait3A_443 = tpu.memref_slice %arg9[%dma_wait3A_435, %dma_wait3A_442] : memref<4x128xi32, #tpu.memory_space<vmem>> -> memref<1x128xi32, #tpu.memory_space<vmem>>
      %dma_wait3A_444 = tpu.memref_squeeze %dma_wait3A_443 : memref<1x128xi32, #tpu.memory_space<vmem>> -> memref<128xi32, #tpu.memory_space<vmem>>
      %dma_wait3A_445 = arith.constant 0 : i32
      %dma_wait3A_446 = tpu.memref_slice %arg3[%add3A, %dma_wait3A_434, %dma_wait3A_445] : memref<32x80x128xi32, #tpu.memory_space<hbm>> -> memref<1x1x128xi32, #tpu.memory_space<hbm>>
      %dma_wait3A_447 = tpu.memref_squeeze %dma_wait3A_446 : memref<1x1x128xi32, #tpu.memory_space<hbm>> -> memref<128xi32, #tpu.memory_space<hbm>>
      tpu.wait_dma2 semaphore(%arg18 : memref<!tpu.dma_semaphore, #tpu.memory_space<semaphore_mem>>) src(%dma_wait3A_447 : memref<128xi32, #tpu.memory_space<hbm>>) dst(%dma_wait3A_444 : memref<128xi32, #tpu.memory_space<vmem>>)
      %dma_start3A_448 = arith.constant 1 : i32
      %dma_start3A_449 = arith.constant 0 : i32
      %dma_start3A_450 = tpu.memref_slice %arg9[%dma_start3A_448, %dma_start3A_449] : memref<4x128xi32, #tpu.memory_space<vmem>> -> memref<1x128xi32, #tpu.memory_space<vmem>>
      %dma_start3A_451 = tpu.memref_squeeze %dma_start3A_450 : memref<1x128xi32, #tpu.memory_space<vmem>> -> memref<128xi32, #tpu.memory_space<vmem>>
      %dma_start3A_452 = arith.constant 0 : i32
      %dma_start3A_453 = arith.constant 0 : i32
      %dma_start3A_454 = tpu.memref_slice %arg12[%dma_start3A_452, %dma_start3A_453] : memref<10112x128xf32, #tpu.memory_space<vmem_shared>> -> memref<10112x128xf32, #tpu.memory_space<vmem_shared>>
      tpu.enqueue_indirect_dma source(%arg11 : memref<128x128xf32, #tpu.memory_space<vmem>>) target(%dma_start3A_454 : memref<10112x128xf32, #tpu.memory_space<vmem_shared>>) offsets(%dma_start3A_451 : memref<128xi32, #tpu.memory_space<vmem>>) semaphore(%arg16 : memref<!tpu.dma_semaphore, #tpu.memory_space<semaphore_mem>>) {add = true}
      %dma_wait3A_455 = arith.constant 0 : i32
      %dma_wait3A_456 = arith.constant 0 : i32
      %dma_wait3A_457 = tpu.memref_slice %arg9[%dma_wait3A_455, %dma_wait3A_456] : memref<4x128xi32, #tpu.memory_space<vmem>> -> memref<1x128xi32, #tpu.memory_space<vmem>>
      %dma_wait3A_458 = tpu.memref_squeeze %dma_wait3A_457 : memref<1x128xi32, #tpu.memory_space<vmem>> -> memref<128xi32, #tpu.memory_space<vmem>>
      %dma_wait3A_459 = arith.constant 0 : i32
      %dma_wait3A_460 = arith.constant 0 : i32
      %dma_wait3A_461 = tpu.memref_slice %arg12[%dma_wait3A_459, %dma_wait3A_460] : memref<10112x128xf32, #tpu.memory_space<vmem_shared>> -> memref<10112x128xf32, #tpu.memory_space<vmem_shared>>
      tpu.wait_indirect_dma semaphore(%arg15 : memref<!tpu.dma_semaphore, #tpu.memory_space<semaphore_mem>>) src(%arg10 : memref<128x128xf32, #tpu.memory_space<vmem>>) dst(%dma_wait3A_461 : memref<10112x128xf32, #tpu.memory_space<vmem_shared>>)
      %add3A_462 = arith.constant 1 : i32
      %add3A_463 = arith.addi %add3A_426, %add3A_462 : i32
      %rem3A_464 = arith.constant 80 : i32
      %rem3A_465 = arith.remsi %add3A_463, %rem3A_464 : i32
      %dma_start3A_466 = arith.constant 0 : i32
      %dma_start3A_467 = tpu.memref_slice %arg8[%rem3A_465, %dma_start3A_466] : memref<80x128xi32, #tpu.memory_space<vmem>> -> memref<1x128xi32, #tpu.memory_space<vmem>>
      %dma_start3A_468 = tpu.memref_squeeze %dma_start3A_467 : memref<1x128xi32, #tpu.memory_space<vmem>> -> memref<128xi32, #tpu.memory_space<vmem>>
      %dma_start3A_469 = arith.constant 0 : i32
      %dma_start3A_470 = arith.constant 0 : i32
      %dma_start3A_471 = tpu.memref_slice %arg4[%dma_start3A_469, %dma_start3A_470] : memref<10112x128xf32, #tpu.memory_space<hbm>> -> memref<10112x128xf32, #tpu.memory_space<hbm>>
      tpu.enqueue_indirect_dma source(%dma_start3A_471 : memref<10112x128xf32, #tpu.memory_space<hbm>>) target(%arg10 : memref<128x128xf32, #tpu.memory_space<vmem>>) offsets(%dma_start3A_468 : memref<128xi32, #tpu.memory_space<vmem>>) semaphore(%arg13 : memref<!tpu.dma_semaphore, #tpu.memory_space<semaphore_mem>>)
      %add3A_472 = arith.constant 3 : i32
      %add3A_473 = arith.addi %add3A_426, %add3A_472 : i32
      %rem3A_474 = arith.constant 80 : i32
      %rem3A_475 = arith.remsi %add3A_473, %rem3A_474 : i32
      %dma_start3A_476 = arith.constant 0 : i32
      %dma_start3A_477 = arith.constant 0 : i32
      %dma_start3A_478 = tpu.memref_slice %arg9[%dma_start3A_476, %dma_start3A_477] : memref<4x128xi32, #tpu.memory_space<vmem>> -> memref<1x128xi32, #tpu.memory_space<vmem>>
      %dma_start3A_479 = tpu.memref_squeeze %dma_start3A_478 : memref<1x128xi32, #tpu.memory_space<vmem>> -> memref<128xi32, #tpu.memory_space<vmem>>
      %dma_start3A_480 = arith.constant 0 : i32
      %dma_start3A_481 = tpu.memref_slice %arg3[%add3A, %rem3A_475, %dma_start3A_480] : memref<32x80x128xi32, #tpu.memory_space<hbm>> -> memref<1x1x128xi32, #tpu.memory_space<hbm>>
      %dma_start3A_482 = tpu.memref_squeeze %dma_start3A_481 : memref<1x1x128xi32, #tpu.memory_space<hbm>> -> memref<128xi32, #tpu.memory_space<hbm>>
      %dma_start3A_483 = arith.constant 0 : i32
      %dma_start3A_484 = tpu.memref_slice %arg9[%dma_start3A_476, %dma_start3A_483] : memref<4x128xi32, #tpu.memory_space<vmem>> -> memref<1x128xi32, #tpu.memory_space<vmem>>
      %dma_start3A_485 = tpu.memref_squeeze %dma_start3A_484 : memref<1x128xi32, #tpu.memory_space<vmem>> -> memref<128xi32, #tpu.memory_space<vmem>>
      %dma_start3A_486 = arith.constant 0 : i32
      %dma_start3A_487 = tpu.memref_slice %arg3[%add3A, %rem3A_475, %dma_start3A_486] : memref<32x80x128xi32, #tpu.memory_space<hbm>> -> memref<1x1x128xi32, #tpu.memory_space<hbm>>
      %dma_start3A_488 = tpu.memref_squeeze %dma_start3A_487 : memref<1x1x128xi32, #tpu.memory_space<hbm>> -> memref<128xi32, #tpu.memory_space<hbm>>
      tpu.enqueue_dma source(%dma_start3A_488 : memref<128xi32, #tpu.memory_space<hbm>>) target(%dma_start3A_485 : memref<128xi32, #tpu.memory_space<vmem>>) target_semaphore(%arg17 : memref<!tpu.dma_semaphore, #tpu.memory_space<semaphore_mem>>)
      %add3A_489 = arith.constant 2 : i32
      %add3A_490 = arith.addi %mul3A_362, %add3A_489 : i32
      %dma_wait3A_491 = arith.constant 0 : i32
      %dma_wait3A_492 = arith.constant 0 : i32
      %dma_wait3A_493 = tpu.memref_slice %arg8[%dma_wait3A_491, %dma_wait3A_492] : memref<80x128xi32, #tpu.memory_space<vmem>> -> memref<1x128xi32, #tpu.memory_space<vmem>>
      %dma_wait3A_494 = tpu.memref_squeeze %dma_wait3A_493 : memref<1x128xi32, #tpu.memory_space<vmem>> -> memref<128xi32, #tpu.memory_space<vmem>>
      %dma_wait3A_495 = arith.constant 0 : i32
      %dma_wait3A_496 = arith.constant 0 : i32
      %dma_wait3A_497 = tpu.memref_slice %arg4[%dma_wait3A_495, %dma_wait3A_496] : memref<10112x128xf32, #tpu.memory_space<hbm>> -> memref<10112x128xf32, #tpu.memory_space<hbm>>
      tpu.wait_indirect_dma semaphore(%arg13 : memref<!tpu.dma_semaphore, #tpu.memory_space<semaphore_mem>>) src(%dma_wait3A_497 : memref<10112x128xf32, #tpu.memory_space<hbm>>) dst(%arg10 : memref<128x128xf32, #tpu.memory_space<vmem>>)
      %dma_wait3A_498 = arith.constant 0 : i32
      %dma_wait3A_499 = arith.constant 2 : i32
      %dma_wait3A_500 = arith.constant 0 : i32
      %dma_wait3A_501 = tpu.memref_slice %arg9[%dma_wait3A_499, %dma_wait3A_500] : memref<4x128xi32, #tpu.memory_space<vmem>> -> memref<1x128xi32, #tpu.memory_space<vmem>>
      %dma_wait3A_502 = tpu.memref_squeeze %dma_wait3A_501 : memref<1x128xi32, #tpu.memory_space<vmem>> -> memref<128xi32, #tpu.memory_space<vmem>>
      %dma_wait3A_503 = arith.constant 0 : i32
      %dma_wait3A_504 = tpu.memref_slice %arg3[%add3A, %dma_wait3A_498, %dma_wait3A_503] : memref<32x80x128xi32, #tpu.memory_space<hbm>> -> memref<1x1x128xi32, #tpu.memory_space<hbm>>
      %dma_wait3A_505 = tpu.memref_squeeze %dma_wait3A_504 : memref<1x1x128xi32, #tpu.memory_space<hbm>> -> memref<128xi32, #tpu.memory_space<hbm>>
      %dma_wait3A_506 = arith.constant 0 : i32
      %dma_wait3A_507 = tpu.memref_slice %arg9[%dma_wait3A_499, %dma_wait3A_506] : memref<4x128xi32, #tpu.memory_space<vmem>> -> memref<1x128xi32, #tpu.memory_space<vmem>>
      %dma_wait3A_508 = tpu.memref_squeeze %dma_wait3A_507 : memref<1x128xi32, #tpu.memory_space<vmem>> -> memref<128xi32, #tpu.memory_space<vmem>>
      %dma_wait3A_509 = arith.constant 0 : i32
      %dma_wait3A_510 = tpu.memref_slice %arg3[%add3A, %dma_wait3A_498, %dma_wait3A_509] : memref<32x80x128xi32, #tpu.memory_space<hbm>> -> memref<1x1x128xi32, #tpu.memory_space<hbm>>
      %dma_wait3A_511 = tpu.memref_squeeze %dma_wait3A_510 : memref<1x1x128xi32, #tpu.memory_space<hbm>> -> memref<128xi32, #tpu.memory_space<hbm>>
      tpu.wait_dma2 semaphore(%arg19 : memref<!tpu.dma_semaphore, #tpu.memory_space<semaphore_mem>>) src(%dma_wait3A_511 : memref<128xi32, #tpu.memory_space<hbm>>) dst(%dma_wait3A_508 : memref<128xi32, #tpu.memory_space<vmem>>)
      %dma_start3A_512 = arith.constant 2 : i32
      %dma_start3A_513 = arith.constant 0 : i32
      %dma_start3A_514 = tpu.memref_slice %arg9[%dma_start3A_512, %dma_start3A_513] : memref<4x128xi32, #tpu.memory_space<vmem>> -> memref<1x128xi32, #tpu.memory_space<vmem>>
      %dma_start3A_515 = tpu.memref_squeeze %dma_start3A_514 : memref<1x128xi32, #tpu.memory_space<vmem>> -> memref<128xi32, #tpu.memory_space<vmem>>
      %dma_start3A_516 = arith.constant 0 : i32
      %dma_start3A_517 = arith.constant 0 : i32
      %dma_start3A_518 = tpu.memref_slice %arg12[%dma_start3A_516, %dma_start3A_517] : memref<10112x128xf32, #tpu.memory_space<vmem_shared>> -> memref<10112x128xf32, #tpu.memory_space<vmem_shared>>
      tpu.enqueue_indirect_dma source(%arg10 : memref<128x128xf32, #tpu.memory_space<vmem>>) target(%dma_start3A_518 : memref<10112x128xf32, #tpu.memory_space<vmem_shared>>) offsets(%dma_start3A_515 : memref<128xi32, #tpu.memory_space<vmem>>) semaphore(%arg15 : memref<!tpu.dma_semaphore, #tpu.memory_space<semaphore_mem>>) {add = true}
      %dma_wait3A_519 = arith.constant 0 : i32
      %dma_wait3A_520 = arith.constant 0 : i32
      %dma_wait3A_521 = tpu.memref_slice %arg9[%dma_wait3A_519, %dma_wait3A_520] : memref<4x128xi32, #tpu.memory_space<vmem>> -> memref<1x128xi32, #tpu.memory_space<vmem>>
      %dma_wait3A_522 = tpu.memref_squeeze %dma_wait3A_521 : memref<1x128xi32, #tpu.memory_space<vmem>> -> memref<128xi32, #tpu.memory_space<vmem>>
      %dma_wait3A_523 = arith.constant 0 : i32
      %dma_wait3A_524 = arith.constant 0 : i32
      %dma_wait3A_525 = tpu.memref_slice %arg12[%dma_wait3A_523, %dma_wait3A_524] : memref<10112x128xf32, #tpu.memory_space<vmem_shared>> -> memref<10112x128xf32, #tpu.memory_space<vmem_shared>>
      tpu.wait_indirect_dma semaphore(%arg16 : memref<!tpu.dma_semaphore, #tpu.memory_space<semaphore_mem>>) src(%arg11 : memref<128x128xf32, #tpu.memory_space<vmem>>) dst(%dma_wait3A_525 : memref<10112x128xf32, #tpu.memory_space<vmem_shared>>)
      %add3A_526 = arith.constant 1 : i32
      %add3A_527 = arith.addi %add3A_490, %add3A_526 : i32
      %rem3A_528 = arith.constant 80 : i32
      %rem3A_529 = arith.remsi %add3A_527, %rem3A_528 : i32
      %dma_start3A_530 = arith.constant 0 : i32
      %dma_start3A_531 = tpu.memref_slice %arg8[%rem3A_529, %dma_start3A_530] : memref<80x128xi32, #tpu.memory_space<vmem>> -> memref<1x128xi32, #tpu.memory_space<vmem>>
      %dma_start3A_532 = tpu.memref_squeeze %dma_start3A_531 : memref<1x128xi32, #tpu.memory_space<vmem>> -> memref<128xi32, #tpu.memory_space<vmem>>
      %dma_start3A_533 = arith.constant 0 : i32
      %dma_start3A_534 = arith.constant 0 : i32
      %dma_start3A_535 = tpu.memref_slice %arg4[%dma_start3A_533, %dma_start3A_534] : memref<10112x128xf32, #tpu.memory_space<hbm>> -> memref<10112x128xf32, #tpu.memory_space<hbm>>
      tpu.enqueue_indirect_dma source(%dma_start3A_535 : memref<10112x128xf32, #tpu.memory_space<hbm>>) target(%arg11 : memref<128x128xf32, #tpu.memory_space<vmem>>) offsets(%dma_start3A_532 : memref<128xi32, #tpu.memory_space<vmem>>) semaphore(%arg14 : memref<!tpu.dma_semaphore, #tpu.memory_space<semaphore_mem>>)
      %add3A_536 = arith.constant 3 : i32
      %add3A_537 = arith.addi %add3A_490, %add3A_536 : i32
      %rem3A_538 = arith.constant 80 : i32
      %rem3A_539 = arith.remsi %add3A_537, %rem3A_538 : i32
      %dma_start3A_540 = arith.constant 1 : i32
      %dma_start3A_541 = arith.constant 0 : i32
      %dma_start3A_542 = tpu.memref_slice %arg9[%dma_start3A_540, %dma_start3A_541] : memref<4x128xi32, #tpu.memory_space<vmem>> -> memref<1x128xi32, #tpu.memory_space<vmem>>
      %dma_start3A_543 = tpu.memref_squeeze %dma_start3A_542 : memref<1x128xi32, #tpu.memory_space<vmem>> -> memref<128xi32, #tpu.memory_space<vmem>>
      %dma_start3A_544 = arith.constant 0 : i32
      %dma_start3A_545 = tpu.memref_slice %arg3[%add3A, %rem3A_539, %dma_start3A_544] : memref<32x80x128xi32, #tpu.memory_space<hbm>> -> memref<1x1x128xi32, #tpu.memory_space<hbm>>
      %dma_start3A_546 = tpu.memref_squeeze %dma_start3A_545 : memref<1x1x128xi32, #tpu.memory_space<hbm>> -> memref<128xi32, #tpu.memory_space<hbm>>
      %dma_start3A_547 = arith.constant 0 : i32
      %dma_start3A_548 = tpu.memref_slice %arg9[%dma_start3A_540, %dma_start3A_547] : memref<4x128xi32, #tpu.memory_space<vmem>> -> memref<1x128xi32, #tpu.memory_space<vmem>>
      %dma_start3A_549 = tpu.memref_squeeze %dma_start3A_548 : memref<1x128xi32, #tpu.memory_space<vmem>> -> memref<128xi32, #tpu.memory_space<vmem>>
      %dma_start3A_550 = arith.constant 0 : i32
      %dma_start3A_551 = tpu.memref_slice %arg3[%add3A, %rem3A_539, %dma_start3A_550] : memref<32x80x128xi32, #tpu.memory_space<hbm>> -> memref<1x1x128xi32, #tpu.memory_space<hbm>>
      %dma_start3A_552 = tpu.memref_squeeze %dma_start3A_551 : memref<1x1x128xi32, #tpu.memory_space<hbm>> -> memref<128xi32, #tpu.memory_space<hbm>>
      tpu.enqueue_dma source(%dma_start3A_552 : memref<128xi32, #tpu.memory_space<hbm>>) target(%dma_start3A_549 : memref<128xi32, #tpu.memory_space<vmem>>) target_semaphore(%arg18 : memref<!tpu.dma_semaphore, #tpu.memory_space<semaphore_mem>>)
      %add3A_553 = arith.constant 3 : i32
      %add3A_554 = arith.addi %mul3A_362, %add3A_553 : i32
      %dma_wait3A_555 = arith.constant 0 : i32
      %dma_wait3A_556 = arith.constant 0 : i32
      %dma_wait3A_557 = tpu.memref_slice %arg8[%dma_wait3A_555, %dma_wait3A_556] : memref<80x128xi32, #tpu.memory_space<vmem>> -> memref<1x128xi32, #tpu.memory_space<vmem>>
      %dma_wait3A_558 = tpu.memref_squeeze %dma_wait3A_557 : memref<1x128xi32, #tpu.memory_space<vmem>> -> memref<128xi32, #tpu.memory_space<vmem>>
      %dma_wait3A_559 = arith.constant 0 : i32
      %dma_wait3A_560 = arith.constant 0 : i32
      %dma_wait3A_561 = tpu.memref_slice %arg4[%dma_wait3A_559, %dma_wait3A_560] : memref<10112x128xf32, #tpu.memory_space<hbm>> -> memref<10112x128xf32, #tpu.memory_space<hbm>>
      tpu.wait_indirect_dma semaphore(%arg14 : memref<!tpu.dma_semaphore, #tpu.memory_space<semaphore_mem>>) src(%dma_wait3A_561 : memref<10112x128xf32, #tpu.memory_space<hbm>>) dst(%arg11 : memref<128x128xf32, #tpu.memory_space<vmem>>)
      %dma_wait3A_562 = arith.constant 0 : i32
      %dma_wait3A_563 = arith.constant 3 : i32
      %dma_wait3A_564 = arith.constant 0 : i32
      %dma_wait3A_565 = tpu.memref_slice %arg9[%dma_wait3A_563, %dma_wait3A_564] : memref<4x128xi32, #tpu.memory_space<vmem>> -> memref<1x128xi32, #tpu.memory_space<vmem>>
      %dma_wait3A_566 = tpu.memref_squeeze %dma_wait3A_565 : memref<1x128xi32, #tpu.memory_space<vmem>> -> memref<128xi32, #tpu.memory_space<vmem>>
      %dma_wait3A_567 = arith.constant 0 : i32
      %dma_wait3A_568 = tpu.memref_slice %arg3[%add3A, %dma_wait3A_562, %dma_wait3A_567] : memref<32x80x128xi32, #tpu.memory_space<hbm>> -> memref<1x1x128xi32, #tpu.memory_space<hbm>>
      %dma_wait3A_569 = tpu.memref_squeeze %dma_wait3A_568 : memref<1x1x128xi32, #tpu.memory_space<hbm>> -> memref<128xi32, #tpu.memory_space<hbm>>
      %dma_wait3A_570 = arith.constant 0 : i32
      %dma_wait3A_571 = tpu.memref_slice %arg9[%dma_wait3A_563, %dma_wait3A_570] : memref<4x128xi32, #tpu.memory_space<vmem>> -> memref<1x128xi32, #tpu.memory_space<vmem>>
      %dma_wait3A_572 = tpu.memref_squeeze %dma_wait3A_571 : memref<1x128xi32, #tpu.memory_space<vmem>> -> memref<128xi32, #tpu.memory_space<vmem>>
      %dma_wait3A_573 = arith.constant 0 : i32
      %dma_wait3A_574 = tpu.memref_slice %arg3[%add3A, %dma_wait3A_562, %dma_wait3A_573] : memref<32x80x128xi32, #tpu.memory_space<hbm>> -> memref<1x1x128xi32, #tpu.memory_space<hbm>>
      %dma_wait3A_575 = tpu.memref_squeeze %dma_wait3A_574 : memref<1x1x128xi32, #tpu.memory_space<hbm>> -> memref<128xi32, #tpu.memory_space<hbm>>
      tpu.wait_dma2 semaphore(%arg20 : memref<!tpu.dma_semaphore, #tpu.memory_space<semaphore_mem>>) src(%dma_wait3A_575 : memref<128xi32, #tpu.memory_space<hbm>>) dst(%dma_wait3A_572 : memref<128xi32, #tpu.memory_space<vmem>>)
      %dma_start3A_576 = arith.constant 3 : i32
      %dma_start3A_577 = arith.constant 0 : i32
      %dma_start3A_578 = tpu.memref_slice %arg9[%dma_start3A_576, %dma_start3A_577] : memref<4x128xi32, #tpu.memory_space<vmem>> -> memref<1x128xi32, #tpu.memory_space<vmem>>
      %dma_start3A_579 = tpu.memref_squeeze %dma_start3A_578 : memref<1x128xi32, #tpu.memory_space<vmem>> -> memref<128xi32, #tpu.memory_space<vmem>>
      %dma_start3A_580 = arith.constant 0 : i32
      %dma_start3A_581 = arith.constant 0 : i32
      %dma_start3A_582 = tpu.memref_slice %arg12[%dma_start3A_580, %dma_start3A_581] : memref<10112x128xf32, #tpu.memory_space<vmem_shared>> -> memref<10112x128xf32, #tpu.memory_space<vmem_shared>>
      tpu.enqueue_indirect_dma source(%arg11 : memref<128x128xf32, #tpu.memory_space<vmem>>) target(%dma_start3A_582 : memref<10112x128xf32, #tpu.memory_space<vmem_shared>>) offsets(%dma_start3A_579 : memref<128xi32, #tpu.memory_space<vmem>>) semaphore(%arg16 : memref<!tpu.dma_semaphore, #tpu.memory_space<semaphore_mem>>) {add = true}
      %dma_wait3A_583 = arith.constant 0 : i32
      %dma_wait3A_584 = arith.constant 0 : i32
      %dma_wait3A_585 = tpu.memref_slice %arg9[%dma_wait3A_583, %dma_wait3A_584] : memref<4x128xi32, #tpu.memory_space<vmem>> -> memref<1x128xi32, #tpu.memory_space<vmem>>
      %dma_wait3A_586 = tpu.memref_squeeze %dma_wait3A_585 : memref<1x128xi32, #tpu.memory_space<vmem>> -> memref<128xi32, #tpu.memory_space<vmem>>
      %dma_wait3A_587 = arith.constant 0 : i32
      %dma_wait3A_588 = arith.constant 0 : i32
      %dma_wait3A_589 = tpu.memref_slice %arg12[%dma_wait3A_587, %dma_wait3A_588] : memref<10112x128xf32, #tpu.memory_space<vmem_shared>> -> memref<10112x128xf32, #tpu.memory_space<vmem_shared>>
      tpu.wait_indirect_dma semaphore(%arg15 : memref<!tpu.dma_semaphore, #tpu.memory_space<semaphore_mem>>) src(%arg10 : memref<128x128xf32, #tpu.memory_space<vmem>>) dst(%dma_wait3A_589 : memref<10112x128xf32, #tpu.memory_space<vmem_shared>>)
      %add3A_590 = arith.constant 1 : i32
      %add3A_591 = arith.addi %add3A_554, %add3A_590 : i32
      %rem3A_592 = arith.constant 80 : i32
      %rem3A_593 = arith.remsi %add3A_591, %rem3A_592 : i32
      %dma_start3A_594 = arith.constant 0 : i32
      %dma_start3A_595 = tpu.memref_slice %arg8[%rem3A_593, %dma_start3A_594] : memref<80x128xi32, #tpu.memory_space<vmem>> -> memref<1x128xi32, #tpu.memory_space<vmem>>
      %dma_start3A_596 = tpu.memref_squeeze %dma_start3A_595 : memref<1x128xi32, #tpu.memory_space<vmem>> -> memref<128xi32, #tpu.memory_space<vmem>>
      %dma_start3A_597 = arith.constant 0 : i32
      %dma_start3A_598 = arith.constant 0 : i32
      %dma_start3A_599 = tpu.memref_slice %arg4[%dma_start3A_597, %dma_start3A_598] : memref<10112x128xf32, #tpu.memory_space<hbm>> -> memref<10112x128xf32, #tpu.memory_space<hbm>>
      tpu.enqueue_indirect_dma source(%dma_start3A_599 : memref<10112x128xf32, #tpu.memory_space<hbm>>) target(%arg10 : memref<128x128xf32, #tpu.memory_space<vmem>>) offsets(%dma_start3A_596 : memref<128xi32, #tpu.memory_space<vmem>>) semaphore(%arg13 : memref<!tpu.dma_semaphore, #tpu.memory_space<semaphore_mem>>)
      %add3A_600 = arith.constant 3 : i32
      %add3A_601 = arith.addi %add3A_554, %add3A_600 : i32
      %rem3A_602 = arith.constant 80 : i32
      %rem3A_603 = arith.remsi %add3A_601, %rem3A_602 : i32
      %dma_start3A_604 = arith.constant 2 : i32
      %dma_start3A_605 = arith.constant 0 : i32
      %dma_start3A_606 = tpu.memref_slice %arg9[%dma_start3A_604, %dma_start3A_605] : memref<4x128xi32, #tpu.memory_space<vmem>> -> memref<1x128xi32, #tpu.memory_space<vmem>>
      %dma_start3A_607 = tpu.memref_squeeze %dma_start3A_606 : memref<1x128xi32, #tpu.memory_space<vmem>> -> memref<128xi32, #tpu.memory_space<vmem>>
      %dma_start3A_608 = arith.constant 0 : i32
      %dma_start3A_609 = tpu.memref_slice %arg3[%add3A, %rem3A_603, %dma_start3A_608] : memref<32x80x128xi32, #tpu.memory_space<hbm>> -> memref<1x1x128xi32, #tpu.memory_space<hbm>>
      %dma_start3A_610 = tpu.memref_squeeze %dma_start3A_609 : memref<1x1x128xi32, #tpu.memory_space<hbm>> -> memref<128xi32, #tpu.memory_space<hbm>>
      %dma_start3A_611 = arith.constant 0 : i32
      %dma_start3A_612 = tpu.memref_slice %arg9[%dma_start3A_604, %dma_start3A_611] : memref<4x128xi32, #tpu.memory_space<vmem>> -> memref<1x128xi32, #tpu.memory_space<vmem>>
      %dma_start3A_613 = tpu.memref_squeeze %dma_start3A_612 : memref<1x128xi32, #tpu.memory_space<vmem>> -> memref<128xi32, #tpu.memory_space<vmem>>
      %dma_start3A_614 = arith.constant 0 : i32
      %dma_start3A_615 = tpu.memref_slice %arg3[%add3A, %rem3A_603, %dma_start3A_614] : memref<32x80x128xi32, #tpu.memory_space<hbm>> -> memref<1x1x128xi32, #tpu.memory_space<hbm>>
      %dma_start3A_616 = tpu.memref_squeeze %dma_start3A_615 : memref<1x1x128xi32, #tpu.memory_space<hbm>> -> memref<128xi32, #tpu.memory_space<hbm>>
      tpu.enqueue_dma source(%dma_start3A_616 : memref<128xi32, #tpu.memory_space<hbm>>) target(%dma_start3A_613 : memref<128xi32, #tpu.memory_space<vmem>>) target_semaphore(%arg19 : memref<!tpu.dma_semaphore, #tpu.memory_space<semaphore_mem>>)
    }
    %scan3A_292 = arith.constant 19 : i32
    %dma_wait3A_293 = arith.constant 0 : i32
    %dma_wait3A_294 = arith.constant 0 : i32
    %dma_wait3A_295 = tpu.memref_slice %arg9[%dma_wait3A_293, %dma_wait3A_294] : memref<4x128xi32, #tpu.memory_space<vmem>> -> memref<1x128xi32, #tpu.memory_space<vmem>>
    %dma_wait3A_296 = tpu.memref_squeeze %dma_wait3A_295 : memref<1x128xi32, #tpu.memory_space<vmem>> -> memref<128xi32, #tpu.memory_space<vmem>>
    %dma_wait3A_297 = arith.constant 0 : i32
    %dma_wait3A_298 = arith.constant 0 : i32
    %dma_wait3A_299 = tpu.memref_slice %arg12[%dma_wait3A_297, %dma_wait3A_298] : memref<10112x128xf32, #tpu.memory_space<vmem_shared>> -> memref<10112x128xf32, #tpu.memory_space<vmem_shared>>
    tpu.wait_indirect_dma semaphore(%arg16 : memref<!tpu.dma_semaphore, #tpu.memory_space<semaphore_mem>>) src(%arg11 : memref<128x128xf32, #tpu.memory_space<vmem>>) dst(%dma_wait3A_299 : memref<10112x128xf32, #tpu.memory_space<vmem_shared>>)
    %dma_wait3A_300 = arith.constant 0 : i32
    %dma_wait3A_301 = arith.constant 0 : i32
    %dma_wait3A_302 = tpu.memref_slice %arg8[%dma_wait3A_300, %dma_wait3A_301] : memref<80x128xi32, #tpu.memory_space<vmem>> -> memref<1x128xi32, #tpu.memory_space<vmem>>
    %dma_wait3A_303 = tpu.memref_squeeze %dma_wait3A_302 : memref<1x128xi32, #tpu.memory_space<vmem>> -> memref<128xi32, #tpu.memory_space<vmem>>
    %dma_wait3A_304 = arith.constant 0 : i32
    %dma_wait3A_305 = arith.constant 0 : i32
    %dma_wait3A_306 = tpu.memref_slice %arg4[%dma_wait3A_304, %dma_wait3A_305] : memref<10112x128xf32, #tpu.memory_space<hbm>> -> memref<10112x128xf32, #tpu.memory_space<hbm>>
    tpu.wait_indirect_dma semaphore(%arg13 : memref<!tpu.dma_semaphore, #tpu.memory_space<semaphore_mem>>) src(%dma_wait3A_306 : memref<10112x128xf32, #tpu.memory_space<hbm>>) dst(%arg10 : memref<128x128xf32, #tpu.memory_space<vmem>>)
    %dma_wait3A_307 = arith.constant 0 : i32
    %dma_wait3A_308 = arith.constant 0 : i32
    %dma_wait3A_309 = arith.constant 0 : i32
    %dma_wait3A_310 = tpu.memref_slice %arg9[%dma_wait3A_308, %dma_wait3A_309] : memref<4x128xi32, #tpu.memory_space<vmem>> -> memref<1x128xi32, #tpu.memory_space<vmem>>
    %dma_wait3A_311 = tpu.memref_squeeze %dma_wait3A_310 : memref<1x128xi32, #tpu.memory_space<vmem>> -> memref<128xi32, #tpu.memory_space<vmem>>
    %dma_wait3A_312 = arith.constant 0 : i32
    %dma_wait3A_313 = tpu.memref_slice %arg3[%add3A, %dma_wait3A_307, %dma_wait3A_312] : memref<32x80x128xi32, #tpu.memory_space<hbm>> -> memref<1x1x128xi32, #tpu.memory_space<hbm>>
    %dma_wait3A_314 = tpu.memref_squeeze %dma_wait3A_313 : memref<1x1x128xi32, #tpu.memory_space<hbm>> -> memref<128xi32, #tpu.memory_space<hbm>>
    %dma_wait3A_315 = arith.constant 0 : i32
    %dma_wait3A_316 = tpu.memref_slice %arg9[%dma_wait3A_308, %dma_wait3A_315] : memref<4x128xi32, #tpu.memory_space<vmem>> -> memref<1x128xi32, #tpu.memory_space<vmem>>
    %dma_wait3A_317 = tpu.memref_squeeze %dma_wait3A_316 : memref<1x128xi32, #tpu.memory_space<vmem>> -> memref<128xi32, #tpu.memory_space<vmem>>
    %dma_wait3A_318 = arith.constant 0 : i32
    %dma_wait3A_319 = tpu.memref_slice %arg3[%add3A, %dma_wait3A_307, %dma_wait3A_318] : memref<32x80x128xi32, #tpu.memory_space<hbm>> -> memref<1x1x128xi32, #tpu.memory_space<hbm>>
    %dma_wait3A_320 = tpu.memref_squeeze %dma_wait3A_319 : memref<1x1x128xi32, #tpu.memory_space<hbm>> -> memref<128xi32, #tpu.memory_space<hbm>>
    tpu.wait_dma2 semaphore(%arg17 : memref<!tpu.dma_semaphore, #tpu.memory_space<semaphore_mem>>) src(%dma_wait3A_320 : memref<128xi32, #tpu.memory_space<hbm>>) dst(%dma_wait3A_317 : memref<128xi32, #tpu.memory_space<vmem>>)
    %dma_wait3A_321 = arith.constant 0 : i32
    %dma_wait3A_322 = arith.constant 1 : i32
    %dma_wait3A_323 = arith.constant 0 : i32
    %dma_wait3A_324 = tpu.memref_slice %arg9[%dma_wait3A_322, %dma_wait3A_323] : memref<4x128xi32, #tpu.memory_space<vmem>> -> memref<1x128xi32, #tpu.memory_space<vmem>>
    %dma_wait3A_325 = tpu.memref_squeeze %dma_wait3A_324 : memref<1x128xi32, #tpu.memory_space<vmem>> -> memref<128xi32, #tpu.memory_space<vmem>>
    %dma_wait3A_326 = arith.constant 0 : i32
    %dma_wait3A_327 = tpu.memref_slice %arg3[%add3A, %dma_wait3A_321, %dma_wait3A_326] : memref<32x80x128xi32, #tpu.memory_space<hbm>> -> memref<1x1x128xi32, #tpu.memory_space<hbm>>
    %dma_wait3A_328 = tpu.memref_squeeze %dma_wait3A_327 : memref<1x1x128xi32, #tpu.memory_space<hbm>> -> memref<128xi32, #tpu.memory_space<hbm>>
    %dma_wait3A_329 = arith.constant 0 : i32
    %dma_wait3A_330 = tpu.memref_slice %arg9[%dma_wait3A_322, %dma_wait3A_329] : memref<4x128xi32, #tpu.memory_space<vmem>> -> memref<1x128xi32, #tpu.memory_space<vmem>>
    %dma_wait3A_331 = tpu.memref_squeeze %dma_wait3A_330 : memref<1x128xi32, #tpu.memory_space<vmem>> -> memref<128xi32, #tpu.memory_space<vmem>>
    %dma_wait3A_332 = arith.constant 0 : i32
    %dma_wait3A_333 = tpu.memref_slice %arg3[%add3A, %dma_wait3A_321, %dma_wait3A_332] : memref<32x80x128xi32, #tpu.memory_space<hbm>> -> memref<1x1x128xi32, #tpu.memory_space<hbm>>
    %dma_wait3A_334 = tpu.memref_squeeze %dma_wait3A_333 : memref<1x1x128xi32, #tpu.memory_space<hbm>> -> memref<128xi32, #tpu.memory_space<hbm>>
    tpu.wait_dma2 semaphore(%arg18 : memref<!tpu.dma_semaphore, #tpu.memory_space<semaphore_mem>>) src(%dma_wait3A_334 : memref<128xi32, #tpu.memory_space<hbm>>) dst(%dma_wait3A_331 : memref<128xi32, #tpu.memory_space<vmem>>)
    %dma_wait3A_335 = arith.constant 0 : i32
    %dma_wait3A_336 = arith.constant 2 : i32
    %dma_wait3A_337 = arith.constant 0 : i32
    %dma_wait3A_338 = tpu.memref_slice %arg9[%dma_wait3A_336, %dma_wait3A_337] : memref<4x128xi32, #tpu.memory_space<vmem>> -> memref<1x128xi32, #tpu.memory_space<vmem>>
    %dma_wait3A_339 = tpu.memref_squeeze %dma_wait3A_338 : memref<1x128xi32, #tpu.memory_space<vmem>> -> memref<128xi32, #tpu.memory_space<vmem>>
    %dma_wait3A_340 = arith.constant 0 : i32
    %dma_wait3A_341 = tpu.memref_slice %arg3[%add3A, %dma_wait3A_335, %dma_wait3A_340] : memref<32x80x128xi32, #tpu.memory_space<hbm>> -> memref<1x1x128xi32, #tpu.memory_space<hbm>>
    %dma_wait3A_342 = tpu.memref_squeeze %dma_wait3A_341 : memref<1x1x128xi32, #tpu.memory_space<hbm>> -> memref<128xi32, #tpu.memory_space<hbm>>
    %dma_wait3A_343 = arith.constant 0 : i32
    %dma_wait3A_344 = tpu.memref_slice %arg9[%dma_wait3A_336, %dma_wait3A_343] : memref<4x128xi32, #tpu.memory_space<vmem>> -> memref<1x128xi32, #tpu.memory_space<vmem>>
    %dma_wait3A_345 = tpu.memref_squeeze %dma_wait3A_344 : memref<1x128xi32, #tpu.memory_space<vmem>> -> memref<128xi32, #tpu.memory_space<vmem>>
    %dma_wait3A_346 = arith.constant 0 : i32
    %dma_wait3A_347 = tpu.memref_slice %arg3[%add3A, %dma_wait3A_335, %dma_wait3A_346] : memref<32x80x128xi32, #tpu.memory_space<hbm>> -> memref<1x1x128xi32, #tpu.memory_space<hbm>>
    %dma_wait3A_348 = tpu.memref_squeeze %dma_wait3A_347 : memref<1x1x128xi32, #tpu.memory_space<hbm>> -> memref<128xi32, #tpu.memory_space<hbm>>
    tpu.wait_dma2 semaphore(%arg19 : memref<!tpu.dma_semaphore, #tpu.memory_space<semaphore_mem>>) src(%dma_wait3A_348 : memref<128xi32, #tpu.memory_space<hbm>>) dst(%dma_wait3A_345 : memref<128xi32, #tpu.memory_space<vmem>>)
    %barrier3A_349 = arith.constant 0 : index
    tpu.barrier barrier_id(%barrier3A_349)
    %eq3A_350 = arith.constant 0 : i32
    %eq3A_351 = arith.cmpi eq, %arg0, %eq3A_350 : i32
    %convert_element_type3A_352 = arith.extui %eq3A_351 : i1 to i32
    %cond3A_353 = arith.constant 0 : i32
    %cond3A_354 = arith.cmpi ne, %convert_element_type3A_352, %cond3A_353 : i32
    scf.if %cond3A_354 {
      "tpu.region"() ({
        %run_scoped3A = tpu.sem_alloc : memref<!tpu.dma_semaphore, #tpu.memory_space<semaphore_mem>>
        %dma_start3A_360 = arith.constant 0 : i32
        %dma_start3A_361 = tpu.memref_slice %arg6[%mul3A_2, %dma_start3A_360] : memref<10112x128xf32, #tpu.memory_space<hbm>> -> memref<632x128xf32, #tpu.memory_space<hbm>>
        %dma_start3A_362 = arith.constant 0 : i32
        %dma_start3A_363 = tpu.memref_slice %arg12[%mul3A_2, %dma_start3A_362] : memref<10112x128xf32, #tpu.memory_space<vmem_shared>> -> memref<632x128xf32, #tpu.memory_space<vmem_shared>>
        tpu.enqueue_dma source(%dma_start3A_363 : memref<632x128xf32, #tpu.memory_space<vmem_shared>>) target(%dma_start3A_361 : memref<632x128xf32, #tpu.memory_space<hbm>>) target_semaphore(%run_scoped3A : memref<!tpu.dma_semaphore, #tpu.memory_space<semaphore_mem>>)
        %dma_wait3A_364 = arith.constant 0 : i32
        %dma_wait3A_365 = tpu.memref_slice %arg6[%mul3A_2, %dma_wait3A_364] : memref<10112x128xf32, #tpu.memory_space<hbm>> -> memref<632x128xf32, #tpu.memory_space<hbm>>
        %dma_wait3A_366 = arith.constant 0 : i32
        %dma_wait3A_367 = tpu.memref_slice %arg12[%mul3A_2, %dma_wait3A_366] : memref<10112x128xf32, #tpu.memory_space<vmem_shared>> -> memref<632x128xf32, #tpu.memory_space<vmem_shared>>
        tpu.wait_dma2 semaphore(%run_scoped3A : memref<!tpu.dma_semaphore, #tpu.memory_space<semaphore_mem>>) src(%dma_wait3A_367 : memref<632x128xf32, #tpu.memory_space<vmem_shared>>) dst(%dma_wait3A_365 : memref<632x128xf32, #tpu.memory_space<hbm>>)
        tpu.yield
      }) : () -> ()
    } else {
    }
    %ne3A_355 = arith.constant 0 : i32
    %ne3A_356 = arith.cmpi ne, %arg0, %ne3A_355 : i32
    %convert_element_type3A_357 = arith.extui %ne3A_356 : i1 to i32
    %cond3A_358 = arith.constant 0 : i32
    %cond3A_359 = arith.cmpi ne, %convert_element_type3A_357, %cond3A_358 : i32
    scf.if %cond3A_359 {
      "tpu.region"() ({
        %run_scoped3A = tpu.sem_alloc : memref<!tpu.dma_semaphore, #tpu.memory_space<semaphore_mem>>
        %dma_start3A_360 = arith.constant 0 : i32
        %dma_start3A_361 = tpu.memref_slice %arg7[%mul3A_2, %dma_start3A_360] : memref<10112x128xf32, #tpu.memory_space<hbm>> -> memref<632x128xf32, #tpu.memory_space<hbm>>
        %dma_start3A_362 = arith.constant 0 : i32
        %dma_start3A_363 = tpu.memref_slice %arg12[%mul3A_2, %dma_start3A_362] : memref<10112x128xf32, #tpu.memory_space<vmem_shared>> -> memref<632x128xf32, #tpu.memory_space<vmem_shared>>
        tpu.enqueue_dma source(%dma_start3A_363 : memref<632x128xf32, #tpu.memory_space<vmem_shared>>) target(%dma_start3A_361 : memref<632x128xf32, #tpu.memory_space<hbm>>) target_semaphore(%run_scoped3A : memref<!tpu.dma_semaphore, #tpu.memory_space<semaphore_mem>>)
        %dma_wait3A_364 = arith.constant 0 : i32
        %dma_wait3A_365 = tpu.memref_slice %arg7[%mul3A_2, %dma_wait3A_364] : memref<10112x128xf32, #tpu.memory_space<hbm>> -> memref<632x128xf32, #tpu.memory_space<hbm>>
        %dma_wait3A_366 = arith.constant 0 : i32
        %dma_wait3A_367 = tpu.memref_slice %arg12[%mul3A_2, %dma_wait3A_366] : memref<10112x128xf32, #tpu.memory_space<vmem_shared>> -> memref<632x128xf32, #tpu.memory_space<vmem_shared>>
        tpu.wait_dma2 semaphore(%run_scoped3A : memref<!tpu.dma_semaphore, #tpu.memory_space<semaphore_mem>>) src(%dma_wait3A_367 : memref<632x128xf32, #tpu.memory_space<vmem_shared>>) dst(%dma_wait3A_365 : memref<632x128xf32, #tpu.memory_space<hbm>>)
        tpu.yield
      }) : () -> ()
    } else {
    }
    return
  }
}

module attributes {stable_mosaic.version = 14 : i64} {
  func.func @_first_body(%arg0: i32, %arg1: memref<632x128xf32, #tpu.memory_space<vmem>>, %arg2: memref<128x128xf32, #tpu.memory_space<vmem>>, %arg3: memref<632x1xf32, #tpu.memory_space<vmem>>, %arg4: memref<632x1xf32, #tpu.memory_space<vmem>>, %arg5: memref<632x128xf32, #tpu.memory_space<vmem>>, %arg6: memref<632x1xf32, #tpu.memory_space<vmem>>) attributes {dimension_semantics = [#tpu.dimension_semantics<arbitrary>], iteration_bounds = array<i64: 16>, scalar_prefetch = 0 : i64, scratch_operands = 0 : i64, tpu.core_type = #tpu.core_type<tc>, window_params = [{transform_indices = @transform_0, window_bounds = array<i64: 632, 128>}, {pipeline_mode = #tpu.pipeline_mode<synchronous>, transform_indices = @transform_1, window_bounds = array<i64: 128, 128>}, {transform_indices = @transform_2, window_bounds = array<i64: 632, 1>}, {transform_indices = @transform_3, window_bounds = array<i64: 632, 1>}, {transform_indices = @transform_4, window_bounds = array<i64: 632, 128>}, {transform_indices = @transform_5, window_bounds = array<i64: 632, 1>}]} {
    %get3A = arith.constant 0 : index
    %get3A_0 = arith.constant 0 : index
    %get3A_1 = vector.load %arg3[%get3A, %get3A_0] : memref<632x1xf32, #tpu.memory_space<vmem>>, vector<632x1xf32>
    %get3A_2 = arith.constant 0 : index
    %get3A_3 = arith.constant 0 : index
    %get3A_4 = vector.load %arg4[%get3A_2, %get3A_3] : memref<632x1xf32, #tpu.memory_space<vmem>>, vector<632x1xf32>
    %add3A = arith.addf %get3A_1, %get3A_4 : vector<632x1xf32>
    %rsqrt3A = math.rsqrt %add3A : vector<632x1xf32>
    %get3A_5 = arith.constant 0 : index
    %get3A_6 = arith.constant 0 : index
    %get3A_7 = vector.load %arg1[%get3A_5, %get3A_6] : memref<632x128xf32, #tpu.memory_space<vmem>>, vector<632x128xf32>
    %get3A_8 = arith.constant 0 : index
    %get3A_9 = arith.constant 0 : index
    %get3A_10 = vector.load %arg2[%get3A_8, %get3A_9] : memref<128x128xf32, #tpu.memory_space<vmem>>, vector<128x128xf32>
    %dot_general3A = arith.constant dense<0.000000e+00> : vector<632x128xf32>
    %dot_general3A_11 = tpu.matmul %get3A_7, %get3A_10, %dot_general3A {dimension_numbers = #tpu.dot_dimension_numbers<[1], [0], [0], [1], [0, 0, 1, 1], [], []>, precision = #tpu.contract_precision<fp32>, transpose_lhs_hint = false} : vector<632x128xf32>, vector<128x128xf32>, vector<632x128xf32> -> vector<632x128xf32>
    %mul3A = vector.broadcast %rsqrt3A : vector<632x1xf32> to vector<632x128xf32>
    %mul3A_12 = arith.mulf %dot_general3A_11, %mul3A : vector<632x128xf32>
    %swap3A = arith.constant 0 : index
    %swap3A_13 = arith.constant 0 : index
    %swap3A_14 = vector.load %arg5[%swap3A, %swap3A_13] : memref<632x128xf32, #tpu.memory_space<vmem>>, vector<632x128xf32>
    tpu.vector_store %arg5[%swap3A, %swap3A_13], %mul3A_12 {strides = array<i32>} : memref<632x128xf32, #tpu.memory_space<vmem>>, vector<632x128xf32>,
    %swap3A_15 = arith.constant 0 : index
    %swap3A_16 = arith.constant 0 : index
    %swap3A_17 = vector.load %arg6[%swap3A_15, %swap3A_16] : memref<632x1xf32, #tpu.memory_space<vmem>>, vector<632x1xf32>
    tpu.vector_store %arg6[%swap3A_15, %swap3A_16], %rsqrt3A {strides = array<i32>} : memref<632x1xf32, #tpu.memory_space<vmem>>, vector<632x1xf32>,
    return
  }
  func.func @transform_0(%arg0: i32) -> (i32, i32) {
    %c0_i32 = arith.constant 0 : i32
    %c0_i32_0 = arith.constant 0 : i32
    return %arg0, %c0_i32 : i32, i32
  }
  func.func @transform_1(%arg0: i32) -> (i32, i32) {
    %c0_i32 = arith.constant 0 : i32
    %c0_i32_0 = arith.constant 0 : i32
    %c0_i32_1 = arith.constant 0 : i32
    return %c0_i32, %c0_i32_0 : i32, i32
  }
  func.func @transform_2(%arg0: i32) -> (i32, i32) {
    %c0_i32 = arith.constant 0 : i32
    %c0_i32_0 = arith.constant 0 : i32
    return %arg0, %c0_i32 : i32, i32
  }
  func.func @transform_3(%arg0: i32) -> (i32, i32) {
    %c0_i32 = arith.constant 0 : i32
    %c0_i32_0 = arith.constant 0 : i32
    return %arg0, %c0_i32 : i32, i32
  }
  func.func @transform_4(%arg0: i32) -> (i32, i32) {
    %c0_i32 = arith.constant 0 : i32
    %c0_i32_0 = arith.constant 0 : i32
    return %arg0, %c0_i32 : i32, i32
  }
  func.func @transform_5(%arg0: i32) -> (i32, i32) {
    %c0_i32 = arith.constant 0 : i32
    %c0_i32_0 = arith.constant 0 : i32
    return %arg0, %c0_i32 : i32, i32
  }
}

module attributes {stable_mosaic.version = 14 : i64} {
  func.func @_mid_body(%arg0: i32, %arg1: memref<632x128xf32, #tpu.memory_space<vmem>>, %arg2: memref<632x128xf32, #tpu.memory_space<vmem>>, %arg3: memref<632x1xf32, #tpu.memory_space<vmem>>, %arg4: memref<128xf32, #tpu.memory_space<vmem>>, %arg5: memref<128x128xf32, #tpu.memory_space<vmem>>, %arg6: memref<632x128xf32, #tpu.memory_space<vmem>>) attributes {dimension_semantics = [#tpu.dimension_semantics<arbitrary>], iteration_bounds = array<i64: 16>, scalar_prefetch = 0 : i64, scratch_operands = 0 : i64, tpu.core_type = #tpu.core_type<tc>, window_params = [{transform_indices = @transform_0, window_bounds = array<i64: 632, 128>}, {transform_indices = @transform_1, window_bounds = array<i64: 632, 128>}, {transform_indices = @transform_2, window_bounds = array<i64: 632, 1>}, {pipeline_mode = #tpu.pipeline_mode<synchronous>, transform_indices = @transform_3, window_bounds = array<i64: 128>}, {pipeline_mode = #tpu.pipeline_mode<synchronous>, transform_indices = @transform_4, window_bounds = array<i64: 128, 128>}, {transform_indices = @transform_5, window_bounds = array<i64: 632, 128>}]} {
    %get3A = arith.constant 0 : index
    %get3A_0 = arith.constant 0 : index
    %get3A_1 = vector.load %arg3[%get3A, %get3A_0] : memref<632x1xf32, #tpu.memory_space<vmem>>, vector<632x1xf32>
    %get3A_2 = arith.constant 0 : index
    %get3A_3 = arith.constant 0 : index
    %get3A_4 = vector.load %arg1[%get3A_2, %get3A_3] : memref<632x128xf32, #tpu.memory_space<vmem>>, vector<632x128xf32>
    %get3A_5 = arith.constant 0 : index
    %get3A_6 = arith.constant 0 : index
    %get3A_7 = vector.load %arg2[%get3A_5, %get3A_6] : memref<632x128xf32, #tpu.memory_space<vmem>>, vector<632x128xf32>
    %add3A = arith.addf %get3A_4, %get3A_7 : vector<632x128xf32>
    %mul3A = vector.broadcast %get3A_1 : vector<632x1xf32> to vector<632x128xf32>
    %mul3A_8 = arith.mulf %add3A, %mul3A : vector<632x128xf32>
    %get3A_9 = arith.constant 0 : index
    %get3A_10 = vector.load %arg4[%get3A_9] : memref<128xf32, #tpu.memory_space<vmem>>, vector<128xf32>
    %broadcast_in_dim3A = vector.shape_cast %get3A_10 : vector<128xf32> to vector<1x128xf32>
    %add3A_11 = vector.broadcast %broadcast_in_dim3A : vector<1x128xf32> to vector<632x128xf32>
    %add3A_12 = arith.addf %mul3A_8, %add3A_11 : vector<632x128xf32>
    %max3A = arith.constant 0.000000e+00 : f32
    %max3A_13 = vector.broadcast %max3A : f32 to vector<632x128xf32>
    %max3A_14 = arith.maximumf %add3A_12, %max3A_13 : vector<632x128xf32>
    %get3A_15 = arith.constant 0 : index
    %get3A_16 = arith.constant 0 : index
    %get3A_17 = vector.load %arg5[%get3A_15, %get3A_16] : memref<128x128xf32, #tpu.memory_space<vmem>>, vector<128x128xf32>
    %dot_general3A = arith.constant dense<0.000000e+00> : vector<632x128xf32>
    %dot_general3A_18 = tpu.matmul %max3A_14, %get3A_17, %dot_general3A {dimension_numbers = #tpu.dot_dimension_numbers<[1], [0], [0], [1], [0, 0, 1, 1], [], []>, precision = #tpu.contract_precision<fp32>, transpose_lhs_hint = false} : vector<632x128xf32>, vector<128x128xf32>, vector<632x128xf32> -> vector<632x128xf32>
    %mul3A_19 = vector.broadcast %get3A_1 : vector<632x1xf32> to vector<632x128xf32>
    %mul3A_20 = arith.mulf %dot_general3A_18, %mul3A_19 : vector<632x128xf32>
    %swap3A = arith.constant 0 : index
    %swap3A_21 = arith.constant 0 : index
    %swap3A_22 = vector.load %arg6[%swap3A, %swap3A_21] : memref<632x128xf32, #tpu.memory_space<vmem>>, vector<632x128xf32>
    tpu.vector_store %arg6[%swap3A, %swap3A_21], %mul3A_20 {strides = array<i32>} : memref<632x128xf32, #tpu.memory_space<vmem>>, vector<632x128xf32>,
    return
  }
  func.func @transform_0(%arg0: i32) -> (i32, i32) {
    %c0_i32 = arith.constant 0 : i32
    %c0_i32_0 = arith.constant 0 : i32
    return %arg0, %c0_i32 : i32, i32
  }
  func.func @transform_1(%arg0: i32) -> (i32, i32) {
    %c0_i32 = arith.constant 0 : i32
    %c0_i32_0 = arith.constant 0 : i32
    return %arg0, %c0_i32 : i32, i32
  }
  func.func @transform_2(%arg0: i32) -> (i32, i32) {
    %c0_i32 = arith.constant 0 : i32
    %c0_i32_0 = arith.constant 0 : i32
    return %arg0, %c0_i32 : i32, i32
  }
  func.func @transform_3(%arg0: i32) -> i32 {
    %c0_i32 = arith.constant 0 : i32
    %c0_i32_0 = arith.constant 0 : i32
    return %c0_i32 : i32
  }
  func.func @transform_4(%arg0: i32) -> (i32, i32) {
    %c0_i32 = arith.constant 0 : i32
    %c0_i32_0 = arith.constant 0 : i32
    %c0_i32_1 = arith.constant 0 : i32
    return %c0_i32, %c0_i32_0 : i32, i32
  }
  func.func @transform_5(%arg0: i32) -> (i32, i32) {
    %c0_i32 = arith.constant 0 : i32
    %c0_i32_0 = arith.constant 0 : i32
    return %arg0, %c0_i32 : i32, i32
  }
}

module attributes {stable_mosaic.version = 14 : i64} {
  func.func @_final_body(%arg0: i32, %arg1: memref<400x128xf32, #tpu.memory_space<vmem>>, %arg2: memref<400x128xf32, #tpu.memory_space<vmem>>, %arg3: memref<400x1xf32, #tpu.memory_space<vmem>>, %arg4: memref<40xf32, #tpu.memory_space<vmem>>, %arg5: memref<400x40xf32, #tpu.memory_space<vmem>>) attributes {dimension_semantics = [#tpu.dimension_semantics<arbitrary>], iteration_bounds = array<i64: 25>, scalar_prefetch = 0 : i64, scratch_operands = 0 : i64, tpu.core_type = #tpu.core_type<tc>, window_params = [{transform_indices = @transform_0, window_bounds = array<i64: 400, 128>}, {transform_indices = @transform_1, window_bounds = array<i64: 400, 128>}, {transform_indices = @transform_2, window_bounds = array<i64: 400, 1>}, {pipeline_mode = #tpu.pipeline_mode<synchronous>, transform_indices = @transform_3, window_bounds = array<i64: 40>}, {transform_indices = @transform_4, window_bounds = array<i64: 400, 40>}]} {
    %get3A = arith.constant 0 : index
    %get3A_0 = arith.constant 0 : index
    %get3A_1 = vector.load %arg1[%get3A, %get3A_0] : memref<400x128xf32, #tpu.memory_space<vmem>>, vector<400x128xf32>
    %get3A_2 = arith.constant 0 : index
    %get3A_3 = arith.constant 0 : index
    %get3A_4 = vector.load %arg2[%get3A_2, %get3A_3] : memref<400x128xf32, #tpu.memory_space<vmem>>, vector<400x128xf32>
    %add3A = arith.addf %get3A_1, %get3A_4 : vector<400x128xf32>
    %slice3A = vector.extract_strided_slice %add3A {offsets = [0, 0], sizes = [400, 40], strides = [1, 1]} : vector<400x128xf32> to vector<400x40xf32>
    %get3A_5 = arith.constant 0 : index
    %get3A_6 = arith.constant 0 : index
    %get3A_7 = vector.load %arg3[%get3A_5, %get3A_6] : memref<400x1xf32, #tpu.memory_space<vmem>>, vector<400x1xf32>
    %mul3A = vector.broadcast %get3A_7 : vector<400x1xf32> to vector<400x40xf32>
    %mul3A_8 = arith.mulf %slice3A, %mul3A : vector<400x40xf32>
    %get3A_9 = arith.constant 0 : index
    %get3A_10 = vector.load %arg4[%get3A_9] : memref<40xf32, #tpu.memory_space<vmem>>, vector<40xf32>
    %broadcast_in_dim3A = vector.shape_cast %get3A_10 : vector<40xf32> to vector<1x40xf32>
    %add3A_11 = vector.broadcast %broadcast_in_dim3A : vector<1x40xf32> to vector<400x40xf32>
    %add3A_12 = arith.addf %mul3A_8, %add3A_11 : vector<400x40xf32>
    %swap3A = arith.constant 0 : index
    %swap3A_13 = arith.constant 0 : index
    %swap3A_14 = vector.load %arg5[%swap3A, %swap3A_13] : memref<400x40xf32, #tpu.memory_space<vmem>>, vector<400x40xf32>
    tpu.vector_store %arg5[%swap3A, %swap3A_13], %add3A_12 {strides = array<i32>} : memref<400x40xf32, #tpu.memory_space<vmem>>, vector<400x40xf32>,
    return
  }
  func.func @transform_0(%arg0: i32) -> (i32, i32) {
    %c0_i32 = arith.constant 0 : i32
    %c0_i32_0 = arith.constant 0 : i32
    return %arg0, %c0_i32 : i32, i32
  }
  func.func @transform_1(%arg0: i32) -> (i32, i32) {
    %c0_i32 = arith.constant 0 : i32
    %c0_i32_0 = arith.constant 0 : i32
    return %arg0, %c0_i32 : i32, i32
  }
  func.func @transform_2(%arg0: i32) -> (i32, i32) {
    %c0_i32 = arith.constant 0 : i32
    %c0_i32_0 = arith.constant 0 : i32
    return %arg0, %c0_i32 : i32, i32
  }
  func.func @transform_3(%arg0: i32) -> i32 {
    %c0_i32 = arith.constant 0 : i32
    %c0_i32_0 = arith.constant 0 : i32
    return %c0_i32 : i32
  }
  func.func @transform_4(%arg0: i32) -> (i32, i32) {
    %c0_i32 = arith.constant 0 : i32
    %c0_i32_0 = arith.constant 0 : i32
    return %arg0, %c0_i32 : i32, i32
  }
}

</mosaic_0001>

<sc_bundles>
// kernel: kernel.10.cloned.1.call-start
scs
__scs_entry_jumppad:
0x0: {  	(pc) =	sbr.rel $0x88, $3  }
0x1: {  	(tag) =	ssettag $0x0;
	lr =	simm.s32 $0x1  }
0x2: {  	[smem:$0x3F99] =	sst lr;
	_ =	strace $0xD0000000  }
0x3: {  	_ = 	snop  }
0x4: {  	_ = 	snop  }
0x5: {  	_ = 	snop  }
0x6: {  	_ = 	snop  }
0x7: {  	_ = 	snop  }
__scs_overlays_trampoline_lowered:
0x8: {  	[smem:$0x3FA8] =	sst s0  }
0x9: {  	[smem:$0x3FA9] =	sst s1  }
0xa: {  	[smem:$0x3FAA] =	sst s2  }
0xb: {  	[smem:$0x3FAB] =	sst s3  }
0xc: {  	[smem:$0x3FAC] =	sst s4  }
0xd: {  	[smem:$0x3FAD] =	sst s5  }
0xe: {  	[smem:$0x3FAE] =	sst s6  }
0xf: {  	[smem:$0x3FAF] =	sst s7  }
0x10: {  	[smem:$0x3FB0] =	sst s8  }
0x11: {  	[smem:$0x3FB1] =	sst s9;
	s0 =	simm.s32 @!p0 $0x0  }
0x12: {  	s1 =	sld [smem:$0x3F97];
	s0 =	simm.s32 @p0 $0x1  }
0x13: {  	[smem:$0x3FB2] =	sst s0;
	s0 =	simm.s32 @!p1 $0x0  }
0x14: {  	s2 =	sld [smem:$0x3F96];
	s0 =	simm.s32 @p1 $0x1  }
0x15: {  	[smem:$0x3FB3] =	sst s0;
	s0 =	simm.s32 @!p2 $0x0  }
0x16: {  	s3 =	sld [smem:$0x3FDB];
	s0 =	simm.s32 @p2 $0x1  }
0x17: {  	s4 =	simm.s32 $0x1BF5;
	[smem:$0x3FB5] =	sst s0  }
0x18: {  	s0 =	sld [smem:$0x3F98];
	_ =	swait.ge [sflag:s4], $0x0  }
0x19: {  	s7 =	sld [smem:$0x3F99]  }
0x1a: {  	s8 =	sadd.s32 $0xFFFFE003, lr  }
0x1b: {  	s9 =	sadd.s32 $0xFFFFFEF7, lr;
	s5 =	simm.s32 $0xFFFFFFFF;
	p2 =	slt.u32 s8, $0xFFFFF086  }
0x1c: {  	p1 =	slt.u32 s9, $0xF7A;
	s5 =	simm.s32 @!p2 $0x0  }
0x1d: {  	s5 =	simm.s32 @p1 $0x1;
	p0 =	seq.s32 s7, s2  }
0x1e: {  	s7 =	smul.u32 @!p0 $0xF7A, s2;
	p2 =	seq.s32 @!p0 s5, $0x0  }
0x1f: {  	s9 =	smul.u32 $0xF7A, s1;
	s8 =	simm.s32 @!p0 $0x1BF5;
	p2 =	por !p2, p0  }
0x20: {  	[sflag:s8] =	ssyncset.s32 @!p0 $0xFFFFF086;
	s6 =	sadd.s32 @!p0 s3, s7;
	s7 =	simm.s32 @!p0 $0x108  }
0x21: {  	s3 =	sadd.s32 s3, s9;
	s6 =	sadd.s32 @!p0 $0x88, s6;
	s7 =	simm.s32 @p2 $0x1082  }
0x22: {  	[simem:s7], [sflag:s8] =	dma.local @!p0 [hbm:s6], $0xF7A  }
0x23: {  	s9 =	sor.u32 $0xD0000000, s2;
	s6 =	simm.s32 $0x108;
	_ =	swait.ge @!p0 [sflag:s8], $0x0  }
0x24: {  	s3 =	sadd.s32 $0x88, s3;
	s6 =	simm.s32 @!p1 $0x1082;
	[sflag:s4] =	ssyncset.s32 $0xFFFFF086  }
0x25: {  	[simem:s6], [sflag:s4] =	dma.local [hbm:s3], $0xF7A  }
0x26: {  	[smem:$0x3F99] =	sst s1;
	(tag) =	ssettag s2;
	_ =	strace s9  }
0x27: {  	s1 =	sld [smem:$0x3FA9]  }
0x28: {  	s2 =	sld [smem:$0x3FAA]  }
0x29: {  	s4 =	sld [smem:$0x3FAC]  }
0x2a: {  	p0 =	seq.s32 s5, $0x0;
	s5 =	sld [smem:$0x3FAD]  }
0x2b: {  	s6 =	sld [smem:$0x3FAE]  }
0x2c: {  	s7 =	sld [smem:$0x3FAF]  }
0x2d: {  	s3 =	simm.s32 $0x108;
	s8 =	sld [smem:$0x3FB0]  }
0x2e: {  	s3 =	simm.s32 @!p0 $0x1082;
	s9 =	sld [smem:$0x3FB1]  }
0x2f: {  	lr =	sadd.s32 s0, s3;
	s0 =	sld [smem:$0x3FA8]  }
0x30: {  	s3 =	sld [smem:$0x3FAB]  }
0x31: {  	[smem:$0x3FB4] =	sst s10  }
0x32: {  	s10 =	sld [smem:$0x3FB2];
	_ =	sdelay $0x3  }
0x33: {  	p0 =	seq.s32 s10, $0x1;
	s10 =	sld [smem:$0x3FB4];
	_ =	sdelay $0x3  }
0x34: {  	[smem:$0x3FB4] =	sst s10  }
0x35: {  	s10 =	sld [smem:$0x3FB3];
	_ =	sdelay $0x3  }
0x36: {  	p1 =	seq.s32 s10, $0x1;
	s10 =	sld [smem:$0x3FB4];
	_ =	sdelay $0x3  }
0x37: {  	[smem:$0x3FB4] =	sst s10  }
0x38: {  	s10 =	sld [smem:$0x3FB5]  }
0x39: {  	_ = 	snop;
	(pc) =	sbr.ind lr, $3  }
0x3a: {  	_ = 	snop  }
0x3b: {  	_ = 	snop  }
0x3c: {  	p2 =	seq.s32 s10, $0x1;
	s10 =	sld [smem:$0x3FB4]  }
0x3d: {  	_ =	shalt  }
0x3e: {  	_ =	shalt  }
0x3f: {  	_ =	shalt  }
0x40: {  	_ =	shalt  }
0x41: {  	_ =	shalt  }
0x42: {  	_ =	shalt  }
0x43: {  	_ =	shalt  }
0x44: {  	_ =	shalt  }
0x45: {  	_ =	shalt  }
0x46: {  	_ =	shalt  }
0x47: {  	_ =	shalt  }
0x48: {  	_ =	shalt  }
0x49: {  	_ =	shalt  }
0x4a: {  	_ =	shalt  }
0x4b: {  	_ =	shalt  }
0x4c: {  	_ =	shalt  }
0x4d: {  	_ =	shalt  }
0x4e: {  	_ =	shalt  }
0x4f: {  	_ =	shalt  }
0x50: {  	_ =	shalt  }
0x51: {  	_ =	shalt  }
0x52: {  	_ =	shalt  }
0x53: {  	_ =	shalt  }
0x54: {  	_ =	shalt  }
0x55: {  	_ =	shalt  }
0x56: {  	_ =	shalt  }
0x57: {  	_ =	shalt  }
0x58: {  	_ =	shalt  }
0x59: {  	_ =	shalt  }
0x5a: {  	_ =	shalt  }
0x5b: {  	_ =	shalt  }
0x5c: {  	_ =	shalt  }
0x5d: {  	_ =	shalt  }
0x5e: {  	_ =	shalt  }
0x5f: {  	_ =	shalt  }
0x60: {  	_ =	shalt  }
0x61: {  	_ =	shalt  }
0x62: {  	_ =	shalt  }
0x63: {  	_ =	shalt  }
0x64: {  	_ =	shalt  }
0x65: {  	_ =	shalt  }
0x66: {  	_ =	shalt  }
0x67: {  	_ =	shalt  }
0x68: {  	_ =	shalt  }
0x69: {  	_ =	shalt  }
0x6a: {  	_ =	shalt  }
0x6b: {  	_ =	shalt  }
0x6c: {  	_ =	shalt  }
0x6d: {  	_ =	shalt  }
0x6e: {  	_ =	shalt  }
0x6f: {  	_ =	shalt  }
0x70: {  	_ =	shalt  }
0x71: {  	_ =	shalt  }
0x72: {  	_ =	shalt  }
0x73: {  	_ =	shalt  }
0x74: {  	_ =	shalt  }
0x75: {  	_ =	shalt  }
0x76: {  	_ =	shalt  }
0x77: {  	_ =	shalt  }
0x78: {  	_ =	shalt  }
0x79: {  	_ =	shalt  }
0x7a: {  	_ =	shalt  }
0x7b: {  	_ =	shalt  }
0x7c: {  	_ =	shalt  }
0x7d: {  	_ =	shalt  }
0x7e: {  	_ =	shalt  }
0x7f: {  	_ =	shalt  }
0x80: {  	_ =	shalt  }
0x81: {  	_ =	shalt  }
0x82: {  	_ =	shalt  }
0x83: {  	_ =	shalt  }
0x84: {  	_ =	shalt  }
0x85: {  	_ =	shalt  }
0x86: {  	_ =	shalt  }
0x87: {  	_ =	shalt  }
.Lfunc_end0:
.L_simem_size_0:
called_computation_lowered:
.L_overlay_start_0:
0x88: {  	s2 =	sld [smem:$0x3FD9]  }
0x89: {  	s3 =	sld [smem:$0x3FFE];
	_ =	sdelay $0x1  }
0x8a: {  	s1 =	srdreg.scid  }
0x8b: {  	s0 =	sand.u32 $0x1, s1  }
0x8c: {  	s16 =	sshll.u32 s0, $0xA;
	s2 =	sadd.s32 s3, s2  }
0x8d: {  	s2 =	sadd.s32 s2, s16  }
0x8e: {  	[smem:$0x3FC0] =	sst s2  }
0x8f: {  	_ = 	snop  }
0x90: {  	(tm) =	ssettm $0x1  }
0x91: {  	s17 =	sld [smem:$0x3FFB];
	_ =	sdelay $0x3  }
0x92: {  	_ =	strace s17  }
0x93: {  	s2 =	sld [smem:$0x3FFC];
	_ =	sdelay $0x3  }
0x94: {  	_ =	strace s2  }
0x95: {  	s2 =	sld [smem:$0x3FFD];
	_ =	sdelay $0x3  }
0x96: {  	_ =	strace s2  }
0x97: {  	_ =	strace $0x8FFFFFFF  }
0x98: {  	s18 =	sld [smem:$0x3FDB];
	_ =	sdelay $0x1  }
0x99: {  	s19 =	simm.s32 $_scs_section_size  }
0x9a: {  	s4 =	simm.s32 $_size__tile_overlayer_lowered;
	s5 =	simm.s32 $_tile_overlayer_lowered  }
0x9b: {  	s22 =	simm.s32 $0x1BFF;
	s21 =	sshll.u32 s5, $0x1;
	s2 =	sadd.s32 s19, s18  }
0x9c: {  	s6 =	simm.s32 $0x0;
	s20 =	sshll.u32 s4, $0x1;
	s4 =	sadd.s32 s21, s2  }
0x9d: {  	[timem:s6], [sflag:s22] =	dma.local [hbm:s4], s20  }
0x9e: {  	_ =	swait.ge [sflag:s22], s20  }
0x9f: {  	s3 =	ssub.s32 $0x0, s20;
	[sflag:s22] =	ssyncset.done $0x0  }
0xa0: {  	[sflag:s22] =	ssyncadd.s32 s3;
	_ =	sdelay $0x1  }
0xa1: {  	s23 =	simm.s32 $0x1B8B  }
0xa2: {  	_ =	swait.ge [sflag:s23], $0x1  }
0xa3: {  	[sflag:s23] =	ssyncset.done $0x0  }
0xa4: {  	s25 =	simm.s32 $0x1B8E;
	s24 =	sld [smem:$0x3FFE];
	[sflag:s23] =	ssyncadd.s32 $0xFFFFFFFF  }
0xa5: {  	s26 =	simm.s32 $execute0_lowered;
	[smem:$0x3FD2] =	sst s25  }
0xa6: {  	s4 =	sshll.u32 s26, $0x1;
	_ =	strace $0x80000046;
	[dreg:$0x1] =	wrdreg $0xFFFFFFFF  }
0xa7: {  	s28 =	simm.s32 $_size_execute0_lowered;
	s2 =	sadd.s32 s2, s4;
	[dreg:$0x0] =	wrdreg $0x0  }
0xa8: {  	s4 =	sshll.u32 s28, $0x1;
	[dreg:$0x2] =	wrdreg s2  }
0xa9: {  	[dreg:$0x3] =	wrdreg s4  }
0xaa: {  	[dreg:$0x4] =	wrdreg $0xC0  }
0xab: {  	_ =	task [dreg:s6], $0x5FFFF  }
0xac: {  	[dreg:$0x1] =	wrdreg $0xFFFFFFFF  }
0xad: {  	[dreg:$0x0] =	wrdreg $0x60  }
0xae: {  	[dreg:$0x2] =	wrdreg s24  }
0xaf: {  	[dreg:$0x3] =	wrdreg $0x68000  }
0xb0: {  	[dreg:$0x4] =	wrdreg $0x9  }
0xb1: {  	_ =	task.clear_ibuf [dreg:s6], $0x5FFFF;
	_ =	strace $0x90000046  }
0xb2: {  	s29 =	simm.s32 $0x9;
	_ =	strace $0x80000048  }
0xb3: {  	_ =	swait.ge [sflag:s29], $0x1  }
0xb4: {  	[sflag:s29] =	ssyncadd.s32 $0xFFFFFFFF  }
0xb5: {  	_ =	strace $0x90000048  }
0xb6: {  	_ =	sfence  }
0xb7: {  	s30 =	sld [smem:$0x0];
	_ =	sdelay $0x2  }
0xb8: {  	s31 =	sshll.u32 s1, $0xD;
	s1 =	sshrl.u32 s1, $0x2  }
0xb9: {  	s3 =	sand.u32 $0x4000, s31;
	s1 =	sadd.s32 s1, s30  }
0xba: {  	s0 =	sor.u32 s3, s0;
	s1 =	sshll.u32 s1, $0x11  }
0xbb: {  	s0 =	sor.u32 s1, s0  }
0xbc: {  	s0 =	sadd.s32 $0x8F2B, s0  }
0xbd: {  	[sflag:s0] =	ssyncadd.remote.s32 $0x1  }
0xbe: {  	_ =	sfence.sel $0xFFFF  }
0xbf: {  	[dreg:$0x0] =	wrdreg $0xFFFFFFFF;
	(pc) =	sbr.abs _section_cstart, $3  }
0xc0: {  	[dreg:$0x1] =	wrdreg $0xFFFFFFFF  }
0xc1: {  	_ =	task.clear_ibuf [dreg:s6], $0x2FFFF;
	_ =	strace $0x9FFFFFFF  }
0xc2: {  	(tm) =	ssettm $0x7FFFFFFF  }
0xc3: {  	_ =	shalt  }
tec
execute0_lowered:
.L_overlay_start_1:
0x0: {  	(tag) =	ssettag $0x1  }
0x1: {  	s0 =	srdreg.scid;
	s5 =	rddreg [dreg:$0x0]  }
0x2: {  	s2 =	rddreg [dreg:$0x1];
	s3 =	simm.s32 $0x0;
	s14 =	simm.s32 $0x0  }
0x3: {  	s6 =	sand.u32 $0x1, s0;
	s0 =	stileid.u32;
	[smem:$0x7FF] =	sst s3  }
0x4: {  	s8 =	sadd.s32 $0xE200, s5;
	s11 =	sadd.s32 $0x5D200, s5;
	s12 =	sadd.s32 $0x84A00, s5  }
0x5: {  	s1 =	sshll.u32 s6, $0x4;
	s9 =	ssub.s32 $0x2, s6;
	s10 =	smul.u32 $0x4F000, s0  }
0x6: {  	p0 =	seq.s32 s6, $0x0;
	s30 =	smul.u32 $0x2780, s0;
	s31 =	sshll.u32 s0, $0x6  }
0x7: {  	s4 =	sor.u32 s0, s1;
	s1 =	rddreg [dreg:$0x2];
	_ =	strace $0x80000047  }
0x8: {  	s28 =	sshrl.u32 s9, $0x1;
	s12 =	smov.u32 @p0 s11;
	s4 =	smul.u32 $0x500, s4  }
0x9: {  	s11 =	sor.u32 $0x1C01, s31;
	s9 =	ssub.s32 s9, s28;
	s29 =	sshrl.u32 s10, $0x2  }
0xa: {  	s10 =	simm.s32 $0x2800;
	s7 =	sadd.s32 s4, s5;
	s4 =	sadd.s32 $0x35A00, s5  }
0xb: {  	s13 =	sadd.s32 s29, s2;
	s6 =	smax.u32 s9, $0x1;
	s8 =	smov.u32 @p0 s4  }
0xc: {  	s9 =	simm.s32 $0x1;
	s5 =	sadd.s32 $0x4200, s7;
	s7 =	sadd.s32 s8, s30  }
0xd: {  	s8 =	sadd.s32 s12, s30;
	s12 =	sshrl.u32 s13, $0x3;
	s13 =	simm.s32 $0x80  }
.LBB2_1:
0xe: {  	[tilespmem:s3], [sflag:$0x1] =	stream.linear.gather [hbm4b:s5+s3], $0x2800, $0x38;
	[tilespmem:$0x1A400] =	vst v63  }
0xf: {  	_ =	swait.ge [sflag:s9], $0x2800  }
0x10: {  	[sflag:s9] =	ssyncset.done $0x0  }
0x11: {  	[sflag:s9] =	ssyncadd.s32 $0xFFFFD800  }
0x12: {  	[tilespmem:s10], [sflag:$0x1] =	stream.linear.gather [hbm4b:s4+s3], $0x4000, $0x38;
	[tilespmem:$0x1A400] =	vst v63  }
0x13: {  	_ =	swait.ge [sflag:s9], $0x4000  }
0x14: {  	[sflag:s9] =	ssyncset.done $0x0  }
0x15: {  	[sflag:s9] =	ssyncadd.s32 $0xFFFFC000  }
0x16: {  	[spmem:s12], [sflag:s11] =	dma.local [hbm:s7], $0x2780  }
0x17: {  	_ =	swait.ge [sflag:s9], $0x2780  }
0x18: {  	[sflag:s9] =	ssyncset.done $0x0  }
0x19: {  	[sflag:s9] =	ssyncadd.s32 $0xFFFFD880  }
0x1a: {  	s15 =	simm.s32 $0x0;
	[bflag:$0x0] =	sbarrier.arrive $0xFFFF  }
0x1b: {  	[spmem:s2] =	stream.indirect.scatter.add.f32 [tilespmem:s10], [sflag:$0x1], $0x80, s15, s13, $0xb8;
	[tilespmem:$0x1A400] =	vst v63  }
0x1c: {  	_ =	swait.ge [sflag:s9], $0x4000  }
0x1d: {  	s15 =	simm.s32 $0x200;
	[sflag:s9] =	ssyncset.done $0x0  }
.LBB2_2:
0x1e: {  	s16 =	sshra.s32 s15, $0x2;
	[sflag:s9] =	ssyncadd.s32 $0xFFFFC000;
	p0 =	sne.s32 s15, $0x9E00  }
0x1f: {  	[spmem:s2] =	stream.indirect.scatter.add.f32 [tilespmem:s10], [sflag:$0x1], $0x80, s16, s13, $0xb8;
	[tilespmem:$0x1A400] =	vst v63  }
.Ltmp0:
0x20: {  	_ = 	snop;
	(pc) =	sbr.rel @p0 .LBB2_2-.Ltmp0, $4  }
0x21: {  	_ = 	snop  }
0x22: {  	s15 =	sadd.s32 $0x200, s15  }
0x23: {  	_ =	swait.ge [sflag:s9], $0x4000  }
0x24: {  	[sflag:s9] =	ssyncset.done $0x0  }
0x25: {  	s14 =	sadd.s32 $0x1, s14  }
0x26: {  	[sflag:s9] =	ssyncadd.s32 $0xFFFFC000;
	p0 =	sne.s32 s14, s6  }
.Ltmp1:
0x27: {  	[bflag:$0x0] =	sbarrier.arrive $0xFFFF;
	(pc) =	sbr.rel @p0 .LBB2_1-.Ltmp1, $4  }
0x28: {  	[hbm:s8], [sflag:s11] =	dma.local [spmem:s12], $0x2780  }
0x29: {  	_ =	swait.ge [sflag:s9], $0x2780  }
0x2a: {  	[sflag:s9] =	ssyncset.done $0x0  }
0x2b: {  	[sflag:s9] =	ssyncadd.s32 $0xFFFFD880  }
0x2c: {  	_ =	sfence.sel $0x180000  }
0x2d: {  	[bflag:$0x0] =	sbarrier.arrive $0xFFFF  }
0x2e: {  	p0 =	sne.s32 s0, $0x0;
	_ =	strace $0x90000047  }
0x2f: {  	s0 =	sadd.s32 @!p0 $0x100000, s1;
	[bflag:$0x2] =	sbarrier.arrive $0xFFFF  }
0x30: {  	[sflag:s0] =	ssyncadd.tile.s32 @!p0 $0x1;
	_ =	shalt  }
.Lfunc_end2:
_tile_overlayer_lowered:
.L_overlay_start_2:
0x31: {  	(tag) =	ssettag $0x2  }
0x32: {  	s0 =	rddreg [dreg:$0x0];
	s2 =	stileid.u32  }
0x33: {  	s1 =	rddreg [dreg:$0x1];
	p0 =	sne.s32 s2, $0x0  }
0x34: {  	s3 =	rddreg [dreg:$0x2];
	[bflag:$0x3] =	sbarrier.arrive $0xFFFF;
	s2 =	simm.s32 @!p0 $0x1C01  }
0x35: {  	[timem:s3], [sflag:s2] =	dma.local @!p0 [hbm:s0], s1  }
0x36: {  	s0 =	simm.s32 @!p0 $0x1  }
0x37: {  	_ =	swait.ge @!p0 [sflag:s0], s1  }
0x38: {  	s1 =	ssub.s32 @!p0 $0x0, s1;
	[sflag:s0] =	ssyncset.done @!p0 $0x0  }
0x39: {  	[sflag:s0] =	ssyncadd.s32 @!p0 s1  }
0x3a: {  	[bflag:$0x3] =	sbarrier.arrive $0xFFFF  }
0x3b: {  	_ =	shalt  }

// kernel: kernel.13.cloned.1.call-start
scs
__scs_entry_jumppad:
0x0: {  	(pc) =	sbr.rel $0x88, $3  }
0x1: {  	(tag) =	ssettag $0x0;
	lr =	simm.s32 $0x1  }
0x2: {  	[smem:$0x3F99] =	sst lr;
	_ =	strace $0xD0000000  }
0x3: {  	_ = 	snop  }
0x4: {  	_ = 	snop  }
0x5: {  	_ = 	snop  }
0x6: {  	_ = 	snop  }
0x7: {  	_ = 	snop  }
__scs_overlays_trampoline_lowered:
0x8: {  	[smem:$0x3FA8] =	sst s0  }
0x9: {  	[smem:$0x3FA9] =	sst s1  }
0xa: {  	[smem:$0x3FAA] =	sst s2  }
0xb: {  	[smem:$0x3FAB] =	sst s3  }
0xc: {  	[smem:$0x3FAC] =	sst s4  }
0xd: {  	[smem:$0x3FAD] =	sst s5  }
0xe: {  	[smem:$0x3FAE] =	sst s6  }
0xf: {  	[smem:$0x3FAF] =	sst s7  }
0x10: {  	[smem:$0x3FB0] =	sst s8  }
0x11: {  	[smem:$0x3FB1] =	sst s9;
	s0 =	simm.s32 @!p0 $0x0  }
0x12: {  	s1 =	sld [smem:$0x3F97];
	s0 =	simm.s32 @p0 $0x1  }
0x13: {  	[smem:$0x3FB2] =	sst s0;
	s0 =	simm.s32 @!p1 $0x0  }
0x14: {  	s2 =	sld [smem:$0x3F96];
	s0 =	simm.s32 @p1 $0x1  }
0x15: {  	[smem:$0x3FB3] =	sst s0;
	s0 =	simm.s32 @!p2 $0x0  }
0x16: {  	s3 =	sld [smem:$0x3FDB];
	s0 =	simm.s32 @p2 $0x1  }
0x17: {  	s4 =	simm.s32 $0x1BF5;
	[smem:$0x3FB5] =	sst s0  }
0x18: {  	s0 =	sld [smem:$0x3F98];
	_ =	swait.ge [sflag:s4], $0x0  }
0x19: {  	s7 =	sld [smem:$0x3F99]  }
0x1a: {  	s8 =	sadd.s32 $0xFFFFE003, lr  }
0x1b: {  	s9 =	sadd.s32 $0xFFFFFEF7, lr;
	s5 =	simm.s32 $0xFFFFFFFF;
	p2 =	slt.u32 s8, $0xFFFFF086  }
0x1c: {  	p1 =	slt.u32 s9, $0xF7A;
	s5 =	simm.s32 @!p2 $0x0  }
0x1d: {  	s5 =	simm.s32 @p1 $0x1;
	p0 =	seq.s32 s7, s2  }
0x1e: {  	s7 =	smul.u32 @!p0 $0xF7A, s2;
	p2 =	seq.s32 @!p0 s5, $0x0  }
0x1f: {  	s9 =	smul.u32 $0xF7A, s1;
	s8 =	simm.s32 @!p0 $0x1BF5;
	p2 =	por !p2, p0  }
0x20: {  	[sflag:s8] =	ssyncset.s32 @!p0 $0xFFFFF086;
	s6 =	sadd.s32 @!p0 s3, s7;
	s7 =	simm.s32 @!p0 $0x108  }
0x21: {  	s3 =	sadd.s32 s3, s9;
	s6 =	sadd.s32 @!p0 $0x88, s6;
	s7 =	simm.s32 @p2 $0x1082  }
0x22: {  	[simem:s7], [sflag:s8] =	dma.local @!p0 [hbm:s6], $0xF7A  }
0x23: {  	s9 =	sor.u32 $0xD0000000, s2;
	s6 =	simm.s32 $0x108;
	_ =	swait.ge @!p0 [sflag:s8], $0x0  }
0x24: {  	s3 =	sadd.s32 $0x88, s3;
	s6 =	simm.s32 @!p1 $0x1082;
	[sflag:s4] =	ssyncset.s32 $0xFFFFF086  }
0x25: {  	[simem:s6], [sflag:s4] =	dma.local [hbm:s3], $0xF7A  }
0x26: {  	[smem:$0x3F99] =	sst s1;
	(tag) =	ssettag s2;
	_ =	strace s9  }
0x27: {  	s1 =	sld [smem:$0x3FA9]  }
0x28: {  	s2 =	sld [smem:$0x3FAA]  }
0x29: {  	s4 =	sld [smem:$0x3FAC]  }
0x2a: {  	p0 =	seq.s32 s5, $0x0;
	s5 =	sld [smem:$0x3FAD]  }
0x2b: {  	s6 =	sld [smem:$0x3FAE]  }
0x2c: {  	s7 =	sld [smem:$0x3FAF]  }
0x2d: {  	s3 =	simm.s32 $0x108;
	s8 =	sld [smem:$0x3FB0]  }
0x2e: {  	s3 =	simm.s32 @!p0 $0x1082;
	s9 =	sld [smem:$0x3FB1]  }
0x2f: {  	lr =	sadd.s32 s0, s3;
	s0 =	sld [smem:$0x3FA8]  }
0x30: {  	s3 =	sld [smem:$0x3FAB]  }
0x31: {  	[smem:$0x3FB4] =	sst s10  }
0x32: {  	s10 =	sld [smem:$0x3FB2];
	_ =	sdelay $0x3  }
0x33: {  	p0 =	seq.s32 s10, $0x1;
	s10 =	sld [smem:$0x3FB4];
	_ =	sdelay $0x3  }
0x34: {  	[smem:$0x3FB4] =	sst s10  }
0x35: {  	s10 =	sld [smem:$0x3FB3];
	_ =	sdelay $0x3  }
0x36: {  	p1 =	seq.s32 s10, $0x1;
	s10 =	sld [smem:$0x3FB4];
	_ =	sdelay $0x3  }
0x37: {  	[smem:$0x3FB4] =	sst s10  }
0x38: {  	s10 =	sld [smem:$0x3FB5]  }
0x39: {  	_ = 	snop;
	(pc) =	sbr.ind lr, $3  }
0x3a: {  	_ = 	snop  }
0x3b: {  	_ = 	snop  }
0x3c: {  	p2 =	seq.s32 s10, $0x1;
	s10 =	sld [smem:$0x3FB4]  }
0x3d: {  	_ =	shalt  }
0x3e: {  	_ =	shalt  }
0x3f: {  	_ =	shalt  }
0x40: {  	_ =	shalt  }
0x41: {  	_ =	shalt  }
0x42: {  	_ =	shalt  }
0x43: {  	_ =	shalt  }
0x44: {  	_ =	shalt  }
0x45: {  	_ =	shalt  }
0x46: {  	_ =	shalt  }
0x47: {  	_ =	shalt  }
0x48: {  	_ =	shalt  }
0x49: {  	_ =	shalt  }
0x4a: {  	_ =	shalt  }
0x4b: {  	_ =	shalt  }
0x4c: {  	_ =	shalt  }
0x4d: {  	_ =	shalt  }
0x4e: {  	_ =	shalt  }
0x4f: {  	_ =	shalt  }
0x50: {  	_ =	shalt  }
0x51: {  	_ =	shalt  }
0x52: {  	_ =	shalt  }
0x53: {  	_ =	shalt  }
0x54: {  	_ =	shalt  }
0x55: {  	_ =	shalt  }
0x56: {  	_ =	shalt  }
0x57: {  	_ =	shalt  }
0x58: {  	_ =	shalt  }
0x59: {  	_ =	shalt  }
0x5a: {  	_ =	shalt  }
0x5b: {  	_ =	shalt  }
0x5c: {  	_ =	shalt  }
0x5d: {  	_ =	shalt  }
0x5e: {  	_ =	shalt  }
0x5f: {  	_ =	shalt  }
0x60: {  	_ =	shalt  }
0x61: {  	_ =	shalt  }
0x62: {  	_ =	shalt  }
0x63: {  	_ =	shalt  }
0x64: {  	_ =	shalt  }
0x65: {  	_ =	shalt  }
0x66: {  	_ =	shalt  }
0x67: {  	_ =	shalt  }
0x68: {  	_ =	shalt  }
0x69: {  	_ =	shalt  }
0x6a: {  	_ =	shalt  }
0x6b: {  	_ =	shalt  }
0x6c: {  	_ =	shalt  }
0x6d: {  	_ =	shalt  }
0x6e: {  	_ =	shalt  }
0x6f: {  	_ =	shalt  }
0x70: {  	_ =	shalt  }
0x71: {  	_ =	shalt  }
0x72: {  	_ =	shalt  }
0x73: {  	_ =	shalt  }
0x74: {  	_ =	shalt  }
0x75: {  	_ =	shalt  }
0x76: {  	_ =	shalt  }
0x77: {  	_ =	shalt  }
0x78: {  	_ =	shalt  }
0x79: {  	_ =	shalt  }
0x7a: {  	_ =	shalt  }
0x7b: {  	_ =	shalt  }
0x7c: {  	_ =	shalt  }
0x7d: {  	_ =	shalt  }
0x7e: {  	_ =	shalt  }
0x7f: {  	_ =	shalt  }
0x80: {  	_ =	shalt  }
0x81: {  	_ =	shalt  }
0x82: {  	_ =	shalt  }
0x83: {  	_ =	shalt  }
0x84: {  	_ =	shalt  }
0x85: {  	_ =	shalt  }
0x86: {  	_ =	shalt  }
0x87: {  	_ =	shalt  }
.Lfunc_end0:
.L_simem_size_0:
called_computation.1_lowered:
.L_overlay_start_0:
0x88: {  	s2 =	sld [smem:$0x3FD9]  }
0x89: {  	s3 =	sld [smem:$0x3FFE];
	_ =	sdelay $0x1  }
0x8a: {  	s1 =	srdreg.scid  }
0x8b: {  	s0 =	sand.u32 $0x1, s1  }
0x8c: {  	s17 =	sshll.u32 s0, $0xA;
	s2 =	sadd.s32 s3, s2  }
0x8d: {  	s2 =	sadd.s32 s2, s17  }
0x8e: {  	[smem:$0x3FC0] =	sst s2  }
0x8f: {  	_ = 	snop  }
0x90: {  	s2 =	sld [smem:$0x3FD0];
	(tm) =	ssettm $0x1  }
0x91: {  	s18 =	sld [smem:$0x3FFB];
	_ =	sdelay $0x3  }
0x92: {  	_ =	strace s18  }
0x93: {  	s3 =	sld [smem:$0x3FFC];
	_ =	sdelay $0x3  }
0x94: {  	_ =	strace s3  }
0x95: {  	s3 =	sld [smem:$0x3FFD];
	_ =	sdelay $0x3  }
0x96: {  	_ =	strace s3  }
0x97: {  	_ =	strace $0x8FFFFFFF  }
0x98: {  	s19 =	sld [smem:$0x3FDB];
	_ =	sdelay $0x1  }
0x99: {  	s4 =	simm.s32 $_scs_section_size  }
0x9a: {  	s5 =	simm.s32 $_size__tile_overlayer_lowered;
	s6 =	simm.s32 $_tile_overlayer_lowered  }
0x9b: {  	s22 =	simm.s32 $0x1BFF;
	s21 =	sshll.u32 s6, $0x1;
	s3 =	sadd.s32 s4, s19  }
0x9c: {  	s7 =	simm.s32 $0x0;
	s20 =	sshll.u32 s5, $0x1;
	s5 =	sadd.s32 s21, s3  }
0x9d: {  	[timem:s7], [sflag:s22] =	dma.local [hbm:s5], s20  }
0x9e: {  	_ =	swait.ge [sflag:s22], s20  }
0x9f: {  	s4 =	ssub.s32 $0x0, s20;
	[sflag:s22] =	ssyncset.done $0x0  }
0xa0: {  	[sflag:s22] =	ssyncadd.s32 s4;
	_ =	sdelay $0x1  }
0xa1: {  	s23 =	simm.s32 $0x1B8B  }
0xa2: {  	_ =	swait.ge [sflag:s23], $0x1  }
0xa3: {  	[sflag:s23] =	ssyncset.done $0x0  }
0xa4: {  	s25 =	simm.s32 $0x1B8E;
	s24 =	sld [smem:$0x3FFE];
	[sflag:s23] =	ssyncadd.s32 $0xFFFFFFFF  }
0xa5: {  	s26 =	simm.s32 $execute0_lowered;
	[smem:$0x3FD2] =	sst s25  }
0xa6: {  	s5 =	sshll.u32 s26, $0x1;
	_ =	strace $0x80000049;
	[dreg:$0x1] =	wrdreg $0xFFFFFFFF  }
0xa7: {  	s28 =	simm.s32 $_size_execute0_lowered;
	s3 =	sadd.s32 s3, s5;
	[dreg:$0x0] =	wrdreg $0x0  }
0xa8: {  	s5 =	sshll.u32 s28, $0x1;
	[dreg:$0x2] =	wrdreg s3  }
0xa9: {  	[dreg:$0x3] =	wrdreg s5  }
0xaa: {  	[dreg:$0x4] =	wrdreg $0xC0  }
0xab: {  	_ =	task [dreg:s7], $0x5FFFF  }
0xac: {  	[dreg:$0x1] =	wrdreg $0xFFFFFFFF  }
0xad: {  	[dreg:$0x0] =	wrdreg $0x60  }
0xae: {  	[dreg:$0x2] =	wrdreg s2  }
0xaf: {  	[dreg:$0x3] =	wrdreg s24  }
0xb0: {  	[dreg:$0x4] =	wrdreg $0xAA000  }
0xb1: {  	[dreg:$0x5] =	wrdreg $0x9  }
0xb2: {  	_ =	task.clear_ibuf [dreg:s7], $0x6FFFF;
	_ =	strace $0x90000049  }
0xb3: {  	s29 =	simm.s32 $0x9;
	_ =	strace $0x8000004B  }
0xb4: {  	_ =	swait.ge [sflag:s29], $0x1  }
0xb5: {  	[sflag:s29] =	ssyncadd.s32 $0xFFFFFFFF  }
0xb6: {  	_ =	strace $0x9000004B  }
0xb7: {  	_ =	sfence  }
0xb8: {  	s30 =	sld [smem:$0x0];
	_ =	sdelay $0x2  }
0xb9: {  	s31 =	sshll.u32 s1, $0xD;
	s1 =	sshrl.u32 s1, $0x2  }
0xba: {  	s3 =	sand.u32 $0x4000, s31;
	s1 =	sadd.s32 s1, s30  }
0xbb: {  	s0 =	sor.u32 s3, s0;
	s1 =	sshll.u32 s1, $0x11  }
0xbc: {  	s0 =	sor.u32 s1, s0  }
0xbd: {  	s0 =	sadd.s32 $0x8F2B, s0  }
0xbe: {  	[sflag:s0] =	ssyncadd.remote.s32 $0x1  }
0xbf: {  	_ =	sfence.sel $0xFFFF  }
0xc0: {  	[dreg:$0x0] =	wrdreg $0xFFFFFFFF;
	(pc) =	sbr.abs _section_cstart, $3  }
0xc1: {  	[dreg:$0x1] =	wrdreg $0xFFFFFFFF  }
0xc2: {  	_ =	task.clear_ibuf [dreg:s7], $0x2FFFF;
	_ =	strace $0x9FFFFFFF  }
0xc3: {  	(tm) =	ssettm $0x7FFFFFFF  }
tec
execute0_lowered:
.L_overlay_start_1:
0x0: {  	(tag) =	ssettag $0x1  }
0x1: {  	s0 =	rddreg [dreg:$0x0]  }
0x2: {  	s2 =	rddreg [dreg:$0x1]  }
0x3: {  	s1 =	rddreg [dreg:$0x2]  }
0x4: {  	s4 =	srdreg.scid;
	s3 =	simm.s32 $0x0;
	s14 =	stileid.u32  }
0x5: {  	s28 =	simm.s32 $0x5;
	s29 =	simm.s32 $0x6A00;
	s30 =	simm.s32 $0x2980  }
0x6: {  	s31 =	simm.s32 $0x2;
	s7 =	sand.u32 $0x1, s4;
	[smem:$0x7FF] =	sst s3  }
0x7: {  	s5 =	sadd.s32 $0x35A00, s2;
	s9 =	sadd.s32 $0xE200, s2;
	s13 =	smul.u32 $0x4F000, s14  }
0x8: {  	s10 =	sadd.s32 $0x5D200, s2;
	s19 =	smul.u32 $0x2780, s14;
	s26 =	sshll.u32 s14, $0x6  }
0x9: {  	s4 =	sshll.u32 s7, $0x4;
	_ =	strace $0x8000004A;
	s8 =	ssub.s32 $0x2, s7  }
0xa: {  	p0 =	seq.s32 s7, $0x0;
	s6 =	sor.u32 s14, s4;
	s4 =	sadd.s32 $0x4200, s2  }
0xb: {  	s11 =	sshrl.u32 s8, $0x1;
	s2 =	sadd.s32 $0x84A00, s2;
	s17 =	sshrl.u32 s13, $0x2  }
0xc: {  	s9 =	smov.u32 @p0 s5;
	s13 =	sor.u32 $0x1C09, s26;
	s6 =	smul.u32 $0x2800, s6  }
0xd: {  	s11 =	ssub.s32 s8, s11;
	s25 =	sadd.s32 s9, s19;
	[dreg:$0xf] =	wrdreg s13  }
0xe: {  	s2 =	smov.u32 @p0 s10;
	s24 =	smax.u32 s11, $0x1;
	[dreg:$0xd] =	wrdreg s25  }
0xf: {  	s2 =	sadd.s32 s2, s19;
	s12 =	sshrl.u32 s6, $0x3;
	[dreg:$0xc] =	wrdreg s24  }
0x10: {  	s7 =	simm.s32 $0x7;
	[dreg:$0xe] =	wrdreg s2;
	s0 =	sadd.s32 s0, s12  }
0x11: {  	s26 =	simm.s32 $0x1;
	s18 =	sadd.s32 s4, s12;
	[dreg:$0x4] =	wrdreg s0  }
0x12: {  	s9 =	simm.s32 $0x4;
	s12 =	sadd.s32 $0x10, s18;
	[dreg:$0x5] =	wrdreg s18  }
0x13: {  	s10 =	simm.s32 $0x8;
	s20 =	sadd.s32 $0x20, s18;
	[dreg:$0x6] =	wrdreg s12  }
0x14: {  	s25 =	simm.s32 $0x2A00;
	s21 =	sadd.s32 $0x30, s18;
	[dreg:$0x7] =	wrdreg s20  }
0x15: {  	s11 =	simm.s32 $0x0;
	s22 =	sadd.s32 $0x40, s18;
	[dreg:$0x8] =	wrdreg s21  }
0x16: {  	s24 =	simm.s32 $0x80;
	s23 =	sadd.s32 $0x50, s18;
	[dreg:$0x9] =	wrdreg s22  }
0x17: {  	s2 =	simm.s32 $0x3;
	s8 =	sadd.s32 $0x60, s18;
	[dreg:$0xa] =	wrdreg s23  }
0x18: {  	s0 =	sadd.s32 s17, s1;
	[dreg:$0xb] =	wrdreg s8;
	s12 =	simm.s32 $0x9  }
0x19: {  	s14 =	sshrl.u32 s0, $0x3;
	s21 =	simm.s32 $0x2800;
	s22 =	simm.s32 $0x2880  }
0x1a: {  	s23 =	simm.s32 $0x2900;
	s0 =	simm.s32 $0x6;
	[dreg:$0x10] =	wrdreg s14  }
.LBB2_1:
0x1b: {  	s8 =	rddreg [dreg:$0x4]  }
0x1c: {  	[tilespmem:s3], [sflag:$0x9] =	stream.linear.gather [hbm4b:s8+s3], $0x2800, $0x38;
	[tilespmem:$0x1E600] =	vst v63  }
0x1d: {  	_ =	swait.ge [sflag:s12], $0x2800  }
0x1e: {  	[sflag:s12] =	ssyncset.done $0x0  }
0x1f: {  	s16 =	rddreg [dreg:$0xd];
	[sflag:s12] =	ssyncadd.s32 $0xFFFFD800  }
0x20: {  	[spmem:s14], [sflag:s13] =	dma.local [hbm:s16], $0x2780  }
0x21: {  	_ =	swait.ge [sflag:s12], $0x2780  }
0x22: {  	[sflag:s12] =	ssyncset.done $0x0  }
0x23: {  	[sflag:s12] =	ssyncadd.s32 $0xFFFFD880  }
0x24: {  	[bflag:$0x0] =	sbarrier.arrive $0xFFFF  }
0x25: {  	s17 =	rddreg [dreg:$0x5]  }
0x26: {  	[tilespmem:s21], [sflag:$0x5] =	stream.linear.gather [hbm4b:s17+s3], $0x80, $0x38;
	[tilespmem:$0x1E600] =	vst v63  }
0x27: {  	s18 =	rddreg [dreg:$0x6]  }
0x28: {  	[tilespmem:s22], [sflag:$0x6] =	stream.linear.gather [hbm4b:s18+s3], $0x80, $0x38;
	[tilespmem:$0x1E600] =	vst v63  }
0x29: {  	s19 =	rddreg [dreg:$0x7]  }
0x2a: {  	[tilespmem:s23], [sflag:$0x7] =	stream.linear.gather [hbm4b:s19+s3], $0x80, $0x38;
	[tilespmem:$0x1E600] =	vst v63  }
0x2b: {  	_ = 	snop  }
0x2c: {  	[tilespmem:s25], [sflag:$0x1] =	stream.indirect.gather [hbm4b:s5+s24], $0x80, s3, s24, $0xb8;
	[tilespmem:$0x1E600] =	vst v63  }
0x2d: {  	_ =	swait.ge [sflag:s26], $0x4000  }
0x2e: {  	[sflag:s26] =	ssyncset.done $0x0  }
0x2f: {  	[sflag:s26] =	ssyncadd.s32 $0xFFFFC000  }
0x30: {  	_ =	swait.ge [sflag:s28], $0x80  }
0x31: {  	[sflag:s28] =	ssyncset.done $0x0  }
0x32: {  	[sflag:s28] =	ssyncadd.s32 $0xFFFFFF80  }
0x33: {  	[spmem:s1] =	stream.indirect.scatter.add.f32 [tilespmem:s25], [sflag:$0x3], $0x80, s21, s24, $0xb8;
	[tilespmem:$0x1E600] =	vst v63  }
0x34: {  	_ = 	snop  }
0x35: {  	[tilespmem:s29], [sflag:$0x2] =	stream.indirect.gather [hbm4b:s5+s24], $0x80, s24, s24, $0xb8;
	[tilespmem:$0x1E600] =	vst v63  }
0x36: {  	s20 =	rddreg [dreg:$0x8]  }
0x37: {  	[tilespmem:s30], [sflag:$0x8] =	stream.linear.gather [hbm4b:s20+s3], $0x80, $0x38;
	[tilespmem:$0x1E600] =	vst v63  }
0x38: {  	_ =	swait.ge [sflag:s31], $0x4000  }
0x39: {  	[sflag:s31] =	ssyncset.done $0x0  }
0x3a: {  	[sflag:s31] =	ssyncadd.s32 $0xFFFFC000  }
0x3b: {  	_ =	swait.ge [sflag:s0], $0x80  }
0x3c: {  	[sflag:s0] =	ssyncset.done $0x0  }
0x3d: {  	[sflag:s0] =	ssyncadd.s32 $0xFFFFFF80  }
0x3e: {  	[spmem:s1] =	stream.indirect.scatter.add.f32 [tilespmem:s29], [sflag:$0x4], $0x80, s22, s24, $0xb8;
	[tilespmem:$0x1E600] =	vst v63  }
0x3f: {  	_ =	swait.ge [sflag:s2], $0x4000  }
0x40: {  	[sflag:s2] =	ssyncset.done $0x0  }
0x41: {  	s12 =	simm.s32 $0x100;
	[sflag:s2] =	ssyncadd.s32 $0xFFFFC000  }
0x42: {  	[tilespmem:s25], [sflag:$0x1] =	stream.indirect.gather [hbm4b:s5+s24], $0x80, s12, s24, $0xb8;
	[tilespmem:$0x1E600] =	vst v63  }
0x43: {  	s13 =	rddreg [dreg:$0x9]  }
0x44: {  	[tilespmem:s21], [sflag:$0x5] =	stream.linear.gather [hbm4b:s13+s3], $0x80, $0x38;
	[tilespmem:$0x1E600] =	vst v63  }
0x45: {  	_ =	swait.ge [sflag:s26], $0x4000  }
0x46: {  	[sflag:s26] =	ssyncset.done $0x0  }
0x47: {  	[sflag:s26] =	ssyncadd.s32 $0xFFFFC000  }
0x48: {  	_ =	swait.ge [sflag:s7], $0x80  }
0x49: {  	[sflag:s7] =	ssyncset.done $0x0  }
0x4a: {  	[sflag:s7] =	ssyncadd.s32 $0xFFFFFF80  }
0x4b: {  	[spmem:s1] =	stream.indirect.scatter.add.f32 [tilespmem:s25], [sflag:$0x3], $0x80, s23, s24, $0xb8;
	[tilespmem:$0x1E600] =	vst v63  }
0x4c: {  	_ =	swait.ge [sflag:s9], $0x4000  }
0x4d: {  	[sflag:s9] =	ssyncset.done $0x0  }
0x4e: {  	s14 =	simm.s32 $0x180;
	[sflag:s9] =	ssyncadd.s32 $0xFFFFC000  }
0x4f: {  	[tilespmem:s29], [sflag:$0x2] =	stream.indirect.gather [hbm4b:s5+s24], $0x80, s14, s24, $0xb8;
	[tilespmem:$0x1E600] =	vst v63  }
0x50: {  	s15 =	rddreg [dreg:$0xa]  }
0x51: {  	[tilespmem:s22], [sflag:$0x6] =	stream.linear.gather [hbm4b:s15+s3], $0x80, $0x38;
	[tilespmem:$0x1E600] =	vst v63  }
0x52: {  	_ =	swait.ge [sflag:s31], $0x4000  }
0x53: {  	[sflag:s31] =	ssyncset.done $0x0  }
0x54: {  	[sflag:s31] =	ssyncadd.s32 $0xFFFFC000  }
0x55: {  	_ =	swait.ge [sflag:s10], $0x80  }
0x56: {  	[sflag:s10] =	ssyncset.done $0x0  }
0x57: {  	[sflag:s10] =	ssyncadd.s32 $0xFFFFFF80  }
0x58: {  	[spmem:s1] =	stream.indirect.scatter.add.f32 [tilespmem:s29], [sflag:$0x4], $0x80, s30, s24, $0xb8;
	[tilespmem:$0x1E600] =	vst v63  }
0x59: {  	_ =	swait.ge [sflag:s2], $0x4000  }
0x5a: {  	[sflag:s2] =	ssyncset.done $0x0  }
0x5b: {  	s16 =	simm.s32 $0x200;
	[sflag:s2] =	ssyncadd.s32 $0xFFFFC000  }
0x5c: {  	[tilespmem:s25], [sflag:$0x1] =	stream.indirect.gather [hbm4b:s5+s24], $0x80, s16, s24, $0xb8;
	[tilespmem:$0x1E600] =	vst v63  }
0x5d: {  	s17 =	rddreg [dreg:$0xb]  }
0x5e: {  	[tilespmem:s23], [sflag:$0x7] =	stream.linear.gather [hbm4b:s17+s3], $0x80, $0x38;
	[tilespmem:$0x1E600] =	vst v63  }
0x5f: {  	_ =	swait.ge [sflag:s26], $0x4000  }
0x60: {  	[sflag:s26] =	ssyncset.done $0x0  }
0x61: {  	[sflag:s26] =	ssyncadd.s32 $0xFFFFC000  }
0x62: {  	_ =	swait.ge [sflag:s28], $0x80  }
0x63: {  	s18 =	simm.s32 $0x380;
	[sflag:s28] =	ssyncset.done $0x0  }
0x64: {  	s19 =	sand.u32 $0x3C00, s18;
	[sflag:s28] =	ssyncadd.s32 $0xFFFFFF80  }
0x65: {  	[spmem:s1] =	stream.indirect.scatter.add.f32 [tilespmem:s25], [sflag:$0x3], $0x80, s21, s24, $0xb8;
	[tilespmem:$0x1E600] =	vst v63  }
0x66: {  	s12 =	sand.u32 $0x380, s18;
	s13 =	sadd.s32 s6, s19;
	_ =	swait.ge [sflag:s9], $0x4000  }
0x67: {  	s12 =	sor.u32 s12, s13;
	[sflag:s9] =	ssyncset.done $0x0  }
0x68: {  	s20 =	simm.s32 $0x280;
	s12 =	sshrl.u32 s12, $0x3;
	[sflag:s9] =	ssyncadd.s32 $0xFFFFC000  }
0x69: {  	[tilespmem:s29], [sflag:$0x2] =	stream.indirect.gather [hbm4b:s5+s24], $0x80, s20, s24, $0xb8;
	[tilespmem:$0x1E600] =	vst v63  }
0x6a: {  	s12 =	sadd.s32 s4, s12  }
0x6b: {  	[tilespmem:s30], [sflag:$0x8] =	stream.linear.gather [hbm4b:s12+s3], $0x80, $0x38;
	[tilespmem:$0x1E600] =	vst v63  }
0x6c: {  	_ =	swait.ge [sflag:s31], $0x4000  }
0x6d: {  	[sflag:s31] =	ssyncset.done $0x0  }
0x6e: {  	p0 =	por $0x0, $0x0;
	s12 =	simm.s32 $0x8;
	[sflag:s31] =	ssyncadd.s32 $0xFFFFC000  }
0x6f: {  	s12 =	simm.s32 @p0 $0x0;
	_ =	swait.ge [sflag:s0], $0x80  }
0x70: {  	s8 =	sshll.u32 s12, $0x7;
	[sflag:s0] =	ssyncset.done $0x0  }
0x71: {  	s12 =	sand.u32 $0x3C00, s8;
	[sflag:s0] =	ssyncadd.s32 $0xFFFFFF80  }
0x72: {  	[spmem:s1] =	stream.indirect.scatter.add.f32 [tilespmem:s29], [sflag:$0x4], $0x80, s22, s24, $0xb8;
	[tilespmem:$0x1E600] =	vst v63  }
0x73: {  	s18 =	sand.u32 $0x200, s8;
	s12 =	sadd.s32 s6, s12;
	_ =	swait.ge [sflag:s2], $0x4000  }
0x74: {  	s12 =	sor.u32 s18, s12;
	[sflag:s2] =	ssyncset.done $0x0  }
0x75: {  	s19 =	simm.s32 $0x300;
	s12 =	sshrl.u32 s12, $0x3;
	[sflag:s2] =	ssyncadd.s32 $0xFFFFC000  }
0x76: {  	[tilespmem:s25], [sflag:$0x1] =	stream.indirect.gather [hbm4b:s5+s24], $0x80, s19, s24, $0xb8;
	[tilespmem:$0x1E600] =	vst v63  }
0x77: {  	s12 =	sadd.s32 s4, s12  }
0x78: {  	[tilespmem:s21], [sflag:$0x5] =	stream.linear.gather [hbm4b:s12+s3], $0x80, $0x38;
	[tilespmem:$0x1E600] =	vst v63  }
0x79: {  	_ =	swait.ge [sflag:s26], $0x4000  }
0x7a: {  	[sflag:s26] =	ssyncset.done $0x0  }
0x7b: {  	[sflag:s26] =	ssyncadd.s32 $0xFFFFC000  }
0x7c: {  	s12 =	simm.s32 $0x480;
	_ =	swait.ge [sflag:s7], $0x80  }
0x7d: {  	s12 =	simm.s32 @p0 $0x80;
	[sflag:s7] =	ssyncset.done $0x0  }
0x7e: {  	s20 =	sand.u32 $0x3C00, s12;
	[sflag:s7] =	ssyncadd.s32 $0xFFFFFF80  }
0x7f: {  	[spmem:s1] =	stream.indirect.scatter.add.f32 [tilespmem:s25], [sflag:$0x3], $0x80, s23, s24, $0xb8;
	[tilespmem:$0x1E600] =	vst v63  }
0x80: {  	s12 =	sand.u32 $0x280, s12;
	s13 =	sadd.s32 s6, s20;
	_ =	swait.ge [sflag:s9], $0x4000  }
0x81: {  	s13 =	sor.u32 s12, s13;
	[sflag:s9] =	ssyncset.done $0x0  }
0x82: {  	s12 =	simm.s32 $0x380;
	s13 =	sshrl.u32 s13, $0x3;
	[sflag:s9] =	ssyncadd.s32 $0xFFFFC000  }
0x83: {  	[tilespmem:s29], [sflag:$0x2] =	stream.indirect.gather [hbm4b:s5+s24], $0x80, s12, s24, $0xb8;
	[tilespmem:$0x1E600] =	vst v63  }
0x84: {  	s13 =	sadd.s32 s4, s13  }
0x85: {  	[tilespmem:s22], [sflag:$0x6] =	stream.linear.gather [hbm4b:s13+s3], $0x80, $0x38;
	[tilespmem:$0x1E600] =	vst v63  }
0x86: {  	s13 =	simm.s32 $0x500;
	_ =	swait.ge [sflag:s31], $0x4000  }
0x87: {  	s13 =	simm.s32 @p0 $0x100;
	[sflag:s31] =	ssyncset.done $0x0  }
0x88: {  	s14 =	simm.s32 $0xC;
	s15 =	sand.u32 $0x3C00, s13;
	[sflag:s31] =	ssyncadd.s32 $0xFFFFC000  }
0x89: {  	s16 =	sand.u32 $0x300, s13;
	s15 =	sadd.s32 s6, s15;
	_ =	swait.ge [sflag:s10], $0x80  }
0x8a: {  	s13 =	simm.s32 $0x700;
	s15 =	sor.u32 s16, s15;
	[sflag:s10] =	ssyncset.done $0x0  }
0x8b: {  	s16 =	sand.u32 $0x3FFFFF80, s8;
	s17 =	sshrl.u32 s15, $0x3;
	[sflag:s10] =	ssyncadd.s32 $0xFFFFFF80  }
0x8c: {  	[spmem:s1] =	stream.indirect.scatter.add.f32 [tilespmem:s29], [sflag:$0x4], $0x80, s30, s24, $0xb8;
	[tilespmem:$0x1E600] =	vst v63  }
.LBB2_2:
0x8d: {  	p0 =	sne.s32 s13, $0x2900  }
0x8e: {  	_ =	swait.ge [sflag:s2], $0x4000;
	s12 =	sadd.s32 $0x200, s12;
	s15 =	smov.u32 s13  }
0x8f: {  	s13 =	sadd.s32 $0x200, s13;
	s17 =	sadd.s32 s4, s17;
	[sflag:s2] =	ssyncset.done $0x0  }
0x90: {  	[sflag:s2] =	ssyncadd.s32 $0xFFFFC000  }
0x91: {  	[tilespmem:s25], [sflag:$0x1] =	stream.indirect.gather [hbm4b:s5+s24], $0x80, s16, s24, $0xb8;
	[tilespmem:$0x1E600] =	vst v63  }
0x92: {  	_ = 	snop  }
0x93: {  	[tilespmem:s23], [sflag:$0x7] =	stream.linear.gather [hbm4b:s17+s3], $0x80, $0x38;
	[tilespmem:$0x1E600] =	vst v63  }
0x94: {  	_ =	swait.ge [sflag:s26], $0x4000  }
0x95: {  	s16 =	sadd.s32 $0xFFFFFE80, s15;
	[sflag:s26] =	ssyncset.done $0x0  }
0x96: {  	s17 =	sand.u32 $0x3C00, s16;
	[sflag:s26] =	ssyncadd.s32 $0xFFFFC000  }
0x97: {  	s16 =	sand.u32 $0x380, s16;
	s17 =	sadd.s32 s6, s17;
	_ =	swait.ge [sflag:s28], $0x80  }
0x98: {  	s16 =	sor.u32 s16, s17;
	[sflag:s28] =	ssyncset.done $0x0  }
0x99: {  	[sflag:s28] =	ssyncadd.s32 $0xFFFFFF80  }
0x9a: {  	s16 =	sshrl.u32 s16, $0x3  }
0x9b: {  	[spmem:s1] =	stream.indirect.scatter.add.f32 [tilespmem:s25], [sflag:$0x3], $0x80, s21, s24, $0xb8;
	[tilespmem:$0x1E600] =	vst v63  }
0x9c: {  	s16 =	sadd.s32 s4, s16;
	_ =	swait.ge [sflag:s9], $0x4000  }
0x9d: {  	[sflag:s9] =	ssyncset.done $0x0  }
0x9e: {  	s17 =	sadd.s32 $0xFFFFFF00, s12;
	[sflag:s9] =	ssyncadd.s32 $0xFFFFC000  }
0x9f: {  	[tilespmem:s29], [sflag:$0x2] =	stream.indirect.gather [hbm4b:s5+s24], $0x80, s17, s24, $0xb8;
	[tilespmem:$0x1E600] =	vst v63  }
0xa0: {  	p1 =	seq.s32 s15, $0x2900;
	s8 =	sadd.s32 $0xFFFFFF80, s15;
	s17 =	sadd.s32 $0xFFFFFF80, s12  }
0xa1: {  	[tilespmem:s30], [sflag:$0x8] =	stream.linear.gather [hbm4b:s16+s3], $0x80, $0x38;
	[tilespmem:$0x1E600] =	vst v63  }
0xa2: {  	s16 =	smov.u32 s14  }
0xa3: {  	s8 =	simm.s32 @p1 $0x80;
	_ =	swait.ge [sflag:s31], $0x4000;
	s16 =	simm.s32 @p1 $0x0  }
0xa4: {  	s15 =	simm.s32 @p1 $0x100;
	[sflag:s31] =	ssyncset.done $0x0;
	s16 =	sshll.u32 s16, $0x7  }
0xa5: {  	s20 =	sand.u32 $0x280, s8;
	[sflag:s31] =	ssyncadd.s32 $0xFFFFC000;
	s19 =	sand.u32 $0x3C00, s16  }
0xa6: {  	s8 =	sand.u32 $0x3C00, s8;
	_ =	swait.ge [sflag:s0], $0x80;
	s19 =	sadd.s32 s6, s19  }
0xa7: {  	s8 =	sadd.s32 s6, s8;
	s18 =	sand.u32 $0x200, s16;
	[sflag:s0] =	ssyncset.done $0x0  }
0xa8: {  	s8 =	sor.u32 s20, s8;
	s18 =	sor.u32 s18, s19;
	[sflag:s0] =	ssyncadd.s32 $0xFFFFFF80  }
0xa9: {  	[spmem:s1] =	stream.indirect.scatter.add.f32 [tilespmem:s29], [sflag:$0x4], $0x80, s22, s24, $0xb8;
	[tilespmem:$0x1E600] =	vst v63  }
0xaa: {  	s18 =	sshrl.u32 s18, $0x3;
	_ =	swait.ge [sflag:s2], $0x4000  }
0xab: {  	s19 =	sand.u32 $0x3C00, s15;
	s15 =	sand.u32 $0x300, s15;
	[sflag:s2] =	ssyncset.done $0x0  }
0xac: {  	s19 =	sadd.s32 s6, s19;
	s18 =	sadd.s32 s4, s18;
	[sflag:s2] =	ssyncadd.s32 $0xFFFFC000  }
0xad: {  	[tilespmem:s25], [sflag:$0x1] =	stream.indirect.gather [hbm4b:s5+s24], $0x80, s17, s24, $0xb8;
	[tilespmem:$0x1E600] =	vst v63  }
0xae: {  	s15 =	sor.u32 s15, s19  }
0xaf: {  	[tilespmem:s21], [sflag:$0x5] =	stream.linear.gather [hbm4b:s18+s3], $0x80, $0x38;
	[tilespmem:$0x1E600] =	vst v63  }
0xb0: {  	s17 =	sshrl.u32 s15, $0x3;
	_ =	swait.ge [sflag:s26], $0x4000  }
0xb1: {  	[sflag:s26] =	ssyncset.done $0x0  }
0xb2: {  	[sflag:s26] =	ssyncadd.s32 $0xFFFFC000  }
0xb3: {  	_ =	swait.ge [sflag:s7], $0x80  }
0xb4: {  	[sflag:s7] =	ssyncset.done $0x0  }
0xb5: {  	[sflag:s7] =	ssyncadd.s32 $0xFFFFFF80  }
0xb6: {  	[spmem:s1] =	stream.indirect.scatter.add.f32 [tilespmem:s25], [sflag:$0x3], $0x80, s23, s24, $0xb8;
	[tilespmem:$0x1E600] =	vst v63  }
0xb7: {  	s8 =	sshrl.u32 s8, $0x3;
	_ =	swait.ge [sflag:s9], $0x4000  }
0xb8: {  	s8 =	sadd.s32 s4, s8;
	[sflag:s9] =	ssyncset.done $0x0  }
0xb9: {  	[sflag:s9] =	ssyncadd.s32 $0xFFFFC000  }
0xba: {  	[tilespmem:s29], [sflag:$0x2] =	stream.indirect.gather [hbm4b:s5+s24], $0x80, s12, s24, $0xb8;
	[tilespmem:$0x1E600] =	vst v63  }
0xbb: {  	_ = 	snop  }
0xbc: {  	[tilespmem:s22], [sflag:$0x6] =	stream.linear.gather [hbm4b:s8+s3], $0x80, $0x38;
	[tilespmem:$0x1E600] =	vst v63  }
0xbd: {  	_ =	swait.ge [sflag:s31], $0x4000  }
0xbe: {  	[sflag:s31] =	ssyncset.done $0x0  }
.Ltmp0:
0xbf: {  	[sflag:s31] =	ssyncadd.s32 $0xFFFFC000;
	(pc) =	sbr.rel @p0 .LBB2_2-.Ltmp0, $4  }
0xc0: {  	_ =	swait.ge [sflag:s10], $0x80  }
0xc1: {  	[sflag:s10] =	ssyncset.done $0x0  }
0xc2: {  	s14 =	sadd.s32 $0x4, s14;
	s16 =	sand.u32 $0x3FFFFF80, s16;
	[sflag:s10] =	ssyncadd.s32 $0xFFFFFF80  }
0xc3: {  	[spmem:s1] =	stream.indirect.scatter.add.f32 [tilespmem:s29], [sflag:$0x4], $0x80, s30, s24, $0xb8;
	[tilespmem:$0x1E600] =	vst v63  }
0xc4: {  	_ =	swait.ge [sflag:s2], $0x4000  }
0xc5: {  	[sflag:s2] =	ssyncset.done $0x0  }
0xc6: {  	[sflag:s2] =	ssyncadd.s32 $0xFFFFC000  }
0xc7: {  	[tilespmem:s25], [sflag:$0x1] =	stream.indirect.gather [hbm4b:s5+s24], $0x80, s16, s24, $0xb8;
	[tilespmem:$0x1E600] =	vst v63  }
0xc8: {  	s8 =	sadd.s32 s4, s17  }
0xc9: {  	[tilespmem:s23], [sflag:$0x7] =	stream.linear.gather [hbm4b:s8+s3], $0x80, $0x38;
	[tilespmem:$0x1E600] =	vst v63  }
0xca: {  	_ =	swait.ge [sflag:s9], $0x4000  }
0xcb: {  	[sflag:s9] =	ssyncset.done $0x0  }
0xcc: {  	[sflag:s9] =	ssyncadd.s32 $0xFFFFC000  }
0xcd: {  	_ =	swait.ge [sflag:s26], $0x4000  }
0xce: {  	[sflag:s26] =	ssyncset.done $0x0  }
0xcf: {  	[sflag:s26] =	ssyncadd.s32 $0xFFFFC000  }
0xd0: {  	_ =	swait.ge [sflag:s28], $0x80  }
0xd1: {  	[sflag:s28] =	ssyncset.done $0x0  }
0xd2: {  	[sflag:s28] =	ssyncadd.s32 $0xFFFFFF80  }
0xd3: {  	_ =	swait.ge [sflag:s0], $0x80  }
0xd4: {  	[sflag:s0] =	ssyncset.done $0x0  }
0xd5: {  	[sflag:s0] =	ssyncadd.s32 $0xFFFFFF80  }
0xd6: {  	_ =	swait.ge [sflag:s7], $0x80  }
0xd7: {  	[sflag:s7] =	ssyncset.done $0x0  }
0xd8: {  	[sflag:s7] =	ssyncadd.s32 $0xFFFFFF80  }
0xd9: {  	[bflag:$0x0] =	sbarrier.arrive $0xFFFF  }
0xda: {  	s19 =	rddreg [dreg:$0xe]  }
0xdb: {  	s13 =	rddreg [dreg:$0xf]  }
0xdc: {  	s12 =	simm.s32 $0x9;
	s14 =	rddreg [dreg:$0x10]  }
0xdd: {  	[hbm:s19], [sflag:s13] =	dma.local [spmem:s14], $0x2780  }
0xde: {  	_ =	swait.ge [sflag:s12], $0x2780  }
0xdf: {  	s11 =	sadd.s32 $0x1, s11;
	s20 =	rddreg [dreg:$0xc]  }
0xe0: {  	p0 =	sne.s32 s11, s20  }
.Ltmp1:
0xe1: {  	_ = 	snop;
	(pc) =	sbr.rel @p0 .LBB2_1-.Ltmp1, $3  }
0xe2: {  	_ =	sdelay $0x1  }
0xe3: {  	[sflag:s12] =	ssyncset.done $0x0  }
0xe4: {  	[sflag:s12] =	ssyncadd.s32 $0xFFFFD880  }
0xe5: {  	_ =	sfence.sel $0x180000  }
0xe6: {  	[bflag:$0x0] =	sbarrier.arrive $0xFFFF  }
0xe7: {  	_ =	strace $0x9000004A  }
0xe8: {  	s0 =	stileid.u32;
	[bflag:$0x2] =	sbarrier.arrive $0xFFFF  }
0xe9: {  	p0 =	sne.s32 s0, $0x0;
	s0 =	rddreg [dreg:$0x3]  }
0xea: {  	s0 =	sadd.s32 @!p0 $0x100000, s0  }
0xeb: {  	[sflag:s0] =	ssyncadd.tile.s32 @!p0 $0x1;
	_ =	shalt  }
.Lfunc_end2:
_tile_overlayer_lowered:
.L_overlay_start_2:
0xec: {  	(tag) =	ssettag $0x2  }
0xed: {  	s0 =	rddreg [dreg:$0x0];
	s2 =	stileid.u32  }
0xee: {  	s1 =	rddreg [dreg:$0x1];
	p0 =	sne.s32 s2, $0x0  }
0xef: {  	s3 =	rddreg [dreg:$0x2];
	[bflag:$0x3] =	sbarrier.arrive $0xFFFF;
	s2 =	simm.s32 @!p0 $0x1C09  }
0xf0: {  	[timem:s3], [sflag:s2] =	dma.local @!p0 [hbm:s0], s1  }
0xf1: {  	s0 =	simm.s32 @!p0 $0x9  }
0xf2: {  	_ =	swait.ge @!p0 [sflag:s0], s1  }
0xf3: {  	s1 =	ssub.s32 @!p0 $0x0, s1;
	[sflag:s0] =	ssyncset.done @!p0 $0x0  }
0xf4: {  	[sflag:s0] =	ssyncadd.s32 @!p0 s1  }
0xf5: {  	[bflag:$0x3] =	sbarrier.arrive $0xFFFF  }
0xf6: {  	_ =	shalt  }

// kernel: kernel.16.cloned.1.call-start
scs
__scs_entry_jumppad:
0x0: {  	(pc) =	sbr.rel $0x88, $3  }
0x1: {  	(tag) =	ssettag $0x0;
	lr =	simm.s32 $0x1  }
0x2: {  	[smem:$0x3F99] =	sst lr;
	_ =	strace $0xD0000000  }
0x3: {  	_ = 	snop  }
0x4: {  	_ = 	snop  }
0x5: {  	_ = 	snop  }
0x6: {  	_ = 	snop  }
0x7: {  	_ = 	snop  }
__scs_overlays_trampoline_lowered:
0x8: {  	[smem:$0x3FA8] =	sst s0  }
0x9: {  	[smem:$0x3FA9] =	sst s1  }
0xa: {  	[smem:$0x3FAA] =	sst s2  }
0xb: {  	[smem:$0x3FAB] =	sst s3  }
0xc: {  	[smem:$0x3FAC] =	sst s4  }
0xd: {  	[smem:$0x3FAD] =	sst s5  }
0xe: {  	[smem:$0x3FAE] =	sst s6  }
0xf: {  	[smem:$0x3FAF] =	sst s7  }
0x10: {  	[smem:$0x3FB0] =	sst s8  }
0x11: {  	[smem:$0x3FB1] =	sst s9;
	s0 =	simm.s32 @!p0 $0x0  }
0x12: {  	s1 =	sld [smem:$0x3F97];
	s0 =	simm.s32 @p0 $0x1  }
0x13: {  	[smem:$0x3FB2] =	sst s0;
	s0 =	simm.s32 @!p1 $0x0  }
0x14: {  	s2 =	sld [smem:$0x3F96];
	s0 =	simm.s32 @p1 $0x1  }
0x15: {  	[smem:$0x3FB3] =	sst s0;
	s0 =	simm.s32 @!p2 $0x0  }
0x16: {  	s3 =	sld [smem:$0x3FDB];
	s0 =	simm.s32 @p2 $0x1  }
0x17: {  	s4 =	simm.s32 $0x1BF5;
	[smem:$0x3FB5] =	sst s0  }
0x18: {  	s0 =	sld [smem:$0x3F98];
	_ =	swait.ge [sflag:s4], $0x0  }
0x19: {  	s7 =	sld [smem:$0x3F99]  }
0x1a: {  	s8 =	sadd.s32 $0xFFFFE003, lr  }
0x1b: {  	s9 =	sadd.s32 $0xFFFFFEF7, lr;
	s5 =	simm.s32 $0xFFFFFFFF;
	p2 =	slt.u32 s8, $0xFFFFF086  }
0x1c: {  	p1 =	slt.u32 s9, $0xF7A;
	s5 =	simm.s32 @!p2 $0x0  }
0x1d: {  	s5 =	simm.s32 @p1 $0x1;
	p0 =	seq.s32 s7, s2  }
0x1e: {  	s7 =	smul.u32 @!p0 $0xF7A, s2;
	p2 =	seq.s32 @!p0 s5, $0x0  }
0x1f: {  	s9 =	smul.u32 $0xF7A, s1;
	s8 =	simm.s32 @!p0 $0x1BF5;
	p2 =	por !p2, p0  }
0x20: {  	[sflag:s8] =	ssyncset.s32 @!p0 $0xFFFFF086;
	s6 =	sadd.s32 @!p0 s3, s7;
	s7 =	simm.s32 @!p0 $0x108  }
0x21: {  	s3 =	sadd.s32 s3, s9;
	s6 =	sadd.s32 @!p0 $0x88, s6;
	s7 =	simm.s32 @p2 $0x1082  }
0x22: {  	[simem:s7], [sflag:s8] =	dma.local @!p0 [hbm:s6], $0xF7A  }
0x23: {  	s9 =	sor.u32 $0xD0000000, s2;
	s6 =	simm.s32 $0x108;
	_ =	swait.ge @!p0 [sflag:s8], $0x0  }
0x24: {  	s3 =	sadd.s32 $0x88, s3;
	s6 =	simm.s32 @!p1 $0x1082;
	[sflag:s4] =	ssyncset.s32 $0xFFFFF086  }
0x25: {  	[simem:s6], [sflag:s4] =	dma.local [hbm:s3], $0xF7A  }
0x26: {  	[smem:$0x3F99] =	sst s1;
	(tag) =	ssettag s2;
	_ =	strace s9  }
0x27: {  	s1 =	sld [smem:$0x3FA9]  }
0x28: {  	s2 =	sld [smem:$0x3FAA]  }
0x29: {  	s4 =	sld [smem:$0x3FAC]  }
0x2a: {  	p0 =	seq.s32 s5, $0x0;
	s5 =	sld [smem:$0x3FAD]  }
0x2b: {  	s6 =	sld [smem:$0x3FAE]  }
0x2c: {  	s7 =	sld [smem:$0x3FAF]  }
0x2d: {  	s3 =	simm.s32 $0x108;
	s8 =	sld [smem:$0x3FB0]  }
0x2e: {  	s3 =	simm.s32 @!p0 $0x1082;
	s9 =	sld [smem:$0x3FB1]  }
0x2f: {  	lr =	sadd.s32 s0, s3;
	s0 =	sld [smem:$0x3FA8]  }
0x30: {  	s3 =	sld [smem:$0x3FAB]  }
0x31: {  	[smem:$0x3FB4] =	sst s10  }
0x32: {  	s10 =	sld [smem:$0x3FB2];
	_ =	sdelay $0x3  }
0x33: {  	p0 =	seq.s32 s10, $0x1;
	s10 =	sld [smem:$0x3FB4];
	_ =	sdelay $0x3  }
0x34: {  	[smem:$0x3FB4] =	sst s10  }
0x35: {  	s10 =	sld [smem:$0x3FB3];
	_ =	sdelay $0x3  }
0x36: {  	p1 =	seq.s32 s10, $0x1;
	s10 =	sld [smem:$0x3FB4];
	_ =	sdelay $0x3  }
0x37: {  	[smem:$0x3FB4] =	sst s10  }
0x38: {  	s10 =	sld [smem:$0x3FB5]  }
0x39: {  	_ = 	snop;
	(pc) =	sbr.ind lr, $3  }
0x3a: {  	_ = 	snop  }
0x3b: {  	_ = 	snop  }
0x3c: {  	p2 =	seq.s32 s10, $0x1;
	s10 =	sld [smem:$0x3FB4]  }
0x3d: {  	_ =	shalt  }
0x3e: {  	_ =	shalt  }
0x3f: {  	_ =	shalt  }
0x40: {  	_ =	shalt  }
0x41: {  	_ =	shalt  }
0x42: {  	_ =	shalt  }
0x43: {  	_ =	shalt  }
0x44: {  	_ =	shalt  }
0x45: {  	_ =	shalt  }
0x46: {  	_ =	shalt  }
0x47: {  	_ =	shalt  }
0x48: {  	_ =	shalt  }
0x49: {  	_ =	shalt  }
0x4a: {  	_ =	shalt  }
0x4b: {  	_ =	shalt  }
0x4c: {  	_ =	shalt  }
0x4d: {  	_ =	shalt  }
0x4e: {  	_ =	shalt  }
0x4f: {  	_ =	shalt  }
0x50: {  	_ =	shalt  }
0x51: {  	_ =	shalt  }
0x52: {  	_ =	shalt  }
0x53: {  	_ =	shalt  }
0x54: {  	_ =	shalt  }
0x55: {  	_ =	shalt  }
0x56: {  	_ =	shalt  }
0x57: {  	_ =	shalt  }
0x58: {  	_ =	shalt  }
0x59: {  	_ =	shalt  }
0x5a: {  	_ =	shalt  }
0x5b: {  	_ =	shalt  }
0x5c: {  	_ =	shalt  }
0x5d: {  	_ =	shalt  }
0x5e: {  	_ =	shalt  }
0x5f: {  	_ =	shalt  }
0x60: {  	_ =	shalt  }
0x61: {  	_ =	shalt  }
0x62: {  	_ =	shalt  }
0x63: {  	_ =	shalt  }
0x64: {  	_ =	shalt  }
0x65: {  	_ =	shalt  }
0x66: {  	_ =	shalt  }
0x67: {  	_ =	shalt  }
0x68: {  	_ =	shalt  }
0x69: {  	_ =	shalt  }
0x6a: {  	_ =	shalt  }
0x6b: {  	_ =	shalt  }
0x6c: {  	_ =	shalt  }
0x6d: {  	_ =	shalt  }
0x6e: {  	_ =	shalt  }
0x6f: {  	_ =	shalt  }
0x70: {  	_ =	shalt  }
0x71: {  	_ =	shalt  }
0x72: {  	_ =	shalt  }
0x73: {  	_ =	shalt  }
0x74: {  	_ =	shalt  }
0x75: {  	_ =	shalt  }
0x76: {  	_ =	shalt  }
0x77: {  	_ =	shalt  }
0x78: {  	_ =	shalt  }
0x79: {  	_ =	shalt  }
0x7a: {  	_ =	shalt  }
0x7b: {  	_ =	shalt  }
0x7c: {  	_ =	shalt  }
0x7d: {  	_ =	shalt  }
0x7e: {  	_ =	shalt  }
0x7f: {  	_ =	shalt  }
0x80: {  	_ =	shalt  }
0x81: {  	_ =	shalt  }
0x82: {  	_ =	shalt  }
0x83: {  	_ =	shalt  }
0x84: {  	_ =	shalt  }
0x85: {  	_ =	shalt  }
0x86: {  	_ =	shalt  }
0x87: {  	_ =	shalt  }
.Lfunc_end0:
.L_simem_size_0:
called_computation.2_lowered:
.L_overlay_start_0:
0x88: {  	s2 =	sld [smem:$0x3FD9]  }
0x89: {  	s3 =	sld [smem:$0x3FFE];
	_ =	sdelay $0x1  }
0x8a: {  	s1 =	srdreg.scid  }
0x8b: {  	s0 =	sand.u32 $0x1, s1  }
0x8c: {  	s17 =	sshll.u32 s0, $0xA;
	s2 =	sadd.s32 s3, s2  }
0x8d: {  	s2 =	sadd.s32 s2, s17  }
0x8e: {  	[smem:$0x3FC0] =	sst s2  }
0x8f: {  	_ = 	snop  }
0x90: {  	s2 =	sld [smem:$0x3FD0];
	(tm) =	ssettm $0x1  }
0x91: {  	s18 =	sld [smem:$0x3FFB];
	_ =	sdelay $0x3  }
0x92: {  	_ =	strace s18  }
0x93: {  	s3 =	sld [smem:$0x3FFC];
	_ =	sdelay $0x3  }
0x94: {  	_ =	strace s3  }
0x95: {  	s3 =	sld [smem:$0x3FFD];
	_ =	sdelay $0x3  }
0x96: {  	_ =	strace s3  }
0x97: {  	_ =	strace $0x8FFFFFFF  }
0x98: {  	s19 =	sld [smem:$0x3FDB];
	_ =	sdelay $0x1  }
0x99: {  	s4 =	simm.s32 $_scs_section_size  }
0x9a: {  	s5 =	simm.s32 $_size__tile_overlayer_lowered;
	s6 =	simm.s32 $_tile_overlayer_lowered  }
0x9b: {  	s22 =	simm.s32 $0x1BFF;
	s21 =	sshll.u32 s6, $0x1;
	s3 =	sadd.s32 s4, s19  }
0x9c: {  	s7 =	simm.s32 $0x0;
	s20 =	sshll.u32 s5, $0x1;
	s5 =	sadd.s32 s21, s3  }
0x9d: {  	[timem:s7], [sflag:s22] =	dma.local [hbm:s5], s20  }
0x9e: {  	_ =	swait.ge [sflag:s22], s20  }
0x9f: {  	s4 =	ssub.s32 $0x0, s20;
	[sflag:s22] =	ssyncset.done $0x0  }
0xa0: {  	[sflag:s22] =	ssyncadd.s32 s4;
	_ =	sdelay $0x1  }
0xa1: {  	s23 =	simm.s32 $0x1B8B  }
0xa2: {  	_ =	swait.ge [sflag:s23], $0x1  }
0xa3: {  	[sflag:s23] =	ssyncset.done $0x0  }
0xa4: {  	s25 =	simm.s32 $0x1B8E;
	s24 =	sld [smem:$0x3FFE];
	[sflag:s23] =	ssyncadd.s32 $0xFFFFFFFF  }
0xa5: {  	s26 =	simm.s32 $execute0_lowered;
	[smem:$0x3FD2] =	sst s25  }
0xa6: {  	s5 =	sshll.u32 s26, $0x1;
	_ =	strace $0x8000004C;
	[dreg:$0x1] =	wrdreg $0xFFFFFFFF  }
0xa7: {  	s28 =	simm.s32 $_size_execute0_lowered;
	s3 =	sadd.s32 s3, s5;
	[dreg:$0x0] =	wrdreg $0x0  }
0xa8: {  	s5 =	sshll.u32 s28, $0x1;
	[dreg:$0x2] =	wrdreg s3  }
0xa9: {  	[dreg:$0x3] =	wrdreg s5  }
0xaa: {  	[dreg:$0x4] =	wrdreg $0xC0  }
0xab: {  	_ =	task [dreg:s7], $0x5FFFF  }
0xac: {  	[dreg:$0x1] =	wrdreg $0xFFFFFFFF  }
0xad: {  	[dreg:$0x0] =	wrdreg $0x60  }
0xae: {  	[dreg:$0x2] =	wrdreg s2  }
0xaf: {  	[dreg:$0x3] =	wrdreg s24  }
0xb0: {  	[dreg:$0x4] =	wrdreg $0xAA000  }
0xb1: {  	[dreg:$0x5] =	wrdreg $0x9  }
0xb2: {  	_ =	task.clear_ibuf [dreg:s7], $0x6FFFF;
	_ =	strace $0x9000004C  }
0xb3: {  	s29 =	simm.s32 $0x9;
	_ =	strace $0x8000004E  }
0xb4: {  	_ =	swait.ge [sflag:s29], $0x1  }
0xb5: {  	[sflag:s29] =	ssyncadd.s32 $0xFFFFFFFF  }
0xb6: {  	_ =	strace $0x9000004E  }
0xb7: {  	_ =	sfence  }
0xb8: {  	s30 =	sld [smem:$0x0];
	_ =	sdelay $0x2  }
0xb9: {  	s31 =	sshll.u32 s1, $0xD;
	s1 =	sshrl.u32 s1, $0x2  }
0xba: {  	s3 =	sand.u32 $0x4000, s31;
	s1 =	sadd.s32 s1, s30  }
0xbb: {  	s0 =	sor.u32 s3, s0;
	s1 =	sshll.u32 s1, $0x11  }
0xbc: {  	s0 =	sor.u32 s1, s0  }
0xbd: {  	s0 =	sadd.s32 $0x8F2B, s0  }
0xbe: {  	[sflag:s0] =	ssyncadd.remote.s32 $0x1  }
0xbf: {  	_ =	sfence.sel $0xFFFF  }
0xc0: {  	[dreg:$0x0] =	wrdreg $0xFFFFFFFF;
	(pc) =	sbr.abs _section_cstart, $3  }
0xc1: {  	[dreg:$0x1] =	wrdreg $0xFFFFFFFF  }
0xc2: {  	_ =	task.clear_ibuf [dreg:s7], $0x2FFFF;
	_ =	strace $0x9FFFFFFF  }
0xc3: {  	(tm) =	ssettm $0x7FFFFFFF  }
tec
execute0_lowered:
.L_overlay_start_1:
0x0: {  	(tag) =	ssettag $0x1  }
0x1: {  	s0 =	rddreg [dreg:$0x0]  }
0x2: {  	s2 =	rddreg [dreg:$0x1]  }
0x3: {  	s1 =	rddreg [dreg:$0x2]  }
0x4: {  	s4 =	srdreg.scid;
	s3 =	simm.s32 $0x0;
	s14 =	stileid.u32  }
0x5: {  	s28 =	simm.s32 $0x5;
	s29 =	simm.s32 $0x6A00;
	s30 =	simm.s32 $0x2980  }
0x6: {  	s31 =	simm.s32 $0x2;
	s7 =	sand.u32 $0x1, s4;
	[smem:$0x7FF] =	sst s3  }
0x7: {  	s5 =	sadd.s32 $0x35A00, s2;
	s9 =	sadd.s32 $0xE200, s2;
	s13 =	smul.u32 $0x4F000, s14  }
0x8: {  	s10 =	sadd.s32 $0x5D200, s2;
	s19 =	smul.u32 $0x2780, s14;
	s26 =	sshll.u32 s14, $0x6  }
0x9: {  	s4 =	sshll.u32 s7, $0x4;
	_ =	strace $0x8000004D;
	s8 =	ssub.s32 $0x2, s7  }
0xa: {  	p0 =	seq.s32 s7, $0x0;
	s6 =	sor.u32 s14, s4;
	s4 =	sadd.s32 $0x4200, s2  }
0xb: {  	s11 =	sshrl.u32 s8, $0x1;
	s2 =	sadd.s32 $0x84A00, s2;
	s17 =	sshrl.u32 s13, $0x2  }
0xc: {  	s9 =	smov.u32 @p0 s5;
	s13 =	sor.u32 $0x1C09, s26;
	s6 =	smul.u32 $0x2800, s6  }
0xd: {  	s11 =	ssub.s32 s8, s11;
	s25 =	sadd.s32 s9, s19;
	[dreg:$0xf] =	wrdreg s13  }
0xe: {  	s2 =	smov.u32 @p0 s10;
	s24 =	smax.u32 s11, $0x1;
	[dreg:$0xd] =	wrdreg s25  }
0xf: {  	s2 =	sadd.s32 s2, s19;
	s12 =	sshrl.u32 s6, $0x3;
	[dreg:$0xc] =	wrdreg s24  }
0x10: {  	s7 =	simm.s32 $0x7;
	[dreg:$0xe] =	wrdreg s2;
	s0 =	sadd.s32 s0, s12  }
0x11: {  	s26 =	simm.s32 $0x1;
	s18 =	sadd.s32 s4, s12;
	[dreg:$0x4] =	wrdreg s0  }
0x12: {  	s9 =	simm.s32 $0x4;
	s12 =	sadd.s32 $0x10, s18;
	[dreg:$0x5] =	wrdreg s18  }
0x13: {  	s10 =	simm.s32 $0x8;
	s20 =	sadd.s32 $0x20, s18;
	[dreg:$0x6] =	wrdreg s12  }
0x14: {  	s25 =	simm.s32 $0x2A00;
	s21 =	sadd.s32 $0x30, s18;
	[dreg:$0x7] =	wrdreg s20  }
0x15: {  	s11 =	simm.s32 $0x0;
	s22 =	sadd.s32 $0x40, s18;
	[dreg:$0x8] =	wrdreg s21  }
0x16: {  	s24 =	simm.s32 $0x80;
	s23 =	sadd.s32 $0x50, s18;
	[dreg:$0x9] =	wrdreg s22  }
0x17: {  	s2 =	simm.s32 $0x3;
	s8 =	sadd.s32 $0x60, s18;
	[dreg:$0xa] =	wrdreg s23  }
0x18: {  	s0 =	sadd.s32 s17, s1;
	[dreg:$0xb] =	wrdreg s8;
	s12 =	simm.s32 $0x9  }
0x19: {  	s14 =	sshrl.u32 s0, $0x3;
	s21 =	simm.s32 $0x2800;
	s22 =	simm.s32 $0x2880  }
0x1a: {  	s23 =	simm.s32 $0x2900;
	s0 =	simm.s32 $0x6;
	[dreg:$0x10] =	wrdreg s14  }
.LBB2_1:
0x1b: {  	s8 =	rddreg [dreg:$0x4]  }
0x1c: {  	[tilespmem:s3], [sflag:$0x9] =	stream.linear.gather [hbm4b:s8+s3], $0x2800, $0x38;
	[tilespmem:$0x1E600] =	vst v63  }
0x1d: {  	_ =	swait.ge [sflag:s12], $0x2800  }
0x1e: {  	[sflag:s12] =	ssyncset.done $0x0  }
0x1f: {  	s16 =	rddreg [dreg:$0xd];
	[sflag:s12] =	ssyncadd.s32 $0xFFFFD800  }
0x20: {  	[spmem:s14], [sflag:s13] =	dma.local [hbm:s16], $0x2780  }
0x21: {  	_ =	swait.ge [sflag:s12], $0x2780  }
0x22: {  	[sflag:s12] =	ssyncset.done $0x0  }
0x23: {  	[sflag:s12] =	ssyncadd.s32 $0xFFFFD880  }
0x24: {  	[bflag:$0x0] =	sbarrier.arrive $0xFFFF  }
0x25: {  	s17 =	rddreg [dreg:$0x5]  }
0x26: {  	[tilespmem:s21], [sflag:$0x5] =	stream.linear.gather [hbm4b:s17+s3], $0x80, $0x38;
	[tilespmem:$0x1E600] =	vst v63  }
0x27: {  	s18 =	rddreg [dreg:$0x6]  }
0x28: {  	[tilespmem:s22], [sflag:$0x6] =	stream.linear.gather [hbm4b:s18+s3], $0x80, $0x38;
	[tilespmem:$0x1E600] =	vst v63  }
0x29: {  	s19 =	rddreg [dreg:$0x7]  }
0x2a: {  	[tilespmem:s23], [sflag:$0x7] =	stream.linear.gather [hbm4b:s19+s3], $0x80, $0x38;
	[tilespmem:$0x1E600] =	vst v63  }
0x2b: {  	_ = 	snop  }
0x2c: {  	[tilespmem:s25], [sflag:$0x1] =	stream.indirect.gather [hbm4b:s5+s24], $0x80, s3, s24, $0xb8;
	[tilespmem:$0x1E600] =	vst v63  }
0x2d: {  	_ =	swait.ge [sflag:s26], $0x4000  }
0x2e: {  	[sflag:s26] =	ssyncset.done $0x0  }
0x2f: {  	[sflag:s26] =	ssyncadd.s32 $0xFFFFC000  }
0x30: {  	_ =	swait.ge [sflag:s28], $0x80  }
0x31: {  	[sflag:s28] =	ssyncset.done $0x0  }
0x32: {  	[sflag:s28] =	ssyncadd.s32 $0xFFFFFF80  }
0x33: {  	[spmem:s1] =	stream.indirect.scatter.add.f32 [tilespmem:s25], [sflag:$0x3], $0x80, s21, s24, $0xb8;
	[tilespmem:$0x1E600] =	vst v63  }
0x34: {  	_ = 	snop  }
0x35: {  	[tilespmem:s29], [sflag:$0x2] =	stream.indirect.gather [hbm4b:s5+s24], $0x80, s24, s24, $0xb8;
	[tilespmem:$0x1E600] =	vst v63  }
0x36: {  	s20 =	rddreg [dreg:$0x8]  }
0x37: {  	[tilespmem:s30], [sflag:$0x8] =	stream.linear.gather [hbm4b:s20+s3], $0x80, $0x38;
	[tilespmem:$0x1E600] =	vst v63  }
0x38: {  	_ =	swait.ge [sflag:s31], $0x4000  }
0x39: {  	[sflag:s31] =	ssyncset.done $0x0  }
0x3a: {  	[sflag:s31] =	ssyncadd.s32 $0xFFFFC000  }
0x3b: {  	_ =	swait.ge [sflag:s0], $0x80  }
0x3c: {  	[sflag:s0] =	ssyncset.done $0x0  }
0x3d: {  	[sflag:s0] =	ssyncadd.s32 $0xFFFFFF80  }
0x3e: {  	[spmem:s1] =	stream.indirect.scatter.add.f32 [tilespmem:s29], [sflag:$0x4], $0x80, s22, s24, $0xb8;
	[tilespmem:$0x1E600] =	vst v63  }
0x3f: {  	_ =	swait.ge [sflag:s2], $0x4000  }
0x40: {  	[sflag:s2] =	ssyncset.done $0x0  }
0x41: {  	s12 =	simm.s32 $0x100;
	[sflag:s2] =	ssyncadd.s32 $0xFFFFC000  }
0x42: {  	[tilespmem:s25], [sflag:$0x1] =	stream.indirect.gather [hbm4b:s5+s24], $0x80, s12, s24, $0xb8;
	[tilespmem:$0x1E600] =	vst v63  }
0x43: {  	s13 =	rddreg [dreg:$0x9]  }
0x44: {  	[tilespmem:s21], [sflag:$0x5] =	stream.linear.gather [hbm4b:s13+s3], $0x80, $0x38;
	[tilespmem:$0x1E600] =	vst v63  }
0x45: {  	_ =	swait.ge [sflag:s26], $0x4000  }
0x46: {  	[sflag:s26] =	ssyncset.done $0x0  }
0x47: {  	[sflag:s26] =	ssyncadd.s32 $0xFFFFC000  }
0x48: {  	_ =	swait.ge [sflag:s7], $0x80  }
0x49: {  	[sflag:s7] =	ssyncset.done $0x0  }
0x4a: {  	[sflag:s7] =	ssyncadd.s32 $0xFFFFFF80  }
0x4b: {  	[spmem:s1] =	stream.indirect.scatter.add.f32 [tilespmem:s25], [sflag:$0x3], $0x80, s23, s24, $0xb8;
	[tilespmem:$0x1E600] =	vst v63  }
0x4c: {  	_ =	swait.ge [sflag:s9], $0x4000  }
0x4d: {  	[sflag:s9] =	ssyncset.done $0x0  }
0x4e: {  	s14 =	simm.s32 $0x180;
	[sflag:s9] =	ssyncadd.s32 $0xFFFFC000  }
0x4f: {  	[tilespmem:s29], [sflag:$0x2] =	stream.indirect.gather [hbm4b:s5+s24], $0x80, s14, s24, $0xb8;
	[tilespmem:$0x1E600] =	vst v63  }
0x50: {  	s15 =	rddreg [dreg:$0xa]  }
0x51: {  	[tilespmem:s22], [sflag:$0x6] =	stream.linear.gather [hbm4b:s15+s3], $0x80, $0x38;
	[tilespmem:$0x1E600] =	vst v63  }
0x52: {  	_ =	swait.ge [sflag:s31], $0x4000  }
0x53: {  	[sflag:s31] =	ssyncset.done $0x0  }
0x54: {  	[sflag:s31] =	ssyncadd.s32 $0xFFFFC000  }
0x55: {  	_ =	swait.ge [sflag:s10], $0x80  }
0x56: {  	[sflag:s10] =	ssyncset.done $0x0  }
0x57: {  	[sflag:s10] =	ssyncadd.s32 $0xFFFFFF80  }
0x58: {  	[spmem:s1] =	stream.indirect.scatter.add.f32 [tilespmem:s29], [sflag:$0x4], $0x80, s30, s24, $0xb8;
	[tilespmem:$0x1E600] =	vst v63  }
0x59: {  	_ =	swait.ge [sflag:s2], $0x4000  }
0x5a: {  	[sflag:s2] =	ssyncset.done $0x0  }
0x5b: {  	s16 =	simm.s32 $0x200;
	[sflag:s2] =	ssyncadd.s32 $0xFFFFC000  }
0x5c: {  	[tilespmem:s25], [sflag:$0x1] =	stream.indirect.gather [hbm4b:s5+s24], $0x80, s16, s24, $0xb8;
	[tilespmem:$0x1E600] =	vst v63  }
0x5d: {  	s17 =	rddreg [dreg:$0xb]  }
0x5e: {  	[tilespmem:s23], [sflag:$0x7] =	stream.linear.gather [hbm4b:s17+s3], $0x80, $0x38;
	[tilespmem:$0x1E600] =	vst v63  }
0x5f: {  	_ =	swait.ge [sflag:s26], $0x4000  }
0x60: {  	[sflag:s26] =	ssyncset.done $0x0  }
0x61: {  	[sflag:s26] =	ssyncadd.s32 $0xFFFFC000  }
0x62: {  	_ =	swait.ge [sflag:s28], $0x80  }
0x63: {  	s18 =	simm.s32 $0x380;
	[sflag:s28] =	ssyncset.done $0x0  }
0x64: {  	s19 =	sand.u32 $0x3C00, s18;
	[sflag:s28] =	ssyncadd.s32 $0xFFFFFF80  }
0x65: {  	[spmem:s1] =	stream.indirect.scatter.add.f32 [tilespmem:s25], [sflag:$0x3], $0x80, s21, s24, $0xb8;
	[tilespmem:$0x1E600] =	vst v63  }
0x66: {  	s12 =	sand.u32 $0x380, s18;
	s13 =	sadd.s32 s6, s19;
	_ =	swait.ge [sflag:s9], $0x4000  }
0x67: {  	s12 =	sor.u32 s12, s13;
	[sflag:s9] =	ssyncset.done $0x0  }
0x68: {  	s20 =	simm.s32 $0x280;
	s12 =	sshrl.u32 s12, $0x3;
	[sflag:s9] =	ssyncadd.s32 $0xFFFFC000  }
0x69: {  	[tilespmem:s29], [sflag:$0x2] =	stream.indirect.gather [hbm4b:s5+s24], $0x80, s20, s24, $0xb8;
	[tilespmem:$0x1E600] =	vst v63  }
0x6a: {  	s12 =	sadd.s32 s4, s12  }
0x6b: {  	[tilespmem:s30], [sflag:$0x8] =	stream.linear.gather [hbm4b:s12+s3], $0x80, $0x38;
	[tilespmem:$0x1E600] =	vst v63  }
0x6c: {  	_ =	swait.ge [sflag:s31], $0x4000  }
0x6d: {  	[sflag:s31] =	ssyncset.done $0x0  }
0x6e: {  	p0 =	por $0x0, $0x0;
	s12 =	simm.s32 $0x8;
	[sflag:s31] =	ssyncadd.s32 $0xFFFFC000  }
0x6f: {  	s12 =	simm.s32 @p0 $0x0;
	_ =	swait.ge [sflag:s0], $0x80  }
0x70: {  	s8 =	sshll.u32 s12, $0x7;
	[sflag:s0] =	ssyncset.done $0x0  }
0x71: {  	s12 =	sand.u32 $0x3C00, s8;
	[sflag:s0] =	ssyncadd.s32 $0xFFFFFF80  }
0x72: {  	[spmem:s1] =	stream.indirect.scatter.add.f32 [tilespmem:s29], [sflag:$0x4], $0x80, s22, s24, $0xb8;
	[tilespmem:$0x1E600] =	vst v63  }
0x73: {  	s18 =	sand.u32 $0x200, s8;
	s12 =	sadd.s32 s6, s12;
	_ =	swait.ge [sflag:s2], $0x4000  }
0x74: {  	s12 =	sor.u32 s18, s12;
	[sflag:s2] =	ssyncset.done $0x0  }
0x75: {  	s19 =	simm.s32 $0x300;
	s12 =	sshrl.u32 s12, $0x3;
	[sflag:s2] =	ssyncadd.s32 $0xFFFFC000  }
0x76: {  	[tilespmem:s25], [sflag:$0x1] =	stream.indirect.gather [hbm4b:s5+s24], $0x80, s19, s24, $0xb8;
	[tilespmem:$0x1E600] =	vst v63  }
0x77: {  	s12 =	sadd.s32 s4, s12  }
0x78: {  	[tilespmem:s21], [sflag:$0x5] =	stream.linear.gather [hbm4b:s12+s3], $0x80, $0x38;
	[tilespmem:$0x1E600] =	vst v63  }
0x79: {  	_ =	swait.ge [sflag:s26], $0x4000  }
0x7a: {  	[sflag:s26] =	ssyncset.done $0x0  }
0x7b: {  	[sflag:s26] =	ssyncadd.s32 $0xFFFFC000  }
0x7c: {  	s12 =	simm.s32 $0x480;
	_ =	swait.ge [sflag:s7], $0x80  }
0x7d: {  	s12 =	simm.s32 @p0 $0x80;
	[sflag:s7] =	ssyncset.done $0x0  }
0x7e: {  	s20 =	sand.u32 $0x3C00, s12;
	[sflag:s7] =	ssyncadd.s32 $0xFFFFFF80  }
0x7f: {  	[spmem:s1] =	stream.indirect.scatter.add.f32 [tilespmem:s25], [sflag:$0x3], $0x80, s23, s24, $0xb8;
	[tilespmem:$0x1E600] =	vst v63  }
0x80: {  	s12 =	sand.u32 $0x280, s12;
	s13 =	sadd.s32 s6, s20;
	_ =	swait.ge [sflag:s9], $0x4000  }
0x81: {  	s13 =	sor.u32 s12, s13;
	[sflag:s9] =	ssyncset.done $0x0  }
0x82: {  	s12 =	simm.s32 $0x380;
	s13 =	sshrl.u32 s13, $0x3;
	[sflag:s9] =	ssyncadd.s32 $0xFFFFC000  }
0x83: {  	[tilespmem:s29], [sflag:$0x2] =	stream.indirect.gather [hbm4b:s5+s24], $0x80, s12, s24, $0xb8;
	[tilespmem:$0x1E600] =	vst v63  }
0x84: {  	s13 =	sadd.s32 s4, s13  }
0x85: {  	[tilespmem:s22], [sflag:$0x6] =	stream.linear.gather [hbm4b:s13+s3], $0x80, $0x38;
	[tilespmem:$0x1E600] =	vst v63  }
0x86: {  	s13 =	simm.s32 $0x500;
	_ =	swait.ge [sflag:s31], $0x4000  }
0x87: {  	s13 =	simm.s32 @p0 $0x100;
	[sflag:s31] =	ssyncset.done $0x0  }
0x88: {  	s14 =	simm.s32 $0xC;
	s15 =	sand.u32 $0x3C00, s13;
	[sflag:s31] =	ssyncadd.s32 $0xFFFFC000  }
0x89: {  	s16 =	sand.u32 $0x300, s13;
	s15 =	sadd.s32 s6, s15;
	_ =	swait.ge [sflag:s10], $0x80  }
0x8a: {  	s13 =	simm.s32 $0x700;
	s15 =	sor.u32 s16, s15;
	[sflag:s10] =	ssyncset.done $0x0  }
0x8b: {  	s16 =	sand.u32 $0x3FFFFF80, s8;
	s17 =	sshrl.u32 s15, $0x3;
	[sflag:s10] =	ssyncadd.s32 $0xFFFFFF80  }
0x8c: {  	[spmem:s1] =	stream.indirect.scatter.add.f32 [tilespmem:s29], [sflag:$0x4], $0x80, s30, s24, $0xb8;
	[tilespmem:$0x1E600] =	vst v63  }
.LBB2_2:
0x8d: {  	p0 =	sne.s32 s13, $0x2900  }
0x8e: {  	_ =	swait.ge [sflag:s2], $0x4000;
	s12 =	sadd.s32 $0x200, s12;
	s15 =	smov.u32 s13  }
0x8f: {  	s13 =	sadd.s32 $0x200, s13;
	s17 =	sadd.s32 s4, s17;
	[sflag:s2] =	ssyncset.done $0x0  }
0x90: {  	[sflag:s2] =	ssyncadd.s32 $0xFFFFC000  }
0x91: {  	[tilespmem:s25], [sflag:$0x1] =	stream.indirect.gather [hbm4b:s5+s24], $0x80, s16, s24, $0xb8;
	[tilespmem:$0x1E600] =	vst v63  }
0x92: {  	_ = 	snop  }
0x93: {  	[tilespmem:s23], [sflag:$0x7] =	stream.linear.gather [hbm4b:s17+s3], $0x80, $0x38;
	[tilespmem:$0x1E600] =	vst v63  }
0x94: {  	_ =	swait.ge [sflag:s26], $0x4000  }
0x95: {  	s16 =	sadd.s32 $0xFFFFFE80, s15;
	[sflag:s26] =	ssyncset.done $0x0  }
0x96: {  	s17 =	sand.u32 $0x3C00, s16;
	[sflag:s26] =	ssyncadd.s32 $0xFFFFC000  }
0x97: {  	s16 =	sand.u32 $0x380, s16;
	s17 =	sadd.s32 s6, s17;
	_ =	swait.ge [sflag:s28], $0x80  }
0x98: {  	s16 =	sor.u32 s16, s17;
	[sflag:s28] =	ssyncset.done $0x0  }
0x99: {  	[sflag:s28] =	ssyncadd.s32 $0xFFFFFF80  }
0x9a: {  	s16 =	sshrl.u32 s16, $0x3  }
0x9b: {  	[spmem:s1] =	stream.indirect.scatter.add.f32 [tilespmem:s25], [sflag:$0x3], $0x80, s21, s24, $0xb8;
	[tilespmem:$0x1E600] =	vst v63  }
0x9c: {  	s16 =	sadd.s32 s4, s16;
	_ =	swait.ge [sflag:s9], $0x4000  }
0x9d: {  	[sflag:s9] =	ssyncset.done $0x0  }
0x9e: {  	s17 =	sadd.s32 $0xFFFFFF00, s12;
	[sflag:s9] =	ssyncadd.s32 $0xFFFFC000  }
0x9f: {  	[tilespmem:s29], [sflag:$0x2] =	stream.indirect.gather [hbm4b:s5+s24], $0x80, s17, s24, $0xb8;
	[tilespmem:$0x1E600] =	vst v63  }
0xa0: {  	p1 =	seq.s32 s15, $0x2900;
	s8 =	sadd.s32 $0xFFFFFF80, s15;
	s17 =	sadd.s32 $0xFFFFFF80, s12  }
0xa1: {  	[tilespmem:s30], [sflag:$0x8] =	stream.linear.gather [hbm4b:s16+s3], $0x80, $0x38;
	[tilespmem:$0x1E600] =	vst v63  }
0xa2: {  	s16 =	smov.u32 s14  }
0xa3: {  	s8 =	simm.s32 @p1 $0x80;
	_ =	swait.ge [sflag:s31], $0x4000;
	s16 =	simm.s32 @p1 $0x0  }
0xa4: {  	s15 =	simm.s32 @p1 $0x100;
	[sflag:s31] =	ssyncset.done $0x0;
	s16 =	sshll.u32 s16, $0x7  }
0xa5: {  	s20 =	sand.u32 $0x280, s8;
	[sflag:s31] =	ssyncadd.s32 $0xFFFFC000;
	s19 =	sand.u32 $0x3C00, s16  }
0xa6: {  	s8 =	sand.u32 $0x3C00, s8;
	_ =	swait.ge [sflag:s0], $0x80;
	s19 =	sadd.s32 s6, s19  }
0xa7: {  	s8 =	sadd.s32 s6, s8;
	s18 =	sand.u32 $0x200, s16;
	[sflag:s0] =	ssyncset.done $0x0  }
0xa8: {  	s8 =	sor.u32 s20, s8;
	s18 =	sor.u32 s18, s19;
	[sflag:s0] =	ssyncadd.s32 $0xFFFFFF80  }
0xa9: {  	[spmem:s1] =	stream.indirect.scatter.add.f32 [tilespmem:s29], [sflag:$0x4], $0x80, s22, s24, $0xb8;
	[tilespmem:$0x1E600] =	vst v63  }
0xaa: {  	s18 =	sshrl.u32 s18, $0x3;
	_ =	swait.ge [sflag:s2], $0x4000  }
0xab: {  	s19 =	sand.u32 $0x3C00, s15;
	s15 =	sand.u32 $0x300, s15;
	[sflag:s2] =	ssyncset.done $0x0  }
0xac: {  	s19 =	sadd.s32 s6, s19;
	s18 =	sadd.s32 s4, s18;
	[sflag:s2] =	ssyncadd.s32 $0xFFFFC000  }
0xad: {  	[tilespmem:s25], [sflag:$0x1] =	stream.indirect.gather [hbm4b:s5+s24], $0x80, s17, s24, $0xb8;
	[tilespmem:$0x1E600] =	vst v63  }
0xae: {  	s15 =	sor.u32 s15, s19  }
0xaf: {  	[tilespmem:s21], [sflag:$0x5] =	stream.linear.gather [hbm4b:s18+s3], $0x80, $0x38;
	[tilespmem:$0x1E600] =	vst v63  }
0xb0: {  	s17 =	sshrl.u32 s15, $0x3;
	_ =	swait.ge [sflag:s26], $0x4000  }
0xb1: {  	[sflag:s26] =	ssyncset.done $0x0  }
0xb2: {  	[sflag:s26] =	ssyncadd.s32 $0xFFFFC000  }
0xb3: {  	_ =	swait.ge [sflag:s7], $0x80  }
0xb4: {  	[sflag:s7] =	ssyncset.done $0x0  }
0xb5: {  	[sflag:s7] =	ssyncadd.s32 $0xFFFFFF80  }
0xb6: {  	[spmem:s1] =	stream.indirect.scatter.add.f32 [tilespmem:s25], [sflag:$0x3], $0x80, s23, s24, $0xb8;
	[tilespmem:$0x1E600] =	vst v63  }
0xb7: {  	s8 =	sshrl.u32 s8, $0x3;
	_ =	swait.ge [sflag:s9], $0x4000  }
0xb8: {  	s8 =	sadd.s32 s4, s8;
	[sflag:s9] =	ssyncset.done $0x0  }
0xb9: {  	[sflag:s9] =	ssyncadd.s32 $0xFFFFC000  }
0xba: {  	[tilespmem:s29], [sflag:$0x2] =	stream.indirect.gather [hbm4b:s5+s24], $0x80, s12, s24, $0xb8;
	[tilespmem:$0x1E600] =	vst v63  }
0xbb: {  	_ = 	snop  }
0xbc: {  	[tilespmem:s22], [sflag:$0x6] =	stream.linear.gather [hbm4b:s8+s3], $0x80, $0x38;
	[tilespmem:$0x1E600] =	vst v63  }
0xbd: {  	_ =	swait.ge [sflag:s31], $0x4000  }
0xbe: {  	[sflag:s31] =	ssyncset.done $0x0  }
.Ltmp0:
0xbf: {  	[sflag:s31] =	ssyncadd.s32 $0xFFFFC000;
	(pc) =	sbr.rel @p0 .LBB2_2-.Ltmp0, $4  }
0xc0: {  	_ =	swait.ge [sflag:s10], $0x80  }
0xc1: {  	[sflag:s10] =	ssyncset.done $0x0  }
0xc2: {  	s14 =	sadd.s32 $0x4, s14;
	s16 =	sand.u32 $0x3FFFFF80, s16;
	[sflag:s10] =	ssyncadd.s32 $0xFFFFFF80  }
0xc3: {  	[spmem:s1] =	stream.indirect.scatter.add.f32 [tilespmem:s29], [sflag:$0x4], $0x80, s30, s24, $0xb8;
	[tilespmem:$0x1E600] =	vst v63  }
0xc4: {  	_ =	swait.ge [sflag:s2], $0x4000  }
0xc5: {  	[sflag:s2] =	ssyncset.done $0x0  }
0xc6: {  	[sflag:s2] =	ssyncadd.s32 $0xFFFFC000  }
0xc7: {  	[tilespmem:s25], [sflag:$0x1] =	stream.indirect.gather [hbm4b:s5+s24], $0x80, s16, s24, $0xb8;
	[tilespmem:$0x1E600] =	vst v63  }
0xc8: {  	s8 =	sadd.s32 s4, s17  }
0xc9: {  	[tilespmem:s23], [sflag:$0x7] =	stream.linear.gather [hbm4b:s8+s3], $0x80, $0x38;
	[tilespmem:$0x1E600] =	vst v63  }
0xca: {  	_ =	swait.ge [sflag:s9], $0x4000  }
0xcb: {  	[sflag:s9] =	ssyncset.done $0x0  }
0xcc: {  	[sflag:s9] =	ssyncadd.s32 $0xFFFFC000  }
0xcd: {  	_ =	swait.ge [sflag:s26], $0x4000  }
0xce: {  	[sflag:s26] =	ssyncset.done $0x0  }
0xcf: {  	[sflag:s26] =	ssyncadd.s32 $0xFFFFC000  }
0xd0: {  	_ =	swait.ge [sflag:s28], $0x80  }
0xd1: {  	[sflag:s28] =	ssyncset.done $0x0  }
0xd2: {  	[sflag:s28] =	ssyncadd.s32 $0xFFFFFF80  }
0xd3: {  	_ =	swait.ge [sflag:s0], $0x80  }
0xd4: {  	[sflag:s0] =	ssyncset.done $0x0  }
0xd5: {  	[sflag:s0] =	ssyncadd.s32 $0xFFFFFF80  }
0xd6: {  	_ =	swait.ge [sflag:s7], $0x80  }
0xd7: {  	[sflag:s7] =	ssyncset.done $0x0  }
0xd8: {  	[sflag:s7] =	ssyncadd.s32 $0xFFFFFF80  }
0xd9: {  	[bflag:$0x0] =	sbarrier.arrive $0xFFFF  }
0xda: {  	s19 =	rddreg [dreg:$0xe]  }
0xdb: {  	s13 =	rddreg [dreg:$0xf]  }
0xdc: {  	s12 =	simm.s32 $0x9;
	s14 =	rddreg [dreg:$0x10]  }
0xdd: {  	[hbm:s19], [sflag:s13] =	dma.local [spmem:s14], $0x2780  }
0xde: {  	_ =	swait.ge [sflag:s12], $0x2780  }
0xdf: {  	s11 =	sadd.s32 $0x1, s11;
	s20 =	rddreg [dreg:$0xc]  }
0xe0: {  	p0 =	sne.s32 s11, s20  }
.Ltmp1:
0xe1: {  	_ = 	snop;
	(pc) =	sbr.rel @p0 .LBB2_1-.Ltmp1, $3  }
0xe2: {  	_ =	sdelay $0x1  }
0xe3: {  	[sflag:s12] =	ssyncset.done $0x0  }
0xe4: {  	[sflag:s12] =	ssyncadd.s32 $0xFFFFD880  }
0xe5: {  	_ =	sfence.sel $0x180000  }
0xe6: {  	[bflag:$0x0] =	sbarrier.arrive $0xFFFF  }
0xe7: {  	_ =	strace $0x9000004D  }
0xe8: {  	s0 =	stileid.u32;
	[bflag:$0x2] =	sbarrier.arrive $0xFFFF  }
0xe9: {  	p0 =	sne.s32 s0, $0x0;
	s0 =	rddreg [dreg:$0x3]  }
0xea: {  	s0 =	sadd.s32 @!p0 $0x100000, s0  }
0xeb: {  	[sflag:s0] =	ssyncadd.tile.s32 @!p0 $0x1;
	_ =	shalt  }
.Lfunc_end2:
_tile_overlayer_lowered:
.L_overlay_start_2:
0xec: {  	(tag) =	ssettag $0x2  }
0xed: {  	s0 =	rddreg [dreg:$0x0];
	s2 =	stileid.u32  }
0xee: {  	s1 =	rddreg [dreg:$0x1];
	p0 =	sne.s32 s2, $0x0  }
0xef: {  	s3 =	rddreg [dreg:$0x2];
	[bflag:$0x3] =	sbarrier.arrive $0xFFFF;
	s2 =	simm.s32 @!p0 $0x1C09  }
0xf0: {  	[timem:s3], [sflag:s2] =	dma.local @!p0 [hbm:s0], s1  }
0xf1: {  	s0 =	simm.s32 @!p0 $0x9  }
0xf2: {  	_ =	swait.ge @!p0 [sflag:s0], s1  }
0xf3: {  	s1 =	ssub.s32 @!p0 $0x0, s1;
	[sflag:s0] =	ssyncset.done @!p0 $0x0  }
0xf4: {  	[sflag:s0] =	ssyncadd.s32 @!p0 s1  }
0xf5: {  	[bflag:$0x3] =	sbarrier.arrive $0xFFFF  }
0xf6: {  	_ =	shalt  }

// kernel: kernel.19.cloned.1.call-start
scs
__scs_entry_jumppad:
0x0: {  	(pc) =	sbr.rel $0x88, $3  }
0x1: {  	(tag) =	ssettag $0x0;
	lr =	simm.s32 $0x1  }
0x2: {  	[smem:$0x3F99] =	sst lr;
	_ =	strace $0xD0000000  }
0x3: {  	_ = 	snop  }
0x4: {  	_ = 	snop  }
0x5: {  	_ = 	snop  }
0x6: {  	_ = 	snop  }
0x7: {  	_ = 	snop  }
__scs_overlays_trampoline_lowered:
0x8: {  	[smem:$0x3FA8] =	sst s0  }
0x9: {  	[smem:$0x3FA9] =	sst s1  }
0xa: {  	[smem:$0x3FAA] =	sst s2  }
0xb: {  	[smem:$0x3FAB] =	sst s3  }
0xc: {  	[smem:$0x3FAC] =	sst s4  }
0xd: {  	[smem:$0x3FAD] =	sst s5  }
0xe: {  	[smem:$0x3FAE] =	sst s6  }
0xf: {  	[smem:$0x3FAF] =	sst s7  }
0x10: {  	[smem:$0x3FB0] =	sst s8  }
0x11: {  	[smem:$0x3FB1] =	sst s9;
	s0 =	simm.s32 @!p0 $0x0  }
0x12: {  	s1 =	sld [smem:$0x3F97];
	s0 =	simm.s32 @p0 $0x1  }
0x13: {  	[smem:$0x3FB2] =	sst s0;
	s0 =	simm.s32 @!p1 $0x0  }
0x14: {  	s2 =	sld [smem:$0x3F96];
	s0 =	simm.s32 @p1 $0x1  }
0x15: {  	[smem:$0x3FB3] =	sst s0;
	s0 =	simm.s32 @!p2 $0x0  }
0x16: {  	s3 =	sld [smem:$0x3FDB];
	s0 =	simm.s32 @p2 $0x1  }
0x17: {  	s4 =	simm.s32 $0x1BF5;
	[smem:$0x3FB5] =	sst s0  }
0x18: {  	s0 =	sld [smem:$0x3F98];
	_ =	swait.ge [sflag:s4], $0x0  }
0x19: {  	s7 =	sld [smem:$0x3F99]  }
0x1a: {  	s8 =	sadd.s32 $0xFFFFE003, lr  }
0x1b: {  	s9 =	sadd.s32 $0xFFFFFEF7, lr;
	s5 =	simm.s32 $0xFFFFFFFF;
	p2 =	slt.u32 s8, $0xFFFFF086  }
0x1c: {  	p1 =	slt.u32 s9, $0xF7A;
	s5 =	simm.s32 @!p2 $0x0  }
0x1d: {  	s5 =	simm.s32 @p1 $0x1;
	p0 =	seq.s32 s7, s2  }
0x1e: {  	s7 =	smul.u32 @!p0 $0xF7A, s2;
	p2 =	seq.s32 @!p0 s5, $0x0  }
0x1f: {  	s9 =	smul.u32 $0xF7A, s1;
	s8 =	simm.s32 @!p0 $0x1BF5;
	p2 =	por !p2, p0  }
0x20: {  	[sflag:s8] =	ssyncset.s32 @!p0 $0xFFFFF086;
	s6 =	sadd.s32 @!p0 s3, s7;
	s7 =	simm.s32 @!p0 $0x108  }
0x21: {  	s3 =	sadd.s32 s3, s9;
	s6 =	sadd.s32 @!p0 $0x88, s6;
	s7 =	simm.s32 @p2 $0x1082  }
0x22: {  	[simem:s7], [sflag:s8] =	dma.local @!p0 [hbm:s6], $0xF7A  }
0x23: {  	s9 =	sor.u32 $0xD0000000, s2;
	s6 =	simm.s32 $0x108;
	_ =	swait.ge @!p0 [sflag:s8], $0x0  }
0x24: {  	s3 =	sadd.s32 $0x88, s3;
	s6 =	simm.s32 @!p1 $0x1082;
	[sflag:s4] =	ssyncset.s32 $0xFFFFF086  }
0x25: {  	[simem:s6], [sflag:s4] =	dma.local [hbm:s3], $0xF7A  }
0x26: {  	[smem:$0x3F99] =	sst s1;
	(tag) =	ssettag s2;
	_ =	strace s9  }
0x27: {  	s1 =	sld [smem:$0x3FA9]  }
0x28: {  	s2 =	sld [smem:$0x3FAA]  }
0x29: {  	s4 =	sld [smem:$0x3FAC]  }
0x2a: {  	p0 =	seq.s32 s5, $0x0;
	s5 =	sld [smem:$0x3FAD]  }
0x2b: {  	s6 =	sld [smem:$0x3FAE]  }
0x2c: {  	s7 =	sld [smem:$0x3FAF]  }
0x2d: {  	s3 =	simm.s32 $0x108;
	s8 =	sld [smem:$0x3FB0]  }
0x2e: {  	s3 =	simm.s32 @!p0 $0x1082;
	s9 =	sld [smem:$0x3FB1]  }
0x2f: {  	lr =	sadd.s32 s0, s3;
	s0 =	sld [smem:$0x3FA8]  }
0x30: {  	s3 =	sld [smem:$0x3FAB]  }
0x31: {  	[smem:$0x3FB4] =	sst s10  }
0x32: {  	s10 =	sld [smem:$0x3FB2];
	_ =	sdelay $0x3  }
0x33: {  	p0 =	seq.s32 s10, $0x1;
	s10 =	sld [smem:$0x3FB4];
	_ =	sdelay $0x3  }
0x34: {  	[smem:$0x3FB4] =	sst s10  }
0x35: {  	s10 =	sld [smem:$0x3FB3];
	_ =	sdelay $0x3  }
0x36: {  	p1 =	seq.s32 s10, $0x1;
	s10 =	sld [smem:$0x3FB4];
	_ =	sdelay $0x3  }
0x37: {  	[smem:$0x3FB4] =	sst s10  }
0x38: {  	s10 =	sld [smem:$0x3FB5]  }
0x39: {  	_ = 	snop;
	(pc) =	sbr.ind lr, $3  }
0x3a: {  	_ = 	snop  }
0x3b: {  	_ = 	snop  }
0x3c: {  	p2 =	seq.s32 s10, $0x1;
	s10 =	sld [smem:$0x3FB4]  }
0x3d: {  	_ =	shalt  }
0x3e: {  	_ =	shalt  }
0x3f: {  	_ =	shalt  }
0x40: {  	_ =	shalt  }
0x41: {  	_ =	shalt  }
0x42: {  	_ =	shalt  }
0x43: {  	_ =	shalt  }
0x44: {  	_ =	shalt  }
0x45: {  	_ =	shalt  }
0x46: {  	_ =	shalt  }
0x47: {  	_ =	shalt  }
0x48: {  	_ =	shalt  }
0x49: {  	_ =	shalt  }
0x4a: {  	_ =	shalt  }
0x4b: {  	_ =	shalt  }
0x4c: {  	_ =	shalt  }
0x4d: {  	_ =	shalt  }
0x4e: {  	_ =	shalt  }
0x4f: {  	_ =	shalt  }
0x50: {  	_ =	shalt  }
0x51: {  	_ =	shalt  }
0x52: {  	_ =	shalt  }
0x53: {  	_ =	shalt  }
0x54: {  	_ =	shalt  }
0x55: {  	_ =	shalt  }
0x56: {  	_ =	shalt  }
0x57: {  	_ =	shalt  }
0x58: {  	_ =	shalt  }
0x59: {  	_ =	shalt  }
0x5a: {  	_ =	shalt  }
0x5b: {  	_ =	shalt  }
0x5c: {  	_ =	shalt  }
0x5d: {  	_ =	shalt  }
0x5e: {  	_ =	shalt  }
0x5f: {  	_ =	shalt  }
0x60: {  	_ =	shalt  }
0x61: {  	_ =	shalt  }
0x62: {  	_ =	shalt  }
0x63: {  	_ =	shalt  }
0x64: {  	_ =	shalt  }
0x65: {  	_ =	shalt  }
0x66: {  	_ =	shalt  }
0x67: {  	_ =	shalt  }
0x68: {  	_ =	shalt  }
0x69: {  	_ =	shalt  }
0x6a: {  	_ =	shalt  }
0x6b: {  	_ =	shalt  }
0x6c: {  	_ =	shalt  }
0x6d: {  	_ =	shalt  }
0x6e: {  	_ =	shalt  }
0x6f: {  	_ =	shalt  }
0x70: {  	_ =	shalt  }
0x71: {  	_ =	shalt  }
0x72: {  	_ =	shalt  }
0x73: {  	_ =	shalt  }
0x74: {  	_ =	shalt  }
0x75: {  	_ =	shalt  }
0x76: {  	_ =	shalt  }
0x77: {  	_ =	shalt  }
0x78: {  	_ =	shalt  }
0x79: {  	_ =	shalt  }
0x7a: {  	_ =	shalt  }
0x7b: {  	_ =	shalt  }
0x7c: {  	_ =	shalt  }
0x7d: {  	_ =	shalt  }
0x7e: {  	_ =	shalt  }
0x7f: {  	_ =	shalt  }
0x80: {  	_ =	shalt  }
0x81: {  	_ =	shalt  }
0x82: {  	_ =	shalt  }
0x83: {  	_ =	shalt  }
0x84: {  	_ =	shalt  }
0x85: {  	_ =	shalt  }
0x86: {  	_ =	shalt  }
0x87: {  	_ =	shalt  }
.Lfunc_end0:
.L_simem_size_0:
called_computation.3_lowered:
.L_overlay_start_0:
0x88: {  	s2 =	sld [smem:$0x3FD9]  }
0x89: {  	s3 =	sld [smem:$0x3FFE];
	_ =	sdelay $0x1  }
0x8a: {  	s1 =	srdreg.scid  }
0x8b: {  	s0 =	sand.u32 $0x1, s1  }
0x8c: {  	s17 =	sshll.u32 s0, $0xA;
	s2 =	sadd.s32 s3, s2  }
0x8d: {  	s2 =	sadd.s32 s2, s17  }
0x8e: {  	[smem:$0x3FC0] =	sst s2  }
0x8f: {  	_ = 	snop  }
0x90: {  	s2 =	sld [smem:$0x3FD0];
	(tm) =	ssettm $0x1  }
0x91: {  	s18 =	sld [smem:$0x3FFB];
	_ =	sdelay $0x3  }
0x92: {  	_ =	strace s18  }
0x93: {  	s3 =	sld [smem:$0x3FFC];
	_ =	sdelay $0x3  }
0x94: {  	_ =	strace s3  }
0x95: {  	s3 =	sld [smem:$0x3FFD];
	_ =	sdelay $0x3  }
0x96: {  	_ =	strace s3  }
0x97: {  	_ =	strace $0x8FFFFFFF  }
0x98: {  	s19 =	sld [smem:$0x3FDB];
	_ =	sdelay $0x1  }
0x99: {  	s4 =	simm.s32 $_scs_section_size  }
0x9a: {  	s5 =	simm.s32 $_size__tile_overlayer_lowered;
	s6 =	simm.s32 $_tile_overlayer_lowered  }
0x9b: {  	s22 =	simm.s32 $0x1BFF;
	s21 =	sshll.u32 s6, $0x1;
	s3 =	sadd.s32 s4, s19  }
0x9c: {  	s7 =	simm.s32 $0x0;
	s20 =	sshll.u32 s5, $0x1;
	s5 =	sadd.s32 s21, s3  }
0x9d: {  	[timem:s7], [sflag:s22] =	dma.local [hbm:s5], s20  }
0x9e: {  	_ =	swait.ge [sflag:s22], s20  }
0x9f: {  	s4 =	ssub.s32 $0x0, s20;
	[sflag:s22] =	ssyncset.done $0x0  }
0xa0: {  	[sflag:s22] =	ssyncadd.s32 s4;
	_ =	sdelay $0x1  }
0xa1: {  	s23 =	simm.s32 $0x1B8B  }
0xa2: {  	_ =	swait.ge [sflag:s23], $0x1  }
0xa3: {  	[sflag:s23] =	ssyncset.done $0x0  }
0xa4: {  	s25 =	simm.s32 $0x1B8E;
	s24 =	sld [smem:$0x3FFE];
	[sflag:s23] =	ssyncadd.s32 $0xFFFFFFFF  }
0xa5: {  	s26 =	simm.s32 $execute0_lowered;
	[smem:$0x3FD2] =	sst s25  }
0xa6: {  	s5 =	sshll.u32 s26, $0x1;
	_ =	strace $0x8000004F;
	[dreg:$0x1] =	wrdreg $0xFFFFFFFF  }
0xa7: {  	s28 =	simm.s32 $_size_execute0_lowered;
	s3 =	sadd.s32 s3, s5;
	[dreg:$0x0] =	wrdreg $0x0  }
0xa8: {  	s5 =	sshll.u32 s28, $0x1;
	[dreg:$0x2] =	wrdreg s3  }
0xa9: {  	[dreg:$0x3] =	wrdreg s5  }
0xaa: {  	[dreg:$0x4] =	wrdreg $0xC0  }
0xab: {  	_ =	task [dreg:s7], $0x5FFFF  }
0xac: {  	[dreg:$0x1] =	wrdreg $0xFFFFFFFF  }
0xad: {  	[dreg:$0x0] =	wrdreg $0x60  }
0xae: {  	[dreg:$0x2] =	wrdreg s2  }
0xaf: {  	[dreg:$0x3] =	wrdreg s24  }
0xb0: {  	[dreg:$0x4] =	wrdreg $0xAA000  }
0xb1: {  	[dreg:$0x5] =	wrdreg $0x9  }
0xb2: {  	_ =	task.clear_ibuf [dreg:s7], $0x6FFFF;
	_ =	strace $0x9000004F  }
0xb3: {  	s29 =	simm.s32 $0x9;
	_ =	strace $0x80000051  }
0xb4: {  	_ =	swait.ge [sflag:s29], $0x1  }
0xb5: {  	[sflag:s29] =	ssyncadd.s32 $0xFFFFFFFF  }
0xb6: {  	_ =	strace $0x90000051  }
0xb7: {  	_ =	sfence  }
0xb8: {  	s30 =	sld [smem:$0x0];
	_ =	sdelay $0x2  }
0xb9: {  	s31 =	sshll.u32 s1, $0xD;
	s1 =	sshrl.u32 s1, $0x2  }
0xba: {  	s3 =	sand.u32 $0x4000, s31;
	s1 =	sadd.s32 s1, s30  }
0xbb: {  	s0 =	sor.u32 s3, s0;
	s1 =	sshll.u32 s1, $0x11  }
0xbc: {  	s0 =	sor.u32 s1, s0  }
0xbd: {  	s0 =	sadd.s32 $0x8F2B, s0  }
0xbe: {  	[sflag:s0] =	ssyncadd.remote.s32 $0x1  }
0xbf: {  	_ =	sfence.sel $0xFFFF  }
0xc0: {  	[dreg:$0x0] =	wrdreg $0xFFFFFFFF;
	(pc) =	sbr.abs _section_cstart, $3  }
0xc1: {  	[dreg:$0x1] =	wrdreg $0xFFFFFFFF  }
0xc2: {  	_ =	task.clear_ibuf [dreg:s7], $0x2FFFF;
	_ =	strace $0x9FFFFFFF  }
0xc3: {  	(tm) =	ssettm $0x7FFFFFFF  }
tec
execute0_lowered:
.L_overlay_start_1:
0x0: {  	(tag) =	ssettag $0x1  }
0x1: {  	s0 =	rddreg [dreg:$0x0]  }
0x2: {  	s2 =	rddreg [dreg:$0x1]  }
0x3: {  	s1 =	rddreg [dreg:$0x2]  }
0x4: {  	s4 =	srdreg.scid;
	s3 =	simm.s32 $0x0;
	s14 =	stileid.u32  }
0x5: {  	s28 =	simm.s32 $0x5;
	s29 =	simm.s32 $0x6A00;
	s30 =	simm.s32 $0x2980  }
0x6: {  	s31 =	simm.s32 $0x2;
	s7 =	sand.u32 $0x1, s4;
	[smem:$0x7FF] =	sst s3  }
0x7: {  	s5 =	sadd.s32 $0x35A00, s2;
	s9 =	sadd.s32 $0xE200, s2;
	s13 =	smul.u32 $0x4F000, s14  }
0x8: {  	s10 =	sadd.s32 $0x5D200, s2;
	s19 =	smul.u32 $0x2780, s14;
	s26 =	sshll.u32 s14, $0x6  }
0x9: {  	s4 =	sshll.u32 s7, $0x4;
	_ =	strace $0x80000050;
	s8 =	ssub.s32 $0x2, s7  }
0xa: {  	p0 =	seq.s32 s7, $0x0;
	s6 =	sor.u32 s14, s4;
	s4 =	sadd.s32 $0x4200, s2  }
0xb: {  	s11 =	sshrl.u32 s8, $0x1;
	s2 =	sadd.s32 $0x84A00, s2;
	s17 =	sshrl.u32 s13, $0x2  }
0xc: {  	s9 =	smov.u32 @p0 s5;
	s13 =	sor.u32 $0x1C09, s26;
	s6 =	smul.u32 $0x2800, s6  }
0xd: {  	s11 =	ssub.s32 s8, s11;
	s25 =	sadd.s32 s9, s19;
	[dreg:$0xf] =	wrdreg s13  }
0xe: {  	s2 =	smov.u32 @p0 s10;
	s24 =	smax.u32 s11, $0x1;
	[dreg:$0xd] =	wrdreg s25  }
0xf: {  	s2 =	sadd.s32 s2, s19;
	s12 =	sshrl.u32 s6, $0x3;
	[dreg:$0xc] =	wrdreg s24  }
0x10: {  	s7 =	simm.s32 $0x7;
	[dreg:$0xe] =	wrdreg s2;
	s0 =	sadd.s32 s0, s12  }
0x11: {  	s26 =	simm.s32 $0x1;
	s18 =	sadd.s32 s4, s12;
	[dreg:$0x4] =	wrdreg s0  }
0x12: {  	s9 =	simm.s32 $0x4;
	s12 =	sadd.s32 $0x10, s18;
	[dreg:$0x5] =	wrdreg s18  }
0x13: {  	s10 =	simm.s32 $0x8;
	s20 =	sadd.s32 $0x20, s18;
	[dreg:$0x6] =	wrdreg s12  }
0x14: {  	s25 =	simm.s32 $0x2A00;
	s21 =	sadd.s32 $0x30, s18;
	[dreg:$0x7] =	wrdreg s20  }
0x15: {  	s11 =	simm.s32 $0x0;
	s22 =	sadd.s32 $0x40, s18;
	[dreg:$0x8] =	wrdreg s21  }
0x16: {  	s24 =	simm.s32 $0x80;
	s23 =	sadd.s32 $0x50, s18;
	[dreg:$0x9] =	wrdreg s22  }
0x17: {  	s2 =	simm.s32 $0x3;
	s8 =	sadd.s32 $0x60, s18;
	[dreg:$0xa] =	wrdreg s23  }
0x18: {  	s0 =	sadd.s32 s17, s1;
	[dreg:$0xb] =	wrdreg s8;
	s12 =	simm.s32 $0x9  }
0x19: {  	s14 =	sshrl.u32 s0, $0x3;
	s21 =	simm.s32 $0x2800;
	s22 =	simm.s32 $0x2880  }
0x1a: {  	s23 =	simm.s32 $0x2900;
	s0 =	simm.s32 $0x6;
	[dreg:$0x10] =	wrdreg s14  }
.LBB2_1:
0x1b: {  	s8 =	rddreg [dreg:$0x4]  }
0x1c: {  	[tilespmem:s3], [sflag:$0x9] =	stream.linear.gather [hbm4b:s8+s3], $0x2800, $0x38;
	[tilespmem:$0x1E600] =	vst v63  }
0x1d: {  	_ =	swait.ge [sflag:s12], $0x2800  }
0x1e: {  	[sflag:s12] =	ssyncset.done $0x0  }
0x1f: {  	s16 =	rddreg [dreg:$0xd];
	[sflag:s12] =	ssyncadd.s32 $0xFFFFD800  }
0x20: {  	[spmem:s14], [sflag:s13] =	dma.local [hbm:s16], $0x2780  }
0x21: {  	_ =	swait.ge [sflag:s12], $0x2780  }
0x22: {  	[sflag:s12] =	ssyncset.done $0x0  }
0x23: {  	[sflag:s12] =	ssyncadd.s32 $0xFFFFD880  }
0x24: {  	[bflag:$0x0] =	sbarrier.arrive $0xFFFF  }
0x25: {  	s17 =	rddreg [dreg:$0x5]  }
0x26: {  	[tilespmem:s21], [sflag:$0x5] =	stream.linear.gather [hbm4b:s17+s3], $0x80, $0x38;
	[tilespmem:$0x1E600] =	vst v63  }
0x27: {  	s18 =	rddreg [dreg:$0x6]  }
0x28: {  	[tilespmem:s22], [sflag:$0x6] =	stream.linear.gather [hbm4b:s18+s3], $0x80, $0x38;
	[tilespmem:$0x1E600] =	vst v63  }
0x29: {  	s19 =	rddreg [dreg:$0x7]  }
0x2a: {  	[tilespmem:s23], [sflag:$0x7] =	stream.linear.gather [hbm4b:s19+s3], $0x80, $0x38;
	[tilespmem:$0x1E600] =	vst v63  }
0x2b: {  	_ = 	snop  }
0x2c: {  	[tilespmem:s25], [sflag:$0x1] =	stream.indirect.gather [hbm4b:s5+s24], $0x80, s3, s24, $0xb8;
	[tilespmem:$0x1E600] =	vst v63  }
0x2d: {  	_ =	swait.ge [sflag:s26], $0x4000  }
0x2e: {  	[sflag:s26] =	ssyncset.done $0x0  }
0x2f: {  	[sflag:s26] =	ssyncadd.s32 $0xFFFFC000  }
0x30: {  	_ =	swait.ge [sflag:s28], $0x80  }
0x31: {  	[sflag:s28] =	ssyncset.done $0x0  }
0x32: {  	[sflag:s28] =	ssyncadd.s32 $0xFFFFFF80  }
0x33: {  	[spmem:s1] =	stream.indirect.scatter.add.f32 [tilespmem:s25], [sflag:$0x3], $0x80, s21, s24, $0xb8;
	[tilespmem:$0x1E600] =	vst v63  }
0x34: {  	_ = 	snop  }
0x35: {  	[tilespmem:s29], [sflag:$0x2] =	stream.indirect.gather [hbm4b:s5+s24], $0x80, s24, s24, $0xb8;
	[tilespmem:$0x1E600] =	vst v63  }
0x36: {  	s20 =	rddreg [dreg:$0x8]  }
0x37: {  	[tilespmem:s30], [sflag:$0x8] =	stream.linear.gather [hbm4b:s20+s3], $0x80, $0x38;
	[tilespmem:$0x1E600] =	vst v63  }
0x38: {  	_ =	swait.ge [sflag:s31], $0x4000  }
0x39: {  	[sflag:s31] =	ssyncset.done $0x0  }
0x3a: {  	[sflag:s31] =	ssyncadd.s32 $0xFFFFC000  }
0x3b: {  	_ =	swait.ge [sflag:s0], $0x80  }
0x3c: {  	[sflag:s0] =	ssyncset.done $0x0  }
0x3d: {  	[sflag:s0] =	ssyncadd.s32 $0xFFFFFF80  }
0x3e: {  	[spmem:s1] =	stream.indirect.scatter.add.f32 [tilespmem:s29], [sflag:$0x4], $0x80, s22, s24, $0xb8;
	[tilespmem:$0x1E600] =	vst v63  }
0x3f: {  	_ =	swait.ge [sflag:s2], $0x4000  }
0x40: {  	[sflag:s2] =	ssyncset.done $0x0  }
0x41: {  	s12 =	simm.s32 $0x100;
	[sflag:s2] =	ssyncadd.s32 $0xFFFFC000  }
0x42: {  	[tilespmem:s25], [sflag:$0x1] =	stream.indirect.gather [hbm4b:s5+s24], $0x80, s12, s24, $0xb8;
	[tilespmem:$0x1E600] =	vst v63  }
0x43: {  	s13 =	rddreg [dreg:$0x9]  }
0x44: {  	[tilespmem:s21], [sflag:$0x5] =	stream.linear.gather [hbm4b:s13+s3], $0x80, $0x38;
	[tilespmem:$0x1E600] =	vst v63  }
0x45: {  	_ =	swait.ge [sflag:s26], $0x4000  }
0x46: {  	[sflag:s26] =	ssyncset.done $0x0  }
0x47: {  	[sflag:s26] =	ssyncadd.s32 $0xFFFFC000  }
0x48: {  	_ =	swait.ge [sflag:s7], $0x80  }
0x49: {  	[sflag:s7] =	ssyncset.done $0x0  }
0x4a: {  	[sflag:s7] =	ssyncadd.s32 $0xFFFFFF80  }
0x4b: {  	[spmem:s1] =	stream.indirect.scatter.add.f32 [tilespmem:s25], [sflag:$0x3], $0x80, s23, s24, $0xb8;
	[tilespmem:$0x1E600] =	vst v63  }
0x4c: {  	_ =	swait.ge [sflag:s9], $0x4000  }
0x4d: {  	[sflag:s9] =	ssyncset.done $0x0  }
0x4e: {  	s14 =	simm.s32 $0x180;
	[sflag:s9] =	ssyncadd.s32 $0xFFFFC000  }
0x4f: {  	[tilespmem:s29], [sflag:$0x2] =	stream.indirect.gather [hbm4b:s5+s24], $0x80, s14, s24, $0xb8;
	[tilespmem:$0x1E600] =	vst v63  }
0x50: {  	s15 =	rddreg [dreg:$0xa]  }
0x51: {  	[tilespmem:s22], [sflag:$0x6] =	stream.linear.gather [hbm4b:s15+s3], $0x80, $0x38;
	[tilespmem:$0x1E600] =	vst v63  }
0x52: {  	_ =	swait.ge [sflag:s31], $0x4000  }
0x53: {  	[sflag:s31] =	ssyncset.done $0x0  }
0x54: {  	[sflag:s31] =	ssyncadd.s32 $0xFFFFC000  }
0x55: {  	_ =	swait.ge [sflag:s10], $0x80  }
0x56: {  	[sflag:s10] =	ssyncset.done $0x0  }
0x57: {  	[sflag:s10] =	ssyncadd.s32 $0xFFFFFF80  }
0x58: {  	[spmem:s1] =	stream.indirect.scatter.add.f32 [tilespmem:s29], [sflag:$0x4], $0x80, s30, s24, $0xb8;
	[tilespmem:$0x1E600] =	vst v63  }
0x59: {  	_ =	swait.ge [sflag:s2], $0x4000  }
0x5a: {  	[sflag:s2] =	ssyncset.done $0x0  }
0x5b: {  	s16 =	simm.s32 $0x200;
	[sflag:s2] =	ssyncadd.s32 $0xFFFFC000  }
0x5c: {  	[tilespmem:s25], [sflag:$0x1] =	stream.indirect.gather [hbm4b:s5+s24], $0x80, s16, s24, $0xb8;
	[tilespmem:$0x1E600] =	vst v63  }
0x5d: {  	s17 =	rddreg [dreg:$0xb]  }
0x5e: {  	[tilespmem:s23], [sflag:$0x7] =	stream.linear.gather [hbm4b:s17+s3], $0x80, $0x38;
	[tilespmem:$0x1E600] =	vst v63  }
0x5f: {  	_ =	swait.ge [sflag:s26], $0x4000  }
0x60: {  	[sflag:s26] =	ssyncset.done $0x0  }
0x61: {  	[sflag:s26] =	ssyncadd.s32 $0xFFFFC000  }
0x62: {  	_ =	swait.ge [sflag:s28], $0x80  }
0x63: {  	s18 =	simm.s32 $0x380;
	[sflag:s28] =	ssyncset.done $0x0  }
0x64: {  	s19 =	sand.u32 $0x3C00, s18;
	[sflag:s28] =	ssyncadd.s32 $0xFFFFFF80  }
0x65: {  	[spmem:s1] =	stream.indirect.scatter.add.f32 [tilespmem:s25], [sflag:$0x3], $0x80, s21, s24, $0xb8;
	[tilespmem:$0x1E600] =	vst v63  }
0x66: {  	s12 =	sand.u32 $0x380, s18;
	s13 =	sadd.s32 s6, s19;
	_ =	swait.ge [sflag:s9], $0x4000  }
0x67: {  	s12 =	sor.u32 s12, s13;
	[sflag:s9] =	ssyncset.done $0x0  }
0x68: {  	s20 =	simm.s32 $0x280;
	s12 =	sshrl.u32 s12, $0x3;
	[sflag:s9] =	ssyncadd.s32 $0xFFFFC000  }
0x69: {  	[tilespmem:s29], [sflag:$0x2] =	stream.indirect.gather [hbm4b:s5+s24], $0x80, s20, s24, $0xb8;
	[tilespmem:$0x1E600] =	vst v63  }
0x6a: {  	s12 =	sadd.s32 s4, s12  }
0x6b: {  	[tilespmem:s30], [sflag:$0x8] =	stream.linear.gather [hbm4b:s12+s3], $0x80, $0x38;
	[tilespmem:$0x1E600] =	vst v63  }
0x6c: {  	_ =	swait.ge [sflag:s31], $0x4000  }
0x6d: {  	[sflag:s31] =	ssyncset.done $0x0  }
0x6e: {  	p0 =	por $0x0, $0x0;
	s12 =	simm.s32 $0x8;
	[sflag:s31] =	ssyncadd.s32 $0xFFFFC000  }
0x6f: {  	s12 =	simm.s32 @p0 $0x0;
	_ =	swait.ge [sflag:s0], $0x80  }
0x70: {  	s8 =	sshll.u32 s12, $0x7;
	[sflag:s0] =	ssyncset.done $0x0  }
0x71: {  	s12 =	sand.u32 $0x3C00, s8;
	[sflag:s0] =	ssyncadd.s32 $0xFFFFFF80  }
0x72: {  	[spmem:s1] =	stream.indirect.scatter.add.f32 [tilespmem:s29], [sflag:$0x4], $0x80, s22, s24, $0xb8;
	[tilespmem:$0x1E600] =	vst v63  }
0x73: {  	s18 =	sand.u32 $0x200, s8;
	s12 =	sadd.s32 s6, s12;
	_ =	swait.ge [sflag:s2], $0x4000  }
0x74: {  	s12 =	sor.u32 s18, s12;
	[sflag:s2] =	ssyncset.done $0x0  }
0x75: {  	s19 =	simm.s32 $0x300;
	s12 =	sshrl.u32 s12, $0x3;
	[sflag:s2] =	ssyncadd.s32 $0xFFFFC000  }
0x76: {  	[tilespmem:s25], [sflag:$0x1] =	stream.indirect.gather [hbm4b:s5+s24], $0x80, s19, s24, $0xb8;
	[tilespmem:$0x1E600] =	vst v63  }
0x77: {  	s12 =	sadd.s32 s4, s12  }
0x78: {  	[tilespmem:s21], [sflag:$0x5] =	stream.linear.gather [hbm4b:s12+s3], $0x80, $0x38;
	[tilespmem:$0x1E600] =	vst v63  }
0x79: {  	_ =	swait.ge [sflag:s26], $0x4000  }
0x7a: {  	[sflag:s26] =	ssyncset.done $0x0  }
0x7b: {  	[sflag:s26] =	ssyncadd.s32 $0xFFFFC000  }
0x7c: {  	s12 =	simm.s32 $0x480;
	_ =	swait.ge [sflag:s7], $0x80  }
0x7d: {  	s12 =	simm.s32 @p0 $0x80;
	[sflag:s7] =	ssyncset.done $0x0  }
0x7e: {  	s20 =	sand.u32 $0x3C00, s12;
	[sflag:s7] =	ssyncadd.s32 $0xFFFFFF80  }
0x7f: {  	[spmem:s1] =	stream.indirect.scatter.add.f32 [tilespmem:s25], [sflag:$0x3], $0x80, s23, s24, $0xb8;
	[tilespmem:$0x1E600] =	vst v63  }
0x80: {  	s12 =	sand.u32 $0x280, s12;
	s13 =	sadd.s32 s6, s20;
	_ =	swait.ge [sflag:s9], $0x4000  }
0x81: {  	s13 =	sor.u32 s12, s13;
	[sflag:s9] =	ssyncset.done $0x0  }
0x82: {  	s12 =	simm.s32 $0x380;
	s13 =	sshrl.u32 s13, $0x3;
	[sflag:s9] =	ssyncadd.s32 $0xFFFFC000  }
0x83: {  	[tilespmem:s29], [sflag:$0x2] =	stream.indirect.gather [hbm4b:s5+s24], $0x80, s12, s24, $0xb8;
	[tilespmem:$0x1E600] =	vst v63  }
0x84: {  	s13 =	sadd.s32 s4, s13  }
0x85: {  	[tilespmem:s22], [sflag:$0x6] =	stream.linear.gather [hbm4b:s13+s3], $0x80, $0x38;
	[tilespmem:$0x1E600] =	vst v63  }
0x86: {  	s13 =	simm.s32 $0x500;
	_ =	swait.ge [sflag:s31], $0x4000  }
0x87: {  	s13 =	simm.s32 @p0 $0x100;
	[sflag:s31] =	ssyncset.done $0x0  }
0x88: {  	s14 =	simm.s32 $0xC;
	s15 =	sand.u32 $0x3C00, s13;
	[sflag:s31] =	ssyncadd.s32 $0xFFFFC000  }
0x89: {  	s16 =	sand.u32 $0x300, s13;
	s15 =	sadd.s32 s6, s15;
	_ =	swait.ge [sflag:s10], $0x80  }
0x8a: {  	s13 =	simm.s32 $0x700;
	s15 =	sor.u32 s16, s15;
	[sflag:s10] =	ssyncset.done $0x0  }
0x8b: {  	s16 =	sand.u32 $0x3FFFFF80, s8;
	s17 =	sshrl.u32 s15, $0x3;
	[sflag:s10] =	ssyncadd.s32 $0xFFFFFF80  }
0x8c: {  	[spmem:s1] =	stream.indirect.scatter.add.f32 [tilespmem:s29], [sflag:$0x4], $0x80, s30, s24, $0xb8;
	[tilespmem:$0x1E600] =	vst v63  }
.LBB2_2:
0x8d: {  	p0 =	sne.s32 s13, $0x2900  }
0x8e: {  	_ =	swait.ge [sflag:s2], $0x4000;
	s12 =	sadd.s32 $0x200, s12;
	s15 =	smov.u32 s13  }
0x8f: {  	s13 =	sadd.s32 $0x200, s13;
	s17 =	sadd.s32 s4, s17;
	[sflag:s2] =	ssyncset.done $0x0  }
0x90: {  	[sflag:s2] =	ssyncadd.s32 $0xFFFFC000  }
0x91: {  	[tilespmem:s25], [sflag:$0x1] =	stream.indirect.gather [hbm4b:s5+s24], $0x80, s16, s24, $0xb8;
	[tilespmem:$0x1E600] =	vst v63  }
0x92: {  	_ = 	snop  }
0x93: {  	[tilespmem:s23], [sflag:$0x7] =	stream.linear.gather [hbm4b:s17+s3], $0x80, $0x38;
	[tilespmem:$0x1E600] =	vst v63  }
0x94: {  	_ =	swait.ge [sflag:s26], $0x4000  }
0x95: {  	s16 =	sadd.s32 $0xFFFFFE80, s15;
	[sflag:s26] =	ssyncset.done $0x0  }
0x96: {  	s17 =	sand.u32 $0x3C00, s16;
	[sflag:s26] =	ssyncadd.s32 $0xFFFFC000  }
0x97: {  	s16 =	sand.u32 $0x380, s16;
	s17 =	sadd.s32 s6, s17;
	_ =	swait.ge [sflag:s28], $0x80  }
0x98: {  	s16 =	sor.u32 s16, s17;
	[sflag:s28] =	ssyncset.done $0x0  }
0x99: {  	[sflag:s28] =	ssyncadd.s32 $0xFFFFFF80  }
0x9a: {  	s16 =	sshrl.u32 s16, $0x3  }
0x9b: {  	[spmem:s1] =	stream.indirect.scatter.add.f32 [tilespmem:s25], [sflag:$0x3], $0x80, s21, s24, $0xb8;
	[tilespmem:$0x1E600] =	vst v63  }
0x9c: {  	s16 =	sadd.s32 s4, s16;
	_ =	swait.ge [sflag:s9], $0x4000  }
0x9d: {  	[sflag:s9] =	ssyncset.done $0x0  }
0x9e: {  	s17 =	sadd.s32 $0xFFFFFF00, s12;
	[sflag:s9] =	ssyncadd.s32 $0xFFFFC000  }
0x9f: {  	[tilespmem:s29], [sflag:$0x2] =	stream.indirect.gather [hbm4b:s5+s24], $0x80, s17, s24, $0xb8;
	[tilespmem:$0x1E600] =	vst v63  }
0xa0: {  	p1 =	seq.s32 s15, $0x2900;
	s8 =	sadd.s32 $0xFFFFFF80, s15;
	s17 =	sadd.s32 $0xFFFFFF80, s12  }
0xa1: {  	[tilespmem:s30], [sflag:$0x8] =	stream.linear.gather [hbm4b:s16+s3], $0x80, $0x38;
	[tilespmem:$0x1E600] =	vst v63  }
0xa2: {  	s16 =	smov.u32 s14  }
0xa3: {  	s8 =	simm.s32 @p1 $0x80;
	_ =	swait.ge [sflag:s31], $0x4000;
	s16 =	simm.s32 @p1 $0x0  }
0xa4: {  	s15 =	simm.s32 @p1 $0x100;
	[sflag:s31] =	ssyncset.done $0x0;
	s16 =	sshll.u32 s16, $0x7  }
0xa5: {  	s20 =	sand.u32 $0x280, s8;
	[sflag:s31] =	ssyncadd.s32 $0xFFFFC000;
	s19 =	sand.u32 $0x3C00, s16  }
0xa6: {  	s8 =	sand.u32 $0x3C00, s8;
	_ =	swait.ge [sflag:s0], $0x80;
	s19 =	sadd.s32 s6, s19  }
0xa7: {  	s8 =	sadd.s32 s6, s8;
	s18 =	sand.u32 $0x200, s16;
	[sflag:s0] =	ssyncset.done $0x0  }
0xa8: {  	s8 =	sor.u32 s20, s8;
	s18 =	sor.u32 s18, s19;
	[sflag:s0] =	ssyncadd.s32 $0xFFFFFF80  }
0xa9: {  	[spmem:s1] =	stream.indirect.scatter.add.f32 [tilespmem:s29], [sflag:$0x4], $0x80, s22, s24, $0xb8;
	[tilespmem:$0x1E600] =	vst v63  }
0xaa: {  	s18 =	sshrl.u32 s18, $0x3;
	_ =	swait.ge [sflag:s2], $0x4000  }
0xab: {  	s19 =	sand.u32 $0x3C00, s15;
	s15 =	sand.u32 $0x300, s15;
	[sflag:s2] =	ssyncset.done $0x0  }
0xac: {  	s19 =	sadd.s32 s6, s19;
	s18 =	sadd.s32 s4, s18;
	[sflag:s2] =	ssyncadd.s32 $0xFFFFC000  }
0xad: {  	[tilespmem:s25], [sflag:$0x1] =	stream.indirect.gather [hbm4b:s5+s24], $0x80, s17, s24, $0xb8;
	[tilespmem:$0x1E600] =	vst v63  }
0xae: {  	s15 =	sor.u32 s15, s19  }
0xaf: {  	[tilespmem:s21], [sflag:$0x5] =	stream.linear.gather [hbm4b:s18+s3], $0x80, $0x38;
	[tilespmem:$0x1E600] =	vst v63  }
0xb0: {  	s17 =	sshrl.u32 s15, $0x3;
	_ =	swait.ge [sflag:s26], $0x4000  }
0xb1: {  	[sflag:s26] =	ssyncset.done $0x0  }
0xb2: {  	[sflag:s26] =	ssyncadd.s32 $0xFFFFC000  }
0xb3: {  	_ =	swait.ge [sflag:s7], $0x80  }
0xb4: {  	[sflag:s7] =	ssyncset.done $0x0  }
0xb5: {  	[sflag:s7] =	ssyncadd.s32 $0xFFFFFF80  }
0xb6: {  	[spmem:s1] =	stream.indirect.scatter.add.f32 [tilespmem:s25], [sflag:$0x3], $0x80, s23, s24, $0xb8;
	[tilespmem:$0x1E600] =	vst v63  }
0xb7: {  	s8 =	sshrl.u32 s8, $0x3;
	_ =	swait.ge [sflag:s9], $0x4000  }
0xb8: {  	s8 =	sadd.s32 s4, s8;
	[sflag:s9] =	ssyncset.done $0x0  }
0xb9: {  	[sflag:s9] =	ssyncadd.s32 $0xFFFFC000  }
0xba: {  	[tilespmem:s29], [sflag:$0x2] =	stream.indirect.gather [hbm4b:s5+s24], $0x80, s12, s24, $0xb8;
	[tilespmem:$0x1E600] =	vst v63  }
0xbb: {  	_ = 	snop  }
0xbc: {  	[tilespmem:s22], [sflag:$0x6] =	stream.linear.gather [hbm4b:s8+s3], $0x80, $0x38;
	[tilespmem:$0x1E600] =	vst v63  }
0xbd: {  	_ =	swait.ge [sflag:s31], $0x4000  }
0xbe: {  	[sflag:s31] =	ssyncset.done $0x0  }
.Ltmp0:
0xbf: {  	[sflag:s31] =	ssyncadd.s32 $0xFFFFC000;
	(pc) =	sbr.rel @p0 .LBB2_2-.Ltmp0, $4  }
0xc0: {  	_ =	swait.ge [sflag:s10], $0x80  }
0xc1: {  	[sflag:s10] =	ssyncset.done $0x0  }
0xc2: {  	s14 =	sadd.s32 $0x4, s14;
	s16 =	sand.u32 $0x3FFFFF80, s16;
	[sflag:s10] =	ssyncadd.s32 $0xFFFFFF80  }
0xc3: {  	[spmem:s1] =	stream.indirect.scatter.add.f32 [tilespmem:s29], [sflag:$0x4], $0x80, s30, s24, $0xb8;
	[tilespmem:$0x1E600] =	vst v63  }
0xc4: {  	_ =	swait.ge [sflag:s2], $0x4000  }
0xc5: {  	[sflag:s2] =	ssyncset.done $0x0  }
0xc6: {  	[sflag:s2] =	ssyncadd.s32 $0xFFFFC000  }
0xc7: {  	[tilespmem:s25], [sflag:$0x1] =	stream.indirect.gather [hbm4b:s5+s24], $0x80, s16, s24, $0xb8;
	[tilespmem:$0x1E600] =	vst v63  }
0xc8: {  	s8 =	sadd.s32 s4, s17  }
0xc9: {  	[tilespmem:s23], [sflag:$0x7] =	stream.linear.gather [hbm4b:s8+s3], $0x80, $0x38;
	[tilespmem:$0x1E600] =	vst v63  }
0xca: {  	_ =	swait.ge [sflag:s9], $0x4000  }
0xcb: {  	[sflag:s9] =	ssyncset.done $0x0  }
0xcc: {  	[sflag:s9] =	ssyncadd.s32 $0xFFFFC000  }
0xcd: {  	_ =	swait.ge [sflag:s26], $0x4000  }
0xce: {  	[sflag:s26] =	ssyncset.done $0x0  }
0xcf: {  	[sflag:s26] =	ssyncadd.s32 $0xFFFFC000  }
0xd0: {  	_ =	swait.ge [sflag:s28], $0x80  }
0xd1: {  	[sflag:s28] =	ssyncset.done $0x0  }
0xd2: {  	[sflag:s28] =	ssyncadd.s32 $0xFFFFFF80  }
0xd3: {  	_ =	swait.ge [sflag:s0], $0x80  }
0xd4: {  	[sflag:s0] =	ssyncset.done $0x0  }
0xd5: {  	[sflag:s0] =	ssyncadd.s32 $0xFFFFFF80  }
0xd6: {  	_ =	swait.ge [sflag:s7], $0x80  }
0xd7: {  	[sflag:s7] =	ssyncset.done $0x0  }
0xd8: {  	[sflag:s7] =	ssyncadd.s32 $0xFFFFFF80  }
0xd9: {  	[bflag:$0x0] =	sbarrier.arrive $0xFFFF  }
0xda: {  	s19 =	rddreg [dreg:$0xe]  }
0xdb: {  	s13 =	rddreg [dreg:$0xf]  }
0xdc: {  	s12 =	simm.s32 $0x9;
	s14 =	rddreg [dreg:$0x10]  }
0xdd: {  	[hbm:s19], [sflag:s13] =	dma.local [spmem:s14], $0x2780  }
0xde: {  	_ =	swait.ge [sflag:s12], $0x2780  }
0xdf: {  	s11 =	sadd.s32 $0x1, s11;
	s20 =	rddreg [dreg:$0xc]  }
0xe0: {  	p0 =	sne.s32 s11, s20  }
.Ltmp1:
0xe1: {  	_ = 	snop;
	(pc) =	sbr.rel @p0 .LBB2_1-.Ltmp1, $3  }
0xe2: {  	_ =	sdelay $0x1  }
0xe3: {  	[sflag:s12] =	ssyncset.done $0x0  }
0xe4: {  	[sflag:s12] =	ssyncadd.s32 $0xFFFFD880  }
0xe5: {  	_ =	sfence.sel $0x180000  }
0xe6: {  	[bflag:$0x0] =	sbarrier.arrive $0xFFFF  }
0xe7: {  	_ =	strace $0x90000050  }
0xe8: {  	s0 =	stileid.u32;
	[bflag:$0x2] =	sbarrier.arrive $0xFFFF  }
0xe9: {  	p0 =	sne.s32 s0, $0x0;
	s0 =	rddreg [dreg:$0x3]  }
0xea: {  	s0 =	sadd.s32 @!p0 $0x100000, s0  }
0xeb: {  	[sflag:s0] =	ssyncadd.tile.s32 @!p0 $0x1;
	_ =	shalt  }
.Lfunc_end2:
_tile_overlayer_lowered:
.L_overlay_start_2:
0xec: {  	(tag) =	ssettag $0x2  }
0xed: {  	s0 =	rddreg [dreg:$0x0];
	s2 =	stileid.u32  }
0xee: {  	s1 =	rddreg [dreg:$0x1];
	p0 =	sne.s32 s2, $0x0  }
0xef: {  	s3 =	rddreg [dreg:$0x2];
	[bflag:$0x3] =	sbarrier.arrive $0xFFFF;
	s2 =	simm.s32 @!p0 $0x1C09  }
0xf0: {  	[timem:s3], [sflag:s2] =	dma.local @!p0 [hbm:s0], s1  }
0xf1: {  	s0 =	simm.s32 @!p0 $0x9  }
0xf2: {  	_ =	swait.ge @!p0 [sflag:s0], s1  }
0xf3: {  	s1 =	ssub.s32 @!p0 $0x0, s1;
	[sflag:s0] =	ssyncset.done @!p0 $0x0  }
0xf4: {  	[sflag:s0] =	ssyncadd.s32 @!p0 s1  }
0xf5: {  	[bflag:$0x3] =	sbarrier.arrive $0xFFFF  }
0xf6: {  	_ =	shalt  }

</sc_bundles>
